<compile_context>
chip_gen: v7x
topology: tpu7x:2x2x1
jax: 0.10.2.dev20260603
libtpu: 0.0.44.dev20260713+nightly
codegen_flags: <defaults>
</compile_context>

<pallas_src>
import functools

import jax
import jax.numpy as jnp
from jax import lax
from jax.experimental import pallas as pl
from jax.experimental.pallas import tpu as pltpu
from jax.experimental.pallas import tpu_sc as plsc

BATCH = 1024
SEQ = 512
D = 128
NTOK = BATCH * SEQ

_info = plsc.get_sparse_core_info()
NC, NS, L = _info.num_cores, _info.num_subcores, _info.num_lanes
NW = NC * NS
PER_W = NTOK // NW
CHUNK = 128
NBUF = 4
N_CHUNKS = PER_W // CHUNK
N_GROUPS = N_CHUNKS // NBUF


def _comb_kernel(pe_ref, seg_ref, out_ref):
    out_ref[...] = pe_ref[...][None, :, :] + seg_ref[...][:, None, :]


def _build_comb(pe, segment_table):
    return pl.pallas_call(
        _comb_kernel,
        out_shape=jax.ShapeDtypeStruct((2, SEQ, D), jnp.float32),
    )(pe, segment_table)


def _make_sc_kernel():
    mesh = plsc.VectorSubcoreMesh(core_axis_name="c", subcore_axis_name="s")

    @functools.partial(
        pl.kernel,
        mesh=mesh,
        out_type=jax.ShapeDtypeStruct((NTOK, D), jnp.float32),
        scratch_types=[
            pltpu.VMEM((NBUF, CHUNK), jnp.int32),
            pltpu.VMEM((NBUF, CHUNK), jnp.int32),
            pltpu.VMEM((NBUF, CHUNK), jnp.int32),
            pltpu.VMEM((NBUF, CHUNK, D), jnp.float32),
            pltpu.VMEM_SHARED((2 * SEQ, D), jnp.float32),
            pltpu.SemaphoreType.DMA((NBUF,)),
            pltpu.SemaphoreType.DMA((NBUF,)),
            pltpu.SemaphoreType.DMA((NBUF,)),
            pltpu.SemaphoreType.DMA((NBUF,)),
            pltpu.SemaphoreType.DMA((NBUF,)),
        ],
    )
    def k(tok_hbm, ids_hbm, seg_hbm, comb_hbm, out_hbm,
          idx_v, segv, cidx_v, rows, comb_sh,
          sem_i, sem_s, sem_c, sem_t, sem_o):
        sid = lax.axis_index("s")
        wid = sid * NC + lax.axis_index("c")
        wbase = wid * PER_W
        iota = lax.iota(jnp.int32, L)

        @pl.when(sid == 0)
        def _():
            pltpu.sync_copy(comb_hbm, comb_sh)

        plsc.subcore_barrier()

        def fetch_ids(c, b):
            base = wbase + c * CHUNK
            pltpu.async_copy(ids_hbm.at[pl.ds(base, CHUNK)], idx_v.at[b],
                             sem_i.at[b])
            pltpu.async_copy(seg_hbm.at[pl.ds(base, CHUNK)], segv.at[b],
                             sem_s.at[b])

        def wait_ids(b):
            pltpu.make_async_copy(ids_hbm.at[pl.ds(0, CHUNK)], idx_v.at[b],
                                  sem_i.at[b]).wait()
            pltpu.make_async_copy(seg_hbm.at[pl.ds(0, CHUNK)], segv.at[b],
                                  sem_s.at[b]).wait()

        def wait_out(b):
            pltpu.make_async_copy(rows.at[b], out_hbm.at[pl.ds(0, CHUNK)],
                                  sem_o.at[b]).wait()

        def stage_comb(c, b):
            wait_ids(b)
            pltpu.async_copy(tok_hbm.at[idx_v.at[b]], rows.at[b],
                             sem_t.at[b])
            pos_base = lax.rem(wbase + c * CHUNK, SEQ)
            for i in range(CHUNK // L):
                sl = pl.ds(i * L, L)
                cidx_v[b, sl] = segv[b, sl] * SEQ + (pos_base + i * L + iota)

        def stage_tok(b):
            pltpu.make_async_copy(tok_hbm.at[idx_v.at[b]], rows.at[b],
                                  sem_t.at[b]).wait()
            pltpu.async_copy(comb_sh.at[cidx_v.at[b]], rows.at[b],
                             sem_c.at[b], add=True)

        def stage_out(c, b):
            base = wbase + c * CHUNK
            pltpu.make_async_copy(comb_sh.at[cidx_v.at[b]], rows.at[b],
                                  sem_c.at[b]).wait()
            pltpu.async_copy(rows.at[b], out_hbm.at[pl.ds(base, CHUNK)],
                             sem_o.at[b])

        for b in range(NBUF):
            fetch_ids(b, b)
        for b in range(NBUF):
            stage_comb(b, b)
        for b in range(NBUF):
            stage_tok(b)
        for b in range(NBUF):
            stage_out(b, b)
            fetch_ids(NBUF + b, b)

        def group_body(g, _):
            c0 = g * NBUF
            for b in range(NBUF):
                wait_out(b)
                stage_comb(c0 + b, b)
            for b in range(NBUF):
                stage_tok(b)
            for b in range(NBUF):
                stage_out(c0 + b, b)
                cn = lax.min(c0 + NBUF + b, jnp.int32(N_CHUNKS - 1))
                fetch_ids(cn, b)
            return 0

        lax.fori_loop(1, N_GROUPS, group_body, 0)

        for b in range(NBUF):
            wait_out(b)
            wait_ids(b)

    return k


_sc_kernel = _make_sc_kernel()


def kernel(input_ids, segment_ids, token_table, segment_table, pe):
    comb = _build_comb(pe, segment_table).reshape(2 * SEQ, D)
    ids = input_ids.reshape(NTOK).astype(jnp.int32)
    segs = segment_ids.reshape(NTOK).astype(jnp.int32)
    out = _sc_kernel(token_table, ids, segs, comb)
    return out.reshape(BATCH, SEQ, D)

# --- scband reference (transcript-rebuilt; emitter-appended) ---
"""Pipeline reference for scband-bertembedding-867583393923 (READ-ONLY COPY).

The authoritative reference and input builder live on the scoring server;
editing this copy changes nothing except your own understanding.
"""

import math
import jax, jax.numpy as jnp
import numpy as np

VOCAB_SIZE = 100000
EMBED_SIZE = 128
MAX_LEN = 512
BATCH = 1024
SEQ_LEN = 512

def _make_pe(max_len, embed_size):
    position = np.arange(0, max_len, dtype=np.float32)[:, None]
    div_term = np.exp(np.arange(0, embed_size, 2, dtype=np.float32) * (-math.log(10000.0) / embed_size))
    pe = np.zeros((max_len, embed_size), dtype=np.float32)
    pe[:, 0::2] = np.sin(position * div_term)
    pe[:, 1::2] = np.cos(position * div_term)
    return jnp.asarray(pe)

def setup_inputs(seed: int = 0) -> dict:
    key = jax.random.key(seed)
    k1, k2, k3, k4 = jax.random.split(key, 4)
    input_ids = jax.random.randint(k1, (BATCH, SEQ_LEN), 0, VOCAB_SIZE, dtype=jnp.int64 if jax.config.jax_enable_x64 else jnp.int32)
    segment_ids = jax.random.randint(k2, (BATCH, SEQ_LEN), 0, 2, dtype=jnp.int64 if jax.config.jax_enable_x64 else jnp.int32)
    token_table = jax.random.normal(k3, (VOCAB_SIZE, EMBED_SIZE), dtype=jnp.float32)
    segment_table = jax.random.normal(k4, (2, EMBED_SIZE), dtype=jnp.float32)
    pe = _make_pe(MAX_LEN, EMBED_SIZE)
    return {"input_ids": input_ids, "segment_ids": segment_ids, "token_table": token_table, "segment_table": segment_table, "pe": pe}

def reference(input_ids, segment_ids, token_table, segment_table, pe):
    seq_length = input_ids.shape[1]
    token_embeds = jnp.take(token_table, input_ids, axis=0)
    position_embeds = pe[:seq_length, :][None, :, :]
    segment_embeds = jnp.take(segment_table, segment_ids, axis=0)
    embeddings = token_embeds + position_embeds + segment_embeds
    # dropout is identity in eval/deterministic mode
    return embeddings

if __name__ == "__main__":
    import jax
    _d = setup_inputs()
    print(jax.jit(kernel)(*tuple(_d.values())))

</pallas_src>

<mosaic_0001>
#map = affine_map<(d0, d1) -> (0, 0)>
#map1 = affine_map<(d0, d1) -> (0)>
module attributes {stable_mosaic.version = 14 : i64} {
  func.func @k(%arg0: i32, %arg1: i32, %arg2: memref<100000x128xf32, #tpu.memory_space<hbm>>, %arg3: memref<524288xi32, #tpu.memory_space<hbm>>, %arg4: memref<524288xi32, #tpu.memory_space<hbm>>, %arg5: memref<1024x128xf32, #tpu.memory_space<hbm>>, %arg6: memref<524288x128xf32, #tpu.memory_space<hbm>>, %arg7: memref<4x128xi32, #tpu.memory_space<vmem>>, %arg8: memref<4x128xi32, #tpu.memory_space<vmem>>, %arg9: memref<4x128xi32, #tpu.memory_space<vmem>>, %arg10: memref<4x128x128xf32, #tpu.memory_space<vmem>>, %arg11: memref<1024x128xf32, #tpu.memory_space<vmem_shared>>, %arg12: memref<4x!tpu.dma_semaphore, #tpu.memory_space<semaphore_mem>>, %arg13: memref<4x!tpu.dma_semaphore, #tpu.memory_space<semaphore_mem>>, %arg14: memref<4x!tpu.dma_semaphore, #tpu.memory_space<semaphore_mem>>, %arg15: memref<4x!tpu.dma_semaphore, #tpu.memory_space<semaphore_mem>>, %arg16: memref<4x!tpu.dma_semaphore, #tpu.memory_space<semaphore_mem>>) attributes {dimension_semantics = [#tpu.dimension_semantics<core_parallel>, #tpu.dimension_semantics<subcore_parallel>], iteration_bounds = array<i64: 2, 16>, scalar_prefetch = 0 : i64, scratch_operands = 10 : i64, tpu.core_type = #tpu.core_type<sc_vector_subcore>, window_params = [{transform_indices = #map}, {transform_indices = #map1}, {transform_indices = #map1}, {transform_indices = #map}, {transform_indices = #map}]} {
    %mul3A = arith.constant 2 : i32
    %mul3A_0 = arith.muli %arg1, %mul3A : i32
    %add3A = arith.addi %mul3A_0, %arg0 : i32
    %mul3A_1 = arith.constant 16384 : i32
    %mul3A_2 = arith.muli %add3A, %mul3A_1 : i32
    %iota3A = tpu.iota {dimensions = array<i32: 0>} : vector<16xi32>
    %eq3A = arith.constant 0 : i32
    %eq3A_3 = arith.cmpi eq, %arg1, %eq3A : i32
    %convert_element_type3A = arith.extui %eq3A_3 : i1 to i32
    %cond3A = arith.constant 0 : i32
    %cond3A_4 = arith.cmpi ne, %convert_element_type3A, %cond3A : i32
    scf.if %cond3A_4 {
      "tpu.region"() ({
        %run_scoped3A = tpu.sem_alloc : memref<!tpu.dma_semaphore, #tpu.memory_space<semaphore_mem>>
        tpu.enqueue_dma source(%arg5 : memref<1024x128xf32, #tpu.memory_space<hbm>>) target(%arg11 : memref<1024x128xf32, #tpu.memory_space<vmem_shared>>) target_semaphore(%run_scoped3A : memref<!tpu.dma_semaphore, #tpu.memory_space<semaphore_mem>>)
        tpu.wait_dma2 semaphore(%run_scoped3A : memref<!tpu.dma_semaphore, #tpu.memory_space<semaphore_mem>>) src(%arg5 : memref<1024x128xf32, #tpu.memory_space<hbm>>) dst(%arg11 : memref<1024x128xf32, #tpu.memory_space<vmem_shared>>)
        tpu.yield
      }) : () -> ()
    } else {
    }
    %barrier3A = arith.constant 0 : index
    tpu.barrier barrier_id(%barrier3A)
    %add3A_5 = arith.constant 0 : i32
    %add3A_6 = arith.addi %mul3A_2, %add3A_5 : i32
    %dma_start3A = arith.constant 0 : i32
    %dma_start3A_7 = arith.constant 0 : i32
    %dma_start3A_8 = arith.constant 0 : i32
    %dma_start3A_9 = tpu.memref_slice %arg7[%dma_start3A, %dma_start3A_8] : memref<4x128xi32, #tpu.memory_space<vmem>> -> memref<1x128xi32, #tpu.memory_space<vmem>>
    %dma_start3A_10 = tpu.memref_squeeze %dma_start3A_9 : memref<1x128xi32, #tpu.memory_space<vmem>> -> memref<128xi32, #tpu.memory_space<vmem>>
    %dma_start3A_11 = tpu.memref_slice %arg3[%add3A_6] : memref<524288xi32, #tpu.memory_space<hbm>> -> memref<128xi32, #tpu.memory_space<hbm>>
    %dma_start3A_12 = tpu.memref_slice %arg12[%dma_start3A_7] : memref<4x!tpu.dma_semaphore, #tpu.memory_space<semaphore_mem>> -> memref<1x!tpu.dma_semaphore, #tpu.memory_space<semaphore_mem>>
    %dma_start3A_13 = tpu.memref_squeeze %dma_start3A_12 : memref<1x!tpu.dma_semaphore, #tpu.memory_space<semaphore_mem>> -> memref<!tpu.dma_semaphore, #tpu.memory_space<semaphore_mem>>
    %dma_start3A_14 = arith.constant 0 : i32
    %dma_start3A_15 = tpu.memref_slice %arg7[%dma_start3A, %dma_start3A_14] : memref<4x128xi32, #tpu.memory_space<vmem>> -> memref<1x128xi32, #tpu.memory_space<vmem>>
    %dma_start3A_16 = tpu.memref_squeeze %dma_start3A_15 : memref<1x128xi32, #tpu.memory_space<vmem>> -> memref<128xi32, #tpu.memory_space<vmem>>
    %dma_start3A_17 = tpu.memref_slice %arg3[%add3A_6] : memref<524288xi32, #tpu.memory_space<hbm>> -> memref<128xi32, #tpu.memory_space<hbm>>
    tpu.enqueue_dma source(%dma_start3A_17 : memref<128xi32, #tpu.memory_space<hbm>>) target(%dma_start3A_16 : memref<128xi32, #tpu.memory_space<vmem>>) target_semaphore(%dma_start3A_13 : memref<!tpu.dma_semaphore, #tpu.memory_space<semaphore_mem>>)
    %dma_start3A_18 = arith.constant 0 : i32
    %dma_start3A_19 = arith.constant 0 : i32
    %dma_start3A_20 = arith.constant 0 : i32
    %dma_start3A_21 = tpu.memref_slice %arg8[%dma_start3A_18, %dma_start3A_20] : memref<4x128xi32, #tpu.memory_space<vmem>> -> memref<1x128xi32, #tpu.memory_space<vmem>>
    %dma_start3A_22 = tpu.memref_squeeze %dma_start3A_21 : memref<1x128xi32, #tpu.memory_space<vmem>> -> memref<128xi32, #tpu.memory_space<vmem>>
    %dma_start3A_23 = tpu.memref_slice %arg4[%add3A_6] : memref<524288xi32, #tpu.memory_space<hbm>> -> memref<128xi32, #tpu.memory_space<hbm>>
    %dma_start3A_24 = tpu.memref_slice %arg13[%dma_start3A_19] : memref<4x!tpu.dma_semaphore, #tpu.memory_space<semaphore_mem>> -> memref<1x!tpu.dma_semaphore, #tpu.memory_space<semaphore_mem>>
    %dma_start3A_25 = tpu.memref_squeeze %dma_start3A_24 : memref<1x!tpu.dma_semaphore, #tpu.memory_space<semaphore_mem>> -> memref<!tpu.dma_semaphore, #tpu.memory_space<semaphore_mem>>
    %dma_start3A_26 = arith.constant 0 : i32
    %dma_start3A_27 = tpu.memref_slice %arg8[%dma_start3A_18, %dma_start3A_26] : memref<4x128xi32, #tpu.memory_space<vmem>> -> memref<1x128xi32, #tpu.memory_space<vmem>>
    %dma_start3A_28 = tpu.memref_squeeze %dma_start3A_27 : memref<1x128xi32, #tpu.memory_space<vmem>> -> memref<128xi32, #tpu.memory_space<vmem>>
    %dma_start3A_29 = tpu.memref_slice %arg4[%add3A_6] : memref<524288xi32, #tpu.memory_space<hbm>> -> memref<128xi32, #tpu.memory_space<hbm>>
    tpu.enqueue_dma source(%dma_start3A_29 : memref<128xi32, #tpu.memory_space<hbm>>) target(%dma_start3A_28 : memref<128xi32, #tpu.memory_space<vmem>>) target_semaphore(%dma_start3A_25 : memref<!tpu.dma_semaphore, #tpu.memory_space<semaphore_mem>>)
    %add3A_30 = arith.constant 128 : i32
    %add3A_31 = arith.addi %mul3A_2, %add3A_30 : i32
    %dma_start3A_32 = arith.constant 1 : i32
    %dma_start3A_33 = arith.constant 1 : i32
    %dma_start3A_34 = arith.constant 0 : i32
    %dma_start3A_35 = tpu.memref_slice %arg7[%dma_start3A_32, %dma_start3A_34] : memref<4x128xi32, #tpu.memory_space<vmem>> -> memref<1x128xi32, #tpu.memory_space<vmem>>
    %dma_start3A_36 = tpu.memref_squeeze %dma_start3A_35 : memref<1x128xi32, #tpu.memory_space<vmem>> -> memref<128xi32, #tpu.memory_space<vmem>>
    %dma_start3A_37 = tpu.memref_slice %arg3[%add3A_31] : memref<524288xi32, #tpu.memory_space<hbm>> -> memref<128xi32, #tpu.memory_space<hbm>>
    %dma_start3A_38 = tpu.memref_slice %arg12[%dma_start3A_33] : memref<4x!tpu.dma_semaphore, #tpu.memory_space<semaphore_mem>> -> memref<1x!tpu.dma_semaphore, #tpu.memory_space<semaphore_mem>>
    %dma_start3A_39 = tpu.memref_squeeze %dma_start3A_38 : memref<1x!tpu.dma_semaphore, #tpu.memory_space<semaphore_mem>> -> memref<!tpu.dma_semaphore, #tpu.memory_space<semaphore_mem>>
    %dma_start3A_40 = arith.constant 0 : i32
    %dma_start3A_41 = tpu.memref_slice %arg7[%dma_start3A_32, %dma_start3A_40] : memref<4x128xi32, #tpu.memory_space<vmem>> -> memref<1x128xi32, #tpu.memory_space<vmem>>
    %dma_start3A_42 = tpu.memref_squeeze %dma_start3A_41 : memref<1x128xi32, #tpu.memory_space<vmem>> -> memref<128xi32, #tpu.memory_space<vmem>>
    %dma_start3A_43 = tpu.memref_slice %arg3[%add3A_31] : memref<524288xi32, #tpu.memory_space<hbm>> -> memref<128xi32, #tpu.memory_space<hbm>>
    tpu.enqueue_dma source(%dma_start3A_43 : memref<128xi32, #tpu.memory_space<hbm>>) target(%dma_start3A_42 : memref<128xi32, #tpu.memory_space<vmem>>) target_semaphore(%dma_start3A_39 : memref<!tpu.dma_semaphore, #tpu.memory_space<semaphore_mem>>)
    %dma_start3A_44 = arith.constant 1 : i32
    %dma_start3A_45 = arith.constant 1 : i32
    %dma_start3A_46 = arith.constant 0 : i32
    %dma_start3A_47 = tpu.memref_slice %arg8[%dma_start3A_44, %dma_start3A_46] : memref<4x128xi32, #tpu.memory_space<vmem>> -> memref<1x128xi32, #tpu.memory_space<vmem>>
    %dma_start3A_48 = tpu.memref_squeeze %dma_start3A_47 : memref<1x128xi32, #tpu.memory_space<vmem>> -> memref<128xi32, #tpu.memory_space<vmem>>
    %dma_start3A_49 = tpu.memref_slice %arg4[%add3A_31] : memref<524288xi32, #tpu.memory_space<hbm>> -> memref<128xi32, #tpu.memory_space<hbm>>
    %dma_start3A_50 = tpu.memref_slice %arg13[%dma_start3A_45] : memref<4x!tpu.dma_semaphore, #tpu.memory_space<semaphore_mem>> -> memref<1x!tpu.dma_semaphore, #tpu.memory_space<semaphore_mem>>
    %dma_start3A_51 = tpu.memref_squeeze %dma_start3A_50 : memref<1x!tpu.dma_semaphore, #tpu.memory_space<semaphore_mem>> -> memref<!tpu.dma_semaphore, #tpu.memory_space<semaphore_mem>>
    %dma_start3A_52 = arith.constant 0 : i32
    %dma_start3A_53 = tpu.memref_slice %arg8[%dma_start3A_44, %dma_start3A_52] : memref<4x128xi32, #tpu.memory_space<vmem>> -> memref<1x128xi32, #tpu.memory_space<vmem>>
    %dma_start3A_54 = tpu.memref_squeeze %dma_start3A_53 : memref<1x128xi32, #tpu.memory_space<vmem>> -> memref<128xi32, #tpu.memory_space<vmem>>
    %dma_start3A_55 = tpu.memref_slice %arg4[%add3A_31] : memref<524288xi32, #tpu.memory_space<hbm>> -> memref<128xi32, #tpu.memory_space<hbm>>
    tpu.enqueue_dma source(%dma_start3A_55 : memref<128xi32, #tpu.memory_space<hbm>>) target(%dma_start3A_54 : memref<128xi32, #tpu.memory_space<vmem>>) target_semaphore(%dma_start3A_51 : memref<!tpu.dma_semaphore, #tpu.memory_space<semaphore_mem>>)
    %add3A_56 = arith.constant 256 : i32
    %add3A_57 = arith.addi %mul3A_2, %add3A_56 : i32
    %dma_start3A_58 = arith.constant 2 : i32
    %dma_start3A_59 = arith.constant 2 : i32
    %dma_start3A_60 = arith.constant 0 : i32
    %dma_start3A_61 = tpu.memref_slice %arg7[%dma_start3A_58, %dma_start3A_60] : memref<4x128xi32, #tpu.memory_space<vmem>> -> memref<1x128xi32, #tpu.memory_space<vmem>>
    %dma_start3A_62 = tpu.memref_squeeze %dma_start3A_61 : memref<1x128xi32, #tpu.memory_space<vmem>> -> memref<128xi32, #tpu.memory_space<vmem>>
    %dma_start3A_63 = tpu.memref_slice %arg3[%add3A_57] : memref<524288xi32, #tpu.memory_space<hbm>> -> memref<128xi32, #tpu.memory_space<hbm>>
    %dma_start3A_64 = tpu.memref_slice %arg12[%dma_start3A_59] : memref<4x!tpu.dma_semaphore, #tpu.memory_space<semaphore_mem>> -> memref<1x!tpu.dma_semaphore, #tpu.memory_space<semaphore_mem>>
    %dma_start3A_65 = tpu.memref_squeeze %dma_start3A_64 : memref<1x!tpu.dma_semaphore, #tpu.memory_space<semaphore_mem>> -> memref<!tpu.dma_semaphore, #tpu.memory_space<semaphore_mem>>
    %dma_start3A_66 = arith.constant 0 : i32
    %dma_start3A_67 = tpu.memref_slice %arg7[%dma_start3A_58, %dma_start3A_66] : memref<4x128xi32, #tpu.memory_space<vmem>> -> memref<1x128xi32, #tpu.memory_space<vmem>>
    %dma_start3A_68 = tpu.memref_squeeze %dma_start3A_67 : memref<1x128xi32, #tpu.memory_space<vmem>> -> memref<128xi32, #tpu.memory_space<vmem>>
    %dma_start3A_69 = tpu.memref_slice %arg3[%add3A_57] : memref<524288xi32, #tpu.memory_space<hbm>> -> memref<128xi32, #tpu.memory_space<hbm>>
    tpu.enqueue_dma source(%dma_start3A_69 : memref<128xi32, #tpu.memory_space<hbm>>) target(%dma_start3A_68 : memref<128xi32, #tpu.memory_space<vmem>>) target_semaphore(%dma_start3A_65 : memref<!tpu.dma_semaphore, #tpu.memory_space<semaphore_mem>>)
    %dma_start3A_70 = arith.constant 2 : i32
    %dma_start3A_71 = arith.constant 2 : i32
    %dma_start3A_72 = arith.constant 0 : i32
    %dma_start3A_73 = tpu.memref_slice %arg8[%dma_start3A_70, %dma_start3A_72] : memref<4x128xi32, #tpu.memory_space<vmem>> -> memref<1x128xi32, #tpu.memory_space<vmem>>
    %dma_start3A_74 = tpu.memref_squeeze %dma_start3A_73 : memref<1x128xi32, #tpu.memory_space<vmem>> -> memref<128xi32, #tpu.memory_space<vmem>>
    %dma_start3A_75 = tpu.memref_slice %arg4[%add3A_57] : memref<524288xi32, #tpu.memory_space<hbm>> -> memref<128xi32, #tpu.memory_space<hbm>>
    %dma_start3A_76 = tpu.memref_slice %arg13[%dma_start3A_71] : memref<4x!tpu.dma_semaphore, #tpu.memory_space<semaphore_mem>> -> memref<1x!tpu.dma_semaphore, #tpu.memory_space<semaphore_mem>>
    %dma_start3A_77 = tpu.memref_squeeze %dma_start3A_76 : memref<1x!tpu.dma_semaphore, #tpu.memory_space<semaphore_mem>> -> memref<!tpu.dma_semaphore, #tpu.memory_space<semaphore_mem>>
    %dma_start3A_78 = arith.constant 0 : i32
    %dma_start3A_79 = tpu.memref_slice %arg8[%dma_start3A_70, %dma_start3A_78] : memref<4x128xi32, #tpu.memory_space<vmem>> -> memref<1x128xi32, #tpu.memory_space<vmem>>
    %dma_start3A_80 = tpu.memref_squeeze %dma_start3A_79 : memref<1x128xi32, #tpu.memory_space<vmem>> -> memref<128xi32, #tpu.memory_space<vmem>>
    %dma_start3A_81 = tpu.memref_slice %arg4[%add3A_57] : memref<524288xi32, #tpu.memory_space<hbm>> -> memref<128xi32, #tpu.memory_space<hbm>>
    tpu.enqueue_dma source(%dma_start3A_81 : memref<128xi32, #tpu.memory_space<hbm>>) target(%dma_start3A_80 : memref<128xi32, #tpu.memory_space<vmem>>) target_semaphore(%dma_start3A_77 : memref<!tpu.dma_semaphore, #tpu.memory_space<semaphore_mem>>)
    %add3A_82 = arith.constant 384 : i32
    %add3A_83 = arith.addi %mul3A_2, %add3A_82 : i32
    %dma_start3A_84 = arith.constant 3 : i32
    %dma_start3A_85 = arith.constant 3 : i32
    %dma_start3A_86 = arith.constant 0 : i32
    %dma_start3A_87 = tpu.memref_slice %arg7[%dma_start3A_84, %dma_start3A_86] : memref<4x128xi32, #tpu.memory_space<vmem>> -> memref<1x128xi32, #tpu.memory_space<vmem>>
    %dma_start3A_88 = tpu.memref_squeeze %dma_start3A_87 : memref<1x128xi32, #tpu.memory_space<vmem>> -> memref<128xi32, #tpu.memory_space<vmem>>
    %dma_start3A_89 = tpu.memref_slice %arg3[%add3A_83] : memref<524288xi32, #tpu.memory_space<hbm>> -> memref<128xi32, #tpu.memory_space<hbm>>
    %dma_start3A_90 = tpu.memref_slice %arg12[%dma_start3A_85] : memref<4x!tpu.dma_semaphore, #tpu.memory_space<semaphore_mem>> -> memref<1x!tpu.dma_semaphore, #tpu.memory_space<semaphore_mem>>
    %dma_start3A_91 = tpu.memref_squeeze %dma_start3A_90 : memref<1x!tpu.dma_semaphore, #tpu.memory_space<semaphore_mem>> -> memref<!tpu.dma_semaphore, #tpu.memory_space<semaphore_mem>>
    %dma_start3A_92 = arith.constant 0 : i32
    %dma_start3A_93 = tpu.memref_slice %arg7[%dma_start3A_84, %dma_start3A_92] : memref<4x128xi32, #tpu.memory_space<vmem>> -> memref<1x128xi32, #tpu.memory_space<vmem>>
    %dma_start3A_94 = tpu.memref_squeeze %dma_start3A_93 : memref<1x128xi32, #tpu.memory_space<vmem>> -> memref<128xi32, #tpu.memory_space<vmem>>
    %dma_start3A_95 = tpu.memref_slice %arg3[%add3A_83] : memref<524288xi32, #tpu.memory_space<hbm>> -> memref<128xi32, #tpu.memory_space<hbm>>
    tpu.enqueue_dma source(%dma_start3A_95 : memref<128xi32, #tpu.memory_space<hbm>>) target(%dma_start3A_94 : memref<128xi32, #tpu.memory_space<vmem>>) target_semaphore(%dma_start3A_91 : memref<!tpu.dma_semaphore, #tpu.memory_space<semaphore_mem>>)
    %dma_start3A_96 = arith.constant 3 : i32
    %dma_start3A_97 = arith.constant 3 : i32
    %dma_start3A_98 = arith.constant 0 : i32
    %dma_start3A_99 = tpu.memref_slice %arg8[%dma_start3A_96, %dma_start3A_98] : memref<4x128xi32, #tpu.memory_space<vmem>> -> memref<1x128xi32, #tpu.memory_space<vmem>>
    %dma_start3A_100 = tpu.memref_squeeze %dma_start3A_99 : memref<1x128xi32, #tpu.memory_space<vmem>> -> memref<128xi32, #tpu.memory_space<vmem>>
    %dma_start3A_101 = tpu.memref_slice %arg4[%add3A_83] : memref<524288xi32, #tpu.memory_space<hbm>> -> memref<128xi32, #tpu.memory_space<hbm>>
    %dma_start3A_102 = tpu.memref_slice %arg13[%dma_start3A_97] : memref<4x!tpu.dma_semaphore, #tpu.memory_space<semaphore_mem>> -> memref<1x!tpu.dma_semaphore, #tpu.memory_space<semaphore_mem>>
    %dma_start3A_103 = tpu.memref_squeeze %dma_start3A_102 : memref<1x!tpu.dma_semaphore, #tpu.memory_space<semaphore_mem>> -> memref<!tpu.dma_semaphore, #tpu.memory_space<semaphore_mem>>
    %dma_start3A_104 = arith.constant 0 : i32
    %dma_start3A_105 = tpu.memref_slice %arg8[%dma_start3A_96, %dma_start3A_104] : memref<4x128xi32, #tpu.memory_space<vmem>> -> memref<1x128xi32, #tpu.memory_space<vmem>>
    %dma_start3A_106 = tpu.memref_squeeze %dma_start3A_105 : memref<1x128xi32, #tpu.memory_space<vmem>> -> memref<128xi32, #tpu.memory_space<vmem>>
    %dma_start3A_107 = tpu.memref_slice %arg4[%add3A_83] : memref<524288xi32, #tpu.memory_space<hbm>> -> memref<128xi32, #tpu.memory_space<hbm>>
    tpu.enqueue_dma source(%dma_start3A_107 : memref<128xi32, #tpu.memory_space<hbm>>) target(%dma_start3A_106 : memref<128xi32, #tpu.memory_space<vmem>>) target_semaphore(%dma_start3A_103 : memref<!tpu.dma_semaphore, #tpu.memory_space<semaphore_mem>>)
    %dma_wait3A = arith.constant 0 : i32
    %dma_wait3A_108 = arith.constant 0 : i32
    %dma_wait3A_109 = arith.constant 0 : i32
    %dma_wait3A_110 = tpu.memref_slice %arg7[%dma_wait3A, %dma_wait3A_109] : memref<4x128xi32, #tpu.memory_space<vmem>> -> memref<1x128xi32, #tpu.memory_space<vmem>>
    %dma_wait3A_111 = tpu.memref_squeeze %dma_wait3A_110 : memref<1x128xi32, #tpu.memory_space<vmem>> -> memref<128xi32, #tpu.memory_space<vmem>>
    %dma_wait3A_112 = arith.constant 0 : i32
    %dma_wait3A_113 = tpu.memref_slice %arg3[%dma_wait3A_112] : memref<524288xi32, #tpu.memory_space<hbm>> -> memref<128xi32, #tpu.memory_space<hbm>>
    %dma_wait3A_114 = tpu.memref_slice %arg12[%dma_wait3A_108] : memref<4x!tpu.dma_semaphore, #tpu.memory_space<semaphore_mem>> -> memref<1x!tpu.dma_semaphore, #tpu.memory_space<semaphore_mem>>
    %dma_wait3A_115 = tpu.memref_squeeze %dma_wait3A_114 : memref<1x!tpu.dma_semaphore, #tpu.memory_space<semaphore_mem>> -> memref<!tpu.dma_semaphore, #tpu.memory_space<semaphore_mem>>
    %dma_wait3A_116 = arith.constant 0 : i32
    %dma_wait3A_117 = tpu.memref_slice %arg7[%dma_wait3A, %dma_wait3A_116] : memref<4x128xi32, #tpu.memory_space<vmem>> -> memref<1x128xi32, #tpu.memory_space<vmem>>
    %dma_wait3A_118 = tpu.memref_squeeze %dma_wait3A_117 : memref<1x128xi32, #tpu.memory_space<vmem>> -> memref<128xi32, #tpu.memory_space<vmem>>
    %dma_wait3A_119 = arith.constant 0 : i32
    %dma_wait3A_120 = tpu.memref_slice %arg3[%dma_wait3A_119] : memref<524288xi32, #tpu.memory_space<hbm>> -> memref<128xi32, #tpu.memory_space<hbm>>
    tpu.wait_dma2 semaphore(%dma_wait3A_115 : memref<!tpu.dma_semaphore, #tpu.memory_space<semaphore_mem>>) src(%dma_wait3A_120 : memref<128xi32, #tpu.memory_space<hbm>>) dst(%dma_wait3A_118 : memref<128xi32, #tpu.memory_space<vmem>>)
    %dma_wait3A_121 = arith.constant 0 : i32
    %dma_wait3A_122 = arith.constant 0 : i32
    %dma_wait3A_123 = arith.constant 0 : i32
    %dma_wait3A_124 = tpu.memref_slice %arg8[%dma_wait3A_121, %dma_wait3A_123] : memref<4x128xi32, #tpu.memory_space<vmem>> -> memref<1x128xi32, #tpu.memory_space<vmem>>
    %dma_wait3A_125 = tpu.memref_squeeze %dma_wait3A_124 : memref<1x128xi32, #tpu.memory_space<vmem>> -> memref<128xi32, #tpu.memory_space<vmem>>
    %dma_wait3A_126 = arith.constant 0 : i32
    %dma_wait3A_127 = tpu.memref_slice %arg4[%dma_wait3A_126] : memref<524288xi32, #tpu.memory_space<hbm>> -> memref<128xi32, #tpu.memory_space<hbm>>
    %dma_wait3A_128 = tpu.memref_slice %arg13[%dma_wait3A_122] : memref<4x!tpu.dma_semaphore, #tpu.memory_space<semaphore_mem>> -> memref<1x!tpu.dma_semaphore, #tpu.memory_space<semaphore_mem>>
    %dma_wait3A_129 = tpu.memref_squeeze %dma_wait3A_128 : memref<1x!tpu.dma_semaphore, #tpu.memory_space<semaphore_mem>> -> memref<!tpu.dma_semaphore, #tpu.memory_space<semaphore_mem>>
    %dma_wait3A_130 = arith.constant 0 : i32
    %dma_wait3A_131 = tpu.memref_slice %arg8[%dma_wait3A_121, %dma_wait3A_130] : memref<4x128xi32, #tpu.memory_space<vmem>> -> memref<1x128xi32, #tpu.memory_space<vmem>>
    %dma_wait3A_132 = tpu.memref_squeeze %dma_wait3A_131 : memref<1x128xi32, #tpu.memory_space<vmem>> -> memref<128xi32, #tpu.memory_space<vmem>>
    %dma_wait3A_133 = arith.constant 0 : i32
    %dma_wait3A_134 = tpu.memref_slice %arg4[%dma_wait3A_133] : memref<524288xi32, #tpu.memory_space<hbm>> -> memref<128xi32, #tpu.memory_space<hbm>>
    tpu.wait_dma2 semaphore(%dma_wait3A_129 : memref<!tpu.dma_semaphore, #tpu.memory_space<semaphore_mem>>) src(%dma_wait3A_134 : memref<128xi32, #tpu.memory_space<hbm>>) dst(%dma_wait3A_132 : memref<128xi32, #tpu.memory_space<vmem>>)
    %dma_start3A_135 = arith.constant 0 : i32
    %dma_start3A_136 = arith.constant 0 : i32
    %dma_start3A_137 = arith.constant 0 : i32
    %dma_start3A_138 = arith.constant 0 : i32
    %dma_start3A_139 = arith.constant 0 : i32
    %dma_start3A_140 = tpu.memref_slice %arg10[%dma_start3A_136, %dma_start3A_138, %dma_start3A_139] : memref<4x128x128xf32, #tpu.memory_space<vmem>> -> memref<1x128x128xf32, #tpu.memory_space<vmem>>
    %dma_start3A_141 = tpu.memref_squeeze %dma_start3A_140 : memref<1x128x128xf32, #tpu.memory_space<vmem>> -> memref<128x128xf32, #tpu.memory_space<vmem>>
    %dma_start3A_142 = arith.constant 0 : i32
    %dma_start3A_143 = tpu.memref_slice %arg7[%dma_start3A_135, %dma_start3A_142] : memref<4x128xi32, #tpu.memory_space<vmem>> -> memref<1x128xi32, #tpu.memory_space<vmem>>
    %dma_start3A_144 = tpu.memref_squeeze %dma_start3A_143 : memref<1x128xi32, #tpu.memory_space<vmem>> -> memref<128xi32, #tpu.memory_space<vmem>>
    %dma_start3A_145 = arith.constant 0 : i32
    %dma_start3A_146 = arith.constant 0 : i32
    %dma_start3A_147 = tpu.memref_slice %arg2[%dma_start3A_145, %dma_start3A_146] : memref<100000x128xf32, #tpu.memory_space<hbm>> -> memref<100000x128xf32, #tpu.memory_space<hbm>>
    %dma_start3A_148 = tpu.memref_slice %arg15[%dma_start3A_137] : memref<4x!tpu.dma_semaphore, #tpu.memory_space<semaphore_mem>> -> memref<1x!tpu.dma_semaphore, #tpu.memory_space<semaphore_mem>>
    %dma_start3A_149 = tpu.memref_squeeze %dma_start3A_148 : memref<1x!tpu.dma_semaphore, #tpu.memory_space<semaphore_mem>> -> memref<!tpu.dma_semaphore, #tpu.memory_space<semaphore_mem>>
    tpu.enqueue_indirect_dma source(%dma_start3A_147 : memref<100000x128xf32, #tpu.memory_space<hbm>>) target(%dma_start3A_141 : memref<128x128xf32, #tpu.memory_space<vmem>>) offsets(%dma_start3A_144 : memref<128xi32, #tpu.memory_space<vmem>>) semaphore(%dma_start3A_149 : memref<!tpu.dma_semaphore, #tpu.memory_space<semaphore_mem>>)
    %add3A_150 = arith.constant 0 : i32
    %add3A_151 = arith.addi %mul3A_2, %add3A_150 : i32
    %rem3A = arith.constant 512 : i32
    %rem3A_152 = arith.remsi %add3A_151, %rem3A : i32
    %get3A = arith.constant 0 : i32
    %get3A_153 = arith.index_cast %get3A : i32 to index
    %get3A_154 = arith.constant 0 : index
    %get3A_155 = tpu.vector_load %arg8[%get3A_153, %get3A_154] {strides = array<i32>} : memref<4x128xi32, #tpu.memory_space<vmem>>, vector<1x16xi32>,
    %get3A_156 = vector.shape_cast %get3A_155 : vector<1x16xi32> to vector<16xi32>
    %mul3A_157 = arith.constant 512 : i32
    %mul3A_158 = vector.broadcast %mul3A_157 : i32 to vector<16xi32>
    %mul3A_159 = arith.muli %get3A_156, %mul3A_158 : vector<16xi32>
    %add3A_160 = arith.constant 0 : i32
    %add3A_161 = arith.addi %rem3A_152, %add3A_160 : i32
    %add3A_162 = vector.broadcast %add3A_161 : i32 to vector<16xi32>
    %add3A_163 = arith.addi %add3A_162, %iota3A : vector<16xi32>
    %add3A_164 = arith.addi %mul3A_159, %add3A_163 : vector<16xi32>
    %swap3A = arith.constant 0 : i32
    %swap3A_165 = arith.index_cast %swap3A : i32 to index
    %swap3A_166 = arith.constant 0 : index
    %swap3A_167 = tpu.vector_load %arg9[%swap3A_165, %swap3A_166] {strides = array<i32>} : memref<4x128xi32, #tpu.memory_space<vmem>>, vector<1x16xi32>,
    %swap3A_168 = vector.shape_cast %swap3A_167 : vector<1x16xi32> to vector<16xi32>
    %swap3A_169 = vector.shape_cast %add3A_164 : vector<16xi32> to vector<1x16xi32>
    tpu.vector_store %arg9[%swap3A_165, %swap3A_166], %swap3A_169 {strides = array<i32>} : memref<4x128xi32, #tpu.memory_space<vmem>>, vector<1x16xi32>,
    %get3A_170 = arith.constant 0 : i32
    %get3A_171 = arith.index_cast %get3A_170 : i32 to index
    %get3A_172 = arith.constant 16 : index
    %get3A_173 = tpu.vector_load %arg8[%get3A_171, %get3A_172] {strides = array<i32>} : memref<4x128xi32, #tpu.memory_space<vmem>>, vector<1x16xi32>,
    %get3A_174 = vector.shape_cast %get3A_173 : vector<1x16xi32> to vector<16xi32>
    %mul3A_175 = arith.constant 512 : i32
    %mul3A_176 = vector.broadcast %mul3A_175 : i32 to vector<16xi32>
    %mul3A_177 = arith.muli %get3A_174, %mul3A_176 : vector<16xi32>
    %add3A_178 = arith.constant 16 : i32
    %add3A_179 = arith.addi %rem3A_152, %add3A_178 : i32
    %add3A_180 = vector.broadcast %add3A_179 : i32 to vector<16xi32>
    %add3A_181 = arith.addi %add3A_180, %iota3A : vector<16xi32>
    %add3A_182 = arith.addi %mul3A_177, %add3A_181 : vector<16xi32>
    %swap3A_183 = arith.constant 0 : i32
    %swap3A_184 = arith.index_cast %swap3A_183 : i32 to index
    %swap3A_185 = arith.constant 16 : index
    %swap3A_186 = tpu.vector_load %arg9[%swap3A_184, %swap3A_185] {strides = array<i32>} : memref<4x128xi32, #tpu.memory_space<vmem>>, vector<1x16xi32>,
    %swap3A_187 = vector.shape_cast %swap3A_186 : vector<1x16xi32> to vector<16xi32>
    %swap3A_188 = vector.shape_cast %add3A_182 : vector<16xi32> to vector<1x16xi32>
    tpu.vector_store %arg9[%swap3A_184, %swap3A_185], %swap3A_188 {strides = array<i32>} : memref<4x128xi32, #tpu.memory_space<vmem>>, vector<1x16xi32>,
    %get3A_189 = arith.constant 0 : i32
    %get3A_190 = arith.index_cast %get3A_189 : i32 to index
    %get3A_191 = arith.constant 32 : index
    %get3A_192 = tpu.vector_load %arg8[%get3A_190, %get3A_191] {strides = array<i32>} : memref<4x128xi32, #tpu.memory_space<vmem>>, vector<1x16xi32>,
    %get3A_193 = vector.shape_cast %get3A_192 : vector<1x16xi32> to vector<16xi32>
    %mul3A_194 = arith.constant 512 : i32
    %mul3A_195 = vector.broadcast %mul3A_194 : i32 to vector<16xi32>
    %mul3A_196 = arith.muli %get3A_193, %mul3A_195 : vector<16xi32>
    %add3A_197 = arith.constant 32 : i32
    %add3A_198 = arith.addi %rem3A_152, %add3A_197 : i32
    %add3A_199 = vector.broadcast %add3A_198 : i32 to vector<16xi32>
    %add3A_200 = arith.addi %add3A_199, %iota3A : vector<16xi32>
    %add3A_201 = arith.addi %mul3A_196, %add3A_200 : vector<16xi32>
    %swap3A_202 = arith.constant 0 : i32
    %swap3A_203 = arith.index_cast %swap3A_202 : i32 to index
    %swap3A_204 = arith.constant 32 : index
    %swap3A_205 = tpu.vector_load %arg9[%swap3A_203, %swap3A_204] {strides = array<i32>} : memref<4x128xi32, #tpu.memory_space<vmem>>, vector<1x16xi32>,
    %swap3A_206 = vector.shape_cast %swap3A_205 : vector<1x16xi32> to vector<16xi32>
    %swap3A_207 = vector.shape_cast %add3A_201 : vector<16xi32> to vector<1x16xi32>
    tpu.vector_store %arg9[%swap3A_203, %swap3A_204], %swap3A_207 {strides = array<i32>} : memref<4x128xi32, #tpu.memory_space<vmem>>, vector<1x16xi32>,
    %get3A_208 = arith.constant 0 : i32
    %get3A_209 = arith.index_cast %get3A_208 : i32 to index
    %get3A_210 = arith.constant 48 : index
    %get3A_211 = tpu.vector_load %arg8[%get3A_209, %get3A_210] {strides = array<i32>} : memref<4x128xi32, #tpu.memory_space<vmem>>, vector<1x16xi32>,
    %get3A_212 = vector.shape_cast %get3A_211 : vector<1x16xi32> to vector<16xi32>
    %mul3A_213 = arith.constant 512 : i32
    %mul3A_214 = vector.broadcast %mul3A_213 : i32 to vector<16xi32>
    %mul3A_215 = arith.muli %get3A_212, %mul3A_214 : vector<16xi32>
    %add3A_216 = arith.constant 48 : i32
    %add3A_217 = arith.addi %rem3A_152, %add3A_216 : i32
    %add3A_218 = vector.broadcast %add3A_217 : i32 to vector<16xi32>
    %add3A_219 = arith.addi %add3A_218, %iota3A : vector<16xi32>
    %add3A_220 = arith.addi %mul3A_215, %add3A_219 : vector<16xi32>
    %swap3A_221 = arith.constant 0 : i32
    %swap3A_222 = arith.index_cast %swap3A_221 : i32 to index
    %swap3A_223 = arith.constant 48 : index
    %swap3A_224 = tpu.vector_load %arg9[%swap3A_222, %swap3A_223] {strides = array<i32>} : memref<4x128xi32, #tpu.memory_space<vmem>>, vector<1x16xi32>,
    %swap3A_225 = vector.shape_cast %swap3A_224 : vector<1x16xi32> to vector<16xi32>
    %swap3A_226 = vector.shape_cast %add3A_220 : vector<16xi32> to vector<1x16xi32>
    tpu.vector_store %arg9[%swap3A_222, %swap3A_223], %swap3A_226 {strides = array<i32>} : memref<4x128xi32, #tpu.memory_space<vmem>>, vector<1x16xi32>,
    %get3A_227 = arith.constant 0 : i32
    %get3A_228 = arith.index_cast %get3A_227 : i32 to index
    %get3A_229 = arith.constant 64 : index
    %get3A_230 = tpu.vector_load %arg8[%get3A_228, %get3A_229] {strides = array<i32>} : memref<4x128xi32, #tpu.memory_space<vmem>>, vector<1x16xi32>,
    %get3A_231 = vector.shape_cast %get3A_230 : vector<1x16xi32> to vector<16xi32>
    %mul3A_232 = arith.constant 512 : i32
    %mul3A_233 = vector.broadcast %mul3A_232 : i32 to vector<16xi32>
    %mul3A_234 = arith.muli %get3A_231, %mul3A_233 : vector<16xi32>
    %add3A_235 = arith.constant 64 : i32
    %add3A_236 = arith.addi %rem3A_152, %add3A_235 : i32
    %add3A_237 = vector.broadcast %add3A_236 : i32 to vector<16xi32>
    %add3A_238 = arith.addi %add3A_237, %iota3A : vector<16xi32>
    %add3A_239 = arith.addi %mul3A_234, %add3A_238 : vector<16xi32>
    %swap3A_240 = arith.constant 0 : i32
    %swap3A_241 = arith.index_cast %swap3A_240 : i32 to index
    %swap3A_242 = arith.constant 64 : index
    %swap3A_243 = tpu.vector_load %arg9[%swap3A_241, %swap3A_242] {strides = array<i32>} : memref<4x128xi32, #tpu.memory_space<vmem>>, vector<1x16xi32>,
    %swap3A_244 = vector.shape_cast %swap3A_243 : vector<1x16xi32> to vector<16xi32>
    %swap3A_245 = vector.shape_cast %add3A_239 : vector<16xi32> to vector<1x16xi32>
    tpu.vector_store %arg9[%swap3A_241, %swap3A_242], %swap3A_245 {strides = array<i32>} : memref<4x128xi32, #tpu.memory_space<vmem>>, vector<1x16xi32>,
    %get3A_246 = arith.constant 0 : i32
    %get3A_247 = arith.index_cast %get3A_246 : i32 to index
    %get3A_248 = arith.constant 80 : index
    %get3A_249 = tpu.vector_load %arg8[%get3A_247, %get3A_248] {strides = array<i32>} : memref<4x128xi32, #tpu.memory_space<vmem>>, vector<1x16xi32>,
    %get3A_250 = vector.shape_cast %get3A_249 : vector<1x16xi32> to vector<16xi32>
    %mul3A_251 = arith.constant 512 : i32
    %mul3A_252 = vector.broadcast %mul3A_251 : i32 to vector<16xi32>
    %mul3A_253 = arith.muli %get3A_250, %mul3A_252 : vector<16xi32>
    %add3A_254 = arith.constant 80 : i32
    %add3A_255 = arith.addi %rem3A_152, %add3A_254 : i32
    %add3A_256 = vector.broadcast %add3A_255 : i32 to vector<16xi32>
    %add3A_257 = arith.addi %add3A_256, %iota3A : vector<16xi32>
    %add3A_258 = arith.addi %mul3A_253, %add3A_257 : vector<16xi32>
    %swap3A_259 = arith.constant 0 : i32
    %swap3A_260 = arith.index_cast %swap3A_259 : i32 to index
    %swap3A_261 = arith.constant 80 : index
    %swap3A_262 = tpu.vector_load %arg9[%swap3A_260, %swap3A_261] {strides = array<i32>} : memref<4x128xi32, #tpu.memory_space<vmem>>, vector<1x16xi32>,
    %swap3A_263 = vector.shape_cast %swap3A_262 : vector<1x16xi32> to vector<16xi32>
    %swap3A_264 = vector.shape_cast %add3A_258 : vector<16xi32> to vector<1x16xi32>
    tpu.vector_store %arg9[%swap3A_260, %swap3A_261], %swap3A_264 {strides = array<i32>} : memref<4x128xi32, #tpu.memory_space<vmem>>, vector<1x16xi32>,
    %get3A_265 = arith.constant 0 : i32
    %get3A_266 = arith.index_cast %get3A_265 : i32 to index
    %get3A_267 = arith.constant 96 : index
    %get3A_268 = tpu.vector_load %arg8[%get3A_266, %get3A_267] {strides = array<i32>} : memref<4x128xi32, #tpu.memory_space<vmem>>, vector<1x16xi32>,
    %get3A_269 = vector.shape_cast %get3A_268 : vector<1x16xi32> to vector<16xi32>
    %mul3A_270 = arith.constant 512 : i32
    %mul3A_271 = vector.broadcast %mul3A_270 : i32 to vector<16xi32>
    %mul3A_272 = arith.muli %get3A_269, %mul3A_271 : vector<16xi32>
    %add3A_273 = arith.constant 96 : i32
    %add3A_274 = arith.addi %rem3A_152, %add3A_273 : i32
    %add3A_275 = vector.broadcast %add3A_274 : i32 to vector<16xi32>
    %add3A_276 = arith.addi %add3A_275, %iota3A : vector<16xi32>
    %add3A_277 = arith.addi %mul3A_272, %add3A_276 : vector<16xi32>
    %swap3A_278 = arith.constant 0 : i32
    %swap3A_279 = arith.index_cast %swap3A_278 : i32 to index
    %swap3A_280 = arith.constant 96 : index
    %swap3A_281 = tpu.vector_load %arg9[%swap3A_279, %swap3A_280] {strides = array<i32>} : memref<4x128xi32, #tpu.memory_space<vmem>>, vector<1x16xi32>,
    %swap3A_282 = vector.shape_cast %swap3A_281 : vector<1x16xi32> to vector<16xi32>
    %swap3A_283 = vector.shape_cast %add3A_277 : vector<16xi32> to vector<1x16xi32>
    tpu.vector_store %arg9[%swap3A_279, %swap3A_280], %swap3A_283 {strides = array<i32>} : memref<4x128xi32, #tpu.memory_space<vmem>>, vector<1x16xi32>,
    %get3A_284 = arith.constant 0 : i32
    %get3A_285 = arith.index_cast %get3A_284 : i32 to index
    %get3A_286 = arith.constant 112 : index
    %get3A_287 = tpu.vector_load %arg8[%get3A_285, %get3A_286] {strides = array<i32>} : memref<4x128xi32, #tpu.memory_space<vmem>>, vector<1x16xi32>,
    %get3A_288 = vector.shape_cast %get3A_287 : vector<1x16xi32> to vector<16xi32>
    %mul3A_289 = arith.constant 512 : i32
    %mul3A_290 = vector.broadcast %mul3A_289 : i32 to vector<16xi32>
    %mul3A_291 = arith.muli %get3A_288, %mul3A_290 : vector<16xi32>
    %add3A_292 = arith.constant 112 : i32
    %add3A_293 = arith.addi %rem3A_152, %add3A_292 : i32
    %add3A_294 = vector.broadcast %add3A_293 : i32 to vector<16xi32>
    %add3A_295 = arith.addi %add3A_294, %iota3A : vector<16xi32>
    %add3A_296 = arith.addi %mul3A_291, %add3A_295 : vector<16xi32>
    %swap3A_297 = arith.constant 0 : i32
    %swap3A_298 = arith.index_cast %swap3A_297 : i32 to index
    %swap3A_299 = arith.constant 112 : index
    %swap3A_300 = tpu.vector_load %arg9[%swap3A_298, %swap3A_299] {strides = array<i32>} : memref<4x128xi32, #tpu.memory_space<vmem>>, vector<1x16xi32>,
    %swap3A_301 = vector.shape_cast %swap3A_300 : vector<1x16xi32> to vector<16xi32>
    %swap3A_302 = vector.shape_cast %add3A_296 : vector<16xi32> to vector<1x16xi32>
    tpu.vector_store %arg9[%swap3A_298, %swap3A_299], %swap3A_302 {strides = array<i32>} : memref<4x128xi32, #tpu.memory_space<vmem>>, vector<1x16xi32>,
    %dma_wait3A_303 = arith.constant 1 : i32
    %dma_wait3A_304 = arith.constant 1 : i32
    %dma_wait3A_305 = arith.constant 0 : i32
    %dma_wait3A_306 = tpu.memref_slice %arg7[%dma_wait3A_303, %dma_wait3A_305] : memref<4x128xi32, #tpu.memory_space<vmem>> -> memref<1x128xi32, #tpu.memory_space<vmem>>
    %dma_wait3A_307 = tpu.memref_squeeze %dma_wait3A_306 : memref<1x128xi32, #tpu.memory_space<vmem>> -> memref<128xi32, #tpu.memory_space<vmem>>
    %dma_wait3A_308 = arith.constant 0 : i32
    %dma_wait3A_309 = tpu.memref_slice %arg3[%dma_wait3A_308] : memref<524288xi32, #tpu.memory_space<hbm>> -> memref<128xi32, #tpu.memory_space<hbm>>
    %dma_wait3A_310 = tpu.memref_slice %arg12[%dma_wait3A_304] : memref<4x!tpu.dma_semaphore, #tpu.memory_space<semaphore_mem>> -> memref<1x!tpu.dma_semaphore, #tpu.memory_space<semaphore_mem>>
    %dma_wait3A_311 = tpu.memref_squeeze %dma_wait3A_310 : memref<1x!tpu.dma_semaphore, #tpu.memory_space<semaphore_mem>> -> memref<!tpu.dma_semaphore, #tpu.memory_space<semaphore_mem>>
    %dma_wait3A_312 = arith.constant 0 : i32
    %dma_wait3A_313 = tpu.memref_slice %arg7[%dma_wait3A_303, %dma_wait3A_312] : memref<4x128xi32, #tpu.memory_space<vmem>> -> memref<1x128xi32, #tpu.memory_space<vmem>>
    %dma_wait3A_314 = tpu.memref_squeeze %dma_wait3A_313 : memref<1x128xi32, #tpu.memory_space<vmem>> -> memref<128xi32, #tpu.memory_space<vmem>>
    %dma_wait3A_315 = arith.constant 0 : i32
    %dma_wait3A_316 = tpu.memref_slice %arg3[%dma_wait3A_315] : memref<524288xi32, #tpu.memory_space<hbm>> -> memref<128xi32, #tpu.memory_space<hbm>>
    tpu.wait_dma2 semaphore(%dma_wait3A_311 : memref<!tpu.dma_semaphore, #tpu.memory_space<semaphore_mem>>) src(%dma_wait3A_316 : memref<128xi32, #tpu.memory_space<hbm>>) dst(%dma_wait3A_314 : memref<128xi32, #tpu.memory_space<vmem>>)
    %dma_wait3A_317 = arith.constant 1 : i32
    %dma_wait3A_318 = arith.constant 1 : i32
    %dma_wait3A_319 = arith.constant 0 : i32
    %dma_wait3A_320 = tpu.memref_slice %arg8[%dma_wait3A_317, %dma_wait3A_319] : memref<4x128xi32, #tpu.memory_space<vmem>> -> memref<1x128xi32, #tpu.memory_space<vmem>>
    %dma_wait3A_321 = tpu.memref_squeeze %dma_wait3A_320 : memref<1x128xi32, #tpu.memory_space<vmem>> -> memref<128xi32, #tpu.memory_space<vmem>>
    %dma_wait3A_322 = arith.constant 0 : i32
    %dma_wait3A_323 = tpu.memref_slice %arg4[%dma_wait3A_322] : memref<524288xi32, #tpu.memory_space<hbm>> -> memref<128xi32, #tpu.memory_space<hbm>>
    %dma_wait3A_324 = tpu.memref_slice %arg13[%dma_wait3A_318] : memref<4x!tpu.dma_semaphore, #tpu.memory_space<semaphore_mem>> -> memref<1x!tpu.dma_semaphore, #tpu.memory_space<semaphore_mem>>
    %dma_wait3A_325 = tpu.memref_squeeze %dma_wait3A_324 : memref<1x!tpu.dma_semaphore, #tpu.memory_space<semaphore_mem>> -> memref<!tpu.dma_semaphore, #tpu.memory_space<semaphore_mem>>
    %dma_wait3A_326 = arith.constant 0 : i32
    %dma_wait3A_327 = tpu.memref_slice %arg8[%dma_wait3A_317, %dma_wait3A_326] : memref<4x128xi32, #tpu.memory_space<vmem>> -> memref<1x128xi32, #tpu.memory_space<vmem>>
    %dma_wait3A_328 = tpu.memref_squeeze %dma_wait3A_327 : memref<1x128xi32, #tpu.memory_space<vmem>> -> memref<128xi32, #tpu.memory_space<vmem>>
    %dma_wait3A_329 = arith.constant 0 : i32
    %dma_wait3A_330 = tpu.memref_slice %arg4[%dma_wait3A_329] : memref<524288xi32, #tpu.memory_space<hbm>> -> memref<128xi32, #tpu.memory_space<hbm>>
    tpu.wait_dma2 semaphore(%dma_wait3A_325 : memref<!tpu.dma_semaphore, #tpu.memory_space<semaphore_mem>>) src(%dma_wait3A_330 : memref<128xi32, #tpu.memory_space<hbm>>) dst(%dma_wait3A_328 : memref<128xi32, #tpu.memory_space<vmem>>)
    %dma_start3A_331 = arith.constant 1 : i32
    %dma_start3A_332 = arith.constant 1 : i32
    %dma_start3A_333 = arith.constant 1 : i32
    %dma_start3A_334 = arith.constant 0 : i32
    %dma_start3A_335 = arith.constant 0 : i32
    %dma_start3A_336 = tpu.memref_slice %arg10[%dma_start3A_332, %dma_start3A_334, %dma_start3A_335] : memref<4x128x128xf32, #tpu.memory_space<vmem>> -> memref<1x128x128xf32, #tpu.memory_space<vmem>>
    %dma_start3A_337 = tpu.memref_squeeze %dma_start3A_336 : memref<1x128x128xf32, #tpu.memory_space<vmem>> -> memref<128x128xf32, #tpu.memory_space<vmem>>
    %dma_start3A_338 = arith.constant 0 : i32
    %dma_start3A_339 = tpu.memref_slice %arg7[%dma_start3A_331, %dma_start3A_338] : memref<4x128xi32, #tpu.memory_space<vmem>> -> memref<1x128xi32, #tpu.memory_space<vmem>>
    %dma_start3A_340 = tpu.memref_squeeze %dma_start3A_339 : memref<1x128xi32, #tpu.memory_space<vmem>> -> memref<128xi32, #tpu.memory_space<vmem>>
    %dma_start3A_341 = arith.constant 0 : i32
    %dma_start3A_342 = arith.constant 0 : i32
    %dma_start3A_343 = tpu.memref_slice %arg2[%dma_start3A_341, %dma_start3A_342] : memref<100000x128xf32, #tpu.memory_space<hbm>> -> memref<100000x128xf32, #tpu.memory_space<hbm>>
    %dma_start3A_344 = tpu.memref_slice %arg15[%dma_start3A_333] : memref<4x!tpu.dma_semaphore, #tpu.memory_space<semaphore_mem>> -> memref<1x!tpu.dma_semaphore, #tpu.memory_space<semaphore_mem>>
    %dma_start3A_345 = tpu.memref_squeeze %dma_start3A_344 : memref<1x!tpu.dma_semaphore, #tpu.memory_space<semaphore_mem>> -> memref<!tpu.dma_semaphore, #tpu.memory_space<semaphore_mem>>
    tpu.enqueue_indirect_dma source(%dma_start3A_343 : memref<100000x128xf32, #tpu.memory_space<hbm>>) target(%dma_start3A_337 : memref<128x128xf32, #tpu.memory_space<vmem>>) offsets(%dma_start3A_340 : memref<128xi32, #tpu.memory_space<vmem>>) semaphore(%dma_start3A_345 : memref<!tpu.dma_semaphore, #tpu.memory_space<semaphore_mem>>)
    %add3A_346 = arith.constant 128 : i32
    %add3A_347 = arith.addi %mul3A_2, %add3A_346 : i32
    %rem3A_348 = arith.constant 512 : i32
    %rem3A_349 = arith.remsi %add3A_347, %rem3A_348 : i32
    %get3A_350 = arith.constant 1 : i32
    %get3A_351 = arith.index_cast %get3A_350 : i32 to index
    %get3A_352 = arith.constant 0 : index
    %get3A_353 = tpu.vector_load %arg8[%get3A_351, %get3A_352] {strides = array<i32>} : memref<4x128xi32, #tpu.memory_space<vmem>>, vector<1x16xi32>,
    %get3A_354 = vector.shape_cast %get3A_353 : vector<1x16xi32> to vector<16xi32>
    %mul3A_355 = arith.constant 512 : i32
    %mul3A_356 = vector.broadcast %mul3A_355 : i32 to vector<16xi32>
    %mul3A_357 = arith.muli %get3A_354, %mul3A_356 : vector<16xi32>
    %add3A_358 = arith.constant 0 : i32
    %add3A_359 = arith.addi %rem3A_349, %add3A_358 : i32
    %add3A_360 = vector.broadcast %add3A_359 : i32 to vector<16xi32>
    %add3A_361 = arith.addi %add3A_360, %iota3A : vector<16xi32>
    %add3A_362 = arith.addi %mul3A_357, %add3A_361 : vector<16xi32>
    %swap3A_363 = arith.constant 1 : i32
    %swap3A_364 = arith.index_cast %swap3A_363 : i32 to index
    %swap3A_365 = arith.constant 0 : index
    %swap3A_366 = tpu.vector_load %arg9[%swap3A_364, %swap3A_365] {strides = array<i32>} : memref<4x128xi32, #tpu.memory_space<vmem>>, vector<1x16xi32>,
    %swap3A_367 = vector.shape_cast %swap3A_366 : vector<1x16xi32> to vector<16xi32>
    %swap3A_368 = vector.shape_cast %add3A_362 : vector<16xi32> to vector<1x16xi32>
    tpu.vector_store %arg9[%swap3A_364, %swap3A_365], %swap3A_368 {strides = array<i32>} : memref<4x128xi32, #tpu.memory_space<vmem>>, vector<1x16xi32>,
    %get3A_369 = arith.constant 1 : i32
    %get3A_370 = arith.index_cast %get3A_369 : i32 to index
    %get3A_371 = arith.constant 16 : index
    %get3A_372 = tpu.vector_load %arg8[%get3A_370, %get3A_371] {strides = array<i32>} : memref<4x128xi32, #tpu.memory_space<vmem>>, vector<1x16xi32>,
    %get3A_373 = vector.shape_cast %get3A_372 : vector<1x16xi32> to vector<16xi32>
    %mul3A_374 = arith.constant 512 : i32
    %mul3A_375 = vector.broadcast %mul3A_374 : i32 to vector<16xi32>
    %mul3A_376 = arith.muli %get3A_373, %mul3A_375 : vector<16xi32>
    %add3A_377 = arith.constant 16 : i32
    %add3A_378 = arith.addi %rem3A_349, %add3A_377 : i32
    %add3A_379 = vector.broadcast %add3A_378 : i32 to vector<16xi32>
    %add3A_380 = arith.addi %add3A_379, %iota3A : vector<16xi32>
    %add3A_381 = arith.addi %mul3A_376, %add3A_380 : vector<16xi32>
    %swap3A_382 = arith.constant 1 : i32
    %swap3A_383 = arith.index_cast %swap3A_382 : i32 to index
    %swap3A_384 = arith.constant 16 : index
    %swap3A_385 = tpu.vector_load %arg9[%swap3A_383, %swap3A_384] {strides = array<i32>} : memref<4x128xi32, #tpu.memory_space<vmem>>, vector<1x16xi32>,
    %swap3A_386 = vector.shape_cast %swap3A_385 : vector<1x16xi32> to vector<16xi32>
    %swap3A_387 = vector.shape_cast %add3A_381 : vector<16xi32> to vector<1x16xi32>
    tpu.vector_store %arg9[%swap3A_383, %swap3A_384], %swap3A_387 {strides = array<i32>} : memref<4x128xi32, #tpu.memory_space<vmem>>, vector<1x16xi32>,
    %get3A_388 = arith.constant 1 : i32
    %get3A_389 = arith.index_cast %get3A_388 : i32 to index
    %get3A_390 = arith.constant 32 : index
    %get3A_391 = tpu.vector_load %arg8[%get3A_389, %get3A_390] {strides = array<i32>} : memref<4x128xi32, #tpu.memory_space<vmem>>, vector<1x16xi32>,
    %get3A_392 = vector.shape_cast %get3A_391 : vector<1x16xi32> to vector<16xi32>
    %mul3A_393 = arith.constant 512 : i32
    %mul3A_394 = vector.broadcast %mul3A_393 : i32 to vector<16xi32>
    %mul3A_395 = arith.muli %get3A_392, %mul3A_394 : vector<16xi32>
    %add3A_396 = arith.constant 32 : i32
    %add3A_397 = arith.addi %rem3A_349, %add3A_396 : i32
    %add3A_398 = vector.broadcast %add3A_397 : i32 to vector<16xi32>
    %add3A_399 = arith.addi %add3A_398, %iota3A : vector<16xi32>
    %add3A_400 = arith.addi %mul3A_395, %add3A_399 : vector<16xi32>
    %swap3A_401 = arith.constant 1 : i32
    %swap3A_402 = arith.index_cast %swap3A_401 : i32 to index
    %swap3A_403 = arith.constant 32 : index
    %swap3A_404 = tpu.vector_load %arg9[%swap3A_402, %swap3A_403] {strides = array<i32>} : memref<4x128xi32, #tpu.memory_space<vmem>>, vector<1x16xi32>,
    %swap3A_405 = vector.shape_cast %swap3A_404 : vector<1x16xi32> to vector<16xi32>
    %swap3A_406 = vector.shape_cast %add3A_400 : vector<16xi32> to vector<1x16xi32>
    tpu.vector_store %arg9[%swap3A_402, %swap3A_403], %swap3A_406 {strides = array<i32>} : memref<4x128xi32, #tpu.memory_space<vmem>>, vector<1x16xi32>,
    %get3A_407 = arith.constant 1 : i32
    %get3A_408 = arith.index_cast %get3A_407 : i32 to index
    %get3A_409 = arith.constant 48 : index
    %get3A_410 = tpu.vector_load %arg8[%get3A_408, %get3A_409] {strides = array<i32>} : memref<4x128xi32, #tpu.memory_space<vmem>>, vector<1x16xi32>,
    %get3A_411 = vector.shape_cast %get3A_410 : vector<1x16xi32> to vector<16xi32>
    %mul3A_412 = arith.constant 512 : i32
    %mul3A_413 = vector.broadcast %mul3A_412 : i32 to vector<16xi32>
    %mul3A_414 = arith.muli %get3A_411, %mul3A_413 : vector<16xi32>
    %add3A_415 = arith.constant 48 : i32
    %add3A_416 = arith.addi %rem3A_349, %add3A_415 : i32
    %add3A_417 = vector.broadcast %add3A_416 : i32 to vector<16xi32>
    %add3A_418 = arith.addi %add3A_417, %iota3A : vector<16xi32>
    %add3A_419 = arith.addi %mul3A_414, %add3A_418 : vector<16xi32>
    %swap3A_420 = arith.constant 1 : i32
    %swap3A_421 = arith.index_cast %swap3A_420 : i32 to index
    %swap3A_422 = arith.constant 48 : index
    %swap3A_423 = tpu.vector_load %arg9[%swap3A_421, %swap3A_422] {strides = array<i32>} : memref<4x128xi32, #tpu.memory_space<vmem>>, vector<1x16xi32>,
    %swap3A_424 = vector.shape_cast %swap3A_423 : vector<1x16xi32> to vector<16xi32>
    %swap3A_425 = vector.shape_cast %add3A_419 : vector<16xi32> to vector<1x16xi32>
    tpu.vector_store %arg9[%swap3A_421, %swap3A_422], %swap3A_425 {strides = array<i32>} : memref<4x128xi32, #tpu.memory_space<vmem>>, vector<1x16xi32>,
    %get3A_426 = arith.constant 1 : i32
    %get3A_427 = arith.index_cast %get3A_426 : i32 to index
    %get3A_428 = arith.constant 64 : index
    %get3A_429 = tpu.vector_load %arg8[%get3A_427, %get3A_428] {strides = array<i32>} : memref<4x128xi32, #tpu.memory_space<vmem>>, vector<1x16xi32>,
    %get3A_430 = vector.shape_cast %get3A_429 : vector<1x16xi32> to vector<16xi32>
    %mul3A_431 = arith.constant 512 : i32
    %mul3A_432 = vector.broadcast %mul3A_431 : i32 to vector<16xi32>
    %mul3A_433 = arith.muli %get3A_430, %mul3A_432 : vector<16xi32>
    %add3A_434 = arith.constant 64 : i32
    %add3A_435 = arith.addi %rem3A_349, %add3A_434 : i32
    %add3A_436 = vector.broadcast %add3A_435 : i32 to vector<16xi32>
    %add3A_437 = arith.addi %add3A_436, %iota3A : vector<16xi32>
    %add3A_438 = arith.addi %mul3A_433, %add3A_437 : vector<16xi32>
    %swap3A_439 = arith.constant 1 : i32
    %swap3A_440 = arith.index_cast %swap3A_439 : i32 to index
    %swap3A_441 = arith.constant 64 : index
    %swap3A_442 = tpu.vector_load %arg9[%swap3A_440, %swap3A_441] {strides = array<i32>} : memref<4x128xi32, #tpu.memory_space<vmem>>, vector<1x16xi32>,
    %swap3A_443 = vector.shape_cast %swap3A_442 : vector<1x16xi32> to vector<16xi32>
    %swap3A_444 = vector.shape_cast %add3A_438 : vector<16xi32> to vector<1x16xi32>
    tpu.vector_store %arg9[%swap3A_440, %swap3A_441], %swap3A_444 {strides = array<i32>} : memref<4x128xi32, #tpu.memory_space<vmem>>, vector<1x16xi32>,
    %get3A_445 = arith.constant 1 : i32
    %get3A_446 = arith.index_cast %get3A_445 : i32 to index
    %get3A_447 = arith.constant 80 : index
    %get3A_448 = tpu.vector_load %arg8[%get3A_446, %get3A_447] {strides = array<i32>} : memref<4x128xi32, #tpu.memory_space<vmem>>, vector<1x16xi32>,
    %get3A_449 = vector.shape_cast %get3A_448 : vector<1x16xi32> to vector<16xi32>
    %mul3A_450 = arith.constant 512 : i32
    %mul3A_451 = vector.broadcast %mul3A_450 : i32 to vector<16xi32>
    %mul3A_452 = arith.muli %get3A_449, %mul3A_451 : vector<16xi32>
    %add3A_453 = arith.constant 80 : i32
    %add3A_454 = arith.addi %rem3A_349, %add3A_453 : i32
    %add3A_455 = vector.broadcast %add3A_454 : i32 to vector<16xi32>
    %add3A_456 = arith.addi %add3A_455, %iota3A : vector<16xi32>
    %add3A_457 = arith.addi %mul3A_452, %add3A_456 : vector<16xi32>
    %swap3A_458 = arith.constant 1 : i32
    %swap3A_459 = arith.index_cast %swap3A_458 : i32 to index
    %swap3A_460 = arith.constant 80 : index
    %swap3A_461 = tpu.vector_load %arg9[%swap3A_459, %swap3A_460] {strides = array<i32>} : memref<4x128xi32, #tpu.memory_space<vmem>>, vector<1x16xi32>,
    %swap3A_462 = vector.shape_cast %swap3A_461 : vector<1x16xi32> to vector<16xi32>
    %swap3A_463 = vector.shape_cast %add3A_457 : vector<16xi32> to vector<1x16xi32>
    tpu.vector_store %arg9[%swap3A_459, %swap3A_460], %swap3A_463 {strides = array<i32>} : memref<4x128xi32, #tpu.memory_space<vmem>>, vector<1x16xi32>,
    %get3A_464 = arith.constant 1 : i32
    %get3A_465 = arith.index_cast %get3A_464 : i32 to index
    %get3A_466 = arith.constant 96 : index
    %get3A_467 = tpu.vector_load %arg8[%get3A_465, %get3A_466] {strides = array<i32>} : memref<4x128xi32, #tpu.memory_space<vmem>>, vector<1x16xi32>,
    %get3A_468 = vector.shape_cast %get3A_467 : vector<1x16xi32> to vector<16xi32>
    %mul3A_469 = arith.constant 512 : i32
    %mul3A_470 = vector.broadcast %mul3A_469 : i32 to vector<16xi32>
    %mul3A_471 = arith.muli %get3A_468, %mul3A_470 : vector<16xi32>
    %add3A_472 = arith.constant 96 : i32
    %add3A_473 = arith.addi %rem3A_349, %add3A_472 : i32
    %add3A_474 = vector.broadcast %add3A_473 : i32 to vector<16xi32>
    %add3A_475 = arith.addi %add3A_474, %iota3A : vector<16xi32>
    %add3A_476 = arith.addi %mul3A_471, %add3A_475 : vector<16xi32>
    %swap3A_477 = arith.constant 1 : i32
    %swap3A_478 = arith.index_cast %swap3A_477 : i32 to index
    %swap3A_479 = arith.constant 96 : index
    %swap3A_480 = tpu.vector_load %arg9[%swap3A_478, %swap3A_479] {strides = array<i32>} : memref<4x128xi32, #tpu.memory_space<vmem>>, vector<1x16xi32>,
    %swap3A_481 = vector.shape_cast %swap3A_480 : vector<1x16xi32> to vector<16xi32>
    %swap3A_482 = vector.shape_cast %add3A_476 : vector<16xi32> to vector<1x16xi32>
    tpu.vector_store %arg9[%swap3A_478, %swap3A_479], %swap3A_482 {strides = array<i32>} : memref<4x128xi32, #tpu.memory_space<vmem>>, vector<1x16xi32>,
    %get3A_483 = arith.constant 1 : i32
    %get3A_484 = arith.index_cast %get3A_483 : i32 to index
    %get3A_485 = arith.constant 112 : index
    %get3A_486 = tpu.vector_load %arg8[%get3A_484, %get3A_485] {strides = array<i32>} : memref<4x128xi32, #tpu.memory_space<vmem>>, vector<1x16xi32>,
    %get3A_487 = vector.shape_cast %get3A_486 : vector<1x16xi32> to vector<16xi32>
    %mul3A_488 = arith.constant 512 : i32
    %mul3A_489 = vector.broadcast %mul3A_488 : i32 to vector<16xi32>
    %mul3A_490 = arith.muli %get3A_487, %mul3A_489 : vector<16xi32>
    %add3A_491 = arith.constant 112 : i32
    %add3A_492 = arith.addi %rem3A_349, %add3A_491 : i32
    %add3A_493 = vector.broadcast %add3A_492 : i32 to vector<16xi32>
    %add3A_494 = arith.addi %add3A_493, %iota3A : vector<16xi32>
    %add3A_495 = arith.addi %mul3A_490, %add3A_494 : vector<16xi32>
    %swap3A_496 = arith.constant 1 : i32
    %swap3A_497 = arith.index_cast %swap3A_496 : i32 to index
    %swap3A_498 = arith.constant 112 : index
    %swap3A_499 = tpu.vector_load %arg9[%swap3A_497, %swap3A_498] {strides = array<i32>} : memref<4x128xi32, #tpu.memory_space<vmem>>, vector<1x16xi32>,
    %swap3A_500 = vector.shape_cast %swap3A_499 : vector<1x16xi32> to vector<16xi32>
    %swap3A_501 = vector.shape_cast %add3A_495 : vector<16xi32> to vector<1x16xi32>
    tpu.vector_store %arg9[%swap3A_497, %swap3A_498], %swap3A_501 {strides = array<i32>} : memref<4x128xi32, #tpu.memory_space<vmem>>, vector<1x16xi32>,
    %dma_wait3A_502 = arith.constant 2 : i32
    %dma_wait3A_503 = arith.constant 2 : i32
    %dma_wait3A_504 = arith.constant 0 : i32
    %dma_wait3A_505 = tpu.memref_slice %arg7[%dma_wait3A_502, %dma_wait3A_504] : memref<4x128xi32, #tpu.memory_space<vmem>> -> memref<1x128xi32, #tpu.memory_space<vmem>>
    %dma_wait3A_506 = tpu.memref_squeeze %dma_wait3A_505 : memref<1x128xi32, #tpu.memory_space<vmem>> -> memref<128xi32, #tpu.memory_space<vmem>>
    %dma_wait3A_507 = arith.constant 0 : i32
    %dma_wait3A_508 = tpu.memref_slice %arg3[%dma_wait3A_507] : memref<524288xi32, #tpu.memory_space<hbm>> -> memref<128xi32, #tpu.memory_space<hbm>>
    %dma_wait3A_509 = tpu.memref_slice %arg12[%dma_wait3A_503] : memref<4x!tpu.dma_semaphore, #tpu.memory_space<semaphore_mem>> -> memref<1x!tpu.dma_semaphore, #tpu.memory_space<semaphore_mem>>
    %dma_wait3A_510 = tpu.memref_squeeze %dma_wait3A_509 : memref<1x!tpu.dma_semaphore, #tpu.memory_space<semaphore_mem>> -> memref<!tpu.dma_semaphore, #tpu.memory_space<semaphore_mem>>
    %dma_wait3A_511 = arith.constant 0 : i32
    %dma_wait3A_512 = tpu.memref_slice %arg7[%dma_wait3A_502, %dma_wait3A_511] : memref<4x128xi32, #tpu.memory_space<vmem>> -> memref<1x128xi32, #tpu.memory_space<vmem>>
    %dma_wait3A_513 = tpu.memref_squeeze %dma_wait3A_512 : memref<1x128xi32, #tpu.memory_space<vmem>> -> memref<128xi32, #tpu.memory_space<vmem>>
    %dma_wait3A_514 = arith.constant 0 : i32
    %dma_wait3A_515 = tpu.memref_slice %arg3[%dma_wait3A_514] : memref<524288xi32, #tpu.memory_space<hbm>> -> memref<128xi32, #tpu.memory_space<hbm>>
    tpu.wait_dma2 semaphore(%dma_wait3A_510 : memref<!tpu.dma_semaphore, #tpu.memory_space<semaphore_mem>>) src(%dma_wait3A_515 : memref<128xi32, #tpu.memory_space<hbm>>) dst(%dma_wait3A_513 : memref<128xi32, #tpu.memory_space<vmem>>)
    %dma_wait3A_516 = arith.constant 2 : i32
    %dma_wait3A_517 = arith.constant 2 : i32
    %dma_wait3A_518 = arith.constant 0 : i32
    %dma_wait3A_519 = tpu.memref_slice %arg8[%dma_wait3A_516, %dma_wait3A_518] : memref<4x128xi32, #tpu.memory_space<vmem>> -> memref<1x128xi32, #tpu.memory_space<vmem>>
    %dma_wait3A_520 = tpu.memref_squeeze %dma_wait3A_519 : memref<1x128xi32, #tpu.memory_space<vmem>> -> memref<128xi32, #tpu.memory_space<vmem>>
    %dma_wait3A_521 = arith.constant 0 : i32
    %dma_wait3A_522 = tpu.memref_slice %arg4[%dma_wait3A_521] : memref<524288xi32, #tpu.memory_space<hbm>> -> memref<128xi32, #tpu.memory_space<hbm>>
    %dma_wait3A_523 = tpu.memref_slice %arg13[%dma_wait3A_517] : memref<4x!tpu.dma_semaphore, #tpu.memory_space<semaphore_mem>> -> memref<1x!tpu.dma_semaphore, #tpu.memory_space<semaphore_mem>>
    %dma_wait3A_524 = tpu.memref_squeeze %dma_wait3A_523 : memref<1x!tpu.dma_semaphore, #tpu.memory_space<semaphore_mem>> -> memref<!tpu.dma_semaphore, #tpu.memory_space<semaphore_mem>>
    %dma_wait3A_525 = arith.constant 0 : i32
    %dma_wait3A_526 = tpu.memref_slice %arg8[%dma_wait3A_516, %dma_wait3A_525] : memref<4x128xi32, #tpu.memory_space<vmem>> -> memref<1x128xi32, #tpu.memory_space<vmem>>
    %dma_wait3A_527 = tpu.memref_squeeze %dma_wait3A_526 : memref<1x128xi32, #tpu.memory_space<vmem>> -> memref<128xi32, #tpu.memory_space<vmem>>
    %dma_wait3A_528 = arith.constant 0 : i32
    %dma_wait3A_529 = tpu.memref_slice %arg4[%dma_wait3A_528] : memref<524288xi32, #tpu.memory_space<hbm>> -> memref<128xi32, #tpu.memory_space<hbm>>
    tpu.wait_dma2 semaphore(%dma_wait3A_524 : memref<!tpu.dma_semaphore, #tpu.memory_space<semaphore_mem>>) src(%dma_wait3A_529 : memref<128xi32, #tpu.memory_space<hbm>>) dst(%dma_wait3A_527 : memref<128xi32, #tpu.memory_space<vmem>>)
    %dma_start3A_530 = arith.constant 2 : i32
    %dma_start3A_531 = arith.constant 2 : i32
    %dma_start3A_532 = arith.constant 2 : i32
    %dma_start3A_533 = arith.constant 0 : i32
    %dma_start3A_534 = arith.constant 0 : i32
    %dma_start3A_535 = tpu.memref_slice %arg10[%dma_start3A_531, %dma_start3A_533, %dma_start3A_534] : memref<4x128x128xf32, #tpu.memory_space<vmem>> -> memref<1x128x128xf32, #tpu.memory_space<vmem>>
    %dma_start3A_536 = tpu.memref_squeeze %dma_start3A_535 : memref<1x128x128xf32, #tpu.memory_space<vmem>> -> memref<128x128xf32, #tpu.memory_space<vmem>>
    %dma_start3A_537 = arith.constant 0 : i32
    %dma_start3A_538 = tpu.memref_slice %arg7[%dma_start3A_530, %dma_start3A_537] : memref<4x128xi32, #tpu.memory_space<vmem>> -> memref<1x128xi32, #tpu.memory_space<vmem>>
    %dma_start3A_539 = tpu.memref_squeeze %dma_start3A_538 : memref<1x128xi32, #tpu.memory_space<vmem>> -> memref<128xi32, #tpu.memory_space<vmem>>
    %dma_start3A_540 = arith.constant 0 : i32
    %dma_start3A_541 = arith.constant 0 : i32
    %dma_start3A_542 = tpu.memref_slice %arg2[%dma_start3A_540, %dma_start3A_541] : memref<100000x128xf32, #tpu.memory_space<hbm>> -> memref<100000x128xf32, #tpu.memory_space<hbm>>
    %dma_start3A_543 = tpu.memref_slice %arg15[%dma_start3A_532] : memref<4x!tpu.dma_semaphore, #tpu.memory_space<semaphore_mem>> -> memref<1x!tpu.dma_semaphore, #tpu.memory_space<semaphore_mem>>
    %dma_start3A_544 = tpu.memref_squeeze %dma_start3A_543 : memref<1x!tpu.dma_semaphore, #tpu.memory_space<semaphore_mem>> -> memref<!tpu.dma_semaphore, #tpu.memory_space<semaphore_mem>>
    tpu.enqueue_indirect_dma source(%dma_start3A_542 : memref<100000x128xf32, #tpu.memory_space<hbm>>) target(%dma_start3A_536 : memref<128x128xf32, #tpu.memory_space<vmem>>) offsets(%dma_start3A_539 : memref<128xi32, #tpu.memory_space<vmem>>) semaphore(%dma_start3A_544 : memref<!tpu.dma_semaphore, #tpu.memory_space<semaphore_mem>>)
    %add3A_545 = arith.constant 256 : i32
    %add3A_546 = arith.addi %mul3A_2, %add3A_545 : i32
    %rem3A_547 = arith.constant 512 : i32
    %rem3A_548 = arith.remsi %add3A_546, %rem3A_547 : i32
    %get3A_549 = arith.constant 2 : i32
    %get3A_550 = arith.index_cast %get3A_549 : i32 to index
    %get3A_551 = arith.constant 0 : index
    %get3A_552 = tpu.vector_load %arg8[%get3A_550, %get3A_551] {strides = array<i32>} : memref<4x128xi32, #tpu.memory_space<vmem>>, vector<1x16xi32>,
    %get3A_553 = vector.shape_cast %get3A_552 : vector<1x16xi32> to vector<16xi32>
    %mul3A_554 = arith.constant 512 : i32
    %mul3A_555 = vector.broadcast %mul3A_554 : i32 to vector<16xi32>
    %mul3A_556 = arith.muli %get3A_553, %mul3A_555 : vector<16xi32>
    %add3A_557 = arith.constant 0 : i32
    %add3A_558 = arith.addi %rem3A_548, %add3A_557 : i32
    %add3A_559 = vector.broadcast %add3A_558 : i32 to vector<16xi32>
    %add3A_560 = arith.addi %add3A_559, %iota3A : vector<16xi32>
    %add3A_561 = arith.addi %mul3A_556, %add3A_560 : vector<16xi32>
    %swap3A_562 = arith.constant 2 : i32
    %swap3A_563 = arith.index_cast %swap3A_562 : i32 to index
    %swap3A_564 = arith.constant 0 : index
    %swap3A_565 = tpu.vector_load %arg9[%swap3A_563, %swap3A_564] {strides = array<i32>} : memref<4x128xi32, #tpu.memory_space<vmem>>, vector<1x16xi32>,
    %swap3A_566 = vector.shape_cast %swap3A_565 : vector<1x16xi32> to vector<16xi32>
    %swap3A_567 = vector.shape_cast %add3A_561 : vector<16xi32> to vector<1x16xi32>
    tpu.vector_store %arg9[%swap3A_563, %swap3A_564], %swap3A_567 {strides = array<i32>} : memref<4x128xi32, #tpu.memory_space<vmem>>, vector<1x16xi32>,
    %get3A_568 = arith.constant 2 : i32
    %get3A_569 = arith.index_cast %get3A_568 : i32 to index
    %get3A_570 = arith.constant 16 : index
    %get3A_571 = tpu.vector_load %arg8[%get3A_569, %get3A_570] {strides = array<i32>} : memref<4x128xi32, #tpu.memory_space<vmem>>, vector<1x16xi32>,
    %get3A_572 = vector.shape_cast %get3A_571 : vector<1x16xi32> to vector<16xi32>
    %mul3A_573 = arith.constant 512 : i32
    %mul3A_574 = vector.broadcast %mul3A_573 : i32 to vector<16xi32>
    %mul3A_575 = arith.muli %get3A_572, %mul3A_574 : vector<16xi32>
    %add3A_576 = arith.constant 16 : i32
    %add3A_577 = arith.addi %rem3A_548, %add3A_576 : i32
    %add3A_578 = vector.broadcast %add3A_577 : i32 to vector<16xi32>
    %add3A_579 = arith.addi %add3A_578, %iota3A : vector<16xi32>
    %add3A_580 = arith.addi %mul3A_575, %add3A_579 : vector<16xi32>
    %swap3A_581 = arith.constant 2 : i32
    %swap3A_582 = arith.index_cast %swap3A_581 : i32 to index
    %swap3A_583 = arith.constant 16 : index
    %swap3A_584 = tpu.vector_load %arg9[%swap3A_582, %swap3A_583] {strides = array<i32>} : memref<4x128xi32, #tpu.memory_space<vmem>>, vector<1x16xi32>,
    %swap3A_585 = vector.shape_cast %swap3A_584 : vector<1x16xi32> to vector<16xi32>
    %swap3A_586 = vector.shape_cast %add3A_580 : vector<16xi32> to vector<1x16xi32>
    tpu.vector_store %arg9[%swap3A_582, %swap3A_583], %swap3A_586 {strides = array<i32>} : memref<4x128xi32, #tpu.memory_space<vmem>>, vector<1x16xi32>,
    %get3A_587 = arith.constant 2 : i32
    %get3A_588 = arith.index_cast %get3A_587 : i32 to index
    %get3A_589 = arith.constant 32 : index
    %get3A_590 = tpu.vector_load %arg8[%get3A_588, %get3A_589] {strides = array<i32>} : memref<4x128xi32, #tpu.memory_space<vmem>>, vector<1x16xi32>,
    %get3A_591 = vector.shape_cast %get3A_590 : vector<1x16xi32> to vector<16xi32>
    %mul3A_592 = arith.constant 512 : i32
    %mul3A_593 = vector.broadcast %mul3A_592 : i32 to vector<16xi32>
    %mul3A_594 = arith.muli %get3A_591, %mul3A_593 : vector<16xi32>
    %add3A_595 = arith.constant 32 : i32
    %add3A_596 = arith.addi %rem3A_548, %add3A_595 : i32
    %add3A_597 = vector.broadcast %add3A_596 : i32 to vector<16xi32>
    %add3A_598 = arith.addi %add3A_597, %iota3A : vector<16xi32>
    %add3A_599 = arith.addi %mul3A_594, %add3A_598 : vector<16xi32>
    %swap3A_600 = arith.constant 2 : i32
    %swap3A_601 = arith.index_cast %swap3A_600 : i32 to index
    %swap3A_602 = arith.constant 32 : index
    %swap3A_603 = tpu.vector_load %arg9[%swap3A_601, %swap3A_602] {strides = array<i32>} : memref<4x128xi32, #tpu.memory_space<vmem>>, vector<1x16xi32>,
    %swap3A_604 = vector.shape_cast %swap3A_603 : vector<1x16xi32> to vector<16xi32>
    %swap3A_605 = vector.shape_cast %add3A_599 : vector<16xi32> to vector<1x16xi32>
    tpu.vector_store %arg9[%swap3A_601, %swap3A_602], %swap3A_605 {strides = array<i32>} : memref<4x128xi32, #tpu.memory_space<vmem>>, vector<1x16xi32>,
    %get3A_606 = arith.constant 2 : i32
    %get3A_607 = arith.index_cast %get3A_606 : i32 to index
    %get3A_608 = arith.constant 48 : index
    %get3A_609 = tpu.vector_load %arg8[%get3A_607, %get3A_608] {strides = array<i32>} : memref<4x128xi32, #tpu.memory_space<vmem>>, vector<1x16xi32>,
    %get3A_610 = vector.shape_cast %get3A_609 : vector<1x16xi32> to vector<16xi32>
    %mul3A_611 = arith.constant 512 : i32
    %mul3A_612 = vector.broadcast %mul3A_611 : i32 to vector<16xi32>
    %mul3A_613 = arith.muli %get3A_610, %mul3A_612 : vector<16xi32>
    %add3A_614 = arith.constant 48 : i32
    %add3A_615 = arith.addi %rem3A_548, %add3A_614 : i32
    %add3A_616 = vector.broadcast %add3A_615 : i32 to vector<16xi32>
    %add3A_617 = arith.addi %add3A_616, %iota3A : vector<16xi32>
    %add3A_618 = arith.addi %mul3A_613, %add3A_617 : vector<16xi32>
    %swap3A_619 = arith.constant 2 : i32
    %swap3A_620 = arith.index_cast %swap3A_619 : i32 to index
    %swap3A_621 = arith.constant 48 : index
    %swap3A_622 = tpu.vector_load %arg9[%swap3A_620, %swap3A_621] {strides = array<i32>} : memref<4x128xi32, #tpu.memory_space<vmem>>, vector<1x16xi32>,
    %swap3A_623 = vector.shape_cast %swap3A_622 : vector<1x16xi32> to vector<16xi32>
    %swap3A_624 = vector.shape_cast %add3A_618 : vector<16xi32> to vector<1x16xi32>
    tpu.vector_store %arg9[%swap3A_620, %swap3A_621], %swap3A_624 {strides = array<i32>} : memref<4x128xi32, #tpu.memory_space<vmem>>, vector<1x16xi32>,
    %get3A_625 = arith.constant 2 : i32
    %get3A_626 = arith.index_cast %get3A_625 : i32 to index
    %get3A_627 = arith.constant 64 : index
    %get3A_628 = tpu.vector_load %arg8[%get3A_626, %get3A_627] {strides = array<i32>} : memref<4x128xi32, #tpu.memory_space<vmem>>, vector<1x16xi32>,
    %get3A_629 = vector.shape_cast %get3A_628 : vector<1x16xi32> to vector<16xi32>
    %mul3A_630 = arith.constant 512 : i32
    %mul3A_631 = vector.broadcast %mul3A_630 : i32 to vector<16xi32>
    %mul3A_632 = arith.muli %get3A_629, %mul3A_631 : vector<16xi32>
    %add3A_633 = arith.constant 64 : i32
    %add3A_634 = arith.addi %rem3A_548, %add3A_633 : i32
    %add3A_635 = vector.broadcast %add3A_634 : i32 to vector<16xi32>
    %add3A_636 = arith.addi %add3A_635, %iota3A : vector<16xi32>
    %add3A_637 = arith.addi %mul3A_632, %add3A_636 : vector<16xi32>
    %swap3A_638 = arith.constant 2 : i32
    %swap3A_639 = arith.index_cast %swap3A_638 : i32 to index
    %swap3A_640 = arith.constant 64 : index
    %swap3A_641 = tpu.vector_load %arg9[%swap3A_639, %swap3A_640] {strides = array<i32>} : memref<4x128xi32, #tpu.memory_space<vmem>>, vector<1x16xi32>,
    %swap3A_642 = vector.shape_cast %swap3A_641 : vector<1x16xi32> to vector<16xi32>
    %swap3A_643 = vector.shape_cast %add3A_637 : vector<16xi32> to vector<1x16xi32>
    tpu.vector_store %arg9[%swap3A_639, %swap3A_640], %swap3A_643 {strides = array<i32>} : memref<4x128xi32, #tpu.memory_space<vmem>>, vector<1x16xi32>,
    %get3A_644 = arith.constant 2 : i32
    %get3A_645 = arith.index_cast %get3A_644 : i32 to index
    %get3A_646 = arith.constant 80 : index
    %get3A_647 = tpu.vector_load %arg8[%get3A_645, %get3A_646] {strides = array<i32>} : memref<4x128xi32, #tpu.memory_space<vmem>>, vector<1x16xi32>,
    %get3A_648 = vector.shape_cast %get3A_647 : vector<1x16xi32> to vector<16xi32>
    %mul3A_649 = arith.constant 512 : i32
    %mul3A_650 = vector.broadcast %mul3A_649 : i32 to vector<16xi32>
    %mul3A_651 = arith.muli %get3A_648, %mul3A_650 : vector<16xi32>
    %add3A_652 = arith.constant 80 : i32
    %add3A_653 = arith.addi %rem3A_548, %add3A_652 : i32
    %add3A_654 = vector.broadcast %add3A_653 : i32 to vector<16xi32>
    %add3A_655 = arith.addi %add3A_654, %iota3A : vector<16xi32>
    %add3A_656 = arith.addi %mul3A_651, %add3A_655 : vector<16xi32>
    %swap3A_657 = arith.constant 2 : i32
    %swap3A_658 = arith.index_cast %swap3A_657 : i32 to index
    %swap3A_659 = arith.constant 80 : index
    %swap3A_660 = tpu.vector_load %arg9[%swap3A_658, %swap3A_659] {strides = array<i32>} : memref<4x128xi32, #tpu.memory_space<vmem>>, vector<1x16xi32>,
    %swap3A_661 = vector.shape_cast %swap3A_660 : vector<1x16xi32> to vector<16xi32>
    %swap3A_662 = vector.shape_cast %add3A_656 : vector<16xi32> to vector<1x16xi32>
    tpu.vector_store %arg9[%swap3A_658, %swap3A_659], %swap3A_662 {strides = array<i32>} : memref<4x128xi32, #tpu.memory_space<vmem>>, vector<1x16xi32>,
    %get3A_663 = arith.constant 2 : i32
    %get3A_664 = arith.index_cast %get3A_663 : i32 to index
    %get3A_665 = arith.constant 96 : index
    %get3A_666 = tpu.vector_load %arg8[%get3A_664, %get3A_665] {strides = array<i32>} : memref<4x128xi32, #tpu.memory_space<vmem>>, vector<1x16xi32>,
    %get3A_667 = vector.shape_cast %get3A_666 : vector<1x16xi32> to vector<16xi32>
    %mul3A_668 = arith.constant 512 : i32
    %mul3A_669 = vector.broadcast %mul3A_668 : i32 to vector<16xi32>
    %mul3A_670 = arith.muli %get3A_667, %mul3A_669 : vector<16xi32>
    %add3A_671 = arith.constant 96 : i32
    %add3A_672 = arith.addi %rem3A_548, %add3A_671 : i32
    %add3A_673 = vector.broadcast %add3A_672 : i32 to vector<16xi32>
    %add3A_674 = arith.addi %add3A_673, %iota3A : vector<16xi32>
    %add3A_675 = arith.addi %mul3A_670, %add3A_674 : vector<16xi32>
    %swap3A_676 = arith.constant 2 : i32
    %swap3A_677 = arith.index_cast %swap3A_676 : i32 to index
    %swap3A_678 = arith.constant 96 : index
    %swap3A_679 = tpu.vector_load %arg9[%swap3A_677, %swap3A_678] {strides = array<i32>} : memref<4x128xi32, #tpu.memory_space<vmem>>, vector<1x16xi32>,
    %swap3A_680 = vector.shape_cast %swap3A_679 : vector<1x16xi32> to vector<16xi32>
    %swap3A_681 = vector.shape_cast %add3A_675 : vector<16xi32> to vector<1x16xi32>
    tpu.vector_store %arg9[%swap3A_677, %swap3A_678], %swap3A_681 {strides = array<i32>} : memref<4x128xi32, #tpu.memory_space<vmem>>, vector<1x16xi32>,
    %get3A_682 = arith.constant 2 : i32
    %get3A_683 = arith.index_cast %get3A_682 : i32 to index
    %get3A_684 = arith.constant 112 : index
    %get3A_685 = tpu.vector_load %arg8[%get3A_683, %get3A_684] {strides = array<i32>} : memref<4x128xi32, #tpu.memory_space<vmem>>, vector<1x16xi32>,
    %get3A_686 = vector.shape_cast %get3A_685 : vector<1x16xi32> to vector<16xi32>
    %mul3A_687 = arith.constant 512 : i32
    %mul3A_688 = vector.broadcast %mul3A_687 : i32 to vector<16xi32>
    %mul3A_689 = arith.muli %get3A_686, %mul3A_688 : vector<16xi32>
    %add3A_690 = arith.constant 112 : i32
    %add3A_691 = arith.addi %rem3A_548, %add3A_690 : i32
    %add3A_692 = vector.broadcast %add3A_691 : i32 to vector<16xi32>
    %add3A_693 = arith.addi %add3A_692, %iota3A : vector<16xi32>
    %add3A_694 = arith.addi %mul3A_689, %add3A_693 : vector<16xi32>
    %swap3A_695 = arith.constant 2 : i32
    %swap3A_696 = arith.index_cast %swap3A_695 : i32 to index
    %swap3A_697 = arith.constant 112 : index
    %swap3A_698 = tpu.vector_load %arg9[%swap3A_696, %swap3A_697] {strides = array<i32>} : memref<4x128xi32, #tpu.memory_space<vmem>>, vector<1x16xi32>,
    %swap3A_699 = vector.shape_cast %swap3A_698 : vector<1x16xi32> to vector<16xi32>
    %swap3A_700 = vector.shape_cast %add3A_694 : vector<16xi32> to vector<1x16xi32>
    tpu.vector_store %arg9[%swap3A_696, %swap3A_697], %swap3A_700 {strides = array<i32>} : memref<4x128xi32, #tpu.memory_space<vmem>>, vector<1x16xi32>,
    %dma_wait3A_701 = arith.constant 3 : i32
    %dma_wait3A_702 = arith.constant 3 : i32
    %dma_wait3A_703 = arith.constant 0 : i32
    %dma_wait3A_704 = tpu.memref_slice %arg7[%dma_wait3A_701, %dma_wait3A_703] : memref<4x128xi32, #tpu.memory_space<vmem>> -> memref<1x128xi32, #tpu.memory_space<vmem>>
    %dma_wait3A_705 = tpu.memref_squeeze %dma_wait3A_704 : memref<1x128xi32, #tpu.memory_space<vmem>> -> memref<128xi32, #tpu.memory_space<vmem>>
    %dma_wait3A_706 = arith.constant 0 : i32
    %dma_wait3A_707 = tpu.memref_slice %arg3[%dma_wait3A_706] : memref<524288xi32, #tpu.memory_space<hbm>> -> memref<128xi32, #tpu.memory_space<hbm>>
    %dma_wait3A_708 = tpu.memref_slice %arg12[%dma_wait3A_702] : memref<4x!tpu.dma_semaphore, #tpu.memory_space<semaphore_mem>> -> memref<1x!tpu.dma_semaphore, #tpu.memory_space<semaphore_mem>>
    %dma_wait3A_709 = tpu.memref_squeeze %dma_wait3A_708 : memref<1x!tpu.dma_semaphore, #tpu.memory_space<semaphore_mem>> -> memref<!tpu.dma_semaphore, #tpu.memory_space<semaphore_mem>>
    %dma_wait3A_710 = arith.constant 0 : i32
    %dma_wait3A_711 = tpu.memref_slice %arg7[%dma_wait3A_701, %dma_wait3A_710] : memref<4x128xi32, #tpu.memory_space<vmem>> -> memref<1x128xi32, #tpu.memory_space<vmem>>
    %dma_wait3A_712 = tpu.memref_squeeze %dma_wait3A_711 : memref<1x128xi32, #tpu.memory_space<vmem>> -> memref<128xi32, #tpu.memory_space<vmem>>
    %dma_wait3A_713 = arith.constant 0 : i32
    %dma_wait3A_714 = tpu.memref_slice %arg3[%dma_wait3A_713] : memref<524288xi32, #tpu.memory_space<hbm>> -> memref<128xi32, #tpu.memory_space<hbm>>
    tpu.wait_dma2 semaphore(%dma_wait3A_709 : memref<!tpu.dma_semaphore, #tpu.memory_space<semaphore_mem>>) src(%dma_wait3A_714 : memref<128xi32, #tpu.memory_space<hbm>>) dst(%dma_wait3A_712 : memref<128xi32, #tpu.memory_space<vmem>>)
    %dma_wait3A_715 = arith.constant 3 : i32
    %dma_wait3A_716 = arith.constant 3 : i32
    %dma_wait3A_717 = arith.constant 0 : i32
    %dma_wait3A_718 = tpu.memref_slice %arg8[%dma_wait3A_715, %dma_wait3A_717] : memref<4x128xi32, #tpu.memory_space<vmem>> -> memref<1x128xi32, #tpu.memory_space<vmem>>
    %dma_wait3A_719 = tpu.memref_squeeze %dma_wait3A_718 : memref<1x128xi32, #tpu.memory_space<vmem>> -> memref<128xi32, #tpu.memory_space<vmem>>
    %dma_wait3A_720 = arith.constant 0 : i32
    %dma_wait3A_721 = tpu.memref_slice %arg4[%dma_wait3A_720] : memref<524288xi32, #tpu.memory_space<hbm>> -> memref<128xi32, #tpu.memory_space<hbm>>
    %dma_wait3A_722 = tpu.memref_slice %arg13[%dma_wait3A_716] : memref<4x!tpu.dma_semaphore, #tpu.memory_space<semaphore_mem>> -> memref<1x!tpu.dma_semaphore, #tpu.memory_space<semaphore_mem>>
    %dma_wait3A_723 = tpu.memref_squeeze %dma_wait3A_722 : memref<1x!tpu.dma_semaphore, #tpu.memory_space<semaphore_mem>> -> memref<!tpu.dma_semaphore, #tpu.memory_space<semaphore_mem>>
    %dma_wait3A_724 = arith.constant 0 : i32
    %dma_wait3A_725 = tpu.memref_slice %arg8[%dma_wait3A_715, %dma_wait3A_724] : memref<4x128xi32, #tpu.memory_space<vmem>> -> memref<1x128xi32, #tpu.memory_space<vmem>>
    %dma_wait3A_726 = tpu.memref_squeeze %dma_wait3A_725 : memref<1x128xi32, #tpu.memory_space<vmem>> -> memref<128xi32, #tpu.memory_space<vmem>>
    %dma_wait3A_727 = arith.constant 0 : i32
    %dma_wait3A_728 = tpu.memref_slice %arg4[%dma_wait3A_727] : memref<524288xi32, #tpu.memory_space<hbm>> -> memref<128xi32, #tpu.memory_space<hbm>>
    tpu.wait_dma2 semaphore(%dma_wait3A_723 : memref<!tpu.dma_semaphore, #tpu.memory_space<semaphore_mem>>) src(%dma_wait3A_728 : memref<128xi32, #tpu.memory_space<hbm>>) dst(%dma_wait3A_726 : memref<128xi32, #tpu.memory_space<vmem>>)
    %dma_start3A_729 = arith.constant 3 : i32
    %dma_start3A_730 = arith.constant 3 : i32
    %dma_start3A_731 = arith.constant 3 : i32
    %dma_start3A_732 = arith.constant 0 : i32
    %dma_start3A_733 = arith.constant 0 : i32
    %dma_start3A_734 = tpu.memref_slice %arg10[%dma_start3A_730, %dma_start3A_732, %dma_start3A_733] : memref<4x128x128xf32, #tpu.memory_space<vmem>> -> memref<1x128x128xf32, #tpu.memory_space<vmem>>
    %dma_start3A_735 = tpu.memref_squeeze %dma_start3A_734 : memref<1x128x128xf32, #tpu.memory_space<vmem>> -> memref<128x128xf32, #tpu.memory_space<vmem>>
    %dma_start3A_736 = arith.constant 0 : i32
    %dma_start3A_737 = tpu.memref_slice %arg7[%dma_start3A_729, %dma_start3A_736] : memref<4x128xi32, #tpu.memory_space<vmem>> -> memref<1x128xi32, #tpu.memory_space<vmem>>
    %dma_start3A_738 = tpu.memref_squeeze %dma_start3A_737 : memref<1x128xi32, #tpu.memory_space<vmem>> -> memref<128xi32, #tpu.memory_space<vmem>>
    %dma_start3A_739 = arith.constant 0 : i32
    %dma_start3A_740 = arith.constant 0 : i32
    %dma_start3A_741 = tpu.memref_slice %arg2[%dma_start3A_739, %dma_start3A_740] : memref<100000x128xf32, #tpu.memory_space<hbm>> -> memref<100000x128xf32, #tpu.memory_space<hbm>>
    %dma_start3A_742 = tpu.memref_slice %arg15[%dma_start3A_731] : memref<4x!tpu.dma_semaphore, #tpu.memory_space<semaphore_mem>> -> memref<1x!tpu.dma_semaphore, #tpu.memory_space<semaphore_mem>>
    %dma_start3A_743 = tpu.memref_squeeze %dma_start3A_742 : memref<1x!tpu.dma_semaphore, #tpu.memory_space<semaphore_mem>> -> memref<!tpu.dma_semaphore, #tpu.memory_space<semaphore_mem>>
    tpu.enqueue_indirect_dma source(%dma_start3A_741 : memref<100000x128xf32, #tpu.memory_space<hbm>>) target(%dma_start3A_735 : memref<128x128xf32, #tpu.memory_space<vmem>>) offsets(%dma_start3A_738 : memref<128xi32, #tpu.memory_space<vmem>>) semaphore(%dma_start3A_743 : memref<!tpu.dma_semaphore, #tpu.memory_space<semaphore_mem>>)
    %add3A_744 = arith.constant 384 : i32
    %add3A_745 = arith.addi %mul3A_2, %add3A_744 : i32
    %rem3A_746 = arith.constant 512 : i32
    %rem3A_747 = arith.remsi %add3A_745, %rem3A_746 : i32
    %get3A_748 = arith.constant 3 : i32
    %get3A_749 = arith.index_cast %get3A_748 : i32 to index
    %get3A_750 = arith.constant 0 : index
    %get3A_751 = tpu.vector_load %arg8[%get3A_749, %get3A_750] {strides = array<i32>} : memref<4x128xi32, #tpu.memory_space<vmem>>, vector<1x16xi32>,
    %get3A_752 = vector.shape_cast %get3A_751 : vector<1x16xi32> to vector<16xi32>
    %mul3A_753 = arith.constant 512 : i32
    %mul3A_754 = vector.broadcast %mul3A_753 : i32 to vector<16xi32>
    %mul3A_755 = arith.muli %get3A_752, %mul3A_754 : vector<16xi32>
    %add3A_756 = arith.constant 0 : i32
    %add3A_757 = arith.addi %rem3A_747, %add3A_756 : i32
    %add3A_758 = vector.broadcast %add3A_757 : i32 to vector<16xi32>
    %add3A_759 = arith.addi %add3A_758, %iota3A : vector<16xi32>
    %add3A_760 = arith.addi %mul3A_755, %add3A_759 : vector<16xi32>
    %swap3A_761 = arith.constant 3 : i32
    %swap3A_762 = arith.index_cast %swap3A_761 : i32 to index
    %swap3A_763 = arith.constant 0 : index
    %swap3A_764 = tpu.vector_load %arg9[%swap3A_762, %swap3A_763] {strides = array<i32>} : memref<4x128xi32, #tpu.memory_space<vmem>>, vector<1x16xi32>,
    %swap3A_765 = vector.shape_cast %swap3A_764 : vector<1x16xi32> to vector<16xi32>
    %swap3A_766 = vector.shape_cast %add3A_760 : vector<16xi32> to vector<1x16xi32>
    tpu.vector_store %arg9[%swap3A_762, %swap3A_763], %swap3A_766 {strides = array<i32>} : memref<4x128xi32, #tpu.memory_space<vmem>>, vector<1x16xi32>,
    %get3A_767 = arith.constant 3 : i32
    %get3A_768 = arith.index_cast %get3A_767 : i32 to index
    %get3A_769 = arith.constant 16 : index
    %get3A_770 = tpu.vector_load %arg8[%get3A_768, %get3A_769] {strides = array<i32>} : memref<4x128xi32, #tpu.memory_space<vmem>>, vector<1x16xi32>,
    %get3A_771 = vector.shape_cast %get3A_770 : vector<1x16xi32> to vector<16xi32>
    %mul3A_772 = arith.constant 512 : i32
    %mul3A_773 = vector.broadcast %mul3A_772 : i32 to vector<16xi32>
    %mul3A_774 = arith.muli %get3A_771, %mul3A_773 : vector<16xi32>
    %add3A_775 = arith.constant 16 : i32
    %add3A_776 = arith.addi %rem3A_747, %add3A_775 : i32
    %add3A_777 = vector.broadcast %add3A_776 : i32 to vector<16xi32>
    %add3A_778 = arith.addi %add3A_777, %iota3A : vector<16xi32>
    %add3A_779 = arith.addi %mul3A_774, %add3A_778 : vector<16xi32>
    %swap3A_780 = arith.constant 3 : i32
    %swap3A_781 = arith.index_cast %swap3A_780 : i32 to index
    %swap3A_782 = arith.constant 16 : index
    %swap3A_783 = tpu.vector_load %arg9[%swap3A_781, %swap3A_782] {strides = array<i32>} : memref<4x128xi32, #tpu.memory_space<vmem>>, vector<1x16xi32>,
    %swap3A_784 = vector.shape_cast %swap3A_783 : vector<1x16xi32> to vector<16xi32>
    %swap3A_785 = vector.shape_cast %add3A_779 : vector<16xi32> to vector<1x16xi32>
    tpu.vector_store %arg9[%swap3A_781, %swap3A_782], %swap3A_785 {strides = array<i32>} : memref<4x128xi32, #tpu.memory_space<vmem>>, vector<1x16xi32>,
    %get3A_786 = arith.constant 3 : i32
    %get3A_787 = arith.index_cast %get3A_786 : i32 to index
    %get3A_788 = arith.constant 32 : index
    %get3A_789 = tpu.vector_load %arg8[%get3A_787, %get3A_788] {strides = array<i32>} : memref<4x128xi32, #tpu.memory_space<vmem>>, vector<1x16xi32>,
    %get3A_790 = vector.shape_cast %get3A_789 : vector<1x16xi32> to vector<16xi32>
    %mul3A_791 = arith.constant 512 : i32
    %mul3A_792 = vector.broadcast %mul3A_791 : i32 to vector<16xi32>
    %mul3A_793 = arith.muli %get3A_790, %mul3A_792 : vector<16xi32>
    %add3A_794 = arith.constant 32 : i32
    %add3A_795 = arith.addi %rem3A_747, %add3A_794 : i32
    %add3A_796 = vector.broadcast %add3A_795 : i32 to vector<16xi32>
    %add3A_797 = arith.addi %add3A_796, %iota3A : vector<16xi32>
    %add3A_798 = arith.addi %mul3A_793, %add3A_797 : vector<16xi32>
    %swap3A_799 = arith.constant 3 : i32
    %swap3A_800 = arith.index_cast %swap3A_799 : i32 to index
    %swap3A_801 = arith.constant 32 : index
    %swap3A_802 = tpu.vector_load %arg9[%swap3A_800, %swap3A_801] {strides = array<i32>} : memref<4x128xi32, #tpu.memory_space<vmem>>, vector<1x16xi32>,
    %swap3A_803 = vector.shape_cast %swap3A_802 : vector<1x16xi32> to vector<16xi32>
    %swap3A_804 = vector.shape_cast %add3A_798 : vector<16xi32> to vector<1x16xi32>
    tpu.vector_store %arg9[%swap3A_800, %swap3A_801], %swap3A_804 {strides = array<i32>} : memref<4x128xi32, #tpu.memory_space<vmem>>, vector<1x16xi32>,
    %get3A_805 = arith.constant 3 : i32
    %get3A_806 = arith.index_cast %get3A_805 : i32 to index
    %get3A_807 = arith.constant 48 : index
    %get3A_808 = tpu.vector_load %arg8[%get3A_806, %get3A_807] {strides = array<i32>} : memref<4x128xi32, #tpu.memory_space<vmem>>, vector<1x16xi32>,
    %get3A_809 = vector.shape_cast %get3A_808 : vector<1x16xi32> to vector<16xi32>
    %mul3A_810 = arith.constant 512 : i32
    %mul3A_811 = vector.broadcast %mul3A_810 : i32 to vector<16xi32>
    %mul3A_812 = arith.muli %get3A_809, %mul3A_811 : vector<16xi32>
    %add3A_813 = arith.constant 48 : i32
    %add3A_814 = arith.addi %rem3A_747, %add3A_813 : i32
    %add3A_815 = vector.broadcast %add3A_814 : i32 to vector<16xi32>
    %add3A_816 = arith.addi %add3A_815, %iota3A : vector<16xi32>
    %add3A_817 = arith.addi %mul3A_812, %add3A_816 : vector<16xi32>
    %swap3A_818 = arith.constant 3 : i32
    %swap3A_819 = arith.index_cast %swap3A_818 : i32 to index
    %swap3A_820 = arith.constant 48 : index
    %swap3A_821 = tpu.vector_load %arg9[%swap3A_819, %swap3A_820] {strides = array<i32>} : memref<4x128xi32, #tpu.memory_space<vmem>>, vector<1x16xi32>,
    %swap3A_822 = vector.shape_cast %swap3A_821 : vector<1x16xi32> to vector<16xi32>
    %swap3A_823 = vector.shape_cast %add3A_817 : vector<16xi32> to vector<1x16xi32>
    tpu.vector_store %arg9[%swap3A_819, %swap3A_820], %swap3A_823 {strides = array<i32>} : memref<4x128xi32, #tpu.memory_space<vmem>>, vector<1x16xi32>,
    %get3A_824 = arith.constant 3 : i32
    %get3A_825 = arith.index_cast %get3A_824 : i32 to index
    %get3A_826 = arith.constant 64 : index
    %get3A_827 = tpu.vector_load %arg8[%get3A_825, %get3A_826] {strides = array<i32>} : memref<4x128xi32, #tpu.memory_space<vmem>>, vector<1x16xi32>,
    %get3A_828 = vector.shape_cast %get3A_827 : vector<1x16xi32> to vector<16xi32>
    %mul3A_829 = arith.constant 512 : i32
    %mul3A_830 = vector.broadcast %mul3A_829 : i32 to vector<16xi32>
    %mul3A_831 = arith.muli %get3A_828, %mul3A_830 : vector<16xi32>
    %add3A_832 = arith.constant 64 : i32
    %add3A_833 = arith.addi %rem3A_747, %add3A_832 : i32
    %add3A_834 = vector.broadcast %add3A_833 : i32 to vector<16xi32>
    %add3A_835 = arith.addi %add3A_834, %iota3A : vector<16xi32>
    %add3A_836 = arith.addi %mul3A_831, %add3A_835 : vector<16xi32>
    %swap3A_837 = arith.constant 3 : i32
    %swap3A_838 = arith.index_cast %swap3A_837 : i32 to index
    %swap3A_839 = arith.constant 64 : index
    %swap3A_840 = tpu.vector_load %arg9[%swap3A_838, %swap3A_839] {strides = array<i32>} : memref<4x128xi32, #tpu.memory_space<vmem>>, vector<1x16xi32>,
    %swap3A_841 = vector.shape_cast %swap3A_840 : vector<1x16xi32> to vector<16xi32>
    %swap3A_842 = vector.shape_cast %add3A_836 : vector<16xi32> to vector<1x16xi32>
    tpu.vector_store %arg9[%swap3A_838, %swap3A_839], %swap3A_842 {strides = array<i32>} : memref<4x128xi32, #tpu.memory_space<vmem>>, vector<1x16xi32>,
    %get3A_843 = arith.constant 3 : i32
    %get3A_844 = arith.index_cast %get3A_843 : i32 to index
    %get3A_845 = arith.constant 80 : index
    %get3A_846 = tpu.vector_load %arg8[%get3A_844, %get3A_845] {strides = array<i32>} : memref<4x128xi32, #tpu.memory_space<vmem>>, vector<1x16xi32>,
    %get3A_847 = vector.shape_cast %get3A_846 : vector<1x16xi32> to vector<16xi32>
    %mul3A_848 = arith.constant 512 : i32
    %mul3A_849 = vector.broadcast %mul3A_848 : i32 to vector<16xi32>
    %mul3A_850 = arith.muli %get3A_847, %mul3A_849 : vector<16xi32>
    %add3A_851 = arith.constant 80 : i32
    %add3A_852 = arith.addi %rem3A_747, %add3A_851 : i32
    %add3A_853 = vector.broadcast %add3A_852 : i32 to vector<16xi32>
    %add3A_854 = arith.addi %add3A_853, %iota3A : vector<16xi32>
    %add3A_855 = arith.addi %mul3A_850, %add3A_854 : vector<16xi32>
    %swap3A_856 = arith.constant 3 : i32
    %swap3A_857 = arith.index_cast %swap3A_856 : i32 to index
    %swap3A_858 = arith.constant 80 : index
    %swap3A_859 = tpu.vector_load %arg9[%swap3A_857, %swap3A_858] {strides = array<i32>} : memref<4x128xi32, #tpu.memory_space<vmem>>, vector<1x16xi32>,
    %swap3A_860 = vector.shape_cast %swap3A_859 : vector<1x16xi32> to vector<16xi32>
    %swap3A_861 = vector.shape_cast %add3A_855 : vector<16xi32> to vector<1x16xi32>
    tpu.vector_store %arg9[%swap3A_857, %swap3A_858], %swap3A_861 {strides = array<i32>} : memref<4x128xi32, #tpu.memory_space<vmem>>, vector<1x16xi32>,
    %get3A_862 = arith.constant 3 : i32
    %get3A_863 = arith.index_cast %get3A_862 : i32 to index
    %get3A_864 = arith.constant 96 : index
    %get3A_865 = tpu.vector_load %arg8[%get3A_863, %get3A_864] {strides = array<i32>} : memref<4x128xi32, #tpu.memory_space<vmem>>, vector<1x16xi32>,
    %get3A_866 = vector.shape_cast %get3A_865 : vector<1x16xi32> to vector<16xi32>
    %mul3A_867 = arith.constant 512 : i32
    %mul3A_868 = vector.broadcast %mul3A_867 : i32 to vector<16xi32>
    %mul3A_869 = arith.muli %get3A_866, %mul3A_868 : vector<16xi32>
    %add3A_870 = arith.constant 96 : i32
    %add3A_871 = arith.addi %rem3A_747, %add3A_870 : i32
    %add3A_872 = vector.broadcast %add3A_871 : i32 to vector<16xi32>
    %add3A_873 = arith.addi %add3A_872, %iota3A : vector<16xi32>
    %add3A_874 = arith.addi %mul3A_869, %add3A_873 : vector<16xi32>
    %swap3A_875 = arith.constant 3 : i32
    %swap3A_876 = arith.index_cast %swap3A_875 : i32 to index
    %swap3A_877 = arith.constant 96 : index
    %swap3A_878 = tpu.vector_load %arg9[%swap3A_876, %swap3A_877] {strides = array<i32>} : memref<4x128xi32, #tpu.memory_space<vmem>>, vector<1x16xi32>,
    %swap3A_879 = vector.shape_cast %swap3A_878 : vector<1x16xi32> to vector<16xi32>
    %swap3A_880 = vector.shape_cast %add3A_874 : vector<16xi32> to vector<1x16xi32>
    tpu.vector_store %arg9[%swap3A_876, %swap3A_877], %swap3A_880 {strides = array<i32>} : memref<4x128xi32, #tpu.memory_space<vmem>>, vector<1x16xi32>,
    %get3A_881 = arith.constant 3 : i32
    %get3A_882 = arith.index_cast %get3A_881 : i32 to index
    %get3A_883 = arith.constant 112 : index
    %get3A_884 = tpu.vector_load %arg8[%get3A_882, %get3A_883] {strides = array<i32>} : memref<4x128xi32, #tpu.memory_space<vmem>>, vector<1x16xi32>,
    %get3A_885 = vector.shape_cast %get3A_884 : vector<1x16xi32> to vector<16xi32>
    %mul3A_886 = arith.constant 512 : i32
    %mul3A_887 = vector.broadcast %mul3A_886 : i32 to vector<16xi32>
    %mul3A_888 = arith.muli %get3A_885, %mul3A_887 : vector<16xi32>
    %add3A_889 = arith.constant 112 : i32
    %add3A_890 = arith.addi %rem3A_747, %add3A_889 : i32
    %add3A_891 = vector.broadcast %add3A_890 : i32 to vector<16xi32>
    %add3A_892 = arith.addi %add3A_891, %iota3A : vector<16xi32>
    %add3A_893 = arith.addi %mul3A_888, %add3A_892 : vector<16xi32>
    %swap3A_894 = arith.constant 3 : i32
    %swap3A_895 = arith.index_cast %swap3A_894 : i32 to index
    %swap3A_896 = arith.constant 112 : index
    %swap3A_897 = tpu.vector_load %arg9[%swap3A_895, %swap3A_896] {strides = array<i32>} : memref<4x128xi32, #tpu.memory_space<vmem>>, vector<1x16xi32>,
    %swap3A_898 = vector.shape_cast %swap3A_897 : vector<1x16xi32> to vector<16xi32>
    %swap3A_899 = vector.shape_cast %add3A_893 : vector<16xi32> to vector<1x16xi32>
    tpu.vector_store %arg9[%swap3A_895, %swap3A_896], %swap3A_899 {strides = array<i32>} : memref<4x128xi32, #tpu.memory_space<vmem>>, vector<1x16xi32>,
    %dma_wait3A_900 = arith.constant 0 : i32
    %dma_wait3A_901 = arith.constant 0 : i32
    %dma_wait3A_902 = arith.constant 0 : i32
    %dma_wait3A_903 = arith.constant 0 : i32
    %dma_wait3A_904 = arith.constant 0 : i32
    %dma_wait3A_905 = tpu.memref_slice %arg10[%dma_wait3A_901, %dma_wait3A_903, %dma_wait3A_904] : memref<4x128x128xf32, #tpu.memory_space<vmem>> -> memref<1x128x128xf32, #tpu.memory_space<vmem>>
    %dma_wait3A_906 = tpu.memref_squeeze %dma_wait3A_905 : memref<1x128x128xf32, #tpu.memory_space<vmem>> -> memref<128x128xf32, #tpu.memory_space<vmem>>
    %dma_wait3A_907 = arith.constant 0 : i32
    %dma_wait3A_908 = tpu.memref_slice %arg7[%dma_wait3A_900, %dma_wait3A_907] : memref<4x128xi32, #tpu.memory_space<vmem>> -> memref<1x128xi32, #tpu.memory_space<vmem>>
    %dma_wait3A_909 = tpu.memref_squeeze %dma_wait3A_908 : memref<1x128xi32, #tpu.memory_space<vmem>> -> memref<128xi32, #tpu.memory_space<vmem>>
    %dma_wait3A_910 = arith.constant 0 : i32
    %dma_wait3A_911 = arith.constant 0 : i32
    %dma_wait3A_912 = tpu.memref_slice %arg2[%dma_wait3A_910, %dma_wait3A_911] : memref<100000x128xf32, #tpu.memory_space<hbm>> -> memref<100000x128xf32, #tpu.memory_space<hbm>>
    %dma_wait3A_913 = tpu.memref_slice %arg15[%dma_wait3A_902] : memref<4x!tpu.dma_semaphore, #tpu.memory_space<semaphore_mem>> -> memref<1x!tpu.dma_semaphore, #tpu.memory_space<semaphore_mem>>
    %dma_wait3A_914 = tpu.memref_squeeze %dma_wait3A_913 : memref<1x!tpu.dma_semaphore, #tpu.memory_space<semaphore_mem>> -> memref<!tpu.dma_semaphore, #tpu.memory_space<semaphore_mem>>
    tpu.wait_indirect_dma semaphore(%dma_wait3A_914 : memref<!tpu.dma_semaphore, #tpu.memory_space<semaphore_mem>>) src(%dma_wait3A_912 : memref<100000x128xf32, #tpu.memory_space<hbm>>) dst(%dma_wait3A_906 : memref<128x128xf32, #tpu.memory_space<vmem>>)
    %dma_start3A_915 = arith.constant 0 : i32
    %dma_start3A_916 = arith.constant 0 : i32
    %dma_start3A_917 = arith.constant 0 : i32
    %dma_start3A_918 = arith.constant 0 : i32
    %dma_start3A_919 = arith.constant 0 : i32
    %dma_start3A_920 = tpu.memref_slice %arg10[%dma_start3A_916, %dma_start3A_918, %dma_start3A_919] : memref<4x128x128xf32, #tpu.memory_space<vmem>> -> memref<1x128x128xf32, #tpu.memory_space<vmem>>
    %dma_start3A_921 = tpu.memref_squeeze %dma_start3A_920 : memref<1x128x128xf32, #tpu.memory_space<vmem>> -> memref<128x128xf32, #tpu.memory_space<vmem>>
    %dma_start3A_922 = arith.constant 0 : i32
    %dma_start3A_923 = tpu.memref_slice %arg9[%dma_start3A_915, %dma_start3A_922] : memref<4x128xi32, #tpu.memory_space<vmem>> -> memref<1x128xi32, #tpu.memory_space<vmem>>
    %dma_start3A_924 = tpu.memref_squeeze %dma_start3A_923 : memref<1x128xi32, #tpu.memory_space<vmem>> -> memref<128xi32, #tpu.memory_space<vmem>>
    %dma_start3A_925 = arith.constant 0 : i32
    %dma_start3A_926 = arith.constant 0 : i32
    %dma_start3A_927 = tpu.memref_slice %arg11[%dma_start3A_925, %dma_start3A_926] : memref<1024x128xf32, #tpu.memory_space<vmem_shared>> -> memref<1024x128xf32, #tpu.memory_space<vmem_shared>>
    %dma_start3A_928 = tpu.memref_slice %arg14[%dma_start3A_917] : memref<4x!tpu.dma_semaphore, #tpu.memory_space<semaphore_mem>> -> memref<1x!tpu.dma_semaphore, #tpu.memory_space<semaphore_mem>>
    %dma_start3A_929 = tpu.memref_squeeze %dma_start3A_928 : memref<1x!tpu.dma_semaphore, #tpu.memory_space<semaphore_mem>> -> memref<!tpu.dma_semaphore, #tpu.memory_space<semaphore_mem>>
    tpu.enqueue_indirect_dma source(%dma_start3A_927 : memref<1024x128xf32, #tpu.memory_space<vmem_shared>>) target(%dma_start3A_921 : memref<128x128xf32, #tpu.memory_space<vmem>>) offsets(%dma_start3A_924 : memref<128xi32, #tpu.memory_space<vmem>>) semaphore(%dma_start3A_929 : memref<!tpu.dma_semaphore, #tpu.memory_space<semaphore_mem>>) {add = true}
    %dma_wait3A_930 = arith.constant 1 : i32
    %dma_wait3A_931 = arith.constant 1 : i32
    %dma_wait3A_932 = arith.constant 1 : i32
    %dma_wait3A_933 = arith.constant 0 : i32
    %dma_wait3A_934 = arith.constant 0 : i32
    %dma_wait3A_935 = tpu.memref_slice %arg10[%dma_wait3A_931, %dma_wait3A_933, %dma_wait3A_934] : memref<4x128x128xf32, #tpu.memory_space<vmem>> -> memref<1x128x128xf32, #tpu.memory_space<vmem>>
    %dma_wait3A_936 = tpu.memref_squeeze %dma_wait3A_935 : memref<1x128x128xf32, #tpu.memory_space<vmem>> -> memref<128x128xf32, #tpu.memory_space<vmem>>
    %dma_wait3A_937 = arith.constant 0 : i32
    %dma_wait3A_938 = tpu.memref_slice %arg7[%dma_wait3A_930, %dma_wait3A_937] : memref<4x128xi32, #tpu.memory_space<vmem>> -> memref<1x128xi32, #tpu.memory_space<vmem>>
    %dma_wait3A_939 = tpu.memref_squeeze %dma_wait3A_938 : memref<1x128xi32, #tpu.memory_space<vmem>> -> memref<128xi32, #tpu.memory_space<vmem>>
    %dma_wait3A_940 = arith.constant 0 : i32
    %dma_wait3A_941 = arith.constant 0 : i32
    %dma_wait3A_942 = tpu.memref_slice %arg2[%dma_wait3A_940, %dma_wait3A_941] : memref<100000x128xf32, #tpu.memory_space<hbm>> -> memref<100000x128xf32, #tpu.memory_space<hbm>>
    %dma_wait3A_943 = tpu.memref_slice %arg15[%dma_wait3A_932] : memref<4x!tpu.dma_semaphore, #tpu.memory_space<semaphore_mem>> -> memref<1x!tpu.dma_semaphore, #tpu.memory_space<semaphore_mem>>
    %dma_wait3A_944 = tpu.memref_squeeze %dma_wait3A_943 : memref<1x!tpu.dma_semaphore, #tpu.memory_space<semaphore_mem>> -> memref<!tpu.dma_semaphore, #tpu.memory_space<semaphore_mem>>
    tpu.wait_indirect_dma semaphore(%dma_wait3A_944 : memref<!tpu.dma_semaphore, #tpu.memory_space<semaphore_mem>>) src(%dma_wait3A_942 : memref<100000x128xf32, #tpu.memory_space<hbm>>) dst(%dma_wait3A_936 : memref<128x128xf32, #tpu.memory_space<vmem>>)
    %dma_start3A_945 = arith.constant 1 : i32
    %dma_start3A_946 = arith.constant 1 : i32
    %dma_start3A_947 = arith.constant 1 : i32
    %dma_start3A_948 = arith.constant 0 : i32
    %dma_start3A_949 = arith.constant 0 : i32
    %dma_start3A_950 = tpu.memref_slice %arg10[%dma_start3A_946, %dma_start3A_948, %dma_start3A_949] : memref<4x128x128xf32, #tpu.memory_space<vmem>> -> memref<1x128x128xf32, #tpu.memory_space<vmem>>
    %dma_start3A_951 = tpu.memref_squeeze %dma_start3A_950 : memref<1x128x128xf32, #tpu.memory_space<vmem>> -> memref<128x128xf32, #tpu.memory_space<vmem>>
    %dma_start3A_952 = arith.constant 0 : i32
    %dma_start3A_953 = tpu.memref_slice %arg9[%dma_start3A_945, %dma_start3A_952] : memref<4x128xi32, #tpu.memory_space<vmem>> -> memref<1x128xi32, #tpu.memory_space<vmem>>
    %dma_start3A_954 = tpu.memref_squeeze %dma_start3A_953 : memref<1x128xi32, #tpu.memory_space<vmem>> -> memref<128xi32, #tpu.memory_space<vmem>>
    %dma_start3A_955 = arith.constant 0 : i32
    %dma_start3A_956 = arith.constant 0 : i32
    %dma_start3A_957 = tpu.memref_slice %arg11[%dma_start3A_955, %dma_start3A_956] : memref<1024x128xf32, #tpu.memory_space<vmem_shared>> -> memref<1024x128xf32, #tpu.memory_space<vmem_shared>>
    %dma_start3A_958 = tpu.memref_slice %arg14[%dma_start3A_947] : memref<4x!tpu.dma_semaphore, #tpu.memory_space<semaphore_mem>> -> memref<1x!tpu.dma_semaphore, #tpu.memory_space<semaphore_mem>>
    %dma_start3A_959 = tpu.memref_squeeze %dma_start3A_958 : memref<1x!tpu.dma_semaphore, #tpu.memory_space<semaphore_mem>> -> memref<!tpu.dma_semaphore, #tpu.memory_space<semaphore_mem>>
    tpu.enqueue_indirect_dma source(%dma_start3A_957 : memref<1024x128xf32, #tpu.memory_space<vmem_shared>>) target(%dma_start3A_951 : memref<128x128xf32, #tpu.memory_space<vmem>>) offsets(%dma_start3A_954 : memref<128xi32, #tpu.memory_space<vmem>>) semaphore(%dma_start3A_959 : memref<!tpu.dma_semaphore, #tpu.memory_space<semaphore_mem>>) {add = true}
    %dma_wait3A_960 = arith.constant 2 : i32
    %dma_wait3A_961 = arith.constant 2 : i32
    %dma_wait3A_962 = arith.constant 2 : i32
    %dma_wait3A_963 = arith.constant 0 : i32
    %dma_wait3A_964 = arith.constant 0 : i32
    %dma_wait3A_965 = tpu.memref_slice %arg10[%dma_wait3A_961, %dma_wait3A_963, %dma_wait3A_964] : memref<4x128x128xf32, #tpu.memory_space<vmem>> -> memref<1x128x128xf32, #tpu.memory_space<vmem>>
    %dma_wait3A_966 = tpu.memref_squeeze %dma_wait3A_965 : memref<1x128x128xf32, #tpu.memory_space<vmem>> -> memref<128x128xf32, #tpu.memory_space<vmem>>
    %dma_wait3A_967 = arith.constant 0 : i32
    %dma_wait3A_968 = tpu.memref_slice %arg7[%dma_wait3A_960, %dma_wait3A_967] : memref<4x128xi32, #tpu.memory_space<vmem>> -> memref<1x128xi32, #tpu.memory_space<vmem>>
    %dma_wait3A_969 = tpu.memref_squeeze %dma_wait3A_968 : memref<1x128xi32, #tpu.memory_space<vmem>> -> memref<128xi32, #tpu.memory_space<vmem>>
    %dma_wait3A_970 = arith.constant 0 : i32
    %dma_wait3A_971 = arith.constant 0 : i32
    %dma_wait3A_972 = tpu.memref_slice %arg2[%dma_wait3A_970, %dma_wait3A_971] : memref<100000x128xf32, #tpu.memory_space<hbm>> -> memref<100000x128xf32, #tpu.memory_space<hbm>>
    %dma_wait3A_973 = tpu.memref_slice %arg15[%dma_wait3A_962] : memref<4x!tpu.dma_semaphore, #tpu.memory_space<semaphore_mem>> -> memref<1x!tpu.dma_semaphore, #tpu.memory_space<semaphore_mem>>
    %dma_wait3A_974 = tpu.memref_squeeze %dma_wait3A_973 : memref<1x!tpu.dma_semaphore, #tpu.memory_space<semaphore_mem>> -> memref<!tpu.dma_semaphore, #tpu.memory_space<semaphore_mem>>
    tpu.wait_indirect_dma semaphore(%dma_wait3A_974 : memref<!tpu.dma_semaphore, #tpu.memory_space<semaphore_mem>>) src(%dma_wait3A_972 : memref<100000x128xf32, #tpu.memory_space<hbm>>) dst(%dma_wait3A_966 : memref<128x128xf32, #tpu.memory_space<vmem>>)
    %dma_start3A_975 = arith.constant 2 : i32
    %dma_start3A_976 = arith.constant 2 : i32
    %dma_start3A_977 = arith.constant 2 : i32
    %dma_start3A_978 = arith.constant 0 : i32
    %dma_start3A_979 = arith.constant 0 : i32
    %dma_start3A_980 = tpu.memref_slice %arg10[%dma_start3A_976, %dma_start3A_978, %dma_start3A_979] : memref<4x128x128xf32, #tpu.memory_space<vmem>> -> memref<1x128x128xf32, #tpu.memory_space<vmem>>
    %dma_start3A_981 = tpu.memref_squeeze %dma_start3A_980 : memref<1x128x128xf32, #tpu.memory_space<vmem>> -> memref<128x128xf32, #tpu.memory_space<vmem>>
    %dma_start3A_982 = arith.constant 0 : i32
    %dma_start3A_983 = tpu.memref_slice %arg9[%dma_start3A_975, %dma_start3A_982] : memref<4x128xi32, #tpu.memory_space<vmem>> -> memref<1x128xi32, #tpu.memory_space<vmem>>
    %dma_start3A_984 = tpu.memref_squeeze %dma_start3A_983 : memref<1x128xi32, #tpu.memory_space<vmem>> -> memref<128xi32, #tpu.memory_space<vmem>>
    %dma_start3A_985 = arith.constant 0 : i32
    %dma_start3A_986 = arith.constant 0 : i32
    %dma_start3A_987 = tpu.memref_slice %arg11[%dma_start3A_985, %dma_start3A_986] : memref<1024x128xf32, #tpu.memory_space<vmem_shared>> -> memref<1024x128xf32, #tpu.memory_space<vmem_shared>>
    %dma_start3A_988 = tpu.memref_slice %arg14[%dma_start3A_977] : memref<4x!tpu.dma_semaphore, #tpu.memory_space<semaphore_mem>> -> memref<1x!tpu.dma_semaphore, #tpu.memory_space<semaphore_mem>>
    %dma_start3A_989 = tpu.memref_squeeze %dma_start3A_988 : memref<1x!tpu.dma_semaphore, #tpu.memory_space<semaphore_mem>> -> memref<!tpu.dma_semaphore, #tpu.memory_space<semaphore_mem>>
    tpu.enqueue_indirect_dma source(%dma_start3A_987 : memref<1024x128xf32, #tpu.memory_space<vmem_shared>>) target(%dma_start3A_981 : memref<128x128xf32, #tpu.memory_space<vmem>>) offsets(%dma_start3A_984 : memref<128xi32, #tpu.memory_space<vmem>>) semaphore(%dma_start3A_989 : memref<!tpu.dma_semaphore, #tpu.memory_space<semaphore_mem>>) {add = true}
    %dma_wait3A_990 = arith.constant 3 : i32
    %dma_wait3A_991 = arith.constant 3 : i32
    %dma_wait3A_992 = arith.constant 3 : i32
    %dma_wait3A_993 = arith.constant 0 : i32
    %dma_wait3A_994 = arith.constant 0 : i32
    %dma_wait3A_995 = tpu.memref_slice %arg10[%dma_wait3A_991, %dma_wait3A_993, %dma_wait3A_994] : memref<4x128x128xf32, #tpu.memory_space<vmem>> -> memref<1x128x128xf32, #tpu.memory_space<vmem>>
    %dma_wait3A_996 = tpu.memref_squeeze %dma_wait3A_995 : memref<1x128x128xf32, #tpu.memory_space<vmem>> -> memref<128x128xf32, #tpu.memory_space<vmem>>
    %dma_wait3A_997 = arith.constant 0 : i32
    %dma_wait3A_998 = tpu.memref_slice %arg7[%dma_wait3A_990, %dma_wait3A_997] : memref<4x128xi32, #tpu.memory_space<vmem>> -> memref<1x128xi32, #tpu.memory_space<vmem>>
    %dma_wait3A_999 = tpu.memref_squeeze %dma_wait3A_998 : memref<1x128xi32, #tpu.memory_space<vmem>> -> memref<128xi32, #tpu.memory_space<vmem>>
    %dma_wait3A_1000 = arith.constant 0 : i32
    %dma_wait3A_1001 = arith.constant 0 : i32
    %dma_wait3A_1002 = tpu.memref_slice %arg2[%dma_wait3A_1000, %dma_wait3A_1001] : memref<100000x128xf32, #tpu.memory_space<hbm>> -> memref<100000x128xf32, #tpu.memory_space<hbm>>
    %dma_wait3A_1003 = tpu.memref_slice %arg15[%dma_wait3A_992] : memref<4x!tpu.dma_semaphore, #tpu.memory_space<semaphore_mem>> -> memref<1x!tpu.dma_semaphore, #tpu.memory_space<semaphore_mem>>
    %dma_wait3A_1004 = tpu.memref_squeeze %dma_wait3A_1003 : memref<1x!tpu.dma_semaphore, #tpu.memory_space<semaphore_mem>> -> memref<!tpu.dma_semaphore, #tpu.memory_space<semaphore_mem>>
    tpu.wait_indirect_dma semaphore(%dma_wait3A_1004 : memref<!tpu.dma_semaphore, #tpu.memory_space<semaphore_mem>>) src(%dma_wait3A_1002 : memref<100000x128xf32, #tpu.memory_space<hbm>>) dst(%dma_wait3A_996 : memref<128x128xf32, #tpu.memory_space<vmem>>)
    %dma_start3A_1005 = arith.constant 3 : i32
    %dma_start3A_1006 = arith.constant 3 : i32
    %dma_start3A_1007 = arith.constant 3 : i32
    %dma_start3A_1008 = arith.constant 0 : i32
    %dma_start3A_1009 = arith.constant 0 : i32
    %dma_start3A_1010 = tpu.memref_slice %arg10[%dma_start3A_1006, %dma_start3A_1008, %dma_start3A_1009] : memref<4x128x128xf32, #tpu.memory_space<vmem>> -> memref<1x128x128xf32, #tpu.memory_space<vmem>>
    %dma_start3A_1011 = tpu.memref_squeeze %dma_start3A_1010 : memref<1x128x128xf32, #tpu.memory_space<vmem>> -> memref<128x128xf32, #tpu.memory_space<vmem>>
    %dma_start3A_1012 = arith.constant 0 : i32
    %dma_start3A_1013 = tpu.memref_slice %arg9[%dma_start3A_1005, %dma_start3A_1012] : memref<4x128xi32, #tpu.memory_space<vmem>> -> memref<1x128xi32, #tpu.memory_space<vmem>>
    %dma_start3A_1014 = tpu.memref_squeeze %dma_start3A_1013 : memref<1x128xi32, #tpu.memory_space<vmem>> -> memref<128xi32, #tpu.memory_space<vmem>>
    %dma_start3A_1015 = arith.constant 0 : i32
    %dma_start3A_1016 = arith.constant 0 : i32
    %dma_start3A_1017 = tpu.memref_slice %arg11[%dma_start3A_1015, %dma_start3A_1016] : memref<1024x128xf32, #tpu.memory_space<vmem_shared>> -> memref<1024x128xf32, #tpu.memory_space<vmem_shared>>
    %dma_start3A_1018 = tpu.memref_slice %arg14[%dma_start3A_1007] : memref<4x!tpu.dma_semaphore, #tpu.memory_space<semaphore_mem>> -> memref<1x!tpu.dma_semaphore, #tpu.memory_space<semaphore_mem>>
    %dma_start3A_1019 = tpu.memref_squeeze %dma_start3A_1018 : memref<1x!tpu.dma_semaphore, #tpu.memory_space<semaphore_mem>> -> memref<!tpu.dma_semaphore, #tpu.memory_space<semaphore_mem>>
    tpu.enqueue_indirect_dma source(%dma_start3A_1017 : memref<1024x128xf32, #tpu.memory_space<vmem_shared>>) target(%dma_start3A_1011 : memref<128x128xf32, #tpu.memory_space<vmem>>) offsets(%dma_start3A_1014 : memref<128xi32, #tpu.memory_space<vmem>>) semaphore(%dma_start3A_1019 : memref<!tpu.dma_semaphore, #tpu.memory_space<semaphore_mem>>) {add = true}
    %add3A_1020 = arith.constant 0 : i32
    %add3A_1021 = arith.addi %mul3A_2, %add3A_1020 : i32
    %dma_wait3A_1022 = arith.constant 0 : i32
    %dma_wait3A_1023 = arith.constant 0 : i32
    %dma_wait3A_1024 = arith.constant 0 : i32
    %dma_wait3A_1025 = arith.constant 0 : i32
    %dma_wait3A_1026 = arith.constant 0 : i32
    %dma_wait3A_1027 = tpu.memref_slice %arg10[%dma_wait3A_1023, %dma_wait3A_1025, %dma_wait3A_1026] : memref<4x128x128xf32, #tpu.memory_space<vmem>> -> memref<1x128x128xf32, #tpu.memory_space<vmem>>
    %dma_wait3A_1028 = tpu.memref_squeeze %dma_wait3A_1027 : memref<1x128x128xf32, #tpu.memory_space<vmem>> -> memref<128x128xf32, #tpu.memory_space<vmem>>
    %dma_wait3A_1029 = arith.constant 0 : i32
    %dma_wait3A_1030 = tpu.memref_slice %arg9[%dma_wait3A_1022, %dma_wait3A_1029] : memref<4x128xi32, #tpu.memory_space<vmem>> -> memref<1x128xi32, #tpu.memory_space<vmem>>
    %dma_wait3A_1031 = tpu.memref_squeeze %dma_wait3A_1030 : memref<1x128xi32, #tpu.memory_space<vmem>> -> memref<128xi32, #tpu.memory_space<vmem>>
    %dma_wait3A_1032 = arith.constant 0 : i32
    %dma_wait3A_1033 = arith.constant 0 : i32
    %dma_wait3A_1034 = tpu.memref_slice %arg11[%dma_wait3A_1032, %dma_wait3A_1033] : memref<1024x128xf32, #tpu.memory_space<vmem_shared>> -> memref<1024x128xf32, #tpu.memory_space<vmem_shared>>
    %dma_wait3A_1035 = tpu.memref_slice %arg14[%dma_wait3A_1024] : memref<4x!tpu.dma_semaphore, #tpu.memory_space<semaphore_mem>> -> memref<1x!tpu.dma_semaphore, #tpu.memory_space<semaphore_mem>>
    %dma_wait3A_1036 = tpu.memref_squeeze %dma_wait3A_1035 : memref<1x!tpu.dma_semaphore, #tpu.memory_space<semaphore_mem>> -> memref<!tpu.dma_semaphore, #tpu.memory_space<semaphore_mem>>
    tpu.wait_indirect_dma semaphore(%dma_wait3A_1036 : memref<!tpu.dma_semaphore, #tpu.memory_space<semaphore_mem>>) src(%dma_wait3A_1034 : memref<1024x128xf32, #tpu.memory_space<vmem_shared>>) dst(%dma_wait3A_1028 : memref<128x128xf32, #tpu.memory_space<vmem>>)
    %dma_start3A_1037 = arith.constant 0 : i32
    %dma_start3A_1038 = arith.constant 0 : i32
    %dma_start3A_1039 = arith.constant 0 : i32
    %dma_start3A_1040 = arith.constant 0 : i32
    %dma_start3A_1041 = tpu.memref_slice %arg10[%dma_start3A_1037, %dma_start3A_1039, %dma_start3A_1040] : memref<4x128x128xf32, #tpu.memory_space<vmem>> -> memref<1x128x128xf32, #tpu.memory_space<vmem>>
    %dma_start3A_1042 = tpu.memref_squeeze %dma_start3A_1041 : memref<1x128x128xf32, #tpu.memory_space<vmem>> -> memref<128x128xf32, #tpu.memory_space<vmem>>
    %dma_start3A_1043 = arith.constant 0 : i32
    %dma_start3A_1044 = tpu.memref_slice %arg6[%add3A_1021, %dma_start3A_1043] : memref<524288x128xf32, #tpu.memory_space<hbm>> -> memref<128x128xf32, #tpu.memory_space<hbm>>
    %dma_start3A_1045 = tpu.memref_slice %arg16[%dma_start3A_1038] : memref<4x!tpu.dma_semaphore, #tpu.memory_space<semaphore_mem>> -> memref<1x!tpu.dma_semaphore, #tpu.memory_space<semaphore_mem>>
    %dma_start3A_1046 = tpu.memref_squeeze %dma_start3A_1045 : memref<1x!tpu.dma_semaphore, #tpu.memory_space<semaphore_mem>> -> memref<!tpu.dma_semaphore, #tpu.memory_space<semaphore_mem>>
    %dma_start3A_1047 = arith.constant 0 : i32
    %dma_start3A_1048 = tpu.memref_slice %arg6[%add3A_1021, %dma_start3A_1047] : memref<524288x128xf32, #tpu.memory_space<hbm>> -> memref<128x128xf32, #tpu.memory_space<hbm>>
    %dma_start3A_1049 = arith.constant 0 : i32
    %dma_start3A_1050 = arith.constant 0 : i32
    %dma_start3A_1051 = tpu.memref_slice %arg10[%dma_start3A_1037, %dma_start3A_1049, %dma_start3A_1050] : memref<4x128x128xf32, #tpu.memory_space<vmem>> -> memref<1x128x128xf32, #tpu.memory_space<vmem>>
    %dma_start3A_1052 = tpu.memref_squeeze %dma_start3A_1051 : memref<1x128x128xf32, #tpu.memory_space<vmem>> -> memref<128x128xf32, #tpu.memory_space<vmem>>
    tpu.enqueue_dma source(%dma_start3A_1052 : memref<128x128xf32, #tpu.memory_space<vmem>>) target(%dma_start3A_1048 : memref<128x128xf32, #tpu.memory_space<hbm>>) target_semaphore(%dma_start3A_1046 : memref<!tpu.dma_semaphore, #tpu.memory_space<semaphore_mem>>)
    %add3A_1053 = arith.constant 512 : i32
    %add3A_1054 = arith.addi %mul3A_2, %add3A_1053 : i32
    %dma_start3A_1055 = arith.constant 0 : i32
    %dma_start3A_1056 = arith.constant 0 : i32
    %dma_start3A_1057 = arith.constant 0 : i32
    %dma_start3A_1058 = tpu.memref_slice %arg7[%dma_start3A_1055, %dma_start3A_1057] : memref<4x128xi32, #tpu.memory_space<vmem>> -> memref<1x128xi32, #tpu.memory_space<vmem>>
    %dma_start3A_1059 = tpu.memref_squeeze %dma_start3A_1058 : memref<1x128xi32, #tpu.memory_space<vmem>> -> memref<128xi32, #tpu.memory_space<vmem>>
    %dma_start3A_1060 = tpu.memref_slice %arg3[%add3A_1054] : memref<524288xi32, #tpu.memory_space<hbm>> -> memref<128xi32, #tpu.memory_space<hbm>>
    %dma_start3A_1061 = tpu.memref_slice %arg12[%dma_start3A_1056] : memref<4x!tpu.dma_semaphore, #tpu.memory_space<semaphore_mem>> -> memref<1x!tpu.dma_semaphore, #tpu.memory_space<semaphore_mem>>
    %dma_start3A_1062 = tpu.memref_squeeze %dma_start3A_1061 : memref<1x!tpu.dma_semaphore, #tpu.memory_space<semaphore_mem>> -> memref<!tpu.dma_semaphore, #tpu.memory_space<semaphore_mem>>
    %dma_start3A_1063 = arith.constant 0 : i32
    %dma_start3A_1064 = tpu.memref_slice %arg7[%dma_start3A_1055, %dma_start3A_1063] : memref<4x128xi32, #tpu.memory_space<vmem>> -> memref<1x128xi32, #tpu.memory_space<vmem>>
    %dma_start3A_1065 = tpu.memref_squeeze %dma_start3A_1064 : memref<1x128xi32, #tpu.memory_space<vmem>> -> memref<128xi32, #tpu.memory_space<vmem>>
    %dma_start3A_1066 = tpu.memref_slice %arg3[%add3A_1054] : memref<524288xi32, #tpu.memory_space<hbm>> -> memref<128xi32, #tpu.memory_space<hbm>>
    tpu.enqueue_dma source(%dma_start3A_1066 : memref<128xi32, #tpu.memory_space<hbm>>) target(%dma_start3A_1065 : memref<128xi32, #tpu.memory_space<vmem>>) target_semaphore(%dma_start3A_1062 : memref<!tpu.dma_semaphore, #tpu.memory_space<semaphore_mem>>)
    %dma_start3A_1067 = arith.constant 0 : i32
    %dma_start3A_1068 = arith.constant 0 : i32
    %dma_start3A_1069 = arith.constant 0 : i32
    %dma_start3A_1070 = tpu.memref_slice %arg8[%dma_start3A_1067, %dma_start3A_1069] : memref<4x128xi32, #tpu.memory_space<vmem>> -> memref<1x128xi32, #tpu.memory_space<vmem>>
    %dma_start3A_1071 = tpu.memref_squeeze %dma_start3A_1070 : memref<1x128xi32, #tpu.memory_space<vmem>> -> memref<128xi32, #tpu.memory_space<vmem>>
    %dma_start3A_1072 = tpu.memref_slice %arg4[%add3A_1054] : memref<524288xi32, #tpu.memory_space<hbm>> -> memref<128xi32, #tpu.memory_space<hbm>>
    %dma_start3A_1073 = tpu.memref_slice %arg13[%dma_start3A_1068] : memref<4x!tpu.dma_semaphore, #tpu.memory_space<semaphore_mem>> -> memref<1x!tpu.dma_semaphore, #tpu.memory_space<semaphore_mem>>
    %dma_start3A_1074 = tpu.memref_squeeze %dma_start3A_1073 : memref<1x!tpu.dma_semaphore, #tpu.memory_space<semaphore_mem>> -> memref<!tpu.dma_semaphore, #tpu.memory_space<semaphore_mem>>
    %dma_start3A_1075 = arith.constant 0 : i32
    %dma_start3A_1076 = tpu.memref_slice %arg8[%dma_start3A_1067, %dma_start3A_1075] : memref<4x128xi32, #tpu.memory_space<vmem>> -> memref<1x128xi32, #tpu.memory_space<vmem>>
    %dma_start3A_1077 = tpu.memref_squeeze %dma_start3A_1076 : memref<1x128xi32, #tpu.memory_space<vmem>> -> memref<128xi32, #tpu.memory_space<vmem>>
    %dma_start3A_1078 = tpu.memref_slice %arg4[%add3A_1054] : memref<524288xi32, #tpu.memory_space<hbm>> -> memref<128xi32, #tpu.memory_space<hbm>>
    tpu.enqueue_dma source(%dma_start3A_1078 : memref<128xi32, #tpu.memory_space<hbm>>) target(%dma_start3A_1077 : memref<128xi32, #tpu.memory_space<vmem>>) target_semaphore(%dma_start3A_1074 : memref<!tpu.dma_semaphore, #tpu.memory_space<semaphore_mem>>)
    %add3A_1079 = arith.constant 128 : i32
    %add3A_1080 = arith.addi %mul3A_2, %add3A_1079 : i32
    %dma_wait3A_1081 = arith.constant 1 : i32
    %dma_wait3A_1082 = arith.constant 1 : i32
    %dma_wait3A_1083 = arith.constant 1 : i32
    %dma_wait3A_1084 = arith.constant 0 : i32
    %dma_wait3A_1085 = arith.constant 0 : i32
    %dma_wait3A_1086 = tpu.memref_slice %arg10[%dma_wait3A_1082, %dma_wait3A_1084, %dma_wait3A_1085] : memref<4x128x128xf32, #tpu.memory_space<vmem>> -> memref<1x128x128xf32, #tpu.memory_space<vmem>>
    %dma_wait3A_1087 = tpu.memref_squeeze %dma_wait3A_1086 : memref<1x128x128xf32, #tpu.memory_space<vmem>> -> memref<128x128xf32, #tpu.memory_space<vmem>>
    %dma_wait3A_1088 = arith.constant 0 : i32
    %dma_wait3A_1089 = tpu.memref_slice %arg9[%dma_wait3A_1081, %dma_wait3A_1088] : memref<4x128xi32, #tpu.memory_space<vmem>> -> memref<1x128xi32, #tpu.memory_space<vmem>>
    %dma_wait3A_1090 = tpu.memref_squeeze %dma_wait3A_1089 : memref<1x128xi32, #tpu.memory_space<vmem>> -> memref<128xi32, #tpu.memory_space<vmem>>
    %dma_wait3A_1091 = arith.constant 0 : i32
    %dma_wait3A_1092 = arith.constant 0 : i32
    %dma_wait3A_1093 = tpu.memref_slice %arg11[%dma_wait3A_1091, %dma_wait3A_1092] : memref<1024x128xf32, #tpu.memory_space<vmem_shared>> -> memref<1024x128xf32, #tpu.memory_space<vmem_shared>>
    %dma_wait3A_1094 = tpu.memref_slice %arg14[%dma_wait3A_1083] : memref<4x!tpu.dma_semaphore, #tpu.memory_space<semaphore_mem>> -> memref<1x!tpu.dma_semaphore, #tpu.memory_space<semaphore_mem>>
    %dma_wait3A_1095 = tpu.memref_squeeze %dma_wait3A_1094 : memref<1x!tpu.dma_semaphore, #tpu.memory_space<semaphore_mem>> -> memref<!tpu.dma_semaphore, #tpu.memory_space<semaphore_mem>>
    tpu.wait_indirect_dma semaphore(%dma_wait3A_1095 : memref<!tpu.dma_semaphore, #tpu.memory_space<semaphore_mem>>) src(%dma_wait3A_1093 : memref<1024x128xf32, #tpu.memory_space<vmem_shared>>) dst(%dma_wait3A_1087 : memref<128x128xf32, #tpu.memory_space<vmem>>)
    %dma_start3A_1096 = arith.constant 1 : i32
    %dma_start3A_1097 = arith.constant 1 : i32
    %dma_start3A_1098 = arith.constant 0 : i32
    %dma_start3A_1099 = arith.constant 0 : i32
    %dma_start3A_1100 = tpu.memref_slice %arg10[%dma_start3A_1096, %dma_start3A_1098, %dma_start3A_1099] : memref<4x128x128xf32, #tpu.memory_space<vmem>> -> memref<1x128x128xf32, #tpu.memory_space<vmem>>
    %dma_start3A_1101 = tpu.memref_squeeze %dma_start3A_1100 : memref<1x128x128xf32, #tpu.memory_space<vmem>> -> memref<128x128xf32, #tpu.memory_space<vmem>>
    %dma_start3A_1102 = arith.constant 0 : i32
    %dma_start3A_1103 = tpu.memref_slice %arg6[%add3A_1080, %dma_start3A_1102] : memref<524288x128xf32, #tpu.memory_space<hbm>> -> memref<128x128xf32, #tpu.memory_space<hbm>>
    %dma_start3A_1104 = tpu.memref_slice %arg16[%dma_start3A_1097] : memref<4x!tpu.dma_semaphore, #tpu.memory_space<semaphore_mem>> -> memref<1x!tpu.dma_semaphore, #tpu.memory_space<semaphore_mem>>
    %dma_start3A_1105 = tpu.memref_squeeze %dma_start3A_1104 : memref<1x!tpu.dma_semaphore, #tpu.memory_space<semaphore_mem>> -> memref<!tpu.dma_semaphore, #tpu.memory_space<semaphore_mem>>
    %dma_start3A_1106 = arith.constant 0 : i32
    %dma_start3A_1107 = tpu.memref_slice %arg6[%add3A_1080, %dma_start3A_1106] : memref<524288x128xf32, #tpu.memory_space<hbm>> -> memref<128x128xf32, #tpu.memory_space<hbm>>
    %dma_start3A_1108 = arith.constant 0 : i32
    %dma_start3A_1109 = arith.constant 0 : i32
    %dma_start3A_1110 = tpu.memref_slice %arg10[%dma_start3A_1096, %dma_start3A_1108, %dma_start3A_1109] : memref<4x128x128xf32, #tpu.memory_space<vmem>> -> memref<1x128x128xf32, #tpu.memory_space<vmem>>
    %dma_start3A_1111 = tpu.memref_squeeze %dma_start3A_1110 : memref<1x128x128xf32, #tpu.memory_space<vmem>> -> memref<128x128xf32, #tpu.memory_space<vmem>>
    tpu.enqueue_dma source(%dma_start3A_1111 : memref<128x128xf32, #tpu.memory_space<vmem>>) target(%dma_start3A_1107 : memref<128x128xf32, #tpu.memory_space<hbm>>) target_semaphore(%dma_start3A_1105 : memref<!tpu.dma_semaphore, #tpu.memory_space<semaphore_mem>>)
    %add3A_1112 = arith.constant 640 : i32
    %add3A_1113 = arith.addi %mul3A_2, %add3A_1112 : i32
    %dma_start3A_1114 = arith.constant 1 : i32
    %dma_start3A_1115 = arith.constant 1 : i32
    %dma_start3A_1116 = arith.constant 0 : i32
    %dma_start3A_1117 = tpu.memref_slice %arg7[%dma_start3A_1114, %dma_start3A_1116] : memref<4x128xi32, #tpu.memory_space<vmem>> -> memref<1x128xi32, #tpu.memory_space<vmem>>
    %dma_start3A_1118 = tpu.memref_squeeze %dma_start3A_1117 : memref<1x128xi32, #tpu.memory_space<vmem>> -> memref<128xi32, #tpu.memory_space<vmem>>
    %dma_start3A_1119 = tpu.memref_slice %arg3[%add3A_1113] : memref<524288xi32, #tpu.memory_space<hbm>> -> memref<128xi32, #tpu.memory_space<hbm>>
    %dma_start3A_1120 = tpu.memref_slice %arg12[%dma_start3A_1115] : memref<4x!tpu.dma_semaphore, #tpu.memory_space<semaphore_mem>> -> memref<1x!tpu.dma_semaphore, #tpu.memory_space<semaphore_mem>>
    %dma_start3A_1121 = tpu.memref_squeeze %dma_start3A_1120 : memref<1x!tpu.dma_semaphore, #tpu.memory_space<semaphore_mem>> -> memref<!tpu.dma_semaphore, #tpu.memory_space<semaphore_mem>>
    %dma_start3A_1122 = arith.constant 0 : i32
    %dma_start3A_1123 = tpu.memref_slice %arg7[%dma_start3A_1114, %dma_start3A_1122] : memref<4x128xi32, #tpu.memory_space<vmem>> -> memref<1x128xi32, #tpu.memory_space<vmem>>
    %dma_start3A_1124 = tpu.memref_squeeze %dma_start3A_1123 : memref<1x128xi32, #tpu.memory_space<vmem>> -> memref<128xi32, #tpu.memory_space<vmem>>
    %dma_start3A_1125 = tpu.memref_slice %arg3[%add3A_1113] : memref<524288xi32, #tpu.memory_space<hbm>> -> memref<128xi32, #tpu.memory_space<hbm>>
    tpu.enqueue_dma source(%dma_start3A_1125 : memref<128xi32, #tpu.memory_space<hbm>>) target(%dma_start3A_1124 : memref<128xi32, #tpu.memory_space<vmem>>) target_semaphore(%dma_start3A_1121 : memref<!tpu.dma_semaphore, #tpu.memory_space<semaphore_mem>>)
    %dma_start3A_1126 = arith.constant 1 : i32
    %dma_start3A_1127 = arith.constant 1 : i32
    %dma_start3A_1128 = arith.constant 0 : i32
    %dma_start3A_1129 = tpu.memref_slice %arg8[%dma_start3A_1126, %dma_start3A_1128] : memref<4x128xi32, #tpu.memory_space<vmem>> -> memref<1x128xi32, #tpu.memory_space<vmem>>
    %dma_start3A_1130 = tpu.memref_squeeze %dma_start3A_1129 : memref<1x128xi32, #tpu.memory_space<vmem>> -> memref<128xi32, #tpu.memory_space<vmem>>
    %dma_start3A_1131 = tpu.memref_slice %arg4[%add3A_1113] : memref<524288xi32, #tpu.memory_space<hbm>> -> memref<128xi32, #tpu.memory_space<hbm>>
    %dma_start3A_1132 = tpu.memref_slice %arg13[%dma_start3A_1127] : memref<4x!tpu.dma_semaphore, #tpu.memory_space<semaphore_mem>> -> memref<1x!tpu.dma_semaphore, #tpu.memory_space<semaphore_mem>>
    %dma_start3A_1133 = tpu.memref_squeeze %dma_start3A_1132 : memref<1x!tpu.dma_semaphore, #tpu.memory_space<semaphore_mem>> -> memref<!tpu.dma_semaphore, #tpu.memory_space<semaphore_mem>>
    %dma_start3A_1134 = arith.constant 0 : i32
    %dma_start3A_1135 = tpu.memref_slice %arg8[%dma_start3A_1126, %dma_start3A_1134] : memref<4x128xi32, #tpu.memory_space<vmem>> -> memref<1x128xi32, #tpu.memory_space<vmem>>
    %dma_start3A_1136 = tpu.memref_squeeze %dma_start3A_1135 : memref<1x128xi32, #tpu.memory_space<vmem>> -> memref<128xi32, #tpu.memory_space<vmem>>
    %dma_start3A_1137 = tpu.memref_slice %arg4[%add3A_1113] : memref<524288xi32, #tpu.memory_space<hbm>> -> memref<128xi32, #tpu.memory_space<hbm>>
    tpu.enqueue_dma source(%dma_start3A_1137 : memref<128xi32, #tpu.memory_space<hbm>>) target(%dma_start3A_1136 : memref<128xi32, #tpu.memory_space<vmem>>) target_semaphore(%dma_start3A_1133 : memref<!tpu.dma_semaphore, #tpu.memory_space<semaphore_mem>>)
    %add3A_1138 = arith.constant 256 : i32
    %add3A_1139 = arith.addi %mul3A_2, %add3A_1138 : i32
    %dma_wait3A_1140 = arith.constant 2 : i32
    %dma_wait3A_1141 = arith.constant 2 : i32
    %dma_wait3A_1142 = arith.constant 2 : i32
    %dma_wait3A_1143 = arith.constant 0 : i32
    %dma_wait3A_1144 = arith.constant 0 : i32
    %dma_wait3A_1145 = tpu.memref_slice %arg10[%dma_wait3A_1141, %dma_wait3A_1143, %dma_wait3A_1144] : memref<4x128x128xf32, #tpu.memory_space<vmem>> -> memref<1x128x128xf32, #tpu.memory_space<vmem>>
    %dma_wait3A_1146 = tpu.memref_squeeze %dma_wait3A_1145 : memref<1x128x128xf32, #tpu.memory_space<vmem>> -> memref<128x128xf32, #tpu.memory_space<vmem>>
    %dma_wait3A_1147 = arith.constant 0 : i32
    %dma_wait3A_1148 = tpu.memref_slice %arg9[%dma_wait3A_1140, %dma_wait3A_1147] : memref<4x128xi32, #tpu.memory_space<vmem>> -> memref<1x128xi32, #tpu.memory_space<vmem>>
    %dma_wait3A_1149 = tpu.memref_squeeze %dma_wait3A_1148 : memref<1x128xi32, #tpu.memory_space<vmem>> -> memref<128xi32, #tpu.memory_space<vmem>>
    %dma_wait3A_1150 = arith.constant 0 : i32
    %dma_wait3A_1151 = arith.constant 0 : i32
    %dma_wait3A_1152 = tpu.memref_slice %arg11[%dma_wait3A_1150, %dma_wait3A_1151] : memref<1024x128xf32, #tpu.memory_space<vmem_shared>> -> memref<1024x128xf32, #tpu.memory_space<vmem_shared>>
    %dma_wait3A_1153 = tpu.memref_slice %arg14[%dma_wait3A_1142] : memref<4x!tpu.dma_semaphore, #tpu.memory_space<semaphore_mem>> -> memref<1x!tpu.dma_semaphore, #tpu.memory_space<semaphore_mem>>
    %dma_wait3A_1154 = tpu.memref_squeeze %dma_wait3A_1153 : memref<1x!tpu.dma_semaphore, #tpu.memory_space<semaphore_mem>> -> memref<!tpu.dma_semaphore, #tpu.memory_space<semaphore_mem>>
    tpu.wait_indirect_dma semaphore(%dma_wait3A_1154 : memref<!tpu.dma_semaphore, #tpu.memory_space<semaphore_mem>>) src(%dma_wait3A_1152 : memref<1024x128xf32, #tpu.memory_space<vmem_shared>>) dst(%dma_wait3A_1146 : memref<128x128xf32, #tpu.memory_space<vmem>>)
    %dma_start3A_1155 = arith.constant 2 : i32
    %dma_start3A_1156 = arith.constant 2 : i32
    %dma_start3A_1157 = arith.constant 0 : i32
    %dma_start3A_1158 = arith.constant 0 : i32
    %dma_start3A_1159 = tpu.memref_slice %arg10[%dma_start3A_1155, %dma_start3A_1157, %dma_start3A_1158] : memref<4x128x128xf32, #tpu.memory_space<vmem>> -> memref<1x128x128xf32, #tpu.memory_space<vmem>>
    %dma_start3A_1160 = tpu.memref_squeeze %dma_start3A_1159 : memref<1x128x128xf32, #tpu.memory_space<vmem>> -> memref<128x128xf32, #tpu.memory_space<vmem>>
    %dma_start3A_1161 = arith.constant 0 : i32
    %dma_start3A_1162 = tpu.memref_slice %arg6[%add3A_1139, %dma_start3A_1161] : memref<524288x128xf32, #tpu.memory_space<hbm>> -> memref<128x128xf32, #tpu.memory_space<hbm>>
    %dma_start3A_1163 = tpu.memref_slice %arg16[%dma_start3A_1156] : memref<4x!tpu.dma_semaphore, #tpu.memory_space<semaphore_mem>> -> memref<1x!tpu.dma_semaphore, #tpu.memory_space<semaphore_mem>>
    %dma_start3A_1164 = tpu.memref_squeeze %dma_start3A_1163 : memref<1x!tpu.dma_semaphore, #tpu.memory_space<semaphore_mem>> -> memref<!tpu.dma_semaphore, #tpu.memory_space<semaphore_mem>>
    %dma_start3A_1165 = arith.constant 0 : i32
    %dma_start3A_1166 = tpu.memref_slice %arg6[%add3A_1139, %dma_start3A_1165] : memref<524288x128xf32, #tpu.memory_space<hbm>> -> memref<128x128xf32, #tpu.memory_space<hbm>>
    %dma_start3A_1167 = arith.constant 0 : i32
    %dma_start3A_1168 = arith.constant 0 : i32
    %dma_start3A_1169 = tpu.memref_slice %arg10[%dma_start3A_1155, %dma_start3A_1167, %dma_start3A_1168] : memref<4x128x128xf32, #tpu.memory_space<vmem>> -> memref<1x128x128xf32, #tpu.memory_space<vmem>>
    %dma_start3A_1170 = tpu.memref_squeeze %dma_start3A_1169 : memref<1x128x128xf32, #tpu.memory_space<vmem>> -> memref<128x128xf32, #tpu.memory_space<vmem>>
    tpu.enqueue_dma source(%dma_start3A_1170 : memref<128x128xf32, #tpu.memory_space<vmem>>) target(%dma_start3A_1166 : memref<128x128xf32, #tpu.memory_space<hbm>>) target_semaphore(%dma_start3A_1164 : memref<!tpu.dma_semaphore, #tpu.memory_space<semaphore_mem>>)
    %add3A_1171 = arith.constant 768 : i32
    %add3A_1172 = arith.addi %mul3A_2, %add3A_1171 : i32
    %dma_start3A_1173 = arith.constant 2 : i32
    %dma_start3A_1174 = arith.constant 2 : i32
    %dma_start3A_1175 = arith.constant 0 : i32
    %dma_start3A_1176 = tpu.memref_slice %arg7[%dma_start3A_1173, %dma_start3A_1175] : memref<4x128xi32, #tpu.memory_space<vmem>> -> memref<1x128xi32, #tpu.memory_space<vmem>>
    %dma_start3A_1177 = tpu.memref_squeeze %dma_start3A_1176 : memref<1x128xi32, #tpu.memory_space<vmem>> -> memref<128xi32, #tpu.memory_space<vmem>>
    %dma_start3A_1178 = tpu.memref_slice %arg3[%add3A_1172] : memref<524288xi32, #tpu.memory_space<hbm>> -> memref<128xi32, #tpu.memory_space<hbm>>
    %dma_start3A_1179 = tpu.memref_slice %arg12[%dma_start3A_1174] : memref<4x!tpu.dma_semaphore, #tpu.memory_space<semaphore_mem>> -> memref<1x!tpu.dma_semaphore, #tpu.memory_space<semaphore_mem>>
    %dma_start3A_1180 = tpu.memref_squeeze %dma_start3A_1179 : memref<1x!tpu.dma_semaphore, #tpu.memory_space<semaphore_mem>> -> memref<!tpu.dma_semaphore, #tpu.memory_space<semaphore_mem>>
    %dma_start3A_1181 = arith.constant 0 : i32
    %dma_start3A_1182 = tpu.memref_slice %arg7[%dma_start3A_1173, %dma_start3A_1181] : memref<4x128xi32, #tpu.memory_space<vmem>> -> memref<1x128xi32, #tpu.memory_space<vmem>>
    %dma_start3A_1183 = tpu.memref_squeeze %dma_start3A_1182 : memref<1x128xi32, #tpu.memory_space<vmem>> -> memref<128xi32, #tpu.memory_space<vmem>>
    %dma_start3A_1184 = tpu.memref_slice %arg3[%add3A_1172] : memref<524288xi32, #tpu.memory_space<hbm>> -> memref<128xi32, #tpu.memory_space<hbm>>
    tpu.enqueue_dma source(%dma_start3A_1184 : memref<128xi32, #tpu.memory_space<hbm>>) target(%dma_start3A_1183 : memref<128xi32, #tpu.memory_space<vmem>>) target_semaphore(%dma_start3A_1180 : memref<!tpu.dma_semaphore, #tpu.memory_space<semaphore_mem>>)
    %dma_start3A_1185 = arith.constant 2 : i32
    %dma_start3A_1186 = arith.constant 2 : i32
    %dma_start3A_1187 = arith.constant 0 : i32
    %dma_start3A_1188 = tpu.memref_slice %arg8[%dma_start3A_1185, %dma_start3A_1187] : memref<4x128xi32, #tpu.memory_space<vmem>> -> memref<1x128xi32, #tpu.memory_space<vmem>>
    %dma_start3A_1189 = tpu.memref_squeeze %dma_start3A_1188 : memref<1x128xi32, #tpu.memory_space<vmem>> -> memref<128xi32, #tpu.memory_space<vmem>>
    %dma_start3A_1190 = tpu.memref_slice %arg4[%add3A_1172] : memref<524288xi32, #tpu.memory_space<hbm>> -> memref<128xi32, #tpu.memory_space<hbm>>
    %dma_start3A_1191 = tpu.memref_slice %arg13[%dma_start3A_1186] : memref<4x!tpu.dma_semaphore, #tpu.memory_space<semaphore_mem>> -> memref<1x!tpu.dma_semaphore, #tpu.memory_space<semaphore_mem>>
    %dma_start3A_1192 = tpu.memref_squeeze %dma_start3A_1191 : memref<1x!tpu.dma_semaphore, #tpu.memory_space<semaphore_mem>> -> memref<!tpu.dma_semaphore, #tpu.memory_space<semaphore_mem>>
    %dma_start3A_1193 = arith.constant 0 : i32
    %dma_start3A_1194 = tpu.memref_slice %arg8[%dma_start3A_1185, %dma_start3A_1193] : memref<4x128xi32, #tpu.memory_space<vmem>> -> memref<1x128xi32, #tpu.memory_space<vmem>>
    %dma_start3A_1195 = tpu.memref_squeeze %dma_start3A_1194 : memref<1x128xi32, #tpu.memory_space<vmem>> -> memref<128xi32, #tpu.memory_space<vmem>>
    %dma_start3A_1196 = tpu.memref_slice %arg4[%add3A_1172] : memref<524288xi32, #tpu.memory_space<hbm>> -> memref<128xi32, #tpu.memory_space<hbm>>
    tpu.enqueue_dma source(%dma_start3A_1196 : memref<128xi32, #tpu.memory_space<hbm>>) target(%dma_start3A_1195 : memref<128xi32, #tpu.memory_space<vmem>>) target_semaphore(%dma_start3A_1192 : memref<!tpu.dma_semaphore, #tpu.memory_space<semaphore_mem>>)
    %add3A_1197 = arith.constant 384 : i32
    %add3A_1198 = arith.addi %mul3A_2, %add3A_1197 : i32
    %dma_wait3A_1199 = arith.constant 3 : i32
    %dma_wait3A_1200 = arith.constant 3 : i32
    %dma_wait3A_1201 = arith.constant 3 : i32
    %dma_wait3A_1202 = arith.constant 0 : i32
    %dma_wait3A_1203 = arith.constant 0 : i32
    %dma_wait3A_1204 = tpu.memref_slice %arg10[%dma_wait3A_1200, %dma_wait3A_1202, %dma_wait3A_1203] : memref<4x128x128xf32, #tpu.memory_space<vmem>> -> memref<1x128x128xf32, #tpu.memory_space<vmem>>
    %dma_wait3A_1205 = tpu.memref_squeeze %dma_wait3A_1204 : memref<1x128x128xf32, #tpu.memory_space<vmem>> -> memref<128x128xf32, #tpu.memory_space<vmem>>
    %dma_wait3A_1206 = arith.constant 0 : i32
    %dma_wait3A_1207 = tpu.memref_slice %arg9[%dma_wait3A_1199, %dma_wait3A_1206] : memref<4x128xi32, #tpu.memory_space<vmem>> -> memref<1x128xi32, #tpu.memory_space<vmem>>
    %dma_wait3A_1208 = tpu.memref_squeeze %dma_wait3A_1207 : memref<1x128xi32, #tpu.memory_space<vmem>> -> memref<128xi32, #tpu.memory_space<vmem>>
    %dma_wait3A_1209 = arith.constant 0 : i32
    %dma_wait3A_1210 = arith.constant 0 : i32
    %dma_wait3A_1211 = tpu.memref_slice %arg11[%dma_wait3A_1209, %dma_wait3A_1210] : memref<1024x128xf32, #tpu.memory_space<vmem_shared>> -> memref<1024x128xf32, #tpu.memory_space<vmem_shared>>
    %dma_wait3A_1212 = tpu.memref_slice %arg14[%dma_wait3A_1201] : memref<4x!tpu.dma_semaphore, #tpu.memory_space<semaphore_mem>> -> memref<1x!tpu.dma_semaphore, #tpu.memory_space<semaphore_mem>>
    %dma_wait3A_1213 = tpu.memref_squeeze %dma_wait3A_1212 : memref<1x!tpu.dma_semaphore, #tpu.memory_space<semaphore_mem>> -> memref<!tpu.dma_semaphore, #tpu.memory_space<semaphore_mem>>
    tpu.wait_indirect_dma semaphore(%dma_wait3A_1213 : memref<!tpu.dma_semaphore, #tpu.memory_space<semaphore_mem>>) src(%dma_wait3A_1211 : memref<1024x128xf32, #tpu.memory_space<vmem_shared>>) dst(%dma_wait3A_1205 : memref<128x128xf32, #tpu.memory_space<vmem>>)
    %dma_start3A_1214 = arith.constant 3 : i32
    %dma_start3A_1215 = arith.constant 3 : i32
    %dma_start3A_1216 = arith.constant 0 : i32
    %dma_start3A_1217 = arith.constant 0 : i32
    %dma_start3A_1218 = tpu.memref_slice %arg10[%dma_start3A_1214, %dma_start3A_1216, %dma_start3A_1217] : memref<4x128x128xf32, #tpu.memory_space<vmem>> -> memref<1x128x128xf32, #tpu.memory_space<vmem>>
    %dma_start3A_1219 = tpu.memref_squeeze %dma_start3A_1218 : memref<1x128x128xf32, #tpu.memory_space<vmem>> -> memref<128x128xf32, #tpu.memory_space<vmem>>
    %dma_start3A_1220 = arith.constant 0 : i32
    %dma_start3A_1221 = tpu.memref_slice %arg6[%add3A_1198, %dma_start3A_1220] : memref<524288x128xf32, #tpu.memory_space<hbm>> -> memref<128x128xf32, #tpu.memory_space<hbm>>
    %dma_start3A_1222 = tpu.memref_slice %arg16[%dma_start3A_1215] : memref<4x!tpu.dma_semaphore, #tpu.memory_space<semaphore_mem>> -> memref<1x!tpu.dma_semaphore, #tpu.memory_space<semaphore_mem>>
    %dma_start3A_1223 = tpu.memref_squeeze %dma_start3A_1222 : memref<1x!tpu.dma_semaphore, #tpu.memory_space<semaphore_mem>> -> memref<!tpu.dma_semaphore, #tpu.memory_space<semaphore_mem>>
    %dma_start3A_1224 = arith.constant 0 : i32
    %dma_start3A_1225 = tpu.memref_slice %arg6[%add3A_1198, %dma_start3A_1224] : memref<524288x128xf32, #tpu.memory_space<hbm>> -> memref<128x128xf32, #tpu.memory_space<hbm>>
    %dma_start3A_1226 = arith.constant 0 : i32
    %dma_start3A_1227 = arith.constant 0 : i32
    %dma_start3A_1228 = tpu.memref_slice %arg10[%dma_start3A_1214, %dma_start3A_1226, %dma_start3A_1227] : memref<4x128x128xf32, #tpu.memory_space<vmem>> -> memref<1x128x128xf32, #tpu.memory_space<vmem>>
    %dma_start3A_1229 = tpu.memref_squeeze %dma_start3A_1228 : memref<1x128x128xf32, #tpu.memory_space<vmem>> -> memref<128x128xf32, #tpu.memory_space<vmem>>
    tpu.enqueue_dma source(%dma_start3A_1229 : memref<128x128xf32, #tpu.memory_space<vmem>>) target(%dma_start3A_1225 : memref<128x128xf32, #tpu.memory_space<hbm>>) target_semaphore(%dma_start3A_1223 : memref<!tpu.dma_semaphore, #tpu.memory_space<semaphore_mem>>)
    %add3A_1230 = arith.constant 896 : i32
    %add3A_1231 = arith.addi %mul3A_2, %add3A_1230 : i32
    %dma_start3A_1232 = arith.constant 3 : i32
    %dma_start3A_1233 = arith.constant 3 : i32
    %dma_start3A_1234 = arith.constant 0 : i32
    %dma_start3A_1235 = tpu.memref_slice %arg7[%dma_start3A_1232, %dma_start3A_1234] : memref<4x128xi32, #tpu.memory_space<vmem>> -> memref<1x128xi32, #tpu.memory_space<vmem>>
    %dma_start3A_1236 = tpu.memref_squeeze %dma_start3A_1235 : memref<1x128xi32, #tpu.memory_space<vmem>> -> memref<128xi32, #tpu.memory_space<vmem>>
    %dma_start3A_1237 = tpu.memref_slice %arg3[%add3A_1231] : memref<524288xi32, #tpu.memory_space<hbm>> -> memref<128xi32, #tpu.memory_space<hbm>>
    %dma_start3A_1238 = tpu.memref_slice %arg12[%dma_start3A_1233] : memref<4x!tpu.dma_semaphore, #tpu.memory_space<semaphore_mem>> -> memref<1x!tpu.dma_semaphore, #tpu.memory_space<semaphore_mem>>
    %dma_start3A_1239 = tpu.memref_squeeze %dma_start3A_1238 : memref<1x!tpu.dma_semaphore, #tpu.memory_space<semaphore_mem>> -> memref<!tpu.dma_semaphore, #tpu.memory_space<semaphore_mem>>
    %dma_start3A_1240 = arith.constant 0 : i32
    %dma_start3A_1241 = tpu.memref_slice %arg7[%dma_start3A_1232, %dma_start3A_1240] : memref<4x128xi32, #tpu.memory_space<vmem>> -> memref<1x128xi32, #tpu.memory_space<vmem>>
    %dma_start3A_1242 = tpu.memref_squeeze %dma_start3A_1241 : memref<1x128xi32, #tpu.memory_space<vmem>> -> memref<128xi32, #tpu.memory_space<vmem>>
    %dma_start3A_1243 = tpu.memref_slice %arg3[%add3A_1231] : memref<524288xi32, #tpu.memory_space<hbm>> -> memref<128xi32, #tpu.memory_space<hbm>>
    tpu.enqueue_dma source(%dma_start3A_1243 : memref<128xi32, #tpu.memory_space<hbm>>) target(%dma_start3A_1242 : memref<128xi32, #tpu.memory_space<vmem>>) target_semaphore(%dma_start3A_1239 : memref<!tpu.dma_semaphore, #tpu.memory_space<semaphore_mem>>)
    %dma_start3A_1244 = arith.constant 3 : i32
    %dma_start3A_1245 = arith.constant 3 : i32
    %dma_start3A_1246 = arith.constant 0 : i32
    %dma_start3A_1247 = tpu.memref_slice %arg8[%dma_start3A_1244, %dma_start3A_1246] : memref<4x128xi32, #tpu.memory_space<vmem>> -> memref<1x128xi32, #tpu.memory_space<vmem>>
    %dma_start3A_1248 = tpu.memref_squeeze %dma_start3A_1247 : memref<1x128xi32, #tpu.memory_space<vmem>> -> memref<128xi32, #tpu.memory_space<vmem>>
    %dma_start3A_1249 = tpu.memref_slice %arg4[%add3A_1231] : memref<524288xi32, #tpu.memory_space<hbm>> -> memref<128xi32, #tpu.memory_space<hbm>>
    %dma_start3A_1250 = tpu.memref_slice %arg13[%dma_start3A_1245] : memref<4x!tpu.dma_semaphore, #tpu.memory_space<semaphore_mem>> -> memref<1x!tpu.dma_semaphore, #tpu.memory_space<semaphore_mem>>
    %dma_start3A_1251 = tpu.memref_squeeze %dma_start3A_1250 : memref<1x!tpu.dma_semaphore, #tpu.memory_space<semaphore_mem>> -> memref<!tpu.dma_semaphore, #tpu.memory_space<semaphore_mem>>
    %dma_start3A_1252 = arith.constant 0 : i32
    %dma_start3A_1253 = tpu.memref_slice %arg8[%dma_start3A_1244, %dma_start3A_1252] : memref<4x128xi32, #tpu.memory_space<vmem>> -> memref<1x128xi32, #tpu.memory_space<vmem>>
    %dma_start3A_1254 = tpu.memref_squeeze %dma_start3A_1253 : memref<1x128xi32, #tpu.memory_space<vmem>> -> memref<128xi32, #tpu.memory_space<vmem>>
    %dma_start3A_1255 = tpu.memref_slice %arg4[%add3A_1231] : memref<524288xi32, #tpu.memory_space<hbm>> -> memref<128xi32, #tpu.memory_space<hbm>>
    tpu.enqueue_dma source(%dma_start3A_1255 : memref<128xi32, #tpu.memory_space<hbm>>) target(%dma_start3A_1254 : memref<128xi32, #tpu.memory_space<vmem>>) target_semaphore(%dma_start3A_1251 : memref<!tpu.dma_semaphore, #tpu.memory_space<semaphore_mem>>)
    %scan3A = arith.constant 0 : i32
    %scan3A_1256 = arith.constant 1 : i32
    %scan3A_1257 = arith.constant 31 : i32
    %scan3A_1258 = arith.addi %scan3A_1256, %scan3A_1257 : i32
    %scan3A_1259 = arith.constant 1 : i32
    %scan3A_1260 = scf.for %scan3A_1446 = %scan3A_1256 to %scan3A_1258 step %scan3A_1259 iter_args(%scan3A_1447 = %scan3A) -> (i32)  : i32 {
      %mul3A_1448 = arith.constant 4 : i32
      %mul3A_1449 = arith.muli %scan3A_1446, %mul3A_1448 : i32
      %dma_wait3A_1450 = arith.constant 0 : i32
      %dma_wait3A_1451 = arith.constant 0 : i32
      %dma_wait3A_1452 = arith.constant 0 : i32
      %dma_wait3A_1453 = arith.constant 0 : i32
      %dma_wait3A_1454 = tpu.memref_slice %arg10[%dma_wait3A_1450, %dma_wait3A_1452, %dma_wait3A_1453] : memref<4x128x128xf32, #tpu.memory_space<vmem>> -> memref<1x128x128xf32, #tpu.memory_space<vmem>>
      %dma_wait3A_1455 = tpu.memref_squeeze %dma_wait3A_1454 : memref<1x128x128xf32, #tpu.memory_space<vmem>> -> memref<128x128xf32, #tpu.memory_space<vmem>>
      %dma_wait3A_1456 = arith.constant 0 : i32
      %dma_wait3A_1457 = arith.constant 0 : i32
      %dma_wait3A_1458 = tpu.memref_slice %arg6[%dma_wait3A_1456, %dma_wait3A_1457] : memref<524288x128xf32, #tpu.memory_space<hbm>> -> memref<128x128xf32, #tpu.memory_space<hbm>>
      %dma_wait3A_1459 = tpu.memref_slice %arg16[%dma_wait3A_1451] : memref<4x!tpu.dma_semaphore, #tpu.memory_space<semaphore_mem>> -> memref<1x!tpu.dma_semaphore, #tpu.memory_space<semaphore_mem>>
      %dma_wait3A_1460 = tpu.memref_squeeze %dma_wait3A_1459 : memref<1x!tpu.dma_semaphore, #tpu.memory_space<semaphore_mem>> -> memref<!tpu.dma_semaphore, #tpu.memory_space<semaphore_mem>>
      %dma_wait3A_1461 = arith.constant 0 : i32
      %dma_wait3A_1462 = arith.constant 0 : i32
      %dma_wait3A_1463 = tpu.memref_slice %arg6[%dma_wait3A_1461, %dma_wait3A_1462] : memref<524288x128xf32, #tpu.memory_space<hbm>> -> memref<128x128xf32, #tpu.memory_space<hbm>>
      %dma_wait3A_1464 = arith.constant 0 : i32
      %dma_wait3A_1465 = arith.constant 0 : i32
      %dma_wait3A_1466 = tpu.memref_slice %arg10[%dma_wait3A_1450, %dma_wait3A_1464, %dma_wait3A_1465] : memref<4x128x128xf32, #tpu.memory_space<vmem>> -> memref<1x128x128xf32, #tpu.memory_space<vmem>>
      %dma_wait3A_1467 = tpu.memref_squeeze %dma_wait3A_1466 : memref<1x128x128xf32, #tpu.memory_space<vmem>> -> memref<128x128xf32, #tpu.memory_space<vmem>>
      tpu.wait_dma2 semaphore(%dma_wait3A_1460 : memref<!tpu.dma_semaphore, #tpu.memory_space<semaphore_mem>>) src(%dma_wait3A_1467 : memref<128x128xf32, #tpu.memory_space<vmem>>) dst(%dma_wait3A_1463 : memref<128x128xf32, #tpu.memory_space<hbm>>)
      %add3A_1468 = arith.constant 0 : i32
      %add3A_1469 = arith.addi %mul3A_1449, %add3A_1468 : i32
      %dma_wait3A_1470 = arith.constant 0 : i32
      %dma_wait3A_1471 = arith.constant 0 : i32
      %dma_wait3A_1472 = arith.constant 0 : i32
      %dma_wait3A_1473 = tpu.memref_slice %arg7[%dma_wait3A_1470, %dma_wait3A_1472] : memref<4x128xi32, #tpu.memory_space<vmem>> -> memref<1x128xi32, #tpu.memory_space<vmem>>
      %dma_wait3A_1474 = tpu.memref_squeeze %dma_wait3A_1473 : memref<1x128xi32, #tpu.memory_space<vmem>> -> memref<128xi32, #tpu.memory_space<vmem>>
      %dma_wait3A_1475 = arith.constant 0 : i32
      %dma_wait3A_1476 = tpu.memref_slice %arg3[%dma_wait3A_1475] : memref<524288xi32, #tpu.memory_space<hbm>> -> memref<128xi32, #tpu.memory_space<hbm>>
      %dma_wait3A_1477 = tpu.memref_slice %arg12[%dma_wait3A_1471] : memref<4x!tpu.dma_semaphore, #tpu.memory_space<semaphore_mem>> -> memref<1x!tpu.dma_semaphore, #tpu.memory_space<semaphore_mem>>
      %dma_wait3A_1478 = tpu.memref_squeeze %dma_wait3A_1477 : memref<1x!tpu.dma_semaphore, #tpu.memory_space<semaphore_mem>> -> memref<!tpu.dma_semaphore, #tpu.memory_space<semaphore_mem>>
      %dma_wait3A_1479 = arith.constant 0 : i32
      %dma_wait3A_1480 = tpu.memref_slice %arg7[%dma_wait3A_1470, %dma_wait3A_1479] : memref<4x128xi32, #tpu.memory_space<vmem>> -> memref<1x128xi32, #tpu.memory_space<vmem>>
      %dma_wait3A_1481 = tpu.memref_squeeze %dma_wait3A_1480 : memref<1x128xi32, #tpu.memory_space<vmem>> -> memref<128xi32, #tpu.memory_space<vmem>>
      %dma_wait3A_1482 = arith.constant 0 : i32
      %dma_wait3A_1483 = tpu.memref_slice %arg3[%dma_wait3A_1482] : memref<524288xi32, #tpu.memory_space<hbm>> -> memref<128xi32, #tpu.memory_space<hbm>>
      tpu.wait_dma2 semaphore(%dma_wait3A_1478 : memref<!tpu.dma_semaphore, #tpu.memory_space<semaphore_mem>>) src(%dma_wait3A_1483 : memref<128xi32, #tpu.memory_space<hbm>>) dst(%dma_wait3A_1481 : memref<128xi32, #tpu.memory_space<vmem>>)
      %dma_wait3A_1484 = arith.constant 0 : i32
      %dma_wait3A_1485 = arith.constant 0 : i32
      %dma_wait3A_1486 = arith.constant 0 : i32
      %dma_wait3A_1487 = tpu.memref_slice %arg8[%dma_wait3A_1484, %dma_wait3A_1486] : memref<4x128xi32, #tpu.memory_space<vmem>> -> memref<1x128xi32, #tpu.memory_space<vmem>>
      %dma_wait3A_1488 = tpu.memref_squeeze %dma_wait3A_1487 : memref<1x128xi32, #tpu.memory_space<vmem>> -> memref<128xi32, #tpu.memory_space<vmem>>
      %dma_wait3A_1489 = arith.constant 0 : i32
      %dma_wait3A_1490 = tpu.memref_slice %arg4[%dma_wait3A_1489] : memref<524288xi32, #tpu.memory_space<hbm>> -> memref<128xi32, #tpu.memory_space<hbm>>
      %dma_wait3A_1491 = tpu.memref_slice %arg13[%dma_wait3A_1485] : memref<4x!tpu.dma_semaphore, #tpu.memory_space<semaphore_mem>> -> memref<1x!tpu.dma_semaphore, #tpu.memory_space<semaphore_mem>>
      %dma_wait3A_1492 = tpu.memref_squeeze %dma_wait3A_1491 : memref<1x!tpu.dma_semaphore, #tpu.memory_space<semaphore_mem>> -> memref<!tpu.dma_semaphore, #tpu.memory_space<semaphore_mem>>
      %dma_wait3A_1493 = arith.constant 0 : i32
      %dma_wait3A_1494 = tpu.memref_slice %arg8[%dma_wait3A_1484, %dma_wait3A_1493] : memref<4x128xi32, #tpu.memory_space<vmem>> -> memref<1x128xi32, #tpu.memory_space<vmem>>
      %dma_wait3A_1495 = tpu.memref_squeeze %dma_wait3A_1494 : memref<1x128xi32, #tpu.memory_space<vmem>> -> memref<128xi32, #tpu.memory_space<vmem>>
      %dma_wait3A_1496 = arith.constant 0 : i32
      %dma_wait3A_1497 = tpu.memref_slice %arg4[%dma_wait3A_1496] : memref<524288xi32, #tpu.memory_space<hbm>> -> memref<128xi32, #tpu.memory_space<hbm>>
      tpu.wait_dma2 semaphore(%dma_wait3A_1492 : memref<!tpu.dma_semaphore, #tpu.memory_space<semaphore_mem>>) src(%dma_wait3A_1497 : memref<128xi32, #tpu.memory_space<hbm>>) dst(%dma_wait3A_1495 : memref<128xi32, #tpu.memory_space<vmem>>)
      %dma_start3A_1498 = arith.constant 0 : i32
      %dma_start3A_1499 = arith.constant 0 : i32
      %dma_start3A_1500 = arith.constant 0 : i32
      %dma_start3A_1501 = arith.constant 0 : i32
      %dma_start3A_1502 = arith.constant 0 : i32
      %dma_start3A_1503 = tpu.memref_slice %arg10[%dma_start3A_1499, %dma_start3A_1501, %dma_start3A_1502] : memref<4x128x128xf32, #tpu.memory_space<vmem>> -> memref<1x128x128xf32, #tpu.memory_space<vmem>>
      %dma_start3A_1504 = tpu.memref_squeeze %dma_start3A_1503 : memref<1x128x128xf32, #tpu.memory_space<vmem>> -> memref<128x128xf32, #tpu.memory_space<vmem>>
      %dma_start3A_1505 = arith.constant 0 : i32
      %dma_start3A_1506 = tpu.memref_slice %arg7[%dma_start3A_1498, %dma_start3A_1505] : memref<4x128xi32, #tpu.memory_space<vmem>> -> memref<1x128xi32, #tpu.memory_space<vmem>>
      %dma_start3A_1507 = tpu.memref_squeeze %dma_start3A_1506 : memref<1x128xi32, #tpu.memory_space<vmem>> -> memref<128xi32, #tpu.memory_space<vmem>>
      %dma_start3A_1508 = arith.constant 0 : i32
      %dma_start3A_1509 = arith.constant 0 : i32
      %dma_start3A_1510 = tpu.memref_slice %arg2[%dma_start3A_1508, %dma_start3A_1509] : memref<100000x128xf32, #tpu.memory_space<hbm>> -> memref<100000x128xf32, #tpu.memory_space<hbm>>
      %dma_start3A_1511 = tpu.memref_slice %arg15[%dma_start3A_1500] : memref<4x!tpu.dma_semaphore, #tpu.memory_space<semaphore_mem>> -> memref<1x!tpu.dma_semaphore, #tpu.memory_space<semaphore_mem>>
      %dma_start3A_1512 = tpu.memref_squeeze %dma_start3A_1511 : memref<1x!tpu.dma_semaphore, #tpu.memory_space<semaphore_mem>> -> memref<!tpu.dma_semaphore, #tpu.memory_space<semaphore_mem>>
      tpu.enqueue_indirect_dma source(%dma_start3A_1510 : memref<100000x128xf32, #tpu.memory_space<hbm>>) target(%dma_start3A_1504 : memref<128x128xf32, #tpu.memory_space<vmem>>) offsets(%dma_start3A_1507 : memref<128xi32, #tpu.memory_space<vmem>>) semaphore(%dma_start3A_1512 : memref<!tpu.dma_semaphore, #tpu.memory_space<semaphore_mem>>)
      %mul3A_1513 = arith.constant 128 : i32
      %mul3A_1514 = arith.muli %add3A_1469, %mul3A_1513 : i32
      %add3A_1515 = arith.addi %mul3A_2, %mul3A_1514 : i32
      %rem3A_1516 = arith.constant 512 : i32
      %rem3A_1517 = arith.remsi %add3A_1515, %rem3A_1516 : i32
      %get3A_1518 = arith.constant 0 : i32
      %get3A_1519 = arith.index_cast %get3A_1518 : i32 to index
      %get3A_1520 = arith.constant 0 : index
      %get3A_1521 = tpu.vector_load %arg8[%get3A_1519, %get3A_1520] {strides = array<i32>} : memref<4x128xi32, #tpu.memory_space<vmem>>, vector<1x16xi32>,
      %get3A_1522 = vector.shape_cast %get3A_1521 : vector<1x16xi32> to vector<16xi32>
      %mul3A_1523 = arith.constant 512 : i32
      %mul3A_1524 = vector.broadcast %mul3A_1523 : i32 to vector<16xi32>
      %mul3A_1525 = arith.muli %get3A_1522, %mul3A_1524 : vector<16xi32>
      %add3A_1526 = arith.constant 0 : i32
      %add3A_1527 = arith.addi %rem3A_1517, %add3A_1526 : i32
      %add3A_1528 = vector.broadcast %add3A_1527 : i32 to vector<16xi32>
      %add3A_1529 = arith.addi %add3A_1528, %iota3A : vector<16xi32>
      %add3A_1530 = arith.addi %mul3A_1525, %add3A_1529 : vector<16xi32>
      %swap3A_1531 = arith.constant 0 : i32
      %swap3A_1532 = arith.index_cast %swap3A_1531 : i32 to index
      %swap3A_1533 = arith.constant 0 : index
      %swap3A_1534 = tpu.vector_load %arg9[%swap3A_1532, %swap3A_1533] {strides = array<i32>} : memref<4x128xi32, #tpu.memory_space<vmem>>, vector<1x16xi32>,
      %swap3A_1535 = vector.shape_cast %swap3A_1534 : vector<1x16xi32> to vector<16xi32>
      %swap3A_1536 = vector.shape_cast %add3A_1530 : vector<16xi32> to vector<1x16xi32>
      tpu.vector_store %arg9[%swap3A_1532, %swap3A_1533], %swap3A_1536 {strides = array<i32>} : memref<4x128xi32, #tpu.memory_space<vmem>>, vector<1x16xi32>,
      %get3A_1537 = arith.constant 0 : i32
      %get3A_1538 = arith.index_cast %get3A_1537 : i32 to index
      %get3A_1539 = arith.constant 16 : index
      %get3A_1540 = tpu.vector_load %arg8[%get3A_1538, %get3A_1539] {strides = array<i32>} : memref<4x128xi32, #tpu.memory_space<vmem>>, vector<1x16xi32>,
      %get3A_1541 = vector.shape_cast %get3A_1540 : vector<1x16xi32> to vector<16xi32>
      %mul3A_1542 = arith.constant 512 : i32
      %mul3A_1543 = vector.broadcast %mul3A_1542 : i32 to vector<16xi32>
      %mul3A_1544 = arith.muli %get3A_1541, %mul3A_1543 : vector<16xi32>
      %add3A_1545 = arith.constant 16 : i32
      %add3A_1546 = arith.addi %rem3A_1517, %add3A_1545 : i32
      %add3A_1547 = vector.broadcast %add3A_1546 : i32 to vector<16xi32>
      %add3A_1548 = arith.addi %add3A_1547, %iota3A : vector<16xi32>
      %add3A_1549 = arith.addi %mul3A_1544, %add3A_1548 : vector<16xi32>
      %swap3A_1550 = arith.constant 0 : i32
      %swap3A_1551 = arith.index_cast %swap3A_1550 : i32 to index
      %swap3A_1552 = arith.constant 16 : index
      %swap3A_1553 = tpu.vector_load %arg9[%swap3A_1551, %swap3A_1552] {strides = array<i32>} : memref<4x128xi32, #tpu.memory_space<vmem>>, vector<1x16xi32>,
      %swap3A_1554 = vector.shape_cast %swap3A_1553 : vector<1x16xi32> to vector<16xi32>
      %swap3A_1555 = vector.shape_cast %add3A_1549 : vector<16xi32> to vector<1x16xi32>
      tpu.vector_store %arg9[%swap3A_1551, %swap3A_1552], %swap3A_1555 {strides = array<i32>} : memref<4x128xi32, #tpu.memory_space<vmem>>, vector<1x16xi32>,
      %get3A_1556 = arith.constant 0 : i32
      %get3A_1557 = arith.index_cast %get3A_1556 : i32 to index
      %get3A_1558 = arith.constant 32 : index
      %get3A_1559 = tpu.vector_load %arg8[%get3A_1557, %get3A_1558] {strides = array<i32>} : memref<4x128xi32, #tpu.memory_space<vmem>>, vector<1x16xi32>,
      %get3A_1560 = vector.shape_cast %get3A_1559 : vector<1x16xi32> to vector<16xi32>
      %mul3A_1561 = arith.constant 512 : i32
      %mul3A_1562 = vector.broadcast %mul3A_1561 : i32 to vector<16xi32>
      %mul3A_1563 = arith.muli %get3A_1560, %mul3A_1562 : vector<16xi32>
      %add3A_1564 = arith.constant 32 : i32
      %add3A_1565 = arith.addi %rem3A_1517, %add3A_1564 : i32
      %add3A_1566 = vector.broadcast %add3A_1565 : i32 to vector<16xi32>
      %add3A_1567 = arith.addi %add3A_1566, %iota3A : vector<16xi32>
      %add3A_1568 = arith.addi %mul3A_1563, %add3A_1567 : vector<16xi32>
      %swap3A_1569 = arith.constant 0 : i32
      %swap3A_1570 = arith.index_cast %swap3A_1569 : i32 to index
      %swap3A_1571 = arith.constant 32 : index
      %swap3A_1572 = tpu.vector_load %arg9[%swap3A_1570, %swap3A_1571] {strides = array<i32>} : memref<4x128xi32, #tpu.memory_space<vmem>>, vector<1x16xi32>,
      %swap3A_1573 = vector.shape_cast %swap3A_1572 : vector<1x16xi32> to vector<16xi32>
      %swap3A_1574 = vector.shape_cast %add3A_1568 : vector<16xi32> to vector<1x16xi32>
      tpu.vector_store %arg9[%swap3A_1570, %swap3A_1571], %swap3A_1574 {strides = array<i32>} : memref<4x128xi32, #tpu.memory_space<vmem>>, vector<1x16xi32>,
      %get3A_1575 = arith.constant 0 : i32
      %get3A_1576 = arith.index_cast %get3A_1575 : i32 to index
      %get3A_1577 = arith.constant 48 : index
      %get3A_1578 = tpu.vector_load %arg8[%get3A_1576, %get3A_1577] {strides = array<i32>} : memref<4x128xi32, #tpu.memory_space<vmem>>, vector<1x16xi32>,
      %get3A_1579 = vector.shape_cast %get3A_1578 : vector<1x16xi32> to vector<16xi32>
      %mul3A_1580 = arith.constant 512 : i32
      %mul3A_1581 = vector.broadcast %mul3A_1580 : i32 to vector<16xi32>
      %mul3A_1582 = arith.muli %get3A_1579, %mul3A_1581 : vector<16xi32>
      %add3A_1583 = arith.constant 48 : i32
      %add3A_1584 = arith.addi %rem3A_1517, %add3A_1583 : i32
      %add3A_1585 = vector.broadcast %add3A_1584 : i32 to vector<16xi32>
      %add3A_1586 = arith.addi %add3A_1585, %iota3A : vector<16xi32>
      %add3A_1587 = arith.addi %mul3A_1582, %add3A_1586 : vector<16xi32>
      %swap3A_1588 = arith.constant 0 : i32
      %swap3A_1589 = arith.index_cast %swap3A_1588 : i32 to index
      %swap3A_1590 = arith.constant 48 : index
      %swap3A_1591 = tpu.vector_load %arg9[%swap3A_1589, %swap3A_1590] {strides = array<i32>} : memref<4x128xi32, #tpu.memory_space<vmem>>, vector<1x16xi32>,
      %swap3A_1592 = vector.shape_cast %swap3A_1591 : vector<1x16xi32> to vector<16xi32>
      %swap3A_1593 = vector.shape_cast %add3A_1587 : vector<16xi32> to vector<1x16xi32>
      tpu.vector_store %arg9[%swap3A_1589, %swap3A_1590], %swap3A_1593 {strides = array<i32>} : memref<4x128xi32, #tpu.memory_space<vmem>>, vector<1x16xi32>,
      %get3A_1594 = arith.constant 0 : i32
      %get3A_1595 = arith.index_cast %get3A_1594 : i32 to index
      %get3A_1596 = arith.constant 64 : index
      %get3A_1597 = tpu.vector_load %arg8[%get3A_1595, %get3A_1596] {strides = array<i32>} : memref<4x128xi32, #tpu.memory_space<vmem>>, vector<1x16xi32>,
      %get3A_1598 = vector.shape_cast %get3A_1597 : vector<1x16xi32> to vector<16xi32>
      %mul3A_1599 = arith.constant 512 : i32
      %mul3A_1600 = vector.broadcast %mul3A_1599 : i32 to vector<16xi32>
      %mul3A_1601 = arith.muli %get3A_1598, %mul3A_1600 : vector<16xi32>
      %add3A_1602 = arith.constant 64 : i32
      %add3A_1603 = arith.addi %rem3A_1517, %add3A_1602 : i32
      %add3A_1604 = vector.broadcast %add3A_1603 : i32 to vector<16xi32>
      %add3A_1605 = arith.addi %add3A_1604, %iota3A : vector<16xi32>
      %add3A_1606 = arith.addi %mul3A_1601, %add3A_1605 : vector<16xi32>
      %swap3A_1607 = arith.constant 0 : i32
      %swap3A_1608 = arith.index_cast %swap3A_1607 : i32 to index
      %swap3A_1609 = arith.constant 64 : index
      %swap3A_1610 = tpu.vector_load %arg9[%swap3A_1608, %swap3A_1609] {strides = array<i32>} : memref<4x128xi32, #tpu.memory_space<vmem>>, vector<1x16xi32>,
      %swap3A_1611 = vector.shape_cast %swap3A_1610 : vector<1x16xi32> to vector<16xi32>
      %swap3A_1612 = vector.shape_cast %add3A_1606 : vector<16xi32> to vector<1x16xi32>
      tpu.vector_store %arg9[%swap3A_1608, %swap3A_1609], %swap3A_1612 {strides = array<i32>} : memref<4x128xi32, #tpu.memory_space<vmem>>, vector<1x16xi32>,
      %get3A_1613 = arith.constant 0 : i32
      %get3A_1614 = arith.index_cast %get3A_1613 : i32 to index
      %get3A_1615 = arith.constant 80 : index
      %get3A_1616 = tpu.vector_load %arg8[%get3A_1614, %get3A_1615] {strides = array<i32>} : memref<4x128xi32, #tpu.memory_space<vmem>>, vector<1x16xi32>,
      %get3A_1617 = vector.shape_cast %get3A_1616 : vector<1x16xi32> to vector<16xi32>
      %mul3A_1618 = arith.constant 512 : i32
      %mul3A_1619 = vector.broadcast %mul3A_1618 : i32 to vector<16xi32>
      %mul3A_1620 = arith.muli %get3A_1617, %mul3A_1619 : vector<16xi32>
      %add3A_1621 = arith.constant 80 : i32
      %add3A_1622 = arith.addi %rem3A_1517, %add3A_1621 : i32
      %add3A_1623 = vector.broadcast %add3A_1622 : i32 to vector<16xi32>
      %add3A_1624 = arith.addi %add3A_1623, %iota3A : vector<16xi32>
      %add3A_1625 = arith.addi %mul3A_1620, %add3A_1624 : vector<16xi32>
      %swap3A_1626 = arith.constant 0 : i32
      %swap3A_1627 = arith.index_cast %swap3A_1626 : i32 to index
      %swap3A_1628 = arith.constant 80 : index
      %swap3A_1629 = tpu.vector_load %arg9[%swap3A_1627, %swap3A_1628] {strides = array<i32>} : memref<4x128xi32, #tpu.memory_space<vmem>>, vector<1x16xi32>,
      %swap3A_1630 = vector.shape_cast %swap3A_1629 : vector<1x16xi32> to vector<16xi32>
      %swap3A_1631 = vector.shape_cast %add3A_1625 : vector<16xi32> to vector<1x16xi32>
      tpu.vector_store %arg9[%swap3A_1627, %swap3A_1628], %swap3A_1631 {strides = array<i32>} : memref<4x128xi32, #tpu.memory_space<vmem>>, vector<1x16xi32>,
      %get3A_1632 = arith.constant 0 : i32
      %get3A_1633 = arith.index_cast %get3A_1632 : i32 to index
      %get3A_1634 = arith.constant 96 : index
      %get3A_1635 = tpu.vector_load %arg8[%get3A_1633, %get3A_1634] {strides = array<i32>} : memref<4x128xi32, #tpu.memory_space<vmem>>, vector<1x16xi32>,
      %get3A_1636 = vector.shape_cast %get3A_1635 : vector<1x16xi32> to vector<16xi32>
      %mul3A_1637 = arith.constant 512 : i32
      %mul3A_1638 = vector.broadcast %mul3A_1637 : i32 to vector<16xi32>
      %mul3A_1639 = arith.muli %get3A_1636, %mul3A_1638 : vector<16xi32>
      %add3A_1640 = arith.constant 96 : i32
      %add3A_1641 = arith.addi %rem3A_1517, %add3A_1640 : i32
      %add3A_1642 = vector.broadcast %add3A_1641 : i32 to vector<16xi32>
      %add3A_1643 = arith.addi %add3A_1642, %iota3A : vector<16xi32>
      %add3A_1644 = arith.addi %mul3A_1639, %add3A_1643 : vector<16xi32>
      %swap3A_1645 = arith.constant 0 : i32
      %swap3A_1646 = arith.index_cast %swap3A_1645 : i32 to index
      %swap3A_1647 = arith.constant 96 : index
      %swap3A_1648 = tpu.vector_load %arg9[%swap3A_1646, %swap3A_1647] {strides = array<i32>} : memref<4x128xi32, #tpu.memory_space<vmem>>, vector<1x16xi32>,
      %swap3A_1649 = vector.shape_cast %swap3A_1648 : vector<1x16xi32> to vector<16xi32>
      %swap3A_1650 = vector.shape_cast %add3A_1644 : vector<16xi32> to vector<1x16xi32>
      tpu.vector_store %arg9[%swap3A_1646, %swap3A_1647], %swap3A_1650 {strides = array<i32>} : memref<4x128xi32, #tpu.memory_space<vmem>>, vector<1x16xi32>,
      %get3A_1651 = arith.constant 0 : i32
      %get3A_1652 = arith.index_cast %get3A_1651 : i32 to index
      %get3A_1653 = arith.constant 112 : index
      %get3A_1654 = tpu.vector_load %arg8[%get3A_1652, %get3A_1653] {strides = array<i32>} : memref<4x128xi32, #tpu.memory_space<vmem>>, vector<1x16xi32>,
      %get3A_1655 = vector.shape_cast %get3A_1654 : vector<1x16xi32> to vector<16xi32>
      %mul3A_1656 = arith.constant 512 : i32
      %mul3A_1657 = vector.broadcast %mul3A_1656 : i32 to vector<16xi32>
      %mul3A_1658 = arith.muli %get3A_1655, %mul3A_1657 : vector<16xi32>
      %add3A_1659 = arith.constant 112 : i32
      %add3A_1660 = arith.addi %rem3A_1517, %add3A_1659 : i32
      %add3A_1661 = vector.broadcast %add3A_1660 : i32 to vector<16xi32>
      %add3A_1662 = arith.addi %add3A_1661, %iota3A : vector<16xi32>
      %add3A_1663 = arith.addi %mul3A_1658, %add3A_1662 : vector<16xi32>
      %swap3A_1664 = arith.constant 0 : i32
      %swap3A_1665 = arith.index_cast %swap3A_1664 : i32 to index
      %swap3A_1666 = arith.constant 112 : index
      %swap3A_1667 = tpu.vector_load %arg9[%swap3A_1665, %swap3A_1666] {strides = array<i32>} : memref<4x128xi32, #tpu.memory_space<vmem>>, vector<1x16xi32>,
      %swap3A_1668 = vector.shape_cast %swap3A_1667 : vector<1x16xi32> to vector<16xi32>
      %swap3A_1669 = vector.shape_cast %add3A_1663 : vector<16xi32> to vector<1x16xi32>
      tpu.vector_store %arg9[%swap3A_1665, %swap3A_1666], %swap3A_1669 {strides = array<i32>} : memref<4x128xi32, #tpu.memory_space<vmem>>, vector<1x16xi32>,
      %dma_wait3A_1670 = arith.constant 1 : i32
      %dma_wait3A_1671 = arith.constant 1 : i32
      %dma_wait3A_1672 = arith.constant 0 : i32
      %dma_wait3A_1673 = arith.constant 0 : i32
      %dma_wait3A_1674 = tpu.memref_slice %arg10[%dma_wait3A_1670, %dma_wait3A_1672, %dma_wait3A_1673] : memref<4x128x128xf32, #tpu.memory_space<vmem>> -> memref<1x128x128xf32, #tpu.memory_space<vmem>>
      %dma_wait3A_1675 = tpu.memref_squeeze %dma_wait3A_1674 : memref<1x128x128xf32, #tpu.memory_space<vmem>> -> memref<128x128xf32, #tpu.memory_space<vmem>>
      %dma_wait3A_1676 = arith.constant 0 : i32
      %dma_wait3A_1677 = arith.constant 0 : i32
      %dma_wait3A_1678 = tpu.memref_slice %arg6[%dma_wait3A_1676, %dma_wait3A_1677] : memref<524288x128xf32, #tpu.memory_space<hbm>> -> memref<128x128xf32, #tpu.memory_space<hbm>>
      %dma_wait3A_1679 = tpu.memref_slice %arg16[%dma_wait3A_1671] : memref<4x!tpu.dma_semaphore, #tpu.memory_space<semaphore_mem>> -> memref<1x!tpu.dma_semaphore, #tpu.memory_space<semaphore_mem>>
      %dma_wait3A_1680 = tpu.memref_squeeze %dma_wait3A_1679 : memref<1x!tpu.dma_semaphore, #tpu.memory_space<semaphore_mem>> -> memref<!tpu.dma_semaphore, #tpu.memory_space<semaphore_mem>>
      %dma_wait3A_1681 = arith.constant 0 : i32
      %dma_wait3A_1682 = arith.constant 0 : i32
      %dma_wait3A_1683 = tpu.memref_slice %arg6[%dma_wait3A_1681, %dma_wait3A_1682] : memref<524288x128xf32, #tpu.memory_space<hbm>> -> memref<128x128xf32, #tpu.memory_space<hbm>>
      %dma_wait3A_1684 = arith.constant 0 : i32
      %dma_wait3A_1685 = arith.constant 0 : i32
      %dma_wait3A_1686 = tpu.memref_slice %arg10[%dma_wait3A_1670, %dma_wait3A_1684, %dma_wait3A_1685] : memref<4x128x128xf32, #tpu.memory_space<vmem>> -> memref<1x128x128xf32, #tpu.memory_space<vmem>>
      %dma_wait3A_1687 = tpu.memref_squeeze %dma_wait3A_1686 : memref<1x128x128xf32, #tpu.memory_space<vmem>> -> memref<128x128xf32, #tpu.memory_space<vmem>>
      tpu.wait_dma2 semaphore(%dma_wait3A_1680 : memref<!tpu.dma_semaphore, #tpu.memory_space<semaphore_mem>>) src(%dma_wait3A_1687 : memref<128x128xf32, #tpu.memory_space<vmem>>) dst(%dma_wait3A_1683 : memref<128x128xf32, #tpu.memory_space<hbm>>)
      %add3A_1688 = arith.constant 1 : i32
      %add3A_1689 = arith.addi %mul3A_1449, %add3A_1688 : i32
      %dma_wait3A_1690 = arith.constant 1 : i32
      %dma_wait3A_1691 = arith.constant 1 : i32
      %dma_wait3A_1692 = arith.constant 0 : i32
      %dma_wait3A_1693 = tpu.memref_slice %arg7[%dma_wait3A_1690, %dma_wait3A_1692] : memref<4x128xi32, #tpu.memory_space<vmem>> -> memref<1x128xi32, #tpu.memory_space<vmem>>
      %dma_wait3A_1694 = tpu.memref_squeeze %dma_wait3A_1693 : memref<1x128xi32, #tpu.memory_space<vmem>> -> memref<128xi32, #tpu.memory_space<vmem>>
      %dma_wait3A_1695 = arith.constant 0 : i32
      %dma_wait3A_1696 = tpu.memref_slice %arg3[%dma_wait3A_1695] : memref<524288xi32, #tpu.memory_space<hbm>> -> memref<128xi32, #tpu.memory_space<hbm>>
      %dma_wait3A_1697 = tpu.memref_slice %arg12[%dma_wait3A_1691] : memref<4x!tpu.dma_semaphore, #tpu.memory_space<semaphore_mem>> -> memref<1x!tpu.dma_semaphore, #tpu.memory_space<semaphore_mem>>
      %dma_wait3A_1698 = tpu.memref_squeeze %dma_wait3A_1697 : memref<1x!tpu.dma_semaphore, #tpu.memory_space<semaphore_mem>> -> memref<!tpu.dma_semaphore, #tpu.memory_space<semaphore_mem>>
      %dma_wait3A_1699 = arith.constant 0 : i32
      %dma_wait3A_1700 = tpu.memref_slice %arg7[%dma_wait3A_1690, %dma_wait3A_1699] : memref<4x128xi32, #tpu.memory_space<vmem>> -> memref<1x128xi32, #tpu.memory_space<vmem>>
      %dma_wait3A_1701 = tpu.memref_squeeze %dma_wait3A_1700 : memref<1x128xi32, #tpu.memory_space<vmem>> -> memref<128xi32, #tpu.memory_space<vmem>>
      %dma_wait3A_1702 = arith.constant 0 : i32
      %dma_wait3A_1703 = tpu.memref_slice %arg3[%dma_wait3A_1702] : memref<524288xi32, #tpu.memory_space<hbm>> -> memref<128xi32, #tpu.memory_space<hbm>>
      tpu.wait_dma2 semaphore(%dma_wait3A_1698 : memref<!tpu.dma_semaphore, #tpu.memory_space<semaphore_mem>>) src(%dma_wait3A_1703 : memref<128xi32, #tpu.memory_space<hbm>>) dst(%dma_wait3A_1701 : memref<128xi32, #tpu.memory_space<vmem>>)
      %dma_wait3A_1704 = arith.constant 1 : i32
      %dma_wait3A_1705 = arith.constant 1 : i32
      %dma_wait3A_1706 = arith.constant 0 : i32
      %dma_wait3A_1707 = tpu.memref_slice %arg8[%dma_wait3A_1704, %dma_wait3A_1706] : memref<4x128xi32, #tpu.memory_space<vmem>> -> memref<1x128xi32, #tpu.memory_space<vmem>>
      %dma_wait3A_1708 = tpu.memref_squeeze %dma_wait3A_1707 : memref<1x128xi32, #tpu.memory_space<vmem>> -> memref<128xi32, #tpu.memory_space<vmem>>
      %dma_wait3A_1709 = arith.constant 0 : i32
      %dma_wait3A_1710 = tpu.memref_slice %arg4[%dma_wait3A_1709] : memref<524288xi32, #tpu.memory_space<hbm>> -> memref<128xi32, #tpu.memory_space<hbm>>
      %dma_wait3A_1711 = tpu.memref_slice %arg13[%dma_wait3A_1705] : memref<4x!tpu.dma_semaphore, #tpu.memory_space<semaphore_mem>> -> memref<1x!tpu.dma_semaphore, #tpu.memory_space<semaphore_mem>>
      %dma_wait3A_1712 = tpu.memref_squeeze %dma_wait3A_1711 : memref<1x!tpu.dma_semaphore, #tpu.memory_space<semaphore_mem>> -> memref<!tpu.dma_semaphore, #tpu.memory_space<semaphore_mem>>
      %dma_wait3A_1713 = arith.constant 0 : i32
      %dma_wait3A_1714 = tpu.memref_slice %arg8[%dma_wait3A_1704, %dma_wait3A_1713] : memref<4x128xi32, #tpu.memory_space<vmem>> -> memref<1x128xi32, #tpu.memory_space<vmem>>
      %dma_wait3A_1715 = tpu.memref_squeeze %dma_wait3A_1714 : memref<1x128xi32, #tpu.memory_space<vmem>> -> memref<128xi32, #tpu.memory_space<vmem>>
      %dma_wait3A_1716 = arith.constant 0 : i32
      %dma_wait3A_1717 = tpu.memref_slice %arg4[%dma_wait3A_1716] : memref<524288xi32, #tpu.memory_space<hbm>> -> memref<128xi32, #tpu.memory_space<hbm>>
      tpu.wait_dma2 semaphore(%dma_wait3A_1712 : memref<!tpu.dma_semaphore, #tpu.memory_space<semaphore_mem>>) src(%dma_wait3A_1717 : memref<128xi32, #tpu.memory_space<hbm>>) dst(%dma_wait3A_1715 : memref<128xi32, #tpu.memory_space<vmem>>)
      %dma_start3A_1718 = arith.constant 1 : i32
      %dma_start3A_1719 = arith.constant 1 : i32
      %dma_start3A_1720 = arith.constant 1 : i32
      %dma_start3A_1721 = arith.constant 0 : i32
      %dma_start3A_1722 = arith.constant 0 : i32
      %dma_start3A_1723 = tpu.memref_slice %arg10[%dma_start3A_1719, %dma_start3A_1721, %dma_start3A_1722] : memref<4x128x128xf32, #tpu.memory_space<vmem>> -> memref<1x128x128xf32, #tpu.memory_space<vmem>>
      %dma_start3A_1724 = tpu.memref_squeeze %dma_start3A_1723 : memref<1x128x128xf32, #tpu.memory_space<vmem>> -> memref<128x128xf32, #tpu.memory_space<vmem>>
      %dma_start3A_1725 = arith.constant 0 : i32
      %dma_start3A_1726 = tpu.memref_slice %arg7[%dma_start3A_1718, %dma_start3A_1725] : memref<4x128xi32, #tpu.memory_space<vmem>> -> memref<1x128xi32, #tpu.memory_space<vmem>>
      %dma_start3A_1727 = tpu.memref_squeeze %dma_start3A_1726 : memref<1x128xi32, #tpu.memory_space<vmem>> -> memref<128xi32, #tpu.memory_space<vmem>>
      %dma_start3A_1728 = arith.constant 0 : i32
      %dma_start3A_1729 = arith.constant 0 : i32
      %dma_start3A_1730 = tpu.memref_slice %arg2[%dma_start3A_1728, %dma_start3A_1729] : memref<100000x128xf32, #tpu.memory_space<hbm>> -> memref<100000x128xf32, #tpu.memory_space<hbm>>
      %dma_start3A_1731 = tpu.memref_slice %arg15[%dma_start3A_1720] : memref<4x!tpu.dma_semaphore, #tpu.memory_space<semaphore_mem>> -> memref<1x!tpu.dma_semaphore, #tpu.memory_space<semaphore_mem>>
      %dma_start3A_1732 = tpu.memref_squeeze %dma_start3A_1731 : memref<1x!tpu.dma_semaphore, #tpu.memory_space<semaphore_mem>> -> memref<!tpu.dma_semaphore, #tpu.memory_space<semaphore_mem>>
      tpu.enqueue_indirect_dma source(%dma_start3A_1730 : memref<100000x128xf32, #tpu.memory_space<hbm>>) target(%dma_start3A_1724 : memref<128x128xf32, #tpu.memory_space<vmem>>) offsets(%dma_start3A_1727 : memref<128xi32, #tpu.memory_space<vmem>>) semaphore(%dma_start3A_1732 : memref<!tpu.dma_semaphore, #tpu.memory_space<semaphore_mem>>)
      %mul3A_1733 = arith.constant 128 : i32
      %mul3A_1734 = arith.muli %add3A_1689, %mul3A_1733 : i32
      %add3A_1735 = arith.addi %mul3A_2, %mul3A_1734 : i32
      %rem3A_1736 = arith.constant 512 : i32
      %rem3A_1737 = arith.remsi %add3A_1735, %rem3A_1736 : i32
      %get3A_1738 = arith.constant 1 : i32
      %get3A_1739 = arith.index_cast %get3A_1738 : i32 to index
      %get3A_1740 = arith.constant 0 : index
      %get3A_1741 = tpu.vector_load %arg8[%get3A_1739, %get3A_1740] {strides = array<i32>} : memref<4x128xi32, #tpu.memory_space<vmem>>, vector<1x16xi32>,
      %get3A_1742 = vector.shape_cast %get3A_1741 : vector<1x16xi32> to vector<16xi32>
      %mul3A_1743 = arith.constant 512 : i32
      %mul3A_1744 = vector.broadcast %mul3A_1743 : i32 to vector<16xi32>
      %mul3A_1745 = arith.muli %get3A_1742, %mul3A_1744 : vector<16xi32>
      %add3A_1746 = arith.constant 0 : i32
      %add3A_1747 = arith.addi %rem3A_1737, %add3A_1746 : i32
      %add3A_1748 = vector.broadcast %add3A_1747 : i32 to vector<16xi32>
      %add3A_1749 = arith.addi %add3A_1748, %iota3A : vector<16xi32>
      %add3A_1750 = arith.addi %mul3A_1745, %add3A_1749 : vector<16xi32>
      %swap3A_1751 = arith.constant 1 : i32
      %swap3A_1752 = arith.index_cast %swap3A_1751 : i32 to index
      %swap3A_1753 = arith.constant 0 : index
      %swap3A_1754 = tpu.vector_load %arg9[%swap3A_1752, %swap3A_1753] {strides = array<i32>} : memref<4x128xi32, #tpu.memory_space<vmem>>, vector<1x16xi32>,
      %swap3A_1755 = vector.shape_cast %swap3A_1754 : vector<1x16xi32> to vector<16xi32>
      %swap3A_1756 = vector.shape_cast %add3A_1750 : vector<16xi32> to vector<1x16xi32>
      tpu.vector_store %arg9[%swap3A_1752, %swap3A_1753], %swap3A_1756 {strides = array<i32>} : memref<4x128xi32, #tpu.memory_space<vmem>>, vector<1x16xi32>,
      %get3A_1757 = arith.constant 1 : i32
      %get3A_1758 = arith.index_cast %get3A_1757 : i32 to index
      %get3A_1759 = arith.constant 16 : index
      %get3A_1760 = tpu.vector_load %arg8[%get3A_1758, %get3A_1759] {strides = array<i32>} : memref<4x128xi32, #tpu.memory_space<vmem>>, vector<1x16xi32>,
      %get3A_1761 = vector.shape_cast %get3A_1760 : vector<1x16xi32> to vector<16xi32>
      %mul3A_1762 = arith.constant 512 : i32
      %mul3A_1763 = vector.broadcast %mul3A_1762 : i32 to vector<16xi32>
      %mul3A_1764 = arith.muli %get3A_1761, %mul3A_1763 : vector<16xi32>
      %add3A_1765 = arith.constant 16 : i32
      %add3A_1766 = arith.addi %rem3A_1737, %add3A_1765 : i32
      %add3A_1767 = vector.broadcast %add3A_1766 : i32 to vector<16xi32>
      %add3A_1768 = arith.addi %add3A_1767, %iota3A : vector<16xi32>
      %add3A_1769 = arith.addi %mul3A_1764, %add3A_1768 : vector<16xi32>
      %swap3A_1770 = arith.constant 1 : i32
      %swap3A_1771 = arith.index_cast %swap3A_1770 : i32 to index
      %swap3A_1772 = arith.constant 16 : index
      %swap3A_1773 = tpu.vector_load %arg9[%swap3A_1771, %swap3A_1772] {strides = array<i32>} : memref<4x128xi32, #tpu.memory_space<vmem>>, vector<1x16xi32>,
      %swap3A_1774 = vector.shape_cast %swap3A_1773 : vector<1x16xi32> to vector<16xi32>
      %swap3A_1775 = vector.shape_cast %add3A_1769 : vector<16xi32> to vector<1x16xi32>
      tpu.vector_store %arg9[%swap3A_1771, %swap3A_1772], %swap3A_1775 {strides = array<i32>} : memref<4x128xi32, #tpu.memory_space<vmem>>, vector<1x16xi32>,
      %get3A_1776 = arith.constant 1 : i32
      %get3A_1777 = arith.index_cast %get3A_1776 : i32 to index
      %get3A_1778 = arith.constant 32 : index
      %get3A_1779 = tpu.vector_load %arg8[%get3A_1777, %get3A_1778] {strides = array<i32>} : memref<4x128xi32, #tpu.memory_space<vmem>>, vector<1x16xi32>,
      %get3A_1780 = vector.shape_cast %get3A_1779 : vector<1x16xi32> to vector<16xi32>
      %mul3A_1781 = arith.constant 512 : i32
      %mul3A_1782 = vector.broadcast %mul3A_1781 : i32 to vector<16xi32>
      %mul3A_1783 = arith.muli %get3A_1780, %mul3A_1782 : vector<16xi32>
      %add3A_1784 = arith.constant 32 : i32
      %add3A_1785 = arith.addi %rem3A_1737, %add3A_1784 : i32
      %add3A_1786 = vector.broadcast %add3A_1785 : i32 to vector<16xi32>
      %add3A_1787 = arith.addi %add3A_1786, %iota3A : vector<16xi32>
      %add3A_1788 = arith.addi %mul3A_1783, %add3A_1787 : vector<16xi32>
      %swap3A_1789 = arith.constant 1 : i32
      %swap3A_1790 = arith.index_cast %swap3A_1789 : i32 to index
      %swap3A_1791 = arith.constant 32 : index
      %swap3A_1792 = tpu.vector_load %arg9[%swap3A_1790, %swap3A_1791] {strides = array<i32>} : memref<4x128xi32, #tpu.memory_space<vmem>>, vector<1x16xi32>,
      %swap3A_1793 = vector.shape_cast %swap3A_1792 : vector<1x16xi32> to vector<16xi32>
      %swap3A_1794 = vector.shape_cast %add3A_1788 : vector<16xi32> to vector<1x16xi32>
      tpu.vector_store %arg9[%swap3A_1790, %swap3A_1791], %swap3A_1794 {strides = array<i32>} : memref<4x128xi32, #tpu.memory_space<vmem>>, vector<1x16xi32>,
      %get3A_1795 = arith.constant 1 : i32
      %get3A_1796 = arith.index_cast %get3A_1795 : i32 to index
      %get3A_1797 = arith.constant 48 : index
      %get3A_1798 = tpu.vector_load %arg8[%get3A_1796, %get3A_1797] {strides = array<i32>} : memref<4x128xi32, #tpu.memory_space<vmem>>, vector<1x16xi32>,
      %get3A_1799 = vector.shape_cast %get3A_1798 : vector<1x16xi32> to vector<16xi32>
      %mul3A_1800 = arith.constant 512 : i32
      %mul3A_1801 = vector.broadcast %mul3A_1800 : i32 to vector<16xi32>
      %mul3A_1802 = arith.muli %get3A_1799, %mul3A_1801 : vector<16xi32>
      %add3A_1803 = arith.constant 48 : i32
      %add3A_1804 = arith.addi %rem3A_1737, %add3A_1803 : i32
      %add3A_1805 = vector.broadcast %add3A_1804 : i32 to vector<16xi32>
      %add3A_1806 = arith.addi %add3A_1805, %iota3A : vector<16xi32>
      %add3A_1807 = arith.addi %mul3A_1802, %add3A_1806 : vector<16xi32>
      %swap3A_1808 = arith.constant 1 : i32
      %swap3A_1809 = arith.index_cast %swap3A_1808 : i32 to index
      %swap3A_1810 = arith.constant 48 : index
      %swap3A_1811 = tpu.vector_load %arg9[%swap3A_1809, %swap3A_1810] {strides = array<i32>} : memref<4x128xi32, #tpu.memory_space<vmem>>, vector<1x16xi32>,
      %swap3A_1812 = vector.shape_cast %swap3A_1811 : vector<1x16xi32> to vector<16xi32>
      %swap3A_1813 = vector.shape_cast %add3A_1807 : vector<16xi32> to vector<1x16xi32>
      tpu.vector_store %arg9[%swap3A_1809, %swap3A_1810], %swap3A_1813 {strides = array<i32>} : memref<4x128xi32, #tpu.memory_space<vmem>>, vector<1x16xi32>,
      %get3A_1814 = arith.constant 1 : i32
      %get3A_1815 = arith.index_cast %get3A_1814 : i32 to index
      %get3A_1816 = arith.constant 64 : index
      %get3A_1817 = tpu.vector_load %arg8[%get3A_1815, %get3A_1816] {strides = array<i32>} : memref<4x128xi32, #tpu.memory_space<vmem>>, vector<1x16xi32>,
      %get3A_1818 = vector.shape_cast %get3A_1817 : vector<1x16xi32> to vector<16xi32>
      %mul3A_1819 = arith.constant 512 : i32
      %mul3A_1820 = vector.broadcast %mul3A_1819 : i32 to vector<16xi32>
      %mul3A_1821 = arith.muli %get3A_1818, %mul3A_1820 : vector<16xi32>
      %add3A_1822 = arith.constant 64 : i32
      %add3A_1823 = arith.addi %rem3A_1737, %add3A_1822 : i32
      %add3A_1824 = vector.broadcast %add3A_1823 : i32 to vector<16xi32>
      %add3A_1825 = arith.addi %add3A_1824, %iota3A : vector<16xi32>
      %add3A_1826 = arith.addi %mul3A_1821, %add3A_1825 : vector<16xi32>
      %swap3A_1827 = arith.constant 1 : i32
      %swap3A_1828 = arith.index_cast %swap3A_1827 : i32 to index
      %swap3A_1829 = arith.constant 64 : index
      %swap3A_1830 = tpu.vector_load %arg9[%swap3A_1828, %swap3A_1829] {strides = array<i32>} : memref<4x128xi32, #tpu.memory_space<vmem>>, vector<1x16xi32>,
      %swap3A_1831 = vector.shape_cast %swap3A_1830 : vector<1x16xi32> to vector<16xi32>
      %swap3A_1832 = vector.shape_cast %add3A_1826 : vector<16xi32> to vector<1x16xi32>
      tpu.vector_store %arg9[%swap3A_1828, %swap3A_1829], %swap3A_1832 {strides = array<i32>} : memref<4x128xi32, #tpu.memory_space<vmem>>, vector<1x16xi32>,
      %get3A_1833 = arith.constant 1 : i32
      %get3A_1834 = arith.index_cast %get3A_1833 : i32 to index
      %get3A_1835 = arith.constant 80 : index
      %get3A_1836 = tpu.vector_load %arg8[%get3A_1834, %get3A_1835] {strides = array<i32>} : memref<4x128xi32, #tpu.memory_space<vmem>>, vector<1x16xi32>,
      %get3A_1837 = vector.shape_cast %get3A_1836 : vector<1x16xi32> to vector<16xi32>
      %mul3A_1838 = arith.constant 512 : i32
      %mul3A_1839 = vector.broadcast %mul3A_1838 : i32 to vector<16xi32>
      %mul3A_1840 = arith.muli %get3A_1837, %mul3A_1839 : vector<16xi32>
      %add3A_1841 = arith.constant 80 : i32
      %add3A_1842 = arith.addi %rem3A_1737, %add3A_1841 : i32
      %add3A_1843 = vector.broadcast %add3A_1842 : i32 to vector<16xi32>
      %add3A_1844 = arith.addi %add3A_1843, %iota3A : vector<16xi32>
      %add3A_1845 = arith.addi %mul3A_1840, %add3A_1844 : vector<16xi32>
      %swap3A_1846 = arith.constant 1 : i32
      %swap3A_1847 = arith.index_cast %swap3A_1846 : i32 to index
      %swap3A_1848 = arith.constant 80 : index
      %swap3A_1849 = tpu.vector_load %arg9[%swap3A_1847, %swap3A_1848] {strides = array<i32>} : memref<4x128xi32, #tpu.memory_space<vmem>>, vector<1x16xi32>,
      %swap3A_1850 = vector.shape_cast %swap3A_1849 : vector<1x16xi32> to vector<16xi32>
      %swap3A_1851 = vector.shape_cast %add3A_1845 : vector<16xi32> to vector<1x16xi32>
      tpu.vector_store %arg9[%swap3A_1847, %swap3A_1848], %swap3A_1851 {strides = array<i32>} : memref<4x128xi32, #tpu.memory_space<vmem>>, vector<1x16xi32>,
      %get3A_1852 = arith.constant 1 : i32
      %get3A_1853 = arith.index_cast %get3A_1852 : i32 to index
      %get3A_1854 = arith.constant 96 : index
      %get3A_1855 = tpu.vector_load %arg8[%get3A_1853, %get3A_1854] {strides = array<i32>} : memref<4x128xi32, #tpu.memory_space<vmem>>, vector<1x16xi32>,
      %get3A_1856 = vector.shape_cast %get3A_1855 : vector<1x16xi32> to vector<16xi32>
      %mul3A_1857 = arith.constant 512 : i32
      %mul3A_1858 = vector.broadcast %mul3A_1857 : i32 to vector<16xi32>
      %mul3A_1859 = arith.muli %get3A_1856, %mul3A_1858 : vector<16xi32>
      %add3A_1860 = arith.constant 96 : i32
      %add3A_1861 = arith.addi %rem3A_1737, %add3A_1860 : i32
      %add3A_1862 = vector.broadcast %add3A_1861 : i32 to vector<16xi32>
      %add3A_1863 = arith.addi %add3A_1862, %iota3A : vector<16xi32>
      %add3A_1864 = arith.addi %mul3A_1859, %add3A_1863 : vector<16xi32>
      %swap3A_1865 = arith.constant 1 : i32
      %swap3A_1866 = arith.index_cast %swap3A_1865 : i32 to index
      %swap3A_1867 = arith.constant 96 : index
      %swap3A_1868 = tpu.vector_load %arg9[%swap3A_1866, %swap3A_1867] {strides = array<i32>} : memref<4x128xi32, #tpu.memory_space<vmem>>, vector<1x16xi32>,
      %swap3A_1869 = vector.shape_cast %swap3A_1868 : vector<1x16xi32> to vector<16xi32>
      %swap3A_1870 = vector.shape_cast %add3A_1864 : vector<16xi32> to vector<1x16xi32>
      tpu.vector_store %arg9[%swap3A_1866, %swap3A_1867], %swap3A_1870 {strides = array<i32>} : memref<4x128xi32, #tpu.memory_space<vmem>>, vector<1x16xi32>,
      %get3A_1871 = arith.constant 1 : i32
      %get3A_1872 = arith.index_cast %get3A_1871 : i32 to index
      %get3A_1873 = arith.constant 112 : index
      %get3A_1874 = tpu.vector_load %arg8[%get3A_1872, %get3A_1873] {strides = array<i32>} : memref<4x128xi32, #tpu.memory_space<vmem>>, vector<1x16xi32>,
      %get3A_1875 = vector.shape_cast %get3A_1874 : vector<1x16xi32> to vector<16xi32>
      %mul3A_1876 = arith.constant 512 : i32
      %mul3A_1877 = vector.broadcast %mul3A_1876 : i32 to vector<16xi32>
      %mul3A_1878 = arith.muli %get3A_1875, %mul3A_1877 : vector<16xi32>
      %add3A_1879 = arith.constant 112 : i32
      %add3A_1880 = arith.addi %rem3A_1737, %add3A_1879 : i32
      %add3A_1881 = vector.broadcast %add3A_1880 : i32 to vector<16xi32>
      %add3A_1882 = arith.addi %add3A_1881, %iota3A : vector<16xi32>
      %add3A_1883 = arith.addi %mul3A_1878, %add3A_1882 : vector<16xi32>
      %swap3A_1884 = arith.constant 1 : i32
      %swap3A_1885 = arith.index_cast %swap3A_1884 : i32 to index
      %swap3A_1886 = arith.constant 112 : index
      %swap3A_1887 = tpu.vector_load %arg9[%swap3A_1885, %swap3A_1886] {strides = array<i32>} : memref<4x128xi32, #tpu.memory_space<vmem>>, vector<1x16xi32>,
      %swap3A_1888 = vector.shape_cast %swap3A_1887 : vector<1x16xi32> to vector<16xi32>
      %swap3A_1889 = vector.shape_cast %add3A_1883 : vector<16xi32> to vector<1x16xi32>
      tpu.vector_store %arg9[%swap3A_1885, %swap3A_1886], %swap3A_1889 {strides = array<i32>} : memref<4x128xi32, #tpu.memory_space<vmem>>, vector<1x16xi32>,
      %dma_wait3A_1890 = arith.constant 2 : i32
      %dma_wait3A_1891 = arith.constant 2 : i32
      %dma_wait3A_1892 = arith.constant 0 : i32
      %dma_wait3A_1893 = arith.constant 0 : i32
      %dma_wait3A_1894 = tpu.memref_slice %arg10[%dma_wait3A_1890, %dma_wait3A_1892, %dma_wait3A_1893] : memref<4x128x128xf32, #tpu.memory_space<vmem>> -> memref<1x128x128xf32, #tpu.memory_space<vmem>>
      %dma_wait3A_1895 = tpu.memref_squeeze %dma_wait3A_1894 : memref<1x128x128xf32, #tpu.memory_space<vmem>> -> memref<128x128xf32, #tpu.memory_space<vmem>>
      %dma_wait3A_1896 = arith.constant 0 : i32
      %dma_wait3A_1897 = arith.constant 0 : i32
      %dma_wait3A_1898 = tpu.memref_slice %arg6[%dma_wait3A_1896, %dma_wait3A_1897] : memref<524288x128xf32, #tpu.memory_space<hbm>> -> memref<128x128xf32, #tpu.memory_space<hbm>>
      %dma_wait3A_1899 = tpu.memref_slice %arg16[%dma_wait3A_1891] : memref<4x!tpu.dma_semaphore, #tpu.memory_space<semaphore_mem>> -> memref<1x!tpu.dma_semaphore, #tpu.memory_space<semaphore_mem>>
      %dma_wait3A_1900 = tpu.memref_squeeze %dma_wait3A_1899 : memref<1x!tpu.dma_semaphore, #tpu.memory_space<semaphore_mem>> -> memref<!tpu.dma_semaphore, #tpu.memory_space<semaphore_mem>>
      %dma_wait3A_1901 = arith.constant 0 : i32
      %dma_wait3A_1902 = arith.constant 0 : i32
      %dma_wait3A_1903 = tpu.memref_slice %arg6[%dma_wait3A_1901, %dma_wait3A_1902] : memref<524288x128xf32, #tpu.memory_space<hbm>> -> memref<128x128xf32, #tpu.memory_space<hbm>>
      %dma_wait3A_1904 = arith.constant 0 : i32
      %dma_wait3A_1905 = arith.constant 0 : i32
      %dma_wait3A_1906 = tpu.memref_slice %arg10[%dma_wait3A_1890, %dma_wait3A_1904, %dma_wait3A_1905] : memref<4x128x128xf32, #tpu.memory_space<vmem>> -> memref<1x128x128xf32, #tpu.memory_space<vmem>>
      %dma_wait3A_1907 = tpu.memref_squeeze %dma_wait3A_1906 : memref<1x128x128xf32, #tpu.memory_space<vmem>> -> memref<128x128xf32, #tpu.memory_space<vmem>>
      tpu.wait_dma2 semaphore(%dma_wait3A_1900 : memref<!tpu.dma_semaphore, #tpu.memory_space<semaphore_mem>>) src(%dma_wait3A_1907 : memref<128x128xf32, #tpu.memory_space<vmem>>) dst(%dma_wait3A_1903 : memref<128x128xf32, #tpu.memory_space<hbm>>)
      %add3A_1908 = arith.constant 2 : i32
      %add3A_1909 = arith.addi %mul3A_1449, %add3A_1908 : i32
      %dma_wait3A_1910 = arith.constant 2 : i32
      %dma_wait3A_1911 = arith.constant 2 : i32
      %dma_wait3A_1912 = arith.constant 0 : i32
      %dma_wait3A_1913 = tpu.memref_slice %arg7[%dma_wait3A_1910, %dma_wait3A_1912] : memref<4x128xi32, #tpu.memory_space<vmem>> -> memref<1x128xi32, #tpu.memory_space<vmem>>
      %dma_wait3A_1914 = tpu.memref_squeeze %dma_wait3A_1913 : memref<1x128xi32, #tpu.memory_space<vmem>> -> memref<128xi32, #tpu.memory_space<vmem>>
      %dma_wait3A_1915 = arith.constant 0 : i32
      %dma_wait3A_1916 = tpu.memref_slice %arg3[%dma_wait3A_1915] : memref<524288xi32, #tpu.memory_space<hbm>> -> memref<128xi32, #tpu.memory_space<hbm>>
      %dma_wait3A_1917 = tpu.memref_slice %arg12[%dma_wait3A_1911] : memref<4x!tpu.dma_semaphore, #tpu.memory_space<semaphore_mem>> -> memref<1x!tpu.dma_semaphore, #tpu.memory_space<semaphore_mem>>
      %dma_wait3A_1918 = tpu.memref_squeeze %dma_wait3A_1917 : memref<1x!tpu.dma_semaphore, #tpu.memory_space<semaphore_mem>> -> memref<!tpu.dma_semaphore, #tpu.memory_space<semaphore_mem>>
      %dma_wait3A_1919 = arith.constant 0 : i32
      %dma_wait3A_1920 = tpu.memref_slice %arg7[%dma_wait3A_1910, %dma_wait3A_1919] : memref<4x128xi32, #tpu.memory_space<vmem>> -> memref<1x128xi32, #tpu.memory_space<vmem>>
      %dma_wait3A_1921 = tpu.memref_squeeze %dma_wait3A_1920 : memref<1x128xi32, #tpu.memory_space<vmem>> -> memref<128xi32, #tpu.memory_space<vmem>>
      %dma_wait3A_1922 = arith.constant 0 : i32
      %dma_wait3A_1923 = tpu.memref_slice %arg3[%dma_wait3A_1922] : memref<524288xi32, #tpu.memory_space<hbm>> -> memref<128xi32, #tpu.memory_space<hbm>>
      tpu.wait_dma2 semaphore(%dma_wait3A_1918 : memref<!tpu.dma_semaphore, #tpu.memory_space<semaphore_mem>>) src(%dma_wait3A_1923 : memref<128xi32, #tpu.memory_space<hbm>>) dst(%dma_wait3A_1921 : memref<128xi32, #tpu.memory_space<vmem>>)
      %dma_wait3A_1924 = arith.constant 2 : i32
      %dma_wait3A_1925 = arith.constant 2 : i32
      %dma_wait3A_1926 = arith.constant 0 : i32
      %dma_wait3A_1927 = tpu.memref_slice %arg8[%dma_wait3A_1924, %dma_wait3A_1926] : memref<4x128xi32, #tpu.memory_space<vmem>> -> memref<1x128xi32, #tpu.memory_space<vmem>>
      %dma_wait3A_1928 = tpu.memref_squeeze %dma_wait3A_1927 : memref<1x128xi32, #tpu.memory_space<vmem>> -> memref<128xi32, #tpu.memory_space<vmem>>
      %dma_wait3A_1929 = arith.constant 0 : i32
      %dma_wait3A_1930 = tpu.memref_slice %arg4[%dma_wait3A_1929] : memref<524288xi32, #tpu.memory_space<hbm>> -> memref<128xi32, #tpu.memory_space<hbm>>
      %dma_wait3A_1931 = tpu.memref_slice %arg13[%dma_wait3A_1925] : memref<4x!tpu.dma_semaphore, #tpu.memory_space<semaphore_mem>> -> memref<1x!tpu.dma_semaphore, #tpu.memory_space<semaphore_mem>>
      %dma_wait3A_1932 = tpu.memref_squeeze %dma_wait3A_1931 : memref<1x!tpu.dma_semaphore, #tpu.memory_space<semaphore_mem>> -> memref<!tpu.dma_semaphore, #tpu.memory_space<semaphore_mem>>
      %dma_wait3A_1933 = arith.constant 0 : i32
      %dma_wait3A_1934 = tpu.memref_slice %arg8[%dma_wait3A_1924, %dma_wait3A_1933] : memref<4x128xi32, #tpu.memory_space<vmem>> -> memref<1x128xi32, #tpu.memory_space<vmem>>
      %dma_wait3A_1935 = tpu.memref_squeeze %dma_wait3A_1934 : memref<1x128xi32, #tpu.memory_space<vmem>> -> memref<128xi32, #tpu.memory_space<vmem>>
      %dma_wait3A_1936 = arith.constant 0 : i32
      %dma_wait3A_1937 = tpu.memref_slice %arg4[%dma_wait3A_1936] : memref<524288xi32, #tpu.memory_space<hbm>> -> memref<128xi32, #tpu.memory_space<hbm>>
      tpu.wait_dma2 semaphore(%dma_wait3A_1932 : memref<!tpu.dma_semaphore, #tpu.memory_space<semaphore_mem>>) src(%dma_wait3A_1937 : memref<128xi32, #tpu.memory_space<hbm>>) dst(%dma_wait3A_1935 : memref<128xi32, #tpu.memory_space<vmem>>)
      %dma_start3A_1938 = arith.constant 2 : i32
      %dma_start3A_1939 = arith.constant 2 : i32
      %dma_start3A_1940 = arith.constant 2 : i32
      %dma_start3A_1941 = arith.constant 0 : i32
      %dma_start3A_1942 = arith.constant 0 : i32
      %dma_start3A_1943 = tpu.memref_slice %arg10[%dma_start3A_1939, %dma_start3A_1941, %dma_start3A_1942] : memref<4x128x128xf32, #tpu.memory_space<vmem>> -> memref<1x128x128xf32, #tpu.memory_space<vmem>>
      %dma_start3A_1944 = tpu.memref_squeeze %dma_start3A_1943 : memref<1x128x128xf32, #tpu.memory_space<vmem>> -> memref<128x128xf32, #tpu.memory_space<vmem>>
      %dma_start3A_1945 = arith.constant 0 : i32
      %dma_start3A_1946 = tpu.memref_slice %arg7[%dma_start3A_1938, %dma_start3A_1945] : memref<4x128xi32, #tpu.memory_space<vmem>> -> memref<1x128xi32, #tpu.memory_space<vmem>>
      %dma_start3A_1947 = tpu.memref_squeeze %dma_start3A_1946 : memref<1x128xi32, #tpu.memory_space<vmem>> -> memref<128xi32, #tpu.memory_space<vmem>>
      %dma_start3A_1948 = arith.constant 0 : i32
      %dma_start3A_1949 = arith.constant 0 : i32
      %dma_start3A_1950 = tpu.memref_slice %arg2[%dma_start3A_1948, %dma_start3A_1949] : memref<100000x128xf32, #tpu.memory_space<hbm>> -> memref<100000x128xf32, #tpu.memory_space<hbm>>
      %dma_start3A_1951 = tpu.memref_slice %arg15[%dma_start3A_1940] : memref<4x!tpu.dma_semaphore, #tpu.memory_space<semaphore_mem>> -> memref<1x!tpu.dma_semaphore, #tpu.memory_space<semaphore_mem>>
      %dma_start3A_1952 = tpu.memref_squeeze %dma_start3A_1951 : memref<1x!tpu.dma_semaphore, #tpu.memory_space<semaphore_mem>> -> memref<!tpu.dma_semaphore, #tpu.memory_space<semaphore_mem>>
      tpu.enqueue_indirect_dma source(%dma_start3A_1950 : memref<100000x128xf32, #tpu.memory_space<hbm>>) target(%dma_start3A_1944 : memref<128x128xf32, #tpu.memory_space<vmem>>) offsets(%dma_start3A_1947 : memref<128xi32, #tpu.memory_space<vmem>>) semaphore(%dma_start3A_1952 : memref<!tpu.dma_semaphore, #tpu.memory_space<semaphore_mem>>)
      %mul3A_1953 = arith.constant 128 : i32
      %mul3A_1954 = arith.muli %add3A_1909, %mul3A_1953 : i32
      %add3A_1955 = arith.addi %mul3A_2, %mul3A_1954 : i32
      %rem3A_1956 = arith.constant 512 : i32
      %rem3A_1957 = arith.remsi %add3A_1955, %rem3A_1956 : i32
      %get3A_1958 = arith.constant 2 : i32
      %get3A_1959 = arith.index_cast %get3A_1958 : i32 to index
      %get3A_1960 = arith.constant 0 : index
      %get3A_1961 = tpu.vector_load %arg8[%get3A_1959, %get3A_1960] {strides = array<i32>} : memref<4x128xi32, #tpu.memory_space<vmem>>, vector<1x16xi32>,
      %get3A_1962 = vector.shape_cast %get3A_1961 : vector<1x16xi32> to vector<16xi32>
      %mul3A_1963 = arith.constant 512 : i32
      %mul3A_1964 = vector.broadcast %mul3A_1963 : i32 to vector<16xi32>
      %mul3A_1965 = arith.muli %get3A_1962, %mul3A_1964 : vector<16xi32>
      %add3A_1966 = arith.constant 0 : i32
      %add3A_1967 = arith.addi %rem3A_1957, %add3A_1966 : i32
      %add3A_1968 = vector.broadcast %add3A_1967 : i32 to vector<16xi32>
      %add3A_1969 = arith.addi %add3A_1968, %iota3A : vector<16xi32>
      %add3A_1970 = arith.addi %mul3A_1965, %add3A_1969 : vector<16xi32>
      %swap3A_1971 = arith.constant 2 : i32
      %swap3A_1972 = arith.index_cast %swap3A_1971 : i32 to index
      %swap3A_1973 = arith.constant 0 : index
      %swap3A_1974 = tpu.vector_load %arg9[%swap3A_1972, %swap3A_1973] {strides = array<i32>} : memref<4x128xi32, #tpu.memory_space<vmem>>, vector<1x16xi32>,
      %swap3A_1975 = vector.shape_cast %swap3A_1974 : vector<1x16xi32> to vector<16xi32>
      %swap3A_1976 = vector.shape_cast %add3A_1970 : vector<16xi32> to vector<1x16xi32>
      tpu.vector_store %arg9[%swap3A_1972, %swap3A_1973], %swap3A_1976 {strides = array<i32>} : memref<4x128xi32, #tpu.memory_space<vmem>>, vector<1x16xi32>,
      %get3A_1977 = arith.constant 2 : i32
      %get3A_1978 = arith.index_cast %get3A_1977 : i32 to index
      %get3A_1979 = arith.constant 16 : index
      %get3A_1980 = tpu.vector_load %arg8[%get3A_1978, %get3A_1979] {strides = array<i32>} : memref<4x128xi32, #tpu.memory_space<vmem>>, vector<1x16xi32>,
      %get3A_1981 = vector.shape_cast %get3A_1980 : vector<1x16xi32> to vector<16xi32>
      %mul3A_1982 = arith.constant 512 : i32
      %mul3A_1983 = vector.broadcast %mul3A_1982 : i32 to vector<16xi32>
      %mul3A_1984 = arith.muli %get3A_1981, %mul3A_1983 : vector<16xi32>
      %add3A_1985 = arith.constant 16 : i32
      %add3A_1986 = arith.addi %rem3A_1957, %add3A_1985 : i32
      %add3A_1987 = vector.broadcast %add3A_1986 : i32 to vector<16xi32>
      %add3A_1988 = arith.addi %add3A_1987, %iota3A : vector<16xi32>
      %add3A_1989 = arith.addi %mul3A_1984, %add3A_1988 : vector<16xi32>
      %swap3A_1990 = arith.constant 2 : i32
      %swap3A_1991 = arith.index_cast %swap3A_1990 : i32 to index
      %swap3A_1992 = arith.constant 16 : index
      %swap3A_1993 = tpu.vector_load %arg9[%swap3A_1991, %swap3A_1992] {strides = array<i32>} : memref<4x128xi32, #tpu.memory_space<vmem>>, vector<1x16xi32>,
      %swap3A_1994 = vector.shape_cast %swap3A_1993 : vector<1x16xi32> to vector<16xi32>
      %swap3A_1995 = vector.shape_cast %add3A_1989 : vector<16xi32> to vector<1x16xi32>
      tpu.vector_store %arg9[%swap3A_1991, %swap3A_1992], %swap3A_1995 {strides = array<i32>} : memref<4x128xi32, #tpu.memory_space<vmem>>, vector<1x16xi32>,
      %get3A_1996 = arith.constant 2 : i32
      %get3A_1997 = arith.index_cast %get3A_1996 : i32 to index
      %get3A_1998 = arith.constant 32 : index
      %get3A_1999 = tpu.vector_load %arg8[%get3A_1997, %get3A_1998] {strides = array<i32>} : memref<4x128xi32, #tpu.memory_space<vmem>>, vector<1x16xi32>,
      %get3A_2000 = vector.shape_cast %get3A_1999 : vector<1x16xi32> to vector<16xi32>
      %mul3A_2001 = arith.constant 512 : i32
      %mul3A_2002 = vector.broadcast %mul3A_2001 : i32 to vector<16xi32>
      %mul3A_2003 = arith.muli %get3A_2000, %mul3A_2002 : vector<16xi32>
      %add3A_2004 = arith.constant 32 : i32
      %add3A_2005 = arith.addi %rem3A_1957, %add3A_2004 : i32
      %add3A_2006 = vector.broadcast %add3A_2005 : i32 to vector<16xi32>
      %add3A_2007 = arith.addi %add3A_2006, %iota3A : vector<16xi32>
      %add3A_2008 = arith.addi %mul3A_2003, %add3A_2007 : vector<16xi32>
      %swap3A_2009 = arith.constant 2 : i32
      %swap3A_2010 = arith.index_cast %swap3A_2009 : i32 to index
      %swap3A_2011 = arith.constant 32 : index
      %swap3A_2012 = tpu.vector_load %arg9[%swap3A_2010, %swap3A_2011] {strides = array<i32>} : memref<4x128xi32, #tpu.memory_space<vmem>>, vector<1x16xi32>,
      %swap3A_2013 = vector.shape_cast %swap3A_2012 : vector<1x16xi32> to vector<16xi32>
      %swap3A_2014 = vector.shape_cast %add3A_2008 : vector<16xi32> to vector<1x16xi32>
      tpu.vector_store %arg9[%swap3A_2010, %swap3A_2011], %swap3A_2014 {strides = array<i32>} : memref<4x128xi32, #tpu.memory_space<vmem>>, vector<1x16xi32>,
      %get3A_2015 = arith.constant 2 : i32
      %get3A_2016 = arith.index_cast %get3A_2015 : i32 to index
      %get3A_2017 = arith.constant 48 : index
      %get3A_2018 = tpu.vector_load %arg8[%get3A_2016, %get3A_2017] {strides = array<i32>} : memref<4x128xi32, #tpu.memory_space<vmem>>, vector<1x16xi32>,
      %get3A_2019 = vector.shape_cast %get3A_2018 : vector<1x16xi32> to vector<16xi32>
      %mul3A_2020 = arith.constant 512 : i32
      %mul3A_2021 = vector.broadcast %mul3A_2020 : i32 to vector<16xi32>
      %mul3A_2022 = arith.muli %get3A_2019, %mul3A_2021 : vector<16xi32>
      %add3A_2023 = arith.constant 48 : i32
      %add3A_2024 = arith.addi %rem3A_1957, %add3A_2023 : i32
      %add3A_2025 = vector.broadcast %add3A_2024 : i32 to vector<16xi32>
      %add3A_2026 = arith.addi %add3A_2025, %iota3A : vector<16xi32>
      %add3A_2027 = arith.addi %mul3A_2022, %add3A_2026 : vector<16xi32>
      %swap3A_2028 = arith.constant 2 : i32
      %swap3A_2029 = arith.index_cast %swap3A_2028 : i32 to index
      %swap3A_2030 = arith.constant 48 : index
      %swap3A_2031 = tpu.vector_load %arg9[%swap3A_2029, %swap3A_2030] {strides = array<i32>} : memref<4x128xi32, #tpu.memory_space<vmem>>, vector<1x16xi32>,
      %swap3A_2032 = vector.shape_cast %swap3A_2031 : vector<1x16xi32> to vector<16xi32>
      %swap3A_2033 = vector.shape_cast %add3A_2027 : vector<16xi32> to vector<1x16xi32>
      tpu.vector_store %arg9[%swap3A_2029, %swap3A_2030], %swap3A_2033 {strides = array<i32>} : memref<4x128xi32, #tpu.memory_space<vmem>>, vector<1x16xi32>,
      %get3A_2034 = arith.constant 2 : i32
      %get3A_2035 = arith.index_cast %get3A_2034 : i32 to index
      %get3A_2036 = arith.constant 64 : index
      %get3A_2037 = tpu.vector_load %arg8[%get3A_2035, %get3A_2036] {strides = array<i32>} : memref<4x128xi32, #tpu.memory_space<vmem>>, vector<1x16xi32>,
      %get3A_2038 = vector.shape_cast %get3A_2037 : vector<1x16xi32> to vector<16xi32>
      %mul3A_2039 = arith.constant 512 : i32
      %mul3A_2040 = vector.broadcast %mul3A_2039 : i32 to vector<16xi32>
      %mul3A_2041 = arith.muli %get3A_2038, %mul3A_2040 : vector<16xi32>
      %add3A_2042 = arith.constant 64 : i32
      %add3A_2043 = arith.addi %rem3A_1957, %add3A_2042 : i32
      %add3A_2044 = vector.broadcast %add3A_2043 : i32 to vector<16xi32>
      %add3A_2045 = arith.addi %add3A_2044, %iota3A : vector<16xi32>
      %add3A_2046 = arith.addi %mul3A_2041, %add3A_2045 : vector<16xi32>
      %swap3A_2047 = arith.constant 2 : i32
      %swap3A_2048 = arith.index_cast %swap3A_2047 : i32 to index
      %swap3A_2049 = arith.constant 64 : index
      %swap3A_2050 = tpu.vector_load %arg9[%swap3A_2048, %swap3A_2049] {strides = array<i32>} : memref<4x128xi32, #tpu.memory_space<vmem>>, vector<1x16xi32>,
      %swap3A_2051 = vector.shape_cast %swap3A_2050 : vector<1x16xi32> to vector<16xi32>
      %swap3A_2052 = vector.shape_cast %add3A_2046 : vector<16xi32> to vector<1x16xi32>
      tpu.vector_store %arg9[%swap3A_2048, %swap3A_2049], %swap3A_2052 {strides = array<i32>} : memref<4x128xi32, #tpu.memory_space<vmem>>, vector<1x16xi32>,
      %get3A_2053 = arith.constant 2 : i32
      %get3A_2054 = arith.index_cast %get3A_2053 : i32 to index
      %get3A_2055 = arith.constant 80 : index
      %get3A_2056 = tpu.vector_load %arg8[%get3A_2054, %get3A_2055] {strides = array<i32>} : memref<4x128xi32, #tpu.memory_space<vmem>>, vector<1x16xi32>,
      %get3A_2057 = vector.shape_cast %get3A_2056 : vector<1x16xi32> to vector<16xi32>
      %mul3A_2058 = arith.constant 512 : i32
      %mul3A_2059 = vector.broadcast %mul3A_2058 : i32 to vector<16xi32>
      %mul3A_2060 = arith.muli %get3A_2057, %mul3A_2059 : vector<16xi32>
      %add3A_2061 = arith.constant 80 : i32
      %add3A_2062 = arith.addi %rem3A_1957, %add3A_2061 : i32
      %add3A_2063 = vector.broadcast %add3A_2062 : i32 to vector<16xi32>
      %add3A_2064 = arith.addi %add3A_2063, %iota3A : vector<16xi32>
      %add3A_2065 = arith.addi %mul3A_2060, %add3A_2064 : vector<16xi32>
      %swap3A_2066 = arith.constant 2 : i32
      %swap3A_2067 = arith.index_cast %swap3A_2066 : i32 to index
      %swap3A_2068 = arith.constant 80 : index
      %swap3A_2069 = tpu.vector_load %arg9[%swap3A_2067, %swap3A_2068] {strides = array<i32>} : memref<4x128xi32, #tpu.memory_space<vmem>>, vector<1x16xi32>,
      %swap3A_2070 = vector.shape_cast %swap3A_2069 : vector<1x16xi32> to vector<16xi32>
      %swap3A_2071 = vector.shape_cast %add3A_2065 : vector<16xi32> to vector<1x16xi32>
      tpu.vector_store %arg9[%swap3A_2067, %swap3A_2068], %swap3A_2071 {strides = array<i32>} : memref<4x128xi32, #tpu.memory_space<vmem>>, vector<1x16xi32>,
      %get3A_2072 = arith.constant 2 : i32
      %get3A_2073 = arith.index_cast %get3A_2072 : i32 to index
      %get3A_2074 = arith.constant 96 : index
      %get3A_2075 = tpu.vector_load %arg8[%get3A_2073, %get3A_2074] {strides = array<i32>} : memref<4x128xi32, #tpu.memory_space<vmem>>, vector<1x16xi32>,
      %get3A_2076 = vector.shape_cast %get3A_2075 : vector<1x16xi32> to vector<16xi32>
      %mul3A_2077 = arith.constant 512 : i32
      %mul3A_2078 = vector.broadcast %mul3A_2077 : i32 to vector<16xi32>
      %mul3A_2079 = arith.muli %get3A_2076, %mul3A_2078 : vector<16xi32>
      %add3A_2080 = arith.constant 96 : i32
      %add3A_2081 = arith.addi %rem3A_1957, %add3A_2080 : i32
      %add3A_2082 = vector.broadcast %add3A_2081 : i32 to vector<16xi32>
      %add3A_2083 = arith.addi %add3A_2082, %iota3A : vector<16xi32>
      %add3A_2084 = arith.addi %mul3A_2079, %add3A_2083 : vector<16xi32>
      %swap3A_2085 = arith.constant 2 : i32
      %swap3A_2086 = arith.index_cast %swap3A_2085 : i32 to index
      %swap3A_2087 = arith.constant 96 : index
      %swap3A_2088 = tpu.vector_load %arg9[%swap3A_2086, %swap3A_2087] {strides = array<i32>} : memref<4x128xi32, #tpu.memory_space<vmem>>, vector<1x16xi32>,
      %swap3A_2089 = vector.shape_cast %swap3A_2088 : vector<1x16xi32> to vector<16xi32>
      %swap3A_2090 = vector.shape_cast %add3A_2084 : vector<16xi32> to vector<1x16xi32>
      tpu.vector_store %arg9[%swap3A_2086, %swap3A_2087], %swap3A_2090 {strides = array<i32>} : memref<4x128xi32, #tpu.memory_space<vmem>>, vector<1x16xi32>,
      %get3A_2091 = arith.constant 2 : i32
      %get3A_2092 = arith.index_cast %get3A_2091 : i32 to index
      %get3A_2093 = arith.constant 112 : index
      %get3A_2094 = tpu.vector_load %arg8[%get3A_2092, %get3A_2093] {strides = array<i32>} : memref<4x128xi32, #tpu.memory_space<vmem>>, vector<1x16xi32>,
      %get3A_2095 = vector.shape_cast %get3A_2094 : vector<1x16xi32> to vector<16xi32>
      %mul3A_2096 = arith.constant 512 : i32
      %mul3A_2097 = vector.broadcast %mul3A_2096 : i32 to vector<16xi32>
      %mul3A_2098 = arith.muli %get3A_2095, %mul3A_2097 : vector<16xi32>
      %add3A_2099 = arith.constant 112 : i32
      %add3A_2100 = arith.addi %rem3A_1957, %add3A_2099 : i32
      %add3A_2101 = vector.broadcast %add3A_2100 : i32 to vector<16xi32>
      %add3A_2102 = arith.addi %add3A_2101, %iota3A : vector<16xi32>
      %add3A_2103 = arith.addi %mul3A_2098, %add3A_2102 : vector<16xi32>
      %swap3A_2104 = arith.constant 2 : i32
      %swap3A_2105 = arith.index_cast %swap3A_2104 : i32 to index
      %swap3A_2106 = arith.constant 112 : index
      %swap3A_2107 = tpu.vector_load %arg9[%swap3A_2105, %swap3A_2106] {strides = array<i32>} : memref<4x128xi32, #tpu.memory_space<vmem>>, vector<1x16xi32>,
      %swap3A_2108 = vector.shape_cast %swap3A_2107 : vector<1x16xi32> to vector<16xi32>
      %swap3A_2109 = vector.shape_cast %add3A_2103 : vector<16xi32> to vector<1x16xi32>
      tpu.vector_store %arg9[%swap3A_2105, %swap3A_2106], %swap3A_2109 {strides = array<i32>} : memref<4x128xi32, #tpu.memory_space<vmem>>, vector<1x16xi32>,
      %dma_wait3A_2110 = arith.constant 3 : i32
      %dma_wait3A_2111 = arith.constant 3 : i32
      %dma_wait3A_2112 = arith.constant 0 : i32
      %dma_wait3A_2113 = arith.constant 0 : i32
      %dma_wait3A_2114 = tpu.memref_slice %arg10[%dma_wait3A_2110, %dma_wait3A_2112, %dma_wait3A_2113] : memref<4x128x128xf32, #tpu.memory_space<vmem>> -> memref<1x128x128xf32, #tpu.memory_space<vmem>>
      %dma_wait3A_2115 = tpu.memref_squeeze %dma_wait3A_2114 : memref<1x128x128xf32, #tpu.memory_space<vmem>> -> memref<128x128xf32, #tpu.memory_space<vmem>>
      %dma_wait3A_2116 = arith.constant 0 : i32
      %dma_wait3A_2117 = arith.constant 0 : i32
      %dma_wait3A_2118 = tpu.memref_slice %arg6[%dma_wait3A_2116, %dma_wait3A_2117] : memref<524288x128xf32, #tpu.memory_space<hbm>> -> memref<128x128xf32, #tpu.memory_space<hbm>>
      %dma_wait3A_2119 = tpu.memref_slice %arg16[%dma_wait3A_2111] : memref<4x!tpu.dma_semaphore, #tpu.memory_space<semaphore_mem>> -> memref<1x!tpu.dma_semaphore, #tpu.memory_space<semaphore_mem>>
      %dma_wait3A_2120 = tpu.memref_squeeze %dma_wait3A_2119 : memref<1x!tpu.dma_semaphore, #tpu.memory_space<semaphore_mem>> -> memref<!tpu.dma_semaphore, #tpu.memory_space<semaphore_mem>>
      %dma_wait3A_2121 = arith.constant 0 : i32
      %dma_wait3A_2122 = arith.constant 0 : i32
      %dma_wait3A_2123 = tpu.memref_slice %arg6[%dma_wait3A_2121, %dma_wait3A_2122] : memref<524288x128xf32, #tpu.memory_space<hbm>> -> memref<128x128xf32, #tpu.memory_space<hbm>>
      %dma_wait3A_2124 = arith.constant 0 : i32
      %dma_wait3A_2125 = arith.constant 0 : i32
      %dma_wait3A_2126 = tpu.memref_slice %arg10[%dma_wait3A_2110, %dma_wait3A_2124, %dma_wait3A_2125] : memref<4x128x128xf32, #tpu.memory_space<vmem>> -> memref<1x128x128xf32, #tpu.memory_space<vmem>>
      %dma_wait3A_2127 = tpu.memref_squeeze %dma_wait3A_2126 : memref<1x128x128xf32, #tpu.memory_space<vmem>> -> memref<128x128xf32, #tpu.memory_space<vmem>>
      tpu.wait_dma2 semaphore(%dma_wait3A_2120 : memref<!tpu.dma_semaphore, #tpu.memory_space<semaphore_mem>>) src(%dma_wait3A_2127 : memref<128x128xf32, #tpu.memory_space<vmem>>) dst(%dma_wait3A_2123 : memref<128x128xf32, #tpu.memory_space<hbm>>)
      %add3A_2128 = arith.constant 3 : i32
      %add3A_2129 = arith.addi %mul3A_1449, %add3A_2128 : i32
      %dma_wait3A_2130 = arith.constant 3 : i32
      %dma_wait3A_2131 = arith.constant 3 : i32
      %dma_wait3A_2132 = arith.constant 0 : i32
      %dma_wait3A_2133 = tpu.memref_slice %arg7[%dma_wait3A_2130, %dma_wait3A_2132] : memref<4x128xi32, #tpu.memory_space<vmem>> -> memref<1x128xi32, #tpu.memory_space<vmem>>
      %dma_wait3A_2134 = tpu.memref_squeeze %dma_wait3A_2133 : memref<1x128xi32, #tpu.memory_space<vmem>> -> memref<128xi32, #tpu.memory_space<vmem>>
      %dma_wait3A_2135 = arith.constant 0 : i32
      %dma_wait3A_2136 = tpu.memref_slice %arg3[%dma_wait3A_2135] : memref<524288xi32, #tpu.memory_space<hbm>> -> memref<128xi32, #tpu.memory_space<hbm>>
      %dma_wait3A_2137 = tpu.memref_slice %arg12[%dma_wait3A_2131] : memref<4x!tpu.dma_semaphore, #tpu.memory_space<semaphore_mem>> -> memref<1x!tpu.dma_semaphore, #tpu.memory_space<semaphore_mem>>
      %dma_wait3A_2138 = tpu.memref_squeeze %dma_wait3A_2137 : memref<1x!tpu.dma_semaphore, #tpu.memory_space<semaphore_mem>> -> memref<!tpu.dma_semaphore, #tpu.memory_space<semaphore_mem>>
      %dma_wait3A_2139 = arith.constant 0 : i32
      %dma_wait3A_2140 = tpu.memref_slice %arg7[%dma_wait3A_2130, %dma_wait3A_2139] : memref<4x128xi32, #tpu.memory_space<vmem>> -> memref<1x128xi32, #tpu.memory_space<vmem>>
      %dma_wait3A_2141 = tpu.memref_squeeze %dma_wait3A_2140 : memref<1x128xi32, #tpu.memory_space<vmem>> -> memref<128xi32, #tpu.memory_space<vmem>>
      %dma_wait3A_2142 = arith.constant 0 : i32
      %dma_wait3A_2143 = tpu.memref_slice %arg3[%dma_wait3A_2142] : memref<524288xi32, #tpu.memory_space<hbm>> -> memref<128xi32, #tpu.memory_space<hbm>>
      tpu.wait_dma2 semaphore(%dma_wait3A_2138 : memref<!tpu.dma_semaphore, #tpu.memory_space<semaphore_mem>>) src(%dma_wait3A_2143 : memref<128xi32, #tpu.memory_space<hbm>>) dst(%dma_wait3A_2141 : memref<128xi32, #tpu.memory_space<vmem>>)
      %dma_wait3A_2144 = arith.constant 3 : i32
      %dma_wait3A_2145 = arith.constant 3 : i32
      %dma_wait3A_2146 = arith.constant 0 : i32
      %dma_wait3A_2147 = tpu.memref_slice %arg8[%dma_wait3A_2144, %dma_wait3A_2146] : memref<4x128xi32, #tpu.memory_space<vmem>> -> memref<1x128xi32, #tpu.memory_space<vmem>>
      %dma_wait3A_2148 = tpu.memref_squeeze %dma_wait3A_2147 : memref<1x128xi32, #tpu.memory_space<vmem>> -> memref<128xi32, #tpu.memory_space<vmem>>
      %dma_wait3A_2149 = arith.constant 0 : i32
      %dma_wait3A_2150 = tpu.memref_slice %arg4[%dma_wait3A_2149] : memref<524288xi32, #tpu.memory_space<hbm>> -> memref<128xi32, #tpu.memory_space<hbm>>
      %dma_wait3A_2151 = tpu.memref_slice %arg13[%dma_wait3A_2145] : memref<4x!tpu.dma_semaphore, #tpu.memory_space<semaphore_mem>> -> memref<1x!tpu.dma_semaphore, #tpu.memory_space<semaphore_mem>>
      %dma_wait3A_2152 = tpu.memref_squeeze %dma_wait3A_2151 : memref<1x!tpu.dma_semaphore, #tpu.memory_space<semaphore_mem>> -> memref<!tpu.dma_semaphore, #tpu.memory_space<semaphore_mem>>
      %dma_wait3A_2153 = arith.constant 0 : i32
      %dma_wait3A_2154 = tpu.memref_slice %arg8[%dma_wait3A_2144, %dma_wait3A_2153] : memref<4x128xi32, #tpu.memory_space<vmem>> -> memref<1x128xi32, #tpu.memory_space<vmem>>
      %dma_wait3A_2155 = tpu.memref_squeeze %dma_wait3A_2154 : memref<1x128xi32, #tpu.memory_space<vmem>> -> memref<128xi32, #tpu.memory_space<vmem>>
      %dma_wait3A_2156 = arith.constant 0 : i32
      %dma_wait3A_2157 = tpu.memref_slice %arg4[%dma_wait3A_2156] : memref<524288xi32, #tpu.memory_space<hbm>> -> memref<128xi32, #tpu.memory_space<hbm>>
      tpu.wait_dma2 semaphore(%dma_wait3A_2152 : memref<!tpu.dma_semaphore, #tpu.memory_space<semaphore_mem>>) src(%dma_wait3A_2157 : memref<128xi32, #tpu.memory_space<hbm>>) dst(%dma_wait3A_2155 : memref<128xi32, #tpu.memory_space<vmem>>)
      %dma_start3A_2158 = arith.constant 3 : i32
      %dma_start3A_2159 = arith.constant 3 : i32
      %dma_start3A_2160 = arith.constant 3 : i32
      %dma_start3A_2161 = arith.constant 0 : i32
      %dma_start3A_2162 = arith.constant 0 : i32
      %dma_start3A_2163 = tpu.memref_slice %arg10[%dma_start3A_2159, %dma_start3A_2161, %dma_start3A_2162] : memref<4x128x128xf32, #tpu.memory_space<vmem>> -> memref<1x128x128xf32, #tpu.memory_space<vmem>>
      %dma_start3A_2164 = tpu.memref_squeeze %dma_start3A_2163 : memref<1x128x128xf32, #tpu.memory_space<vmem>> -> memref<128x128xf32, #tpu.memory_space<vmem>>
      %dma_start3A_2165 = arith.constant 0 : i32
      %dma_start3A_2166 = tpu.memref_slice %arg7[%dma_start3A_2158, %dma_start3A_2165] : memref<4x128xi32, #tpu.memory_space<vmem>> -> memref<1x128xi32, #tpu.memory_space<vmem>>
      %dma_start3A_2167 = tpu.memref_squeeze %dma_start3A_2166 : memref<1x128xi32, #tpu.memory_space<vmem>> -> memref<128xi32, #tpu.memory_space<vmem>>
      %dma_start3A_2168 = arith.constant 0 : i32
      %dma_start3A_2169 = arith.constant 0 : i32
      %dma_start3A_2170 = tpu.memref_slice %arg2[%dma_start3A_2168, %dma_start3A_2169] : memref<100000x128xf32, #tpu.memory_space<hbm>> -> memref<100000x128xf32, #tpu.memory_space<hbm>>
      %dma_start3A_2171 = tpu.memref_slice %arg15[%dma_start3A_2160] : memref<4x!tpu.dma_semaphore, #tpu.memory_space<semaphore_mem>> -> memref<1x!tpu.dma_semaphore, #tpu.memory_space<semaphore_mem>>
      %dma_start3A_2172 = tpu.memref_squeeze %dma_start3A_2171 : memref<1x!tpu.dma_semaphore, #tpu.memory_space<semaphore_mem>> -> memref<!tpu.dma_semaphore, #tpu.memory_space<semaphore_mem>>
      tpu.enqueue_indirect_dma source(%dma_start3A_2170 : memref<100000x128xf32, #tpu.memory_space<hbm>>) target(%dma_start3A_2164 : memref<128x128xf32, #tpu.memory_space<vmem>>) offsets(%dma_start3A_2167 : memref<128xi32, #tpu.memory_space<vmem>>) semaphore(%dma_start3A_2172 : memref<!tpu.dma_semaphore, #tpu.memory_space<semaphore_mem>>)
      %mul3A_2173 = arith.constant 128 : i32
      %mul3A_2174 = arith.muli %add3A_2129, %mul3A_2173 : i32
      %add3A_2175 = arith.addi %mul3A_2, %mul3A_2174 : i32
      %rem3A_2176 = arith.constant 512 : i32
      %rem3A_2177 = arith.remsi %add3A_2175, %rem3A_2176 : i32
      %get3A_2178 = arith.constant 3 : i32
      %get3A_2179 = arith.index_cast %get3A_2178 : i32 to index
      %get3A_2180 = arith.constant 0 : index
      %get3A_2181 = tpu.vector_load %arg8[%get3A_2179, %get3A_2180] {strides = array<i32>} : memref<4x128xi32, #tpu.memory_space<vmem>>, vector<1x16xi32>,
      %get3A_2182 = vector.shape_cast %get3A_2181 : vector<1x16xi32> to vector<16xi32>
      %mul3A_2183 = arith.constant 512 : i32
      %mul3A_2184 = vector.broadcast %mul3A_2183 : i32 to vector<16xi32>
      %mul3A_2185 = arith.muli %get3A_2182, %mul3A_2184 : vector<16xi32>
      %add3A_2186 = arith.constant 0 : i32
      %add3A_2187 = arith.addi %rem3A_2177, %add3A_2186 : i32
      %add3A_2188 = vector.broadcast %add3A_2187 : i32 to vector<16xi32>
      %add3A_2189 = arith.addi %add3A_2188, %iota3A : vector<16xi32>
      %add3A_2190 = arith.addi %mul3A_2185, %add3A_2189 : vector<16xi32>
      %swap3A_2191 = arith.constant 3 : i32
      %swap3A_2192 = arith.index_cast %swap3A_2191 : i32 to index
      %swap3A_2193 = arith.constant 0 : index
      %swap3A_2194 = tpu.vector_load %arg9[%swap3A_2192, %swap3A_2193] {strides = array<i32>} : memref<4x128xi32, #tpu.memory_space<vmem>>, vector<1x16xi32>,
      %swap3A_2195 = vector.shape_cast %swap3A_2194 : vector<1x16xi32> to vector<16xi32>
      %swap3A_2196 = vector.shape_cast %add3A_2190 : vector<16xi32> to vector<1x16xi32>
      tpu.vector_store %arg9[%swap3A_2192, %swap3A_2193], %swap3A_2196 {strides = array<i32>} : memref<4x128xi32, #tpu.memory_space<vmem>>, vector<1x16xi32>,
      %get3A_2197 = arith.constant 3 : i32
      %get3A_2198 = arith.index_cast %get3A_2197 : i32 to index
      %get3A_2199 = arith.constant 16 : index
      %get3A_2200 = tpu.vector_load %arg8[%get3A_2198, %get3A_2199] {strides = array<i32>} : memref<4x128xi32, #tpu.memory_space<vmem>>, vector<1x16xi32>,
      %get3A_2201 = vector.shape_cast %get3A_2200 : vector<1x16xi32> to vector<16xi32>
      %mul3A_2202 = arith.constant 512 : i32
      %mul3A_2203 = vector.broadcast %mul3A_2202 : i32 to vector<16xi32>
      %mul3A_2204 = arith.muli %get3A_2201, %mul3A_2203 : vector<16xi32>
      %add3A_2205 = arith.constant 16 : i32
      %add3A_2206 = arith.addi %rem3A_2177, %add3A_2205 : i32
      %add3A_2207 = vector.broadcast %add3A_2206 : i32 to vector<16xi32>
      %add3A_2208 = arith.addi %add3A_2207, %iota3A : vector<16xi32>
      %add3A_2209 = arith.addi %mul3A_2204, %add3A_2208 : vector<16xi32>
      %swap3A_2210 = arith.constant 3 : i32
      %swap3A_2211 = arith.index_cast %swap3A_2210 : i32 to index
      %swap3A_2212 = arith.constant 16 : index
      %swap3A_2213 = tpu.vector_load %arg9[%swap3A_2211, %swap3A_2212] {strides = array<i32>} : memref<4x128xi32, #tpu.memory_space<vmem>>, vector<1x16xi32>,
      %swap3A_2214 = vector.shape_cast %swap3A_2213 : vector<1x16xi32> to vector<16xi32>
      %swap3A_2215 = vector.shape_cast %add3A_2209 : vector<16xi32> to vector<1x16xi32>
      tpu.vector_store %arg9[%swap3A_2211, %swap3A_2212], %swap3A_2215 {strides = array<i32>} : memref<4x128xi32, #tpu.memory_space<vmem>>, vector<1x16xi32>,
      %get3A_2216 = arith.constant 3 : i32
      %get3A_2217 = arith.index_cast %get3A_2216 : i32 to index
      %get3A_2218 = arith.constant 32 : index
      %get3A_2219 = tpu.vector_load %arg8[%get3A_2217, %get3A_2218] {strides = array<i32>} : memref<4x128xi32, #tpu.memory_space<vmem>>, vector<1x16xi32>,
      %get3A_2220 = vector.shape_cast %get3A_2219 : vector<1x16xi32> to vector<16xi32>
      %mul3A_2221 = arith.constant 512 : i32
      %mul3A_2222 = vector.broadcast %mul3A_2221 : i32 to vector<16xi32>
      %mul3A_2223 = arith.muli %get3A_2220, %mul3A_2222 : vector<16xi32>
      %add3A_2224 = arith.constant 32 : i32
      %add3A_2225 = arith.addi %rem3A_2177, %add3A_2224 : i32
      %add3A_2226 = vector.broadcast %add3A_2225 : i32 to vector<16xi32>
      %add3A_2227 = arith.addi %add3A_2226, %iota3A : vector<16xi32>
      %add3A_2228 = arith.addi %mul3A_2223, %add3A_2227 : vector<16xi32>
      %swap3A_2229 = arith.constant 3 : i32
      %swap3A_2230 = arith.index_cast %swap3A_2229 : i32 to index
      %swap3A_2231 = arith.constant 32 : index
      %swap3A_2232 = tpu.vector_load %arg9[%swap3A_2230, %swap3A_2231] {strides = array<i32>} : memref<4x128xi32, #tpu.memory_space<vmem>>, vector<1x16xi32>,
      %swap3A_2233 = vector.shape_cast %swap3A_2232 : vector<1x16xi32> to vector<16xi32>
      %swap3A_2234 = vector.shape_cast %add3A_2228 : vector<16xi32> to vector<1x16xi32>
      tpu.vector_store %arg9[%swap3A_2230, %swap3A_2231], %swap3A_2234 {strides = array<i32>} : memref<4x128xi32, #tpu.memory_space<vmem>>, vector<1x16xi32>,
      %get3A_2235 = arith.constant 3 : i32
      %get3A_2236 = arith.index_cast %get3A_2235 : i32 to index
      %get3A_2237 = arith.constant 48 : index
      %get3A_2238 = tpu.vector_load %arg8[%get3A_2236, %get3A_2237] {strides = array<i32>} : memref<4x128xi32, #tpu.memory_space<vmem>>, vector<1x16xi32>,
      %get3A_2239 = vector.shape_cast %get3A_2238 : vector<1x16xi32> to vector<16xi32>
      %mul3A_2240 = arith.constant 512 : i32
      %mul3A_2241 = vector.broadcast %mul3A_2240 : i32 to vector<16xi32>
      %mul3A_2242 = arith.muli %get3A_2239, %mul3A_2241 : vector<16xi32>
      %add3A_2243 = arith.constant 48 : i32
      %add3A_2244 = arith.addi %rem3A_2177, %add3A_2243 : i32
      %add3A_2245 = vector.broadcast %add3A_2244 : i32 to vector<16xi32>
      %add3A_2246 = arith.addi %add3A_2245, %iota3A : vector<16xi32>
      %add3A_2247 = arith.addi %mul3A_2242, %add3A_2246 : vector<16xi32>
      %swap3A_2248 = arith.constant 3 : i32
      %swap3A_2249 = arith.index_cast %swap3A_2248 : i32 to index
      %swap3A_2250 = arith.constant 48 : index
      %swap3A_2251 = tpu.vector_load %arg9[%swap3A_2249, %swap3A_2250] {strides = array<i32>} : memref<4x128xi32, #tpu.memory_space<vmem>>, vector<1x16xi32>,
      %swap3A_2252 = vector.shape_cast %swap3A_2251 : vector<1x16xi32> to vector<16xi32>
      %swap3A_2253 = vector.shape_cast %add3A_2247 : vector<16xi32> to vector<1x16xi32>
      tpu.vector_store %arg9[%swap3A_2249, %swap3A_2250], %swap3A_2253 {strides = array<i32>} : memref<4x128xi32, #tpu.memory_space<vmem>>, vector<1x16xi32>,
      %get3A_2254 = arith.constant 3 : i32
      %get3A_2255 = arith.index_cast %get3A_2254 : i32 to index
      %get3A_2256 = arith.constant 64 : index
      %get3A_2257 = tpu.vector_load %arg8[%get3A_2255, %get3A_2256] {strides = array<i32>} : memref<4x128xi32, #tpu.memory_space<vmem>>, vector<1x16xi32>,
      %get3A_2258 = vector.shape_cast %get3A_2257 : vector<1x16xi32> to vector<16xi32>
      %mul3A_2259 = arith.constant 512 : i32
      %mul3A_2260 = vector.broadcast %mul3A_2259 : i32 to vector<16xi32>
      %mul3A_2261 = arith.muli %get3A_2258, %mul3A_2260 : vector<16xi32>
      %add3A_2262 = arith.constant 64 : i32
      %add3A_2263 = arith.addi %rem3A_2177, %add3A_2262 : i32
      %add3A_2264 = vector.broadcast %add3A_2263 : i32 to vector<16xi32>
      %add3A_2265 = arith.addi %add3A_2264, %iota3A : vector<16xi32>
      %add3A_2266 = arith.addi %mul3A_2261, %add3A_2265 : vector<16xi32>
      %swap3A_2267 = arith.constant 3 : i32
      %swap3A_2268 = arith.index_cast %swap3A_2267 : i32 to index
      %swap3A_2269 = arith.constant 64 : index
      %swap3A_2270 = tpu.vector_load %arg9[%swap3A_2268, %swap3A_2269] {strides = array<i32>} : memref<4x128xi32, #tpu.memory_space<vmem>>, vector<1x16xi32>,
      %swap3A_2271 = vector.shape_cast %swap3A_2270 : vector<1x16xi32> to vector<16xi32>
      %swap3A_2272 = vector.shape_cast %add3A_2266 : vector<16xi32> to vector<1x16xi32>
      tpu.vector_store %arg9[%swap3A_2268, %swap3A_2269], %swap3A_2272 {strides = array<i32>} : memref<4x128xi32, #tpu.memory_space<vmem>>, vector<1x16xi32>,
      %get3A_2273 = arith.constant 3 : i32
      %get3A_2274 = arith.index_cast %get3A_2273 : i32 to index
      %get3A_2275 = arith.constant 80 : index
      %get3A_2276 = tpu.vector_load %arg8[%get3A_2274, %get3A_2275] {strides = array<i32>} : memref<4x128xi32, #tpu.memory_space<vmem>>, vector<1x16xi32>,
      %get3A_2277 = vector.shape_cast %get3A_2276 : vector<1x16xi32> to vector<16xi32>
      %mul3A_2278 = arith.constant 512 : i32
      %mul3A_2279 = vector.broadcast %mul3A_2278 : i32 to vector<16xi32>
      %mul3A_2280 = arith.muli %get3A_2277, %mul3A_2279 : vector<16xi32>
      %add3A_2281 = arith.constant 80 : i32
      %add3A_2282 = arith.addi %rem3A_2177, %add3A_2281 : i32
      %add3A_2283 = vector.broadcast %add3A_2282 : i32 to vector<16xi32>
      %add3A_2284 = arith.addi %add3A_2283, %iota3A : vector<16xi32>
      %add3A_2285 = arith.addi %mul3A_2280, %add3A_2284 : vector<16xi32>
      %swap3A_2286 = arith.constant 3 : i32
      %swap3A_2287 = arith.index_cast %swap3A_2286 : i32 to index
      %swap3A_2288 = arith.constant 80 : index
      %swap3A_2289 = tpu.vector_load %arg9[%swap3A_2287, %swap3A_2288] {strides = array<i32>} : memref<4x128xi32, #tpu.memory_space<vmem>>, vector<1x16xi32>,
      %swap3A_2290 = vector.shape_cast %swap3A_2289 : vector<1x16xi32> to vector<16xi32>
      %swap3A_2291 = vector.shape_cast %add3A_2285 : vector<16xi32> to vector<1x16xi32>
      tpu.vector_store %arg9[%swap3A_2287, %swap3A_2288], %swap3A_2291 {strides = array<i32>} : memref<4x128xi32, #tpu.memory_space<vmem>>, vector<1x16xi32>,
      %get3A_2292 = arith.constant 3 : i32
      %get3A_2293 = arith.index_cast %get3A_2292 : i32 to index
      %get3A_2294 = arith.constant 96 : index
      %get3A_2295 = tpu.vector_load %arg8[%get3A_2293, %get3A_2294] {strides = array<i32>} : memref<4x128xi32, #tpu.memory_space<vmem>>, vector<1x16xi32>,
      %get3A_2296 = vector.shape_cast %get3A_2295 : vector<1x16xi32> to vector<16xi32>
      %mul3A_2297 = arith.constant 512 : i32
      %mul3A_2298 = vector.broadcast %mul3A_2297 : i32 to vector<16xi32>
      %mul3A_2299 = arith.muli %get3A_2296, %mul3A_2298 : vector<16xi32>
      %add3A_2300 = arith.constant 96 : i32
      %add3A_2301 = arith.addi %rem3A_2177, %add3A_2300 : i32
      %add3A_2302 = vector.broadcast %add3A_2301 : i32 to vector<16xi32>
      %add3A_2303 = arith.addi %add3A_2302, %iota3A : vector<16xi32>
      %add3A_2304 = arith.addi %mul3A_2299, %add3A_2303 : vector<16xi32>
      %swap3A_2305 = arith.constant 3 : i32
      %swap3A_2306 = arith.index_cast %swap3A_2305 : i32 to index
      %swap3A_2307 = arith.constant 96 : index
      %swap3A_2308 = tpu.vector_load %arg9[%swap3A_2306, %swap3A_2307] {strides = array<i32>} : memref<4x128xi32, #tpu.memory_space<vmem>>, vector<1x16xi32>,
      %swap3A_2309 = vector.shape_cast %swap3A_2308 : vector<1x16xi32> to vector<16xi32>
      %swap3A_2310 = vector.shape_cast %add3A_2304 : vector<16xi32> to vector<1x16xi32>
      tpu.vector_store %arg9[%swap3A_2306, %swap3A_2307], %swap3A_2310 {strides = array<i32>} : memref<4x128xi32, #tpu.memory_space<vmem>>, vector<1x16xi32>,
      %get3A_2311 = arith.constant 3 : i32
      %get3A_2312 = arith.index_cast %get3A_2311 : i32 to index
      %get3A_2313 = arith.constant 112 : index
      %get3A_2314 = tpu.vector_load %arg8[%get3A_2312, %get3A_2313] {strides = array<i32>} : memref<4x128xi32, #tpu.memory_space<vmem>>, vector<1x16xi32>,
      %get3A_2315 = vector.shape_cast %get3A_2314 : vector<1x16xi32> to vector<16xi32>
      %mul3A_2316 = arith.constant 512 : i32
      %mul3A_2317 = vector.broadcast %mul3A_2316 : i32 to vector<16xi32>
      %mul3A_2318 = arith.muli %get3A_2315, %mul3A_2317 : vector<16xi32>
      %add3A_2319 = arith.constant 112 : i32
      %add3A_2320 = arith.addi %rem3A_2177, %add3A_2319 : i32
      %add3A_2321 = vector.broadcast %add3A_2320 : i32 to vector<16xi32>
      %add3A_2322 = arith.addi %add3A_2321, %iota3A : vector<16xi32>
      %add3A_2323 = arith.addi %mul3A_2318, %add3A_2322 : vector<16xi32>
      %swap3A_2324 = arith.constant 3 : i32
      %swap3A_2325 = arith.index_cast %swap3A_2324 : i32 to index
      %swap3A_2326 = arith.constant 112 : index
      %swap3A_2327 = tpu.vector_load %arg9[%swap3A_2325, %swap3A_2326] {strides = array<i32>} : memref<4x128xi32, #tpu.memory_space<vmem>>, vector<1x16xi32>,
      %swap3A_2328 = vector.shape_cast %swap3A_2327 : vector<1x16xi32> to vector<16xi32>
      %swap3A_2329 = vector.shape_cast %add3A_2323 : vector<16xi32> to vector<1x16xi32>
      tpu.vector_store %arg9[%swap3A_2325, %swap3A_2326], %swap3A_2329 {strides = array<i32>} : memref<4x128xi32, #tpu.memory_space<vmem>>, vector<1x16xi32>,
      %dma_wait3A_2330 = arith.constant 0 : i32
      %dma_wait3A_2331 = arith.constant 0 : i32
      %dma_wait3A_2332 = arith.constant 0 : i32
      %dma_wait3A_2333 = arith.constant 0 : i32
      %dma_wait3A_2334 = arith.constant 0 : i32
      %dma_wait3A_2335 = tpu.memref_slice %arg10[%dma_wait3A_2331, %dma_wait3A_2333, %dma_wait3A_2334] : memref<4x128x128xf32, #tpu.memory_space<vmem>> -> memref<1x128x128xf32, #tpu.memory_space<vmem>>
      %dma_wait3A_2336 = tpu.memref_squeeze %dma_wait3A_2335 : memref<1x128x128xf32, #tpu.memory_space<vmem>> -> memref<128x128xf32, #tpu.memory_space<vmem>>
      %dma_wait3A_2337 = arith.constant 0 : i32
      %dma_wait3A_2338 = tpu.memref_slice %arg7[%dma_wait3A_2330, %dma_wait3A_2337] : memref<4x128xi32, #tpu.memory_space<vmem>> -> memref<1x128xi32, #tpu.memory_space<vmem>>
      %dma_wait3A_2339 = tpu.memref_squeeze %dma_wait3A_2338 : memref<1x128xi32, #tpu.memory_space<vmem>> -> memref<128xi32, #tpu.memory_space<vmem>>
      %dma_wait3A_2340 = arith.constant 0 : i32
      %dma_wait3A_2341 = arith.constant 0 : i32
      %dma_wait3A_2342 = tpu.memref_slice %arg2[%dma_wait3A_2340, %dma_wait3A_2341] : memref<100000x128xf32, #tpu.memory_space<hbm>> -> memref<100000x128xf32, #tpu.memory_space<hbm>>
      %dma_wait3A_2343 = tpu.memref_slice %arg15[%dma_wait3A_2332] : memref<4x!tpu.dma_semaphore, #tpu.memory_space<semaphore_mem>> -> memref<1x!tpu.dma_semaphore, #tpu.memory_space<semaphore_mem>>
      %dma_wait3A_2344 = tpu.memref_squeeze %dma_wait3A_2343 : memref<1x!tpu.dma_semaphore, #tpu.memory_space<semaphore_mem>> -> memref<!tpu.dma_semaphore, #tpu.memory_space<semaphore_mem>>
      tpu.wait_indirect_dma semaphore(%dma_wait3A_2344 : memref<!tpu.dma_semaphore, #tpu.memory_space<semaphore_mem>>) src(%dma_wait3A_2342 : memref<100000x128xf32, #tpu.memory_space<hbm>>) dst(%dma_wait3A_2336 : memref<128x128xf32, #tpu.memory_space<vmem>>)
      %dma_start3A_2345 = arith.constant 0 : i32
      %dma_start3A_2346 = arith.constant 0 : i32
      %dma_start3A_2347 = arith.constant 0 : i32
      %dma_start3A_2348 = arith.constant 0 : i32
      %dma_start3A_2349 = arith.constant 0 : i32
      %dma_start3A_2350 = tpu.memref_slice %arg10[%dma_start3A_2346, %dma_start3A_2348, %dma_start3A_2349] : memref<4x128x128xf32, #tpu.memory_space<vmem>> -> memref<1x128x128xf32, #tpu.memory_space<vmem>>
      %dma_start3A_2351 = tpu.memref_squeeze %dma_start3A_2350 : memref<1x128x128xf32, #tpu.memory_space<vmem>> -> memref<128x128xf32, #tpu.memory_space<vmem>>
      %dma_start3A_2352 = arith.constant 0 : i32
      %dma_start3A_2353 = tpu.memref_slice %arg9[%dma_start3A_2345, %dma_start3A_2352] : memref<4x128xi32, #tpu.memory_space<vmem>> -> memref<1x128xi32, #tpu.memory_space<vmem>>
      %dma_start3A_2354 = tpu.memref_squeeze %dma_start3A_2353 : memref<1x128xi32, #tpu.memory_space<vmem>> -> memref<128xi32, #tpu.memory_space<vmem>>
      %dma_start3A_2355 = arith.constant 0 : i32
      %dma_start3A_2356 = arith.constant 0 : i32
      %dma_start3A_2357 = tpu.memref_slice %arg11[%dma_start3A_2355, %dma_start3A_2356] : memref<1024x128xf32, #tpu.memory_space<vmem_shared>> -> memref<1024x128xf32, #tpu.memory_space<vmem_shared>>
      %dma_start3A_2358 = tpu.memref_slice %arg14[%dma_start3A_2347] : memref<4x!tpu.dma_semaphore, #tpu.memory_space<semaphore_mem>> -> memref<1x!tpu.dma_semaphore, #tpu.memory_space<semaphore_mem>>
      %dma_start3A_2359 = tpu.memref_squeeze %dma_start3A_2358 : memref<1x!tpu.dma_semaphore, #tpu.memory_space<semaphore_mem>> -> memref<!tpu.dma_semaphore, #tpu.memory_space<semaphore_mem>>
      tpu.enqueue_indirect_dma source(%dma_start3A_2357 : memref<1024x128xf32, #tpu.memory_space<vmem_shared>>) target(%dma_start3A_2351 : memref<128x128xf32, #tpu.memory_space<vmem>>) offsets(%dma_start3A_2354 : memref<128xi32, #tpu.memory_space<vmem>>) semaphore(%dma_start3A_2359 : memref<!tpu.dma_semaphore, #tpu.memory_space<semaphore_mem>>) {add = true}
      %dma_wait3A_2360 = arith.constant 1 : i32
      %dma_wait3A_2361 = arith.constant 1 : i32
      %dma_wait3A_2362 = arith.constant 1 : i32
      %dma_wait3A_2363 = arith.constant 0 : i32
      %dma_wait3A_2364 = arith.constant 0 : i32
      %dma_wait3A_2365 = tpu.memref_slice %arg10[%dma_wait3A_2361, %dma_wait3A_2363, %dma_wait3A_2364] : memref<4x128x128xf32, #tpu.memory_space<vmem>> -> memref<1x128x128xf32, #tpu.memory_space<vmem>>
      %dma_wait3A_2366 = tpu.memref_squeeze %dma_wait3A_2365 : memref<1x128x128xf32, #tpu.memory_space<vmem>> -> memref<128x128xf32, #tpu.memory_space<vmem>>
      %dma_wait3A_2367 = arith.constant 0 : i32
      %dma_wait3A_2368 = tpu.memref_slice %arg7[%dma_wait3A_2360, %dma_wait3A_2367] : memref<4x128xi32, #tpu.memory_space<vmem>> -> memref<1x128xi32, #tpu.memory_space<vmem>>
      %dma_wait3A_2369 = tpu.memref_squeeze %dma_wait3A_2368 : memref<1x128xi32, #tpu.memory_space<vmem>> -> memref<128xi32, #tpu.memory_space<vmem>>
      %dma_wait3A_2370 = arith.constant 0 : i32
      %dma_wait3A_2371 = arith.constant 0 : i32
      %dma_wait3A_2372 = tpu.memref_slice %arg2[%dma_wait3A_2370, %dma_wait3A_2371] : memref<100000x128xf32, #tpu.memory_space<hbm>> -> memref<100000x128xf32, #tpu.memory_space<hbm>>
      %dma_wait3A_2373 = tpu.memref_slice %arg15[%dma_wait3A_2362] : memref<4x!tpu.dma_semaphore, #tpu.memory_space<semaphore_mem>> -> memref<1x!tpu.dma_semaphore, #tpu.memory_space<semaphore_mem>>
      %dma_wait3A_2374 = tpu.memref_squeeze %dma_wait3A_2373 : memref<1x!tpu.dma_semaphore, #tpu.memory_space<semaphore_mem>> -> memref<!tpu.dma_semaphore, #tpu.memory_space<semaphore_mem>>
      tpu.wait_indirect_dma semaphore(%dma_wait3A_2374 : memref<!tpu.dma_semaphore, #tpu.memory_space<semaphore_mem>>) src(%dma_wait3A_2372 : memref<100000x128xf32, #tpu.memory_space<hbm>>) dst(%dma_wait3A_2366 : memref<128x128xf32, #tpu.memory_space<vmem>>)
      %dma_start3A_2375 = arith.constant 1 : i32
      %dma_start3A_2376 = arith.constant 1 : i32
      %dma_start3A_2377 = arith.constant 1 : i32
      %dma_start3A_2378 = arith.constant 0 : i32
      %dma_start3A_2379 = arith.constant 0 : i32
      %dma_start3A_2380 = tpu.memref_slice %arg10[%dma_start3A_2376, %dma_start3A_2378, %dma_start3A_2379] : memref<4x128x128xf32, #tpu.memory_space<vmem>> -> memref<1x128x128xf32, #tpu.memory_space<vmem>>
      %dma_start3A_2381 = tpu.memref_squeeze %dma_start3A_2380 : memref<1x128x128xf32, #tpu.memory_space<vmem>> -> memref<128x128xf32, #tpu.memory_space<vmem>>
      %dma_start3A_2382 = arith.constant 0 : i32
      %dma_start3A_2383 = tpu.memref_slice %arg9[%dma_start3A_2375, %dma_start3A_2382] : memref<4x128xi32, #tpu.memory_space<vmem>> -> memref<1x128xi32, #tpu.memory_space<vmem>>
      %dma_start3A_2384 = tpu.memref_squeeze %dma_start3A_2383 : memref<1x128xi32, #tpu.memory_space<vmem>> -> memref<128xi32, #tpu.memory_space<vmem>>
      %dma_start3A_2385 = arith.constant 0 : i32
      %dma_start3A_2386 = arith.constant 0 : i32
      %dma_start3A_2387 = tpu.memref_slice %arg11[%dma_start3A_2385, %dma_start3A_2386] : memref<1024x128xf32, #tpu.memory_space<vmem_shared>> -> memref<1024x128xf32, #tpu.memory_space<vmem_shared>>
      %dma_start3A_2388 = tpu.memref_slice %arg14[%dma_start3A_2377] : memref<4x!tpu.dma_semaphore, #tpu.memory_space<semaphore_mem>> -> memref<1x!tpu.dma_semaphore, #tpu.memory_space<semaphore_mem>>
      %dma_start3A_2389 = tpu.memref_squeeze %dma_start3A_2388 : memref<1x!tpu.dma_semaphore, #tpu.memory_space<semaphore_mem>> -> memref<!tpu.dma_semaphore, #tpu.memory_space<semaphore_mem>>
      tpu.enqueue_indirect_dma source(%dma_start3A_2387 : memref<1024x128xf32, #tpu.memory_space<vmem_shared>>) target(%dma_start3A_2381 : memref<128x128xf32, #tpu.memory_space<vmem>>) offsets(%dma_start3A_2384 : memref<128xi32, #tpu.memory_space<vmem>>) semaphore(%dma_start3A_2389 : memref<!tpu.dma_semaphore, #tpu.memory_space<semaphore_mem>>) {add = true}
      %dma_wait3A_2390 = arith.constant 2 : i32
      %dma_wait3A_2391 = arith.constant 2 : i32
      %dma_wait3A_2392 = arith.constant 2 : i32
      %dma_wait3A_2393 = arith.constant 0 : i32
      %dma_wait3A_2394 = arith.constant 0 : i32
      %dma_wait3A_2395 = tpu.memref_slice %arg10[%dma_wait3A_2391, %dma_wait3A_2393, %dma_wait3A_2394] : memref<4x128x128xf32, #tpu.memory_space<vmem>> -> memref<1x128x128xf32, #tpu.memory_space<vmem>>
      %dma_wait3A_2396 = tpu.memref_squeeze %dma_wait3A_2395 : memref<1x128x128xf32, #tpu.memory_space<vmem>> -> memref<128x128xf32, #tpu.memory_space<vmem>>
      %dma_wait3A_2397 = arith.constant 0 : i32
      %dma_wait3A_2398 = tpu.memref_slice %arg7[%dma_wait3A_2390, %dma_wait3A_2397] : memref<4x128xi32, #tpu.memory_space<vmem>> -> memref<1x128xi32, #tpu.memory_space<vmem>>
      %dma_wait3A_2399 = tpu.memref_squeeze %dma_wait3A_2398 : memref<1x128xi32, #tpu.memory_space<vmem>> -> memref<128xi32, #tpu.memory_space<vmem>>
      %dma_wait3A_2400 = arith.constant 0 : i32
      %dma_wait3A_2401 = arith.constant 0 : i32
      %dma_wait3A_2402 = tpu.memref_slice %arg2[%dma_wait3A_2400, %dma_wait3A_2401] : memref<100000x128xf32, #tpu.memory_space<hbm>> -> memref<100000x128xf32, #tpu.memory_space<hbm>>
      %dma_wait3A_2403 = tpu.memref_slice %arg15[%dma_wait3A_2392] : memref<4x!tpu.dma_semaphore, #tpu.memory_space<semaphore_mem>> -> memref<1x!tpu.dma_semaphore, #tpu.memory_space<semaphore_mem>>
      %dma_wait3A_2404 = tpu.memref_squeeze %dma_wait3A_2403 : memref<1x!tpu.dma_semaphore, #tpu.memory_space<semaphore_mem>> -> memref<!tpu.dma_semaphore, #tpu.memory_space<semaphore_mem>>
      tpu.wait_indirect_dma semaphore(%dma_wait3A_2404 : memref<!tpu.dma_semaphore, #tpu.memory_space<semaphore_mem>>) src(%dma_wait3A_2402 : memref<100000x128xf32, #tpu.memory_space<hbm>>) dst(%dma_wait3A_2396 : memref<128x128xf32, #tpu.memory_space<vmem>>)
      %dma_start3A_2405 = arith.constant 2 : i32
      %dma_start3A_2406 = arith.constant 2 : i32
      %dma_start3A_2407 = arith.constant 2 : i32
      %dma_start3A_2408 = arith.constant 0 : i32
      %dma_start3A_2409 = arith.constant 0 : i32
      %dma_start3A_2410 = tpu.memref_slice %arg10[%dma_start3A_2406, %dma_start3A_2408, %dma_start3A_2409] : memref<4x128x128xf32, #tpu.memory_space<vmem>> -> memref<1x128x128xf32, #tpu.memory_space<vmem>>
      %dma_start3A_2411 = tpu.memref_squeeze %dma_start3A_2410 : memref<1x128x128xf32, #tpu.memory_space<vmem>> -> memref<128x128xf32, #tpu.memory_space<vmem>>
      %dma_start3A_2412 = arith.constant 0 : i32
      %dma_start3A_2413 = tpu.memref_slice %arg9[%dma_start3A_2405, %dma_start3A_2412] : memref<4x128xi32, #tpu.memory_space<vmem>> -> memref<1x128xi32, #tpu.memory_space<vmem>>
      %dma_start3A_2414 = tpu.memref_squeeze %dma_start3A_2413 : memref<1x128xi32, #tpu.memory_space<vmem>> -> memref<128xi32, #tpu.memory_space<vmem>>
      %dma_start3A_2415 = arith.constant 0 : i32
      %dma_start3A_2416 = arith.constant 0 : i32
      %dma_start3A_2417 = tpu.memref_slice %arg11[%dma_start3A_2415, %dma_start3A_2416] : memref<1024x128xf32, #tpu.memory_space<vmem_shared>> -> memref<1024x128xf32, #tpu.memory_space<vmem_shared>>
      %dma_start3A_2418 = tpu.memref_slice %arg14[%dma_start3A_2407] : memref<4x!tpu.dma_semaphore, #tpu.memory_space<semaphore_mem>> -> memref<1x!tpu.dma_semaphore, #tpu.memory_space<semaphore_mem>>
      %dma_start3A_2419 = tpu.memref_squeeze %dma_start3A_2418 : memref<1x!tpu.dma_semaphore, #tpu.memory_space<semaphore_mem>> -> memref<!tpu.dma_semaphore, #tpu.memory_space<semaphore_mem>>
      tpu.enqueue_indirect_dma source(%dma_start3A_2417 : memref<1024x128xf32, #tpu.memory_space<vmem_shared>>) target(%dma_start3A_2411 : memref<128x128xf32, #tpu.memory_space<vmem>>) offsets(%dma_start3A_2414 : memref<128xi32, #tpu.memory_space<vmem>>) semaphore(%dma_start3A_2419 : memref<!tpu.dma_semaphore, #tpu.memory_space<semaphore_mem>>) {add = true}
      %dma_wait3A_2420 = arith.constant 3 : i32
      %dma_wait3A_2421 = arith.constant 3 : i32
      %dma_wait3A_2422 = arith.constant 3 : i32
      %dma_wait3A_2423 = arith.constant 0 : i32
      %dma_wait3A_2424 = arith.constant 0 : i32
      %dma_wait3A_2425 = tpu.memref_slice %arg10[%dma_wait3A_2421, %dma_wait3A_2423, %dma_wait3A_2424] : memref<4x128x128xf32, #tpu.memory_space<vmem>> -> memref<1x128x128xf32, #tpu.memory_space<vmem>>
      %dma_wait3A_2426 = tpu.memref_squeeze %dma_wait3A_2425 : memref<1x128x128xf32, #tpu.memory_space<vmem>> -> memref<128x128xf32, #tpu.memory_space<vmem>>
      %dma_wait3A_2427 = arith.constant 0 : i32
      %dma_wait3A_2428 = tpu.memref_slice %arg7[%dma_wait3A_2420, %dma_wait3A_2427] : memref<4x128xi32, #tpu.memory_space<vmem>> -> memref<1x128xi32, #tpu.memory_space<vmem>>
      %dma_wait3A_2429 = tpu.memref_squeeze %dma_wait3A_2428 : memref<1x128xi32, #tpu.memory_space<vmem>> -> memref<128xi32, #tpu.memory_space<vmem>>
      %dma_wait3A_2430 = arith.constant 0 : i32
      %dma_wait3A_2431 = arith.constant 0 : i32
      %dma_wait3A_2432 = tpu.memref_slice %arg2[%dma_wait3A_2430, %dma_wait3A_2431] : memref<100000x128xf32, #tpu.memory_space<hbm>> -> memref<100000x128xf32, #tpu.memory_space<hbm>>
      %dma_wait3A_2433 = tpu.memref_slice %arg15[%dma_wait3A_2422] : memref<4x!tpu.dma_semaphore, #tpu.memory_space<semaphore_mem>> -> memref<1x!tpu.dma_semaphore, #tpu.memory_space<semaphore_mem>>
      %dma_wait3A_2434 = tpu.memref_squeeze %dma_wait3A_2433 : memref<1x!tpu.dma_semaphore, #tpu.memory_space<semaphore_mem>> -> memref<!tpu.dma_semaphore, #tpu.memory_space<semaphore_mem>>
      tpu.wait_indirect_dma semaphore(%dma_wait3A_2434 : memref<!tpu.dma_semaphore, #tpu.memory_space<semaphore_mem>>) src(%dma_wait3A_2432 : memref<100000x128xf32, #tpu.memory_space<hbm>>) dst(%dma_wait3A_2426 : memref<128x128xf32, #tpu.memory_space<vmem>>)
      %dma_start3A_2435 = arith.constant 3 : i32
      %dma_start3A_2436 = arith.constant 3 : i32
      %dma_start3A_2437 = arith.constant 3 : i32
      %dma_start3A_2438 = arith.constant 0 : i32
      %dma_start3A_2439 = arith.constant 0 : i32
      %dma_start3A_2440 = tpu.memref_slice %arg10[%dma_start3A_2436, %dma_start3A_2438, %dma_start3A_2439] : memref<4x128x128xf32, #tpu.memory_space<vmem>> -> memref<1x128x128xf32, #tpu.memory_space<vmem>>
      %dma_start3A_2441 = tpu.memref_squeeze %dma_start3A_2440 : memref<1x128x128xf32, #tpu.memory_space<vmem>> -> memref<128x128xf32, #tpu.memory_space<vmem>>
      %dma_start3A_2442 = arith.constant 0 : i32
      %dma_start3A_2443 = tpu.memref_slice %arg9[%dma_start3A_2435, %dma_start3A_2442] : memref<4x128xi32, #tpu.memory_space<vmem>> -> memref<1x128xi32, #tpu.memory_space<vmem>>
      %dma_start3A_2444 = tpu.memref_squeeze %dma_start3A_2443 : memref<1x128xi32, #tpu.memory_space<vmem>> -> memref<128xi32, #tpu.memory_space<vmem>>
      %dma_start3A_2445 = arith.constant 0 : i32
      %dma_start3A_2446 = arith.constant 0 : i32
      %dma_start3A_2447 = tpu.memref_slice %arg11[%dma_start3A_2445, %dma_start3A_2446] : memref<1024x128xf32, #tpu.memory_space<vmem_shared>> -> memref<1024x128xf32, #tpu.memory_space<vmem_shared>>
      %dma_start3A_2448 = tpu.memref_slice %arg14[%dma_start3A_2437] : memref<4x!tpu.dma_semaphore, #tpu.memory_space<semaphore_mem>> -> memref<1x!tpu.dma_semaphore, #tpu.memory_space<semaphore_mem>>
      %dma_start3A_2449 = tpu.memref_squeeze %dma_start3A_2448 : memref<1x!tpu.dma_semaphore, #tpu.memory_space<semaphore_mem>> -> memref<!tpu.dma_semaphore, #tpu.memory_space<semaphore_mem>>
      tpu.enqueue_indirect_dma source(%dma_start3A_2447 : memref<1024x128xf32, #tpu.memory_space<vmem_shared>>) target(%dma_start3A_2441 : memref<128x128xf32, #tpu.memory_space<vmem>>) offsets(%dma_start3A_2444 : memref<128xi32, #tpu.memory_space<vmem>>) semaphore(%dma_start3A_2449 : memref<!tpu.dma_semaphore, #tpu.memory_space<semaphore_mem>>) {add = true}
      %add3A_2450 = arith.constant 0 : i32
      %add3A_2451 = arith.addi %mul3A_1449, %add3A_2450 : i32
      %mul3A_2452 = arith.constant 128 : i32
      %mul3A_2453 = arith.muli %add3A_2451, %mul3A_2452 : i32
      %add3A_2454 = arith.addi %mul3A_2, %mul3A_2453 : i32
      %dma_wait3A_2455 = arith.constant 0 : i32
      %dma_wait3A_2456 = arith.constant 0 : i32
      %dma_wait3A_2457 = arith.constant 0 : i32
      %dma_wait3A_2458 = arith.constant 0 : i32
      %dma_wait3A_2459 = arith.constant 0 : i32
      %dma_wait3A_2460 = tpu.memref_slice %arg10[%dma_wait3A_2456, %dma_wait3A_2458, %dma_wait3A_2459] : memref<4x128x128xf32, #tpu.memory_space<vmem>> -> memref<1x128x128xf32, #tpu.memory_space<vmem>>
      %dma_wait3A_2461 = tpu.memref_squeeze %dma_wait3A_2460 : memref<1x128x128xf32, #tpu.memory_space<vmem>> -> memref<128x128xf32, #tpu.memory_space<vmem>>
      %dma_wait3A_2462 = arith.constant 0 : i32
      %dma_wait3A_2463 = tpu.memref_slice %arg9[%dma_wait3A_2455, %dma_wait3A_2462] : memref<4x128xi32, #tpu.memory_space<vmem>> -> memref<1x128xi32, #tpu.memory_space<vmem>>
      %dma_wait3A_2464 = tpu.memref_squeeze %dma_wait3A_2463 : memref<1x128xi32, #tpu.memory_space<vmem>> -> memref<128xi32, #tpu.memory_space<vmem>>
      %dma_wait3A_2465 = arith.constant 0 : i32
      %dma_wait3A_2466 = arith.constant 0 : i32
      %dma_wait3A_2467 = tpu.memref_slice %arg11[%dma_wait3A_2465, %dma_wait3A_2466] : memref<1024x128xf32, #tpu.memory_space<vmem_shared>> -> memref<1024x128xf32, #tpu.memory_space<vmem_shared>>
      %dma_wait3A_2468 = tpu.memref_slice %arg14[%dma_wait3A_2457] : memref<4x!tpu.dma_semaphore, #tpu.memory_space<semaphore_mem>> -> memref<1x!tpu.dma_semaphore, #tpu.memory_space<semaphore_mem>>
      %dma_wait3A_2469 = tpu.memref_squeeze %dma_wait3A_2468 : memref<1x!tpu.dma_semaphore, #tpu.memory_space<semaphore_mem>> -> memref<!tpu.dma_semaphore, #tpu.memory_space<semaphore_mem>>
      tpu.wait_indirect_dma semaphore(%dma_wait3A_2469 : memref<!tpu.dma_semaphore, #tpu.memory_space<semaphore_mem>>) src(%dma_wait3A_2467 : memref<1024x128xf32, #tpu.memory_space<vmem_shared>>) dst(%dma_wait3A_2461 : memref<128x128xf32, #tpu.memory_space<vmem>>)
      %dma_start3A_2470 = arith.constant 0 : i32
      %dma_start3A_2471 = arith.constant 0 : i32
      %dma_start3A_2472 = arith.constant 0 : i32
      %dma_start3A_2473 = arith.constant 0 : i32
      %dma_start3A_2474 = tpu.memref_slice %arg10[%dma_start3A_2470, %dma_start3A_2472, %dma_start3A_2473] : memref<4x128x128xf32, #tpu.memory_space<vmem>> -> memref<1x128x128xf32, #tpu.memory_space<vmem>>
      %dma_start3A_2475 = tpu.memref_squeeze %dma_start3A_2474 : memref<1x128x128xf32, #tpu.memory_space<vmem>> -> memref<128x128xf32, #tpu.memory_space<vmem>>
      %dma_start3A_2476 = arith.constant 0 : i32
      %dma_start3A_2477 = tpu.memref_slice %arg6[%add3A_2454, %dma_start3A_2476] : memref<524288x128xf32, #tpu.memory_space<hbm>> -> memref<128x128xf32, #tpu.memory_space<hbm>>
      %dma_start3A_2478 = tpu.memref_slice %arg16[%dma_start3A_2471] : memref<4x!tpu.dma_semaphore, #tpu.memory_space<semaphore_mem>> -> memref<1x!tpu.dma_semaphore, #tpu.memory_space<semaphore_mem>>
      %dma_start3A_2479 = tpu.memref_squeeze %dma_start3A_2478 : memref<1x!tpu.dma_semaphore, #tpu.memory_space<semaphore_mem>> -> memref<!tpu.dma_semaphore, #tpu.memory_space<semaphore_mem>>
      %dma_start3A_2480 = arith.constant 0 : i32
      %dma_start3A_2481 = tpu.memref_slice %arg6[%add3A_2454, %dma_start3A_2480] : memref<524288x128xf32, #tpu.memory_space<hbm>> -> memref<128x128xf32, #tpu.memory_space<hbm>>
      %dma_start3A_2482 = arith.constant 0 : i32
      %dma_start3A_2483 = arith.constant 0 : i32
      %dma_start3A_2484 = tpu.memref_slice %arg10[%dma_start3A_2470, %dma_start3A_2482, %dma_start3A_2483] : memref<4x128x128xf32, #tpu.memory_space<vmem>> -> memref<1x128x128xf32, #tpu.memory_space<vmem>>
      %dma_start3A_2485 = tpu.memref_squeeze %dma_start3A_2484 : memref<1x128x128xf32, #tpu.memory_space<vmem>> -> memref<128x128xf32, #tpu.memory_space<vmem>>
      tpu.enqueue_dma source(%dma_start3A_2485 : memref<128x128xf32, #tpu.memory_space<vmem>>) target(%dma_start3A_2481 : memref<128x128xf32, #tpu.memory_space<hbm>>) target_semaphore(%dma_start3A_2479 : memref<!tpu.dma_semaphore, #tpu.memory_space<semaphore_mem>>)
      %add3A_2486 = arith.constant 4 : i32
      %add3A_2487 = arith.addi %mul3A_1449, %add3A_2486 : i32
      %add3A_2488 = arith.constant 0 : i32
      %add3A_2489 = arith.addi %add3A_2487, %add3A_2488 : i32
      %min3A = arith.constant 127 : i32
      %min3A_2490 = arith.minsi %add3A_2489, %min3A : i32
      %mul3A_2491 = arith.constant 128 : i32
      %mul3A_2492 = arith.muli %min3A_2490, %mul3A_2491 : i32
      %add3A_2493 = arith.addi %mul3A_2, %mul3A_2492 : i32
      %dma_start3A_2494 = arith.constant 0 : i32
      %dma_start3A_2495 = arith.constant 0 : i32
      %dma_start3A_2496 = arith.constant 0 : i32
      %dma_start3A_2497 = tpu.memref_slice %arg7[%dma_start3A_2494, %dma_start3A_2496] : memref<4x128xi32, #tpu.memory_space<vmem>> -> memref<1x128xi32, #tpu.memory_space<vmem>>
      %dma_start3A_2498 = tpu.memref_squeeze %dma_start3A_2497 : memref<1x128xi32, #tpu.memory_space<vmem>> -> memref<128xi32, #tpu.memory_space<vmem>>
      %dma_start3A_2499 = tpu.memref_slice %arg3[%add3A_2493] : memref<524288xi32, #tpu.memory_space<hbm>> -> memref<128xi32, #tpu.memory_space<hbm>>
      %dma_start3A_2500 = tpu.memref_slice %arg12[%dma_start3A_2495] : memref<4x!tpu.dma_semaphore, #tpu.memory_space<semaphore_mem>> -> memref<1x!tpu.dma_semaphore, #tpu.memory_space<semaphore_mem>>
      %dma_start3A_2501 = tpu.memref_squeeze %dma_start3A_2500 : memref<1x!tpu.dma_semaphore, #tpu.memory_space<semaphore_mem>> -> memref<!tpu.dma_semaphore, #tpu.memory_space<semaphore_mem>>
      %dma_start3A_2502 = arith.constant 0 : i32
      %dma_start3A_2503 = tpu.memref_slice %arg7[%dma_start3A_2494, %dma_start3A_2502] : memref<4x128xi32, #tpu.memory_space<vmem>> -> memref<1x128xi32, #tpu.memory_space<vmem>>
      %dma_start3A_2504 = tpu.memref_squeeze %dma_start3A_2503 : memref<1x128xi32, #tpu.memory_space<vmem>> -> memref<128xi32, #tpu.memory_space<vmem>>
      %dma_start3A_2505 = tpu.memref_slice %arg3[%add3A_2493] : memref<524288xi32, #tpu.memory_space<hbm>> -> memref<128xi32, #tpu.memory_space<hbm>>
      tpu.enqueue_dma source(%dma_start3A_2505 : memref<128xi32, #tpu.memory_space<hbm>>) target(%dma_start3A_2504 : memref<128xi32, #tpu.memory_space<vmem>>) target_semaphore(%dma_start3A_2501 : memref<!tpu.dma_semaphore, #tpu.memory_space<semaphore_mem>>)
      %dma_start3A_2506 = arith.constant 0 : i32
      %dma_start3A_2507 = arith.constant 0 : i32
      %dma_start3A_2508 = arith.constant 0 : i32
      %dma_start3A_2509 = tpu.memref_slice %arg8[%dma_start3A_2506, %dma_start3A_2508] : memref<4x128xi32, #tpu.memory_space<vmem>> -> memref<1x128xi32, #tpu.memory_space<vmem>>
      %dma_start3A_2510 = tpu.memref_squeeze %dma_start3A_2509 : memref<1x128xi32, #tpu.memory_space<vmem>> -> memref<128xi32, #tpu.memory_space<vmem>>
      %dma_start3A_2511 = tpu.memref_slice %arg4[%add3A_2493] : memref<524288xi32, #tpu.memory_space<hbm>> -> memref<128xi32, #tpu.memory_space<hbm>>
      %dma_start3A_2512 = tpu.memref_slice %arg13[%dma_start3A_2507] : memref<4x!tpu.dma_semaphore, #tpu.memory_space<semaphore_mem>> -> memref<1x!tpu.dma_semaphore, #tpu.memory_space<semaphore_mem>>
      %dma_start3A_2513 = tpu.memref_squeeze %dma_start3A_2512 : memref<1x!tpu.dma_semaphore, #tpu.memory_space<semaphore_mem>> -> memref<!tpu.dma_semaphore, #tpu.memory_space<semaphore_mem>>
      %dma_start3A_2514 = arith.constant 0 : i32
      %dma_start3A_2515 = tpu.memref_slice %arg8[%dma_start3A_2506, %dma_start3A_2514] : memref<4x128xi32, #tpu.memory_space<vmem>> -> memref<1x128xi32, #tpu.memory_space<vmem>>
      %dma_start3A_2516 = tpu.memref_squeeze %dma_start3A_2515 : memref<1x128xi32, #tpu.memory_space<vmem>> -> memref<128xi32, #tpu.memory_space<vmem>>
      %dma_start3A_2517 = tpu.memref_slice %arg4[%add3A_2493] : memref<524288xi32, #tpu.memory_space<hbm>> -> memref<128xi32, #tpu.memory_space<hbm>>
      tpu.enqueue_dma source(%dma_start3A_2517 : memref<128xi32, #tpu.memory_space<hbm>>) target(%dma_start3A_2516 : memref<128xi32, #tpu.memory_space<vmem>>) target_semaphore(%dma_start3A_2513 : memref<!tpu.dma_semaphore, #tpu.memory_space<semaphore_mem>>)
      %add3A_2518 = arith.constant 1 : i32
      %add3A_2519 = arith.addi %mul3A_1449, %add3A_2518 : i32
      %mul3A_2520 = arith.constant 128 : i32
      %mul3A_2521 = arith.muli %add3A_2519, %mul3A_2520 : i32
      %add3A_2522 = arith.addi %mul3A_2, %mul3A_2521 : i32
      %dma_wait3A_2523 = arith.constant 1 : i32
      %dma_wait3A_2524 = arith.constant 1 : i32
      %dma_wait3A_2525 = arith.constant 1 : i32
      %dma_wait3A_2526 = arith.constant 0 : i32
      %dma_wait3A_2527 = arith.constant 0 : i32
      %dma_wait3A_2528 = tpu.memref_slice %arg10[%dma_wait3A_2524, %dma_wait3A_2526, %dma_wait3A_2527] : memref<4x128x128xf32, #tpu.memory_space<vmem>> -> memref<1x128x128xf32, #tpu.memory_space<vmem>>
      %dma_wait3A_2529 = tpu.memref_squeeze %dma_wait3A_2528 : memref<1x128x128xf32, #tpu.memory_space<vmem>> -> memref<128x128xf32, #tpu.memory_space<vmem>>
      %dma_wait3A_2530 = arith.constant 0 : i32
      %dma_wait3A_2531 = tpu.memref_slice %arg9[%dma_wait3A_2523, %dma_wait3A_2530] : memref<4x128xi32, #tpu.memory_space<vmem>> -> memref<1x128xi32, #tpu.memory_space<vmem>>
      %dma_wait3A_2532 = tpu.memref_squeeze %dma_wait3A_2531 : memref<1x128xi32, #tpu.memory_space<vmem>> -> memref<128xi32, #tpu.memory_space<vmem>>
      %dma_wait3A_2533 = arith.constant 0 : i32
      %dma_wait3A_2534 = arith.constant 0 : i32
      %dma_wait3A_2535 = tpu.memref_slice %arg11[%dma_wait3A_2533, %dma_wait3A_2534] : memref<1024x128xf32, #tpu.memory_space<vmem_shared>> -> memref<1024x128xf32, #tpu.memory_space<vmem_shared>>
      %dma_wait3A_2536 = tpu.memref_slice %arg14[%dma_wait3A_2525] : memref<4x!tpu.dma_semaphore, #tpu.memory_space<semaphore_mem>> -> memref<1x!tpu.dma_semaphore, #tpu.memory_space<semaphore_mem>>
      %dma_wait3A_2537 = tpu.memref_squeeze %dma_wait3A_2536 : memref<1x!tpu.dma_semaphore, #tpu.memory_space<semaphore_mem>> -> memref<!tpu.dma_semaphore, #tpu.memory_space<semaphore_mem>>
      tpu.wait_indirect_dma semaphore(%dma_wait3A_2537 : memref<!tpu.dma_semaphore, #tpu.memory_space<semaphore_mem>>) src(%dma_wait3A_2535 : memref<1024x128xf32, #tpu.memory_space<vmem_shared>>) dst(%dma_wait3A_2529 : memref<128x128xf32, #tpu.memory_space<vmem>>)
      %dma_start3A_2538 = arith.constant 1 : i32
      %dma_start3A_2539 = arith.constant 1 : i32
      %dma_start3A_2540 = arith.constant 0 : i32
      %dma_start3A_2541 = arith.constant 0 : i32
      %dma_start3A_2542 = tpu.memref_slice %arg10[%dma_start3A_2538, %dma_start3A_2540, %dma_start3A_2541] : memref<4x128x128xf32, #tpu.memory_space<vmem>> -> memref<1x128x128xf32, #tpu.memory_space<vmem>>
      %dma_start3A_2543 = tpu.memref_squeeze %dma_start3A_2542 : memref<1x128x128xf32, #tpu.memory_space<vmem>> -> memref<128x128xf32, #tpu.memory_space<vmem>>
      %dma_start3A_2544 = arith.constant 0 : i32
      %dma_start3A_2545 = tpu.memref_slice %arg6[%add3A_2522, %dma_start3A_2544] : memref<524288x128xf32, #tpu.memory_space<hbm>> -> memref<128x128xf32, #tpu.memory_space<hbm>>
      %dma_start3A_2546 = tpu.memref_slice %arg16[%dma_start3A_2539] : memref<4x!tpu.dma_semaphore, #tpu.memory_space<semaphore_mem>> -> memref<1x!tpu.dma_semaphore, #tpu.memory_space<semaphore_mem>>
      %dma_start3A_2547 = tpu.memref_squeeze %dma_start3A_2546 : memref<1x!tpu.dma_semaphore, #tpu.memory_space<semaphore_mem>> -> memref<!tpu.dma_semaphore, #tpu.memory_space<semaphore_mem>>
      %dma_start3A_2548 = arith.constant 0 : i32
      %dma_start3A_2549 = tpu.memref_slice %arg6[%add3A_2522, %dma_start3A_2548] : memref<524288x128xf32, #tpu.memory_space<hbm>> -> memref<128x128xf32, #tpu.memory_space<hbm>>
      %dma_start3A_2550 = arith.constant 0 : i32
      %dma_start3A_2551 = arith.constant 0 : i32
      %dma_start3A_2552 = tpu.memref_slice %arg10[%dma_start3A_2538, %dma_start3A_2550, %dma_start3A_2551] : memref<4x128x128xf32, #tpu.memory_space<vmem>> -> memref<1x128x128xf32, #tpu.memory_space<vmem>>
      %dma_start3A_2553 = tpu.memref_squeeze %dma_start3A_2552 : memref<1x128x128xf32, #tpu.memory_space<vmem>> -> memref<128x128xf32, #tpu.memory_space<vmem>>
      tpu.enqueue_dma source(%dma_start3A_2553 : memref<128x128xf32, #tpu.memory_space<vmem>>) target(%dma_start3A_2549 : memref<128x128xf32, #tpu.memory_space<hbm>>) target_semaphore(%dma_start3A_2547 : memref<!tpu.dma_semaphore, #tpu.memory_space<semaphore_mem>>)
      %add3A_2554 = arith.constant 4 : i32
      %add3A_2555 = arith.addi %mul3A_1449, %add3A_2554 : i32
      %add3A_2556 = arith.constant 1 : i32
      %add3A_2557 = arith.addi %add3A_2555, %add3A_2556 : i32
      %min3A_2558 = arith.constant 127 : i32
      %min3A_2559 = arith.minsi %add3A_2557, %min3A_2558 : i32
      %mul3A_2560 = arith.constant 128 : i32
      %mul3A_2561 = arith.muli %min3A_2559, %mul3A_2560 : i32
      %add3A_2562 = arith.addi %mul3A_2, %mul3A_2561 : i32
      %dma_start3A_2563 = arith.constant 1 : i32
      %dma_start3A_2564 = arith.constant 1 : i32
      %dma_start3A_2565 = arith.constant 0 : i32
      %dma_start3A_2566 = tpu.memref_slice %arg7[%dma_start3A_2563, %dma_start3A_2565] : memref<4x128xi32, #tpu.memory_space<vmem>> -> memref<1x128xi32, #tpu.memory_space<vmem>>
      %dma_start3A_2567 = tpu.memref_squeeze %dma_start3A_2566 : memref<1x128xi32, #tpu.memory_space<vmem>> -> memref<128xi32, #tpu.memory_space<vmem>>
      %dma_start3A_2568 = tpu.memref_slice %arg3[%add3A_2562] : memref<524288xi32, #tpu.memory_space<hbm>> -> memref<128xi32, #tpu.memory_space<hbm>>
      %dma_start3A_2569 = tpu.memref_slice %arg12[%dma_start3A_2564] : memref<4x!tpu.dma_semaphore, #tpu.memory_space<semaphore_mem>> -> memref<1x!tpu.dma_semaphore, #tpu.memory_space<semaphore_mem>>
      %dma_start3A_2570 = tpu.memref_squeeze %dma_start3A_2569 : memref<1x!tpu.dma_semaphore, #tpu.memory_space<semaphore_mem>> -> memref<!tpu.dma_semaphore, #tpu.memory_space<semaphore_mem>>
      %dma_start3A_2571 = arith.constant 0 : i32
      %dma_start3A_2572 = tpu.memref_slice %arg7[%dma_start3A_2563, %dma_start3A_2571] : memref<4x128xi32, #tpu.memory_space<vmem>> -> memref<1x128xi32, #tpu.memory_space<vmem>>
      %dma_start3A_2573 = tpu.memref_squeeze %dma_start3A_2572 : memref<1x128xi32, #tpu.memory_space<vmem>> -> memref<128xi32, #tpu.memory_space<vmem>>
      %dma_start3A_2574 = tpu.memref_slice %arg3[%add3A_2562] : memref<524288xi32, #tpu.memory_space<hbm>> -> memref<128xi32, #tpu.memory_space<hbm>>
      tpu.enqueue_dma source(%dma_start3A_2574 : memref<128xi32, #tpu.memory_space<hbm>>) target(%dma_start3A_2573 : memref<128xi32, #tpu.memory_space<vmem>>) target_semaphore(%dma_start3A_2570 : memref<!tpu.dma_semaphore, #tpu.memory_space<semaphore_mem>>)
      %dma_start3A_2575 = arith.constant 1 : i32
      %dma_start3A_2576 = arith.constant 1 : i32
      %dma_start3A_2577 = arith.constant 0 : i32
      %dma_start3A_2578 = tpu.memref_slice %arg8[%dma_start3A_2575, %dma_start3A_2577] : memref<4x128xi32, #tpu.memory_space<vmem>> -> memref<1x128xi32, #tpu.memory_space<vmem>>
      %dma_start3A_2579 = tpu.memref_squeeze %dma_start3A_2578 : memref<1x128xi32, #tpu.memory_space<vmem>> -> memref<128xi32, #tpu.memory_space<vmem>>
      %dma_start3A_2580 = tpu.memref_slice %arg4[%add3A_2562] : memref<524288xi32, #tpu.memory_space<hbm>> -> memref<128xi32, #tpu.memory_space<hbm>>
      %dma_start3A_2581 = tpu.memref_slice %arg13[%dma_start3A_2576] : memref<4x!tpu.dma_semaphore, #tpu.memory_space<semaphore_mem>> -> memref<1x!tpu.dma_semaphore, #tpu.memory_space<semaphore_mem>>
      %dma_start3A_2582 = tpu.memref_squeeze %dma_start3A_2581 : memref<1x!tpu.dma_semaphore, #tpu.memory_space<semaphore_mem>> -> memref<!tpu.dma_semaphore, #tpu.memory_space<semaphore_mem>>
      %dma_start3A_2583 = arith.constant 0 : i32
      %dma_start3A_2584 = tpu.memref_slice %arg8[%dma_start3A_2575, %dma_start3A_2583] : memref<4x128xi32, #tpu.memory_space<vmem>> -> memref<1x128xi32, #tpu.memory_space<vmem>>
      %dma_start3A_2585 = tpu.memref_squeeze %dma_start3A_2584 : memref<1x128xi32, #tpu.memory_space<vmem>> -> memref<128xi32, #tpu.memory_space<vmem>>
      %dma_start3A_2586 = tpu.memref_slice %arg4[%add3A_2562] : memref<524288xi32, #tpu.memory_space<hbm>> -> memref<128xi32, #tpu.memory_space<hbm>>
      tpu.enqueue_dma source(%dma_start3A_2586 : memref<128xi32, #tpu.memory_space<hbm>>) target(%dma_start3A_2585 : memref<128xi32, #tpu.memory_space<vmem>>) target_semaphore(%dma_start3A_2582 : memref<!tpu.dma_semaphore, #tpu.memory_space<semaphore_mem>>)
      %add3A_2587 = arith.constant 2 : i32
      %add3A_2588 = arith.addi %mul3A_1449, %add3A_2587 : i32
      %mul3A_2589 = arith.constant 128 : i32
      %mul3A_2590 = arith.muli %add3A_2588, %mul3A_2589 : i32
      %add3A_2591 = arith.addi %mul3A_2, %mul3A_2590 : i32
      %dma_wait3A_2592 = arith.constant 2 : i32
      %dma_wait3A_2593 = arith.constant 2 : i32
      %dma_wait3A_2594 = arith.constant 2 : i32
      %dma_wait3A_2595 = arith.constant 0 : i32
      %dma_wait3A_2596 = arith.constant 0 : i32
      %dma_wait3A_2597 = tpu.memref_slice %arg10[%dma_wait3A_2593, %dma_wait3A_2595, %dma_wait3A_2596] : memref<4x128x128xf32, #tpu.memory_space<vmem>> -> memref<1x128x128xf32, #tpu.memory_space<vmem>>
      %dma_wait3A_2598 = tpu.memref_squeeze %dma_wait3A_2597 : memref<1x128x128xf32, #tpu.memory_space<vmem>> -> memref<128x128xf32, #tpu.memory_space<vmem>>
      %dma_wait3A_2599 = arith.constant 0 : i32
      %dma_wait3A_2600 = tpu.memref_slice %arg9[%dma_wait3A_2592, %dma_wait3A_2599] : memref<4x128xi32, #tpu.memory_space<vmem>> -> memref<1x128xi32, #tpu.memory_space<vmem>>
      %dma_wait3A_2601 = tpu.memref_squeeze %dma_wait3A_2600 : memref<1x128xi32, #tpu.memory_space<vmem>> -> memref<128xi32, #tpu.memory_space<vmem>>
      %dma_wait3A_2602 = arith.constant 0 : i32
      %dma_wait3A_2603 = arith.constant 0 : i32
      %dma_wait3A_2604 = tpu.memref_slice %arg11[%dma_wait3A_2602, %dma_wait3A_2603] : memref<1024x128xf32, #tpu.memory_space<vmem_shared>> -> memref<1024x128xf32, #tpu.memory_space<vmem_shared>>
      %dma_wait3A_2605 = tpu.memref_slice %arg14[%dma_wait3A_2594] : memref<4x!tpu.dma_semaphore, #tpu.memory_space<semaphore_mem>> -> memref<1x!tpu.dma_semaphore, #tpu.memory_space<semaphore_mem>>
      %dma_wait3A_2606 = tpu.memref_squeeze %dma_wait3A_2605 : memref<1x!tpu.dma_semaphore, #tpu.memory_space<semaphore_mem>> -> memref<!tpu.dma_semaphore, #tpu.memory_space<semaphore_mem>>
      tpu.wait_indirect_dma semaphore(%dma_wait3A_2606 : memref<!tpu.dma_semaphore, #tpu.memory_space<semaphore_mem>>) src(%dma_wait3A_2604 : memref<1024x128xf32, #tpu.memory_space<vmem_shared>>) dst(%dma_wait3A_2598 : memref<128x128xf32, #tpu.memory_space<vmem>>)
      %dma_start3A_2607 = arith.constant 2 : i32
      %dma_start3A_2608 = arith.constant 2 : i32
      %dma_start3A_2609 = arith.constant 0 : i32
      %dma_start3A_2610 = arith.constant 0 : i32
      %dma_start3A_2611 = tpu.memref_slice %arg10[%dma_start3A_2607, %dma_start3A_2609, %dma_start3A_2610] : memref<4x128x128xf32, #tpu.memory_space<vmem>> -> memref<1x128x128xf32, #tpu.memory_space<vmem>>
      %dma_start3A_2612 = tpu.memref_squeeze %dma_start3A_2611 : memref<1x128x128xf32, #tpu.memory_space<vmem>> -> memref<128x128xf32, #tpu.memory_space<vmem>>
      %dma_start3A_2613 = arith.constant 0 : i32
      %dma_start3A_2614 = tpu.memref_slice %arg6[%add3A_2591, %dma_start3A_2613] : memref<524288x128xf32, #tpu.memory_space<hbm>> -> memref<128x128xf32, #tpu.memory_space<hbm>>
      %dma_start3A_2615 = tpu.memref_slice %arg16[%dma_start3A_2608] : memref<4x!tpu.dma_semaphore, #tpu.memory_space<semaphore_mem>> -> memref<1x!tpu.dma_semaphore, #tpu.memory_space<semaphore_mem>>
      %dma_start3A_2616 = tpu.memref_squeeze %dma_start3A_2615 : memref<1x!tpu.dma_semaphore, #tpu.memory_space<semaphore_mem>> -> memref<!tpu.dma_semaphore, #tpu.memory_space<semaphore_mem>>
      %dma_start3A_2617 = arith.constant 0 : i32
      %dma_start3A_2618 = tpu.memref_slice %arg6[%add3A_2591, %dma_start3A_2617] : memref<524288x128xf32, #tpu.memory_space<hbm>> -> memref<128x128xf32, #tpu.memory_space<hbm>>
      %dma_start3A_2619 = arith.constant 0 : i32
      %dma_start3A_2620 = arith.constant 0 : i32
      %dma_start3A_2621 = tpu.memref_slice %arg10[%dma_start3A_2607, %dma_start3A_2619, %dma_start3A_2620] : memref<4x128x128xf32, #tpu.memory_space<vmem>> -> memref<1x128x128xf32, #tpu.memory_space<vmem>>
      %dma_start3A_2622 = tpu.memref_squeeze %dma_start3A_2621 : memref<1x128x128xf32, #tpu.memory_space<vmem>> -> memref<128x128xf32, #tpu.memory_space<vmem>>
      tpu.enqueue_dma source(%dma_start3A_2622 : memref<128x128xf32, #tpu.memory_space<vmem>>) target(%dma_start3A_2618 : memref<128x128xf32, #tpu.memory_space<hbm>>) target_semaphore(%dma_start3A_2616 : memref<!tpu.dma_semaphore, #tpu.memory_space<semaphore_mem>>)
      %add3A_2623 = arith.constant 4 : i32
      %add3A_2624 = arith.addi %mul3A_1449, %add3A_2623 : i32
      %add3A_2625 = arith.constant 2 : i32
      %add3A_2626 = arith.addi %add3A_2624, %add3A_2625 : i32
      %min3A_2627 = arith.constant 127 : i32
      %min3A_2628 = arith.minsi %add3A_2626, %min3A_2627 : i32
      %mul3A_2629 = arith.constant 128 : i32
      %mul3A_2630 = arith.muli %min3A_2628, %mul3A_2629 : i32
      %add3A_2631 = arith.addi %mul3A_2, %mul3A_2630 : i32
      %dma_start3A_2632 = arith.constant 2 : i32
      %dma_start3A_2633 = arith.constant 2 : i32
      %dma_start3A_2634 = arith.constant 0 : i32
      %dma_start3A_2635 = tpu.memref_slice %arg7[%dma_start3A_2632, %dma_start3A_2634] : memref<4x128xi32, #tpu.memory_space<vmem>> -> memref<1x128xi32, #tpu.memory_space<vmem>>
      %dma_start3A_2636 = tpu.memref_squeeze %dma_start3A_2635 : memref<1x128xi32, #tpu.memory_space<vmem>> -> memref<128xi32, #tpu.memory_space<vmem>>
      %dma_start3A_2637 = tpu.memref_slice %arg3[%add3A_2631] : memref<524288xi32, #tpu.memory_space<hbm>> -> memref<128xi32, #tpu.memory_space<hbm>>
      %dma_start3A_2638 = tpu.memref_slice %arg12[%dma_start3A_2633] : memref<4x!tpu.dma_semaphore, #tpu.memory_space<semaphore_mem>> -> memref<1x!tpu.dma_semaphore, #tpu.memory_space<semaphore_mem>>
      %dma_start3A_2639 = tpu.memref_squeeze %dma_start3A_2638 : memref<1x!tpu.dma_semaphore, #tpu.memory_space<semaphore_mem>> -> memref<!tpu.dma_semaphore, #tpu.memory_space<semaphore_mem>>
      %dma_start3A_2640 = arith.constant 0 : i32
      %dma_start3A_2641 = tpu.memref_slice %arg7[%dma_start3A_2632, %dma_start3A_2640] : memref<4x128xi32, #tpu.memory_space<vmem>> -> memref<1x128xi32, #tpu.memory_space<vmem>>
      %dma_start3A_2642 = tpu.memref_squeeze %dma_start3A_2641 : memref<1x128xi32, #tpu.memory_space<vmem>> -> memref<128xi32, #tpu.memory_space<vmem>>
      %dma_start3A_2643 = tpu.memref_slice %arg3[%add3A_2631] : memref<524288xi32, #tpu.memory_space<hbm>> -> memref<128xi32, #tpu.memory_space<hbm>>
      tpu.enqueue_dma source(%dma_start3A_2643 : memref<128xi32, #tpu.memory_space<hbm>>) target(%dma_start3A_2642 : memref<128xi32, #tpu.memory_space<vmem>>) target_semaphore(%dma_start3A_2639 : memref<!tpu.dma_semaphore, #tpu.memory_space<semaphore_mem>>)
      %dma_start3A_2644 = arith.constant 2 : i32
      %dma_start3A_2645 = arith.constant 2 : i32
      %dma_start3A_2646 = arith.constant 0 : i32
      %dma_start3A_2647 = tpu.memref_slice %arg8[%dma_start3A_2644, %dma_start3A_2646] : memref<4x128xi32, #tpu.memory_space<vmem>> -> memref<1x128xi32, #tpu.memory_space<vmem>>
      %dma_start3A_2648 = tpu.memref_squeeze %dma_start3A_2647 : memref<1x128xi32, #tpu.memory_space<vmem>> -> memref<128xi32, #tpu.memory_space<vmem>>
      %dma_start3A_2649 = tpu.memref_slice %arg4[%add3A_2631] : memref<524288xi32, #tpu.memory_space<hbm>> -> memref<128xi32, #tpu.memory_space<hbm>>
      %dma_start3A_2650 = tpu.memref_slice %arg13[%dma_start3A_2645] : memref<4x!tpu.dma_semaphore, #tpu.memory_space<semaphore_mem>> -> memref<1x!tpu.dma_semaphore, #tpu.memory_space<semaphore_mem>>
      %dma_start3A_2651 = tpu.memref_squeeze %dma_start3A_2650 : memref<1x!tpu.dma_semaphore, #tpu.memory_space<semaphore_mem>> -> memref<!tpu.dma_semaphore, #tpu.memory_space<semaphore_mem>>
      %dma_start3A_2652 = arith.constant 0 : i32
      %dma_start3A_2653 = tpu.memref_slice %arg8[%dma_start3A_2644, %dma_start3A_2652] : memref<4x128xi32, #tpu.memory_space<vmem>> -> memref<1x128xi32, #tpu.memory_space<vmem>>
      %dma_start3A_2654 = tpu.memref_squeeze %dma_start3A_2653 : memref<1x128xi32, #tpu.memory_space<vmem>> -> memref<128xi32, #tpu.memory_space<vmem>>
      %dma_start3A_2655 = tpu.memref_slice %arg4[%add3A_2631] : memref<524288xi32, #tpu.memory_space<hbm>> -> memref<128xi32, #tpu.memory_space<hbm>>
      tpu.enqueue_dma source(%dma_start3A_2655 : memref<128xi32, #tpu.memory_space<hbm>>) target(%dma_start3A_2654 : memref<128xi32, #tpu.memory_space<vmem>>) target_semaphore(%dma_start3A_2651 : memref<!tpu.dma_semaphore, #tpu.memory_space<semaphore_mem>>)
      %add3A_2656 = arith.constant 3 : i32
      %add3A_2657 = arith.addi %mul3A_1449, %add3A_2656 : i32
      %mul3A_2658 = arith.constant 128 : i32
      %mul3A_2659 = arith.muli %add3A_2657, %mul3A_2658 : i32
      %add3A_2660 = arith.addi %mul3A_2, %mul3A_2659 : i32
      %dma_wait3A_2661 = arith.constant 3 : i32
      %dma_wait3A_2662 = arith.constant 3 : i32
      %dma_wait3A_2663 = arith.constant 3 : i32
      %dma_wait3A_2664 = arith.constant 0 : i32
      %dma_wait3A_2665 = arith.constant 0 : i32
      %dma_wait3A_2666 = tpu.memref_slice %arg10[%dma_wait3A_2662, %dma_wait3A_2664, %dma_wait3A_2665] : memref<4x128x128xf32, #tpu.memory_space<vmem>> -> memref<1x128x128xf32, #tpu.memory_space<vmem>>
      %dma_wait3A_2667 = tpu.memref_squeeze %dma_wait3A_2666 : memref<1x128x128xf32, #tpu.memory_space<vmem>> -> memref<128x128xf32, #tpu.memory_space<vmem>>
      %dma_wait3A_2668 = arith.constant 0 : i32
      %dma_wait3A_2669 = tpu.memref_slice %arg9[%dma_wait3A_2661, %dma_wait3A_2668] : memref<4x128xi32, #tpu.memory_space<vmem>> -> memref<1x128xi32, #tpu.memory_space<vmem>>
      %dma_wait3A_2670 = tpu.memref_squeeze %dma_wait3A_2669 : memref<1x128xi32, #tpu.memory_space<vmem>> -> memref<128xi32, #tpu.memory_space<vmem>>
      %dma_wait3A_2671 = arith.constant 0 : i32
      %dma_wait3A_2672 = arith.constant 0 : i32
      %dma_wait3A_2673 = tpu.memref_slice %arg11[%dma_wait3A_2671, %dma_wait3A_2672] : memref<1024x128xf32, #tpu.memory_space<vmem_shared>> -> memref<1024x128xf32, #tpu.memory_space<vmem_shared>>
      %dma_wait3A_2674 = tpu.memref_slice %arg14[%dma_wait3A_2663] : memref<4x!tpu.dma_semaphore, #tpu.memory_space<semaphore_mem>> -> memref<1x!tpu.dma_semaphore, #tpu.memory_space<semaphore_mem>>
      %dma_wait3A_2675 = tpu.memref_squeeze %dma_wait3A_2674 : memref<1x!tpu.dma_semaphore, #tpu.memory_space<semaphore_mem>> -> memref<!tpu.dma_semaphore, #tpu.memory_space<semaphore_mem>>
      tpu.wait_indirect_dma semaphore(%dma_wait3A_2675 : memref<!tpu.dma_semaphore, #tpu.memory_space<semaphore_mem>>) src(%dma_wait3A_2673 : memref<1024x128xf32, #tpu.memory_space<vmem_shared>>) dst(%dma_wait3A_2667 : memref<128x128xf32, #tpu.memory_space<vmem>>)
      %dma_start3A_2676 = arith.constant 3 : i32
      %dma_start3A_2677 = arith.constant 3 : i32
      %dma_start3A_2678 = arith.constant 0 : i32
      %dma_start3A_2679 = arith.constant 0 : i32
      %dma_start3A_2680 = tpu.memref_slice %arg10[%dma_start3A_2676, %dma_start3A_2678, %dma_start3A_2679] : memref<4x128x128xf32, #tpu.memory_space<vmem>> -> memref<1x128x128xf32, #tpu.memory_space<vmem>>
      %dma_start3A_2681 = tpu.memref_squeeze %dma_start3A_2680 : memref<1x128x128xf32, #tpu.memory_space<vmem>> -> memref<128x128xf32, #tpu.memory_space<vmem>>
      %dma_start3A_2682 = arith.constant 0 : i32
      %dma_start3A_2683 = tpu.memref_slice %arg6[%add3A_2660, %dma_start3A_2682] : memref<524288x128xf32, #tpu.memory_space<hbm>> -> memref<128x128xf32, #tpu.memory_space<hbm>>
      %dma_start3A_2684 = tpu.memref_slice %arg16[%dma_start3A_2677] : memref<4x!tpu.dma_semaphore, #tpu.memory_space<semaphore_mem>> -> memref<1x!tpu.dma_semaphore, #tpu.memory_space<semaphore_mem>>
      %dma_start3A_2685 = tpu.memref_squeeze %dma_start3A_2684 : memref<1x!tpu.dma_semaphore, #tpu.memory_space<semaphore_mem>> -> memref<!tpu.dma_semaphore, #tpu.memory_space<semaphore_mem>>
      %dma_start3A_2686 = arith.constant 0 : i32
      %dma_start3A_2687 = tpu.memref_slice %arg6[%add3A_2660, %dma_start3A_2686] : memref<524288x128xf32, #tpu.memory_space<hbm>> -> memref<128x128xf32, #tpu.memory_space<hbm>>
      %dma_start3A_2688 = arith.constant 0 : i32
      %dma_start3A_2689 = arith.constant 0 : i32
      %dma_start3A_2690 = tpu.memref_slice %arg10[%dma_start3A_2676, %dma_start3A_2688, %dma_start3A_2689] : memref<4x128x128xf32, #tpu.memory_space<vmem>> -> memref<1x128x128xf32, #tpu.memory_space<vmem>>
      %dma_start3A_2691 = tpu.memref_squeeze %dma_start3A_2690 : memref<1x128x128xf32, #tpu.memory_space<vmem>> -> memref<128x128xf32, #tpu.memory_space<vmem>>
      tpu.enqueue_dma source(%dma_start3A_2691 : memref<128x128xf32, #tpu.memory_space<vmem>>) target(%dma_start3A_2687 : memref<128x128xf32, #tpu.memory_space<hbm>>) target_semaphore(%dma_start3A_2685 : memref<!tpu.dma_semaphore, #tpu.memory_space<semaphore_mem>>)
      %add3A_2692 = arith.constant 4 : i32
      %add3A_2693 = arith.addi %mul3A_1449, %add3A_2692 : i32
      %add3A_2694 = arith.constant 3 : i32
      %add3A_2695 = arith.addi %add3A_2693, %add3A_2694 : i32
      %min3A_2696 = arith.constant 127 : i32
      %min3A_2697 = arith.minsi %add3A_2695, %min3A_2696 : i32
      %mul3A_2698 = arith.constant 128 : i32
      %mul3A_2699 = arith.muli %min3A_2697, %mul3A_2698 : i32
      %add3A_2700 = arith.addi %mul3A_2, %mul3A_2699 : i32
      %dma_start3A_2701 = arith.constant 3 : i32
      %dma_start3A_2702 = arith.constant 3 : i32
      %dma_start3A_2703 = arith.constant 0 : i32
      %dma_start3A_2704 = tpu.memref_slice %arg7[%dma_start3A_2701, %dma_start3A_2703] : memref<4x128xi32, #tpu.memory_space<vmem>> -> memref<1x128xi32, #tpu.memory_space<vmem>>
      %dma_start3A_2705 = tpu.memref_squeeze %dma_start3A_2704 : memref<1x128xi32, #tpu.memory_space<vmem>> -> memref<128xi32, #tpu.memory_space<vmem>>
      %dma_start3A_2706 = tpu.memref_slice %arg3[%add3A_2700] : memref<524288xi32, #tpu.memory_space<hbm>> -> memref<128xi32, #tpu.memory_space<hbm>>
      %dma_start3A_2707 = tpu.memref_slice %arg12[%dma_start3A_2702] : memref<4x!tpu.dma_semaphore, #tpu.memory_space<semaphore_mem>> -> memref<1x!tpu.dma_semaphore, #tpu.memory_space<semaphore_mem>>
      %dma_start3A_2708 = tpu.memref_squeeze %dma_start3A_2707 : memref<1x!tpu.dma_semaphore, #tpu.memory_space<semaphore_mem>> -> memref<!tpu.dma_semaphore, #tpu.memory_space<semaphore_mem>>
      %dma_start3A_2709 = arith.constant 0 : i32
      %dma_start3A_2710 = tpu.memref_slice %arg7[%dma_start3A_2701, %dma_start3A_2709] : memref<4x128xi32, #tpu.memory_space<vmem>> -> memref<1x128xi32, #tpu.memory_space<vmem>>
      %dma_start3A_2711 = tpu.memref_squeeze %dma_start3A_2710 : memref<1x128xi32, #tpu.memory_space<vmem>> -> memref<128xi32, #tpu.memory_space<vmem>>
      %dma_start3A_2712 = tpu.memref_slice %arg3[%add3A_2700] : memref<524288xi32, #tpu.memory_space<hbm>> -> memref<128xi32, #tpu.memory_space<hbm>>
      tpu.enqueue_dma source(%dma_start3A_2712 : memref<128xi32, #tpu.memory_space<hbm>>) target(%dma_start3A_2711 : memref<128xi32, #tpu.memory_space<vmem>>) target_semaphore(%dma_start3A_2708 : memref<!tpu.dma_semaphore, #tpu.memory_space<semaphore_mem>>)
      %dma_start3A_2713 = arith.constant 3 : i32
      %dma_start3A_2714 = arith.constant 3 : i32
      %dma_start3A_2715 = arith.constant 0 : i32
      %dma_start3A_2716 = tpu.memref_slice %arg8[%dma_start3A_2713, %dma_start3A_2715] : memref<4x128xi32, #tpu.memory_space<vmem>> -> memref<1x128xi32, #tpu.memory_space<vmem>>
      %dma_start3A_2717 = tpu.memref_squeeze %dma_start3A_2716 : memref<1x128xi32, #tpu.memory_space<vmem>> -> memref<128xi32, #tpu.memory_space<vmem>>
      %dma_start3A_2718 = tpu.memref_slice %arg4[%add3A_2700] : memref<524288xi32, #tpu.memory_space<hbm>> -> memref<128xi32, #tpu.memory_space<hbm>>
      %dma_start3A_2719 = tpu.memref_slice %arg13[%dma_start3A_2714] : memref<4x!tpu.dma_semaphore, #tpu.memory_space<semaphore_mem>> -> memref<1x!tpu.dma_semaphore, #tpu.memory_space<semaphore_mem>>
      %dma_start3A_2720 = tpu.memref_squeeze %dma_start3A_2719 : memref<1x!tpu.dma_semaphore, #tpu.memory_space<semaphore_mem>> -> memref<!tpu.dma_semaphore, #tpu.memory_space<semaphore_mem>>
      %dma_start3A_2721 = arith.constant 0 : i32
      %dma_start3A_2722 = tpu.memref_slice %arg8[%dma_start3A_2713, %dma_start3A_2721] : memref<4x128xi32, #tpu.memory_space<vmem>> -> memref<1x128xi32, #tpu.memory_space<vmem>>
      %dma_start3A_2723 = tpu.memref_squeeze %dma_start3A_2722 : memref<1x128xi32, #tpu.memory_space<vmem>> -> memref<128xi32, #tpu.memory_space<vmem>>
      %dma_start3A_2724 = tpu.memref_slice %arg4[%add3A_2700] : memref<524288xi32, #tpu.memory_space<hbm>> -> memref<128xi32, #tpu.memory_space<hbm>>
      tpu.enqueue_dma source(%dma_start3A_2724 : memref<128xi32, #tpu.memory_space<hbm>>) target(%dma_start3A_2723 : memref<128xi32, #tpu.memory_space<vmem>>) target_semaphore(%dma_start3A_2720 : memref<!tpu.dma_semaphore, #tpu.memory_space<semaphore_mem>>)
      %scan3A_2725 = arith.constant 0 : i32
      scf.yield %scan3A_2725 : i32
    }
    %scan3A_1261 = arith.constant 31 : i32
    %dma_wait3A_1262 = arith.constant 0 : i32
    %dma_wait3A_1263 = arith.constant 0 : i32
    %dma_wait3A_1264 = arith.constant 0 : i32
    %dma_wait3A_1265 = arith.constant 0 : i32
    %dma_wait3A_1266 = tpu.memref_slice %arg10[%dma_wait3A_1262, %dma_wait3A_1264, %dma_wait3A_1265] : memref<4x128x128xf32, #tpu.memory_space<vmem>> -> memref<1x128x128xf32, #tpu.memory_space<vmem>>
    %dma_wait3A_1267 = tpu.memref_squeeze %dma_wait3A_1266 : memref<1x128x128xf32, #tpu.memory_space<vmem>> -> memref<128x128xf32, #tpu.memory_space<vmem>>
    %dma_wait3A_1268 = arith.constant 0 : i32
    %dma_wait3A_1269 = arith.constant 0 : i32
    %dma_wait3A_1270 = tpu.memref_slice %arg6[%dma_wait3A_1268, %dma_wait3A_1269] : memref<524288x128xf32, #tpu.memory_space<hbm>> -> memref<128x128xf32, #tpu.memory_space<hbm>>
    %dma_wait3A_1271 = tpu.memref_slice %arg16[%dma_wait3A_1263] : memref<4x!tpu.dma_semaphore, #tpu.memory_space<semaphore_mem>> -> memref<1x!tpu.dma_semaphore, #tpu.memory_space<semaphore_mem>>
    %dma_wait3A_1272 = tpu.memref_squeeze %dma_wait3A_1271 : memref<1x!tpu.dma_semaphore, #tpu.memory_space<semaphore_mem>> -> memref<!tpu.dma_semaphore, #tpu.memory_space<semaphore_mem>>
    %dma_wait3A_1273 = arith.constant 0 : i32
    %dma_wait3A_1274 = arith.constant 0 : i32
    %dma_wait3A_1275 = tpu.memref_slice %arg6[%dma_wait3A_1273, %dma_wait3A_1274] : memref<524288x128xf32, #tpu.memory_space<hbm>> -> memref<128x128xf32, #tpu.memory_space<hbm>>
    %dma_wait3A_1276 = arith.constant 0 : i32
    %dma_wait3A_1277 = arith.constant 0 : i32
    %dma_wait3A_1278 = tpu.memref_slice %arg10[%dma_wait3A_1262, %dma_wait3A_1276, %dma_wait3A_1277] : memref<4x128x128xf32, #tpu.memory_space<vmem>> -> memref<1x128x128xf32, #tpu.memory_space<vmem>>
    %dma_wait3A_1279 = tpu.memref_squeeze %dma_wait3A_1278 : memref<1x128x128xf32, #tpu.memory_space<vmem>> -> memref<128x128xf32, #tpu.memory_space<vmem>>
    tpu.wait_dma2 semaphore(%dma_wait3A_1272 : memref<!tpu.dma_semaphore, #tpu.memory_space<semaphore_mem>>) src(%dma_wait3A_1279 : memref<128x128xf32, #tpu.memory_space<vmem>>) dst(%dma_wait3A_1275 : memref<128x128xf32, #tpu.memory_space<hbm>>)
    %dma_wait3A_1280 = arith.constant 0 : i32
    %dma_wait3A_1281 = arith.constant 0 : i32
    %dma_wait3A_1282 = arith.constant 0 : i32
    %dma_wait3A_1283 = tpu.memref_slice %arg7[%dma_wait3A_1280, %dma_wait3A_1282] : memref<4x128xi32, #tpu.memory_space<vmem>> -> memref<1x128xi32, #tpu.memory_space<vmem>>
    %dma_wait3A_1284 = tpu.memref_squeeze %dma_wait3A_1283 : memref<1x128xi32, #tpu.memory_space<vmem>> -> memref<128xi32, #tpu.memory_space<vmem>>
    %dma_wait3A_1285 = arith.constant 0 : i32
    %dma_wait3A_1286 = tpu.memref_slice %arg3[%dma_wait3A_1285] : memref<524288xi32, #tpu.memory_space<hbm>> -> memref<128xi32, #tpu.memory_space<hbm>>
    %dma_wait3A_1287 = tpu.memref_slice %arg12[%dma_wait3A_1281] : memref<4x!tpu.dma_semaphore, #tpu.memory_space<semaphore_mem>> -> memref<1x!tpu.dma_semaphore, #tpu.memory_space<semaphore_mem>>
    %dma_wait3A_1288 = tpu.memref_squeeze %dma_wait3A_1287 : memref<1x!tpu.dma_semaphore, #tpu.memory_space<semaphore_mem>> -> memref<!tpu.dma_semaphore, #tpu.memory_space<semaphore_mem>>
    %dma_wait3A_1289 = arith.constant 0 : i32
    %dma_wait3A_1290 = tpu.memref_slice %arg7[%dma_wait3A_1280, %dma_wait3A_1289] : memref<4x128xi32, #tpu.memory_space<vmem>> -> memref<1x128xi32, #tpu.memory_space<vmem>>
    %dma_wait3A_1291 = tpu.memref_squeeze %dma_wait3A_1290 : memref<1x128xi32, #tpu.memory_space<vmem>> -> memref<128xi32, #tpu.memory_space<vmem>>
    %dma_wait3A_1292 = arith.constant 0 : i32
    %dma_wait3A_1293 = tpu.memref_slice %arg3[%dma_wait3A_1292] : memref<524288xi32, #tpu.memory_space<hbm>> -> memref<128xi32, #tpu.memory_space<hbm>>
    tpu.wait_dma2 semaphore(%dma_wait3A_1288 : memref<!tpu.dma_semaphore, #tpu.memory_space<semaphore_mem>>) src(%dma_wait3A_1293 : memref<128xi32, #tpu.memory_space<hbm>>) dst(%dma_wait3A_1291 : memref<128xi32, #tpu.memory_space<vmem>>)
    %dma_wait3A_1294 = arith.constant 0 : i32
    %dma_wait3A_1295 = arith.constant 0 : i32
    %dma_wait3A_1296 = arith.constant 0 : i32
    %dma_wait3A_1297 = tpu.memref_slice %arg8[%dma_wait3A_1294, %dma_wait3A_1296] : memref<4x128xi32, #tpu.memory_space<vmem>> -> memref<1x128xi32, #tpu.memory_space<vmem>>
    %dma_wait3A_1298 = tpu.memref_squeeze %dma_wait3A_1297 : memref<1x128xi32, #tpu.memory_space<vmem>> -> memref<128xi32, #tpu.memory_space<vmem>>
    %dma_wait3A_1299 = arith.constant 0 : i32
    %dma_wait3A_1300 = tpu.memref_slice %arg4[%dma_wait3A_1299] : memref<524288xi32, #tpu.memory_space<hbm>> -> memref<128xi32, #tpu.memory_space<hbm>>
    %dma_wait3A_1301 = tpu.memref_slice %arg13[%dma_wait3A_1295] : memref<4x!tpu.dma_semaphore, #tpu.memory_space<semaphore_mem>> -> memref<1x!tpu.dma_semaphore, #tpu.memory_space<semaphore_mem>>
    %dma_wait3A_1302 = tpu.memref_squeeze %dma_wait3A_1301 : memref<1x!tpu.dma_semaphore, #tpu.memory_space<semaphore_mem>> -> memref<!tpu.dma_semaphore, #tpu.memory_space<semaphore_mem>>
    %dma_wait3A_1303 = arith.constant 0 : i32
    %dma_wait3A_1304 = tpu.memref_slice %arg8[%dma_wait3A_1294, %dma_wait3A_1303] : memref<4x128xi32, #tpu.memory_space<vmem>> -> memref<1x128xi32, #tpu.memory_space<vmem>>
    %dma_wait3A_1305 = tpu.memref_squeeze %dma_wait3A_1304 : memref<1x128xi32, #tpu.memory_space<vmem>> -> memref<128xi32, #tpu.memory_space<vmem>>
    %dma_wait3A_1306 = arith.constant 0 : i32
    %dma_wait3A_1307 = tpu.memref_slice %arg4[%dma_wait3A_1306] : memref<524288xi32, #tpu.memory_space<hbm>> -> memref<128xi32, #tpu.memory_space<hbm>>
    tpu.wait_dma2 semaphore(%dma_wait3A_1302 : memref<!tpu.dma_semaphore, #tpu.memory_space<semaphore_mem>>) src(%dma_wait3A_1307 : memref<128xi32, #tpu.memory_space<hbm>>) dst(%dma_wait3A_1305 : memref<128xi32, #tpu.memory_space<vmem>>)
    %dma_wait3A_1308 = arith.constant 1 : i32
    %dma_wait3A_1309 = arith.constant 1 : i32
    %dma_wait3A_1310 = arith.constant 0 : i32
    %dma_wait3A_1311 = arith.constant 0 : i32
    %dma_wait3A_1312 = tpu.memref_slice %arg10[%dma_wait3A_1308, %dma_wait3A_1310, %dma_wait3A_1311] : memref<4x128x128xf32, #tpu.memory_space<vmem>> -> memref<1x128x128xf32, #tpu.memory_space<vmem>>
    %dma_wait3A_1313 = tpu.memref_squeeze %dma_wait3A_1312 : memref<1x128x128xf32, #tpu.memory_space<vmem>> -> memref<128x128xf32, #tpu.memory_space<vmem>>
    %dma_wait3A_1314 = arith.constant 0 : i32
    %dma_wait3A_1315 = arith.constant 0 : i32
    %dma_wait3A_1316 = tpu.memref_slice %arg6[%dma_wait3A_1314, %dma_wait3A_1315] : memref<524288x128xf32, #tpu.memory_space<hbm>> -> memref<128x128xf32, #tpu.memory_space<hbm>>
    %dma_wait3A_1317 = tpu.memref_slice %arg16[%dma_wait3A_1309] : memref<4x!tpu.dma_semaphore, #tpu.memory_space<semaphore_mem>> -> memref<1x!tpu.dma_semaphore, #tpu.memory_space<semaphore_mem>>
    %dma_wait3A_1318 = tpu.memref_squeeze %dma_wait3A_1317 : memref<1x!tpu.dma_semaphore, #tpu.memory_space<semaphore_mem>> -> memref<!tpu.dma_semaphore, #tpu.memory_space<semaphore_mem>>
    %dma_wait3A_1319 = arith.constant 0 : i32
    %dma_wait3A_1320 = arith.constant 0 : i32
    %dma_wait3A_1321 = tpu.memref_slice %arg6[%dma_wait3A_1319, %dma_wait3A_1320] : memref<524288x128xf32, #tpu.memory_space<hbm>> -> memref<128x128xf32, #tpu.memory_space<hbm>>
    %dma_wait3A_1322 = arith.constant 0 : i32
    %dma_wait3A_1323 = arith.constant 0 : i32
    %dma_wait3A_1324 = tpu.memref_slice %arg10[%dma_wait3A_1308, %dma_wait3A_1322, %dma_wait3A_1323] : memref<4x128x128xf32, #tpu.memory_space<vmem>> -> memref<1x128x128xf32, #tpu.memory_space<vmem>>
    %dma_wait3A_1325 = tpu.memref_squeeze %dma_wait3A_1324 : memref<1x128x128xf32, #tpu.memory_space<vmem>> -> memref<128x128xf32, #tpu.memory_space<vmem>>
    tpu.wait_dma2 semaphore(%dma_wait3A_1318 : memref<!tpu.dma_semaphore, #tpu.memory_space<semaphore_mem>>) src(%dma_wait3A_1325 : memref<128x128xf32, #tpu.memory_space<vmem>>) dst(%dma_wait3A_1321 : memref<128x128xf32, #tpu.memory_space<hbm>>)
    %dma_wait3A_1326 = arith.constant 1 : i32
    %dma_wait3A_1327 = arith.constant 1 : i32
    %dma_wait3A_1328 = arith.constant 0 : i32
    %dma_wait3A_1329 = tpu.memref_slice %arg7[%dma_wait3A_1326, %dma_wait3A_1328] : memref<4x128xi32, #tpu.memory_space<vmem>> -> memref<1x128xi32, #tpu.memory_space<vmem>>
    %dma_wait3A_1330 = tpu.memref_squeeze %dma_wait3A_1329 : memref<1x128xi32, #tpu.memory_space<vmem>> -> memref<128xi32, #tpu.memory_space<vmem>>
    %dma_wait3A_1331 = arith.constant 0 : i32
    %dma_wait3A_1332 = tpu.memref_slice %arg3[%dma_wait3A_1331] : memref<524288xi32, #tpu.memory_space<hbm>> -> memref<128xi32, #tpu.memory_space<hbm>>
    %dma_wait3A_1333 = tpu.memref_slice %arg12[%dma_wait3A_1327] : memref<4x!tpu.dma_semaphore, #tpu.memory_space<semaphore_mem>> -> memref<1x!tpu.dma_semaphore, #tpu.memory_space<semaphore_mem>>
    %dma_wait3A_1334 = tpu.memref_squeeze %dma_wait3A_1333 : memref<1x!tpu.dma_semaphore, #tpu.memory_space<semaphore_mem>> -> memref<!tpu.dma_semaphore, #tpu.memory_space<semaphore_mem>>
    %dma_wait3A_1335 = arith.constant 0 : i32
    %dma_wait3A_1336 = tpu.memref_slice %arg7[%dma_wait3A_1326, %dma_wait3A_1335] : memref<4x128xi32, #tpu.memory_space<vmem>> -> memref<1x128xi32, #tpu.memory_space<vmem>>
    %dma_wait3A_1337 = tpu.memref_squeeze %dma_wait3A_1336 : memref<1x128xi32, #tpu.memory_space<vmem>> -> memref<128xi32, #tpu.memory_space<vmem>>
    %dma_wait3A_1338 = arith.constant 0 : i32
    %dma_wait3A_1339 = tpu.memref_slice %arg3[%dma_wait3A_1338] : memref<524288xi32, #tpu.memory_space<hbm>> -> memref<128xi32, #tpu.memory_space<hbm>>
    tpu.wait_dma2 semaphore(%dma_wait3A_1334 : memref<!tpu.dma_semaphore, #tpu.memory_space<semaphore_mem>>) src(%dma_wait3A_1339 : memref<128xi32, #tpu.memory_space<hbm>>) dst(%dma_wait3A_1337 : memref<128xi32, #tpu.memory_space<vmem>>)
    %dma_wait3A_1340 = arith.constant 1 : i32
    %dma_wait3A_1341 = arith.constant 1 : i32
    %dma_wait3A_1342 = arith.constant 0 : i32
    %dma_wait3A_1343 = tpu.memref_slice %arg8[%dma_wait3A_1340, %dma_wait3A_1342] : memref<4x128xi32, #tpu.memory_space<vmem>> -> memref<1x128xi32, #tpu.memory_space<vmem>>
    %dma_wait3A_1344 = tpu.memref_squeeze %dma_wait3A_1343 : memref<1x128xi32, #tpu.memory_space<vmem>> -> memref<128xi32, #tpu.memory_space<vmem>>
    %dma_wait3A_1345 = arith.constant 0 : i32
    %dma_wait3A_1346 = tpu.memref_slice %arg4[%dma_wait3A_1345] : memref<524288xi32, #tpu.memory_space<hbm>> -> memref<128xi32, #tpu.memory_space<hbm>>
    %dma_wait3A_1347 = tpu.memref_slice %arg13[%dma_wait3A_1341] : memref<4x!tpu.dma_semaphore, #tpu.memory_space<semaphore_mem>> -> memref<1x!tpu.dma_semaphore, #tpu.memory_space<semaphore_mem>>
    %dma_wait3A_1348 = tpu.memref_squeeze %dma_wait3A_1347 : memref<1x!tpu.dma_semaphore, #tpu.memory_space<semaphore_mem>> -> memref<!tpu.dma_semaphore, #tpu.memory_space<semaphore_mem>>
    %dma_wait3A_1349 = arith.constant 0 : i32
    %dma_wait3A_1350 = tpu.memref_slice %arg8[%dma_wait3A_1340, %dma_wait3A_1349] : memref<4x128xi32, #tpu.memory_space<vmem>> -> memref<1x128xi32, #tpu.memory_space<vmem>>
    %dma_wait3A_1351 = tpu.memref_squeeze %dma_wait3A_1350 : memref<1x128xi32, #tpu.memory_space<vmem>> -> memref<128xi32, #tpu.memory_space<vmem>>
    %dma_wait3A_1352 = arith.constant 0 : i32
    %dma_wait3A_1353 = tpu.memref_slice %arg4[%dma_wait3A_1352] : memref<524288xi32, #tpu.memory_space<hbm>> -> memref<128xi32, #tpu.memory_space<hbm>>
    tpu.wait_dma2 semaphore(%dma_wait3A_1348 : memref<!tpu.dma_semaphore, #tpu.memory_space<semaphore_mem>>) src(%dma_wait3A_1353 : memref<128xi32, #tpu.memory_space<hbm>>) dst(%dma_wait3A_1351 : memref<128xi32, #tpu.memory_space<vmem>>)
    %dma_wait3A_1354 = arith.constant 2 : i32
    %dma_wait3A_1355 = arith.constant 2 : i32
    %dma_wait3A_1356 = arith.constant 0 : i32
    %dma_wait3A_1357 = arith.constant 0 : i32
    %dma_wait3A_1358 = tpu.memref_slice %arg10[%dma_wait3A_1354, %dma_wait3A_1356, %dma_wait3A_1357] : memref<4x128x128xf32, #tpu.memory_space<vmem>> -> memref<1x128x128xf32, #tpu.memory_space<vmem>>
    %dma_wait3A_1359 = tpu.memref_squeeze %dma_wait3A_1358 : memref<1x128x128xf32, #tpu.memory_space<vmem>> -> memref<128x128xf32, #tpu.memory_space<vmem>>
    %dma_wait3A_1360 = arith.constant 0 : i32
    %dma_wait3A_1361 = arith.constant 0 : i32
    %dma_wait3A_1362 = tpu.memref_slice %arg6[%dma_wait3A_1360, %dma_wait3A_1361] : memref<524288x128xf32, #tpu.memory_space<hbm>> -> memref<128x128xf32, #tpu.memory_space<hbm>>
    %dma_wait3A_1363 = tpu.memref_slice %arg16[%dma_wait3A_1355] : memref<4x!tpu.dma_semaphore, #tpu.memory_space<semaphore_mem>> -> memref<1x!tpu.dma_semaphore, #tpu.memory_space<semaphore_mem>>
    %dma_wait3A_1364 = tpu.memref_squeeze %dma_wait3A_1363 : memref<1x!tpu.dma_semaphore, #tpu.memory_space<semaphore_mem>> -> memref<!tpu.dma_semaphore, #tpu.memory_space<semaphore_mem>>
    %dma_wait3A_1365 = arith.constant 0 : i32
    %dma_wait3A_1366 = arith.constant 0 : i32
    %dma_wait3A_1367 = tpu.memref_slice %arg6[%dma_wait3A_1365, %dma_wait3A_1366] : memref<524288x128xf32, #tpu.memory_space<hbm>> -> memref<128x128xf32, #tpu.memory_space<hbm>>
    %dma_wait3A_1368 = arith.constant 0 : i32
    %dma_wait3A_1369 = arith.constant 0 : i32
    %dma_wait3A_1370 = tpu.memref_slice %arg10[%dma_wait3A_1354, %dma_wait3A_1368, %dma_wait3A_1369] : memref<4x128x128xf32, #tpu.memory_space<vmem>> -> memref<1x128x128xf32, #tpu.memory_space<vmem>>
    %dma_wait3A_1371 = tpu.memref_squeeze %dma_wait3A_1370 : memref<1x128x128xf32, #tpu.memory_space<vmem>> -> memref<128x128xf32, #tpu.memory_space<vmem>>
    tpu.wait_dma2 semaphore(%dma_wait3A_1364 : memref<!tpu.dma_semaphore, #tpu.memory_space<semaphore_mem>>) src(%dma_wait3A_1371 : memref<128x128xf32, #tpu.memory_space<vmem>>) dst(%dma_wait3A_1367 : memref<128x128xf32, #tpu.memory_space<hbm>>)
    %dma_wait3A_1372 = arith.constant 2 : i32
    %dma_wait3A_1373 = arith.constant 2 : i32
    %dma_wait3A_1374 = arith.constant 0 : i32
    %dma_wait3A_1375 = tpu.memref_slice %arg7[%dma_wait3A_1372, %dma_wait3A_1374] : memref<4x128xi32, #tpu.memory_space<vmem>> -> memref<1x128xi32, #tpu.memory_space<vmem>>
    %dma_wait3A_1376 = tpu.memref_squeeze %dma_wait3A_1375 : memref<1x128xi32, #tpu.memory_space<vmem>> -> memref<128xi32, #tpu.memory_space<vmem>>
    %dma_wait3A_1377 = arith.constant 0 : i32
    %dma_wait3A_1378 = tpu.memref_slice %arg3[%dma_wait3A_1377] : memref<524288xi32, #tpu.memory_space<hbm>> -> memref<128xi32, #tpu.memory_space<hbm>>
    %dma_wait3A_1379 = tpu.memref_slice %arg12[%dma_wait3A_1373] : memref<4x!tpu.dma_semaphore, #tpu.memory_space<semaphore_mem>> -> memref<1x!tpu.dma_semaphore, #tpu.memory_space<semaphore_mem>>
    %dma_wait3A_1380 = tpu.memref_squeeze %dma_wait3A_1379 : memref<1x!tpu.dma_semaphore, #tpu.memory_space<semaphore_mem>> -> memref<!tpu.dma_semaphore, #tpu.memory_space<semaphore_mem>>
    %dma_wait3A_1381 = arith.constant 0 : i32
    %dma_wait3A_1382 = tpu.memref_slice %arg7[%dma_wait3A_1372, %dma_wait3A_1381] : memref<4x128xi32, #tpu.memory_space<vmem>> -> memref<1x128xi32, #tpu.memory_space<vmem>>
    %dma_wait3A_1383 = tpu.memref_squeeze %dma_wait3A_1382 : memref<1x128xi32, #tpu.memory_space<vmem>> -> memref<128xi32, #tpu.memory_space<vmem>>
    %dma_wait3A_1384 = arith.constant 0 : i32
    %dma_wait3A_1385 = tpu.memref_slice %arg3[%dma_wait3A_1384] : memref<524288xi32, #tpu.memory_space<hbm>> -> memref<128xi32, #tpu.memory_space<hbm>>
    tpu.wait_dma2 semaphore(%dma_wait3A_1380 : memref<!tpu.dma_semaphore, #tpu.memory_space<semaphore_mem>>) src(%dma_wait3A_1385 : memref<128xi32, #tpu.memory_space<hbm>>) dst(%dma_wait3A_1383 : memref<128xi32, #tpu.memory_space<vmem>>)
    %dma_wait3A_1386 = arith.constant 2 : i32
    %dma_wait3A_1387 = arith.constant 2 : i32
    %dma_wait3A_1388 = arith.constant 0 : i32
    %dma_wait3A_1389 = tpu.memref_slice %arg8[%dma_wait3A_1386, %dma_wait3A_1388] : memref<4x128xi32, #tpu.memory_space<vmem>> -> memref<1x128xi32, #tpu.memory_space<vmem>>
    %dma_wait3A_1390 = tpu.memref_squeeze %dma_wait3A_1389 : memref<1x128xi32, #tpu.memory_space<vmem>> -> memref<128xi32, #tpu.memory_space<vmem>>
    %dma_wait3A_1391 = arith.constant 0 : i32
    %dma_wait3A_1392 = tpu.memref_slice %arg4[%dma_wait3A_1391] : memref<524288xi32, #tpu.memory_space<hbm>> -> memref<128xi32, #tpu.memory_space<hbm>>
    %dma_wait3A_1393 = tpu.memref_slice %arg13[%dma_wait3A_1387] : memref<4x!tpu.dma_semaphore, #tpu.memory_space<semaphore_mem>> -> memref<1x!tpu.dma_semaphore, #tpu.memory_space<semaphore_mem>>
    %dma_wait3A_1394 = tpu.memref_squeeze %dma_wait3A_1393 : memref<1x!tpu.dma_semaphore, #tpu.memory_space<semaphore_mem>> -> memref<!tpu.dma_semaphore, #tpu.memory_space<semaphore_mem>>
    %dma_wait3A_1395 = arith.constant 0 : i32
    %dma_wait3A_1396 = tpu.memref_slice %arg8[%dma_wait3A_1386, %dma_wait3A_1395] : memref<4x128xi32, #tpu.memory_space<vmem>> -> memref<1x128xi32, #tpu.memory_space<vmem>>
    %dma_wait3A_1397 = tpu.memref_squeeze %dma_wait3A_1396 : memref<1x128xi32, #tpu.memory_space<vmem>> -> memref<128xi32, #tpu.memory_space<vmem>>
    %dma_wait3A_1398 = arith.constant 0 : i32
    %dma_wait3A_1399 = tpu.memref_slice %arg4[%dma_wait3A_1398] : memref<524288xi32, #tpu.memory_space<hbm>> -> memref<128xi32, #tpu.memory_space<hbm>>
    tpu.wait_dma2 semaphore(%dma_wait3A_1394 : memref<!tpu.dma_semaphore, #tpu.memory_space<semaphore_mem>>) src(%dma_wait3A_1399 : memref<128xi32, #tpu.memory_space<hbm>>) dst(%dma_wait3A_1397 : memref<128xi32, #tpu.memory_space<vmem>>)
    %dma_wait3A_1400 = arith.constant 3 : i32
    %dma_wait3A_1401 = arith.constant 3 : i32
    %dma_wait3A_1402 = arith.constant 0 : i32
    %dma_wait3A_1403 = arith.constant 0 : i32
    %dma_wait3A_1404 = tpu.memref_slice %arg10[%dma_wait3A_1400, %dma_wait3A_1402, %dma_wait3A_1403] : memref<4x128x128xf32, #tpu.memory_space<vmem>> -> memref<1x128x128xf32, #tpu.memory_space<vmem>>
    %dma_wait3A_1405 = tpu.memref_squeeze %dma_wait3A_1404 : memref<1x128x128xf32, #tpu.memory_space<vmem>> -> memref<128x128xf32, #tpu.memory_space<vmem>>
    %dma_wait3A_1406 = arith.constant 0 : i32
    %dma_wait3A_1407 = arith.constant 0 : i32
    %dma_wait3A_1408 = tpu.memref_slice %arg6[%dma_wait3A_1406, %dma_wait3A_1407] : memref<524288x128xf32, #tpu.memory_space<hbm>> -> memref<128x128xf32, #tpu.memory_space<hbm>>
    %dma_wait3A_1409 = tpu.memref_slice %arg16[%dma_wait3A_1401] : memref<4x!tpu.dma_semaphore, #tpu.memory_space<semaphore_mem>> -> memref<1x!tpu.dma_semaphore, #tpu.memory_space<semaphore_mem>>
    %dma_wait3A_1410 = tpu.memref_squeeze %dma_wait3A_1409 : memref<1x!tpu.dma_semaphore, #tpu.memory_space<semaphore_mem>> -> memref<!tpu.dma_semaphore, #tpu.memory_space<semaphore_mem>>
    %dma_wait3A_1411 = arith.constant 0 : i32
    %dma_wait3A_1412 = arith.constant 0 : i32
    %dma_wait3A_1413 = tpu.memref_slice %arg6[%dma_wait3A_1411, %dma_wait3A_1412] : memref<524288x128xf32, #tpu.memory_space<hbm>> -> memref<128x128xf32, #tpu.memory_space<hbm>>
    %dma_wait3A_1414 = arith.constant 0 : i32
    %dma_wait3A_1415 = arith.constant 0 : i32
    %dma_wait3A_1416 = tpu.memref_slice %arg10[%dma_wait3A_1400, %dma_wait3A_1414, %dma_wait3A_1415] : memref<4x128x128xf32, #tpu.memory_space<vmem>> -> memref<1x128x128xf32, #tpu.memory_space<vmem>>
    %dma_wait3A_1417 = tpu.memref_squeeze %dma_wait3A_1416 : memref<1x128x128xf32, #tpu.memory_space<vmem>> -> memref<128x128xf32, #tpu.memory_space<vmem>>
    tpu.wait_dma2 semaphore(%dma_wait3A_1410 : memref<!tpu.dma_semaphore, #tpu.memory_space<semaphore_mem>>) src(%dma_wait3A_1417 : memref<128x128xf32, #tpu.memory_space<vmem>>) dst(%dma_wait3A_1413 : memref<128x128xf32, #tpu.memory_space<hbm>>)
    %dma_wait3A_1418 = arith.constant 3 : i32
    %dma_wait3A_1419 = arith.constant 3 : i32
    %dma_wait3A_1420 = arith.constant 0 : i32
    %dma_wait3A_1421 = tpu.memref_slice %arg7[%dma_wait3A_1418, %dma_wait3A_1420] : memref<4x128xi32, #tpu.memory_space<vmem>> -> memref<1x128xi32, #tpu.memory_space<vmem>>
    %dma_wait3A_1422 = tpu.memref_squeeze %dma_wait3A_1421 : memref<1x128xi32, #tpu.memory_space<vmem>> -> memref<128xi32, #tpu.memory_space<vmem>>
    %dma_wait3A_1423 = arith.constant 0 : i32
    %dma_wait3A_1424 = tpu.memref_slice %arg3[%dma_wait3A_1423] : memref<524288xi32, #tpu.memory_space<hbm>> -> memref<128xi32, #tpu.memory_space<hbm>>
    %dma_wait3A_1425 = tpu.memref_slice %arg12[%dma_wait3A_1419] : memref<4x!tpu.dma_semaphore, #tpu.memory_space<semaphore_mem>> -> memref<1x!tpu.dma_semaphore, #tpu.memory_space<semaphore_mem>>
    %dma_wait3A_1426 = tpu.memref_squeeze %dma_wait3A_1425 : memref<1x!tpu.dma_semaphore, #tpu.memory_space<semaphore_mem>> -> memref<!tpu.dma_semaphore, #tpu.memory_space<semaphore_mem>>
    %dma_wait3A_1427 = arith.constant 0 : i32
    %dma_wait3A_1428 = tpu.memref_slice %arg7[%dma_wait3A_1418, %dma_wait3A_1427] : memref<4x128xi32, #tpu.memory_space<vmem>> -> memref<1x128xi32, #tpu.memory_space<vmem>>
    %dma_wait3A_1429 = tpu.memref_squeeze %dma_wait3A_1428 : memref<1x128xi32, #tpu.memory_space<vmem>> -> memref<128xi32, #tpu.memory_space<vmem>>
    %dma_wait3A_1430 = arith.constant 0 : i32
    %dma_wait3A_1431 = tpu.memref_slice %arg3[%dma_wait3A_1430] : memref<524288xi32, #tpu.memory_space<hbm>> -> memref<128xi32, #tpu.memory_space<hbm>>
    tpu.wait_dma2 semaphore(%dma_wait3A_1426 : memref<!tpu.dma_semaphore, #tpu.memory_space<semaphore_mem>>) src(%dma_wait3A_1431 : memref<128xi32, #tpu.memory_space<hbm>>) dst(%dma_wait3A_1429 : memref<128xi32, #tpu.memory_space<vmem>>)
    %dma_wait3A_1432 = arith.constant 3 : i32
    %dma_wait3A_1433 = arith.constant 3 : i32
    %dma_wait3A_1434 = arith.constant 0 : i32
    %dma_wait3A_1435 = tpu.memref_slice %arg8[%dma_wait3A_1432, %dma_wait3A_1434] : memref<4x128xi32, #tpu.memory_space<vmem>> -> memref<1x128xi32, #tpu.memory_space<vmem>>
    %dma_wait3A_1436 = tpu.memref_squeeze %dma_wait3A_1435 : memref<1x128xi32, #tpu.memory_space<vmem>> -> memref<128xi32, #tpu.memory_space<vmem>>
    %dma_wait3A_1437 = arith.constant 0 : i32
    %dma_wait3A_1438 = tpu.memref_slice %arg4[%dma_wait3A_1437] : memref<524288xi32, #tpu.memory_space<hbm>> -> memref<128xi32, #tpu.memory_space<hbm>>
    %dma_wait3A_1439 = tpu.memref_slice %arg13[%dma_wait3A_1433] : memref<4x!tpu.dma_semaphore, #tpu.memory_space<semaphore_mem>> -> memref<1x!tpu.dma_semaphore, #tpu.memory_space<semaphore_mem>>
    %dma_wait3A_1440 = tpu.memref_squeeze %dma_wait3A_1439 : memref<1x!tpu.dma_semaphore, #tpu.memory_space<semaphore_mem>> -> memref<!tpu.dma_semaphore, #tpu.memory_space<semaphore_mem>>
    %dma_wait3A_1441 = arith.constant 0 : i32
    %dma_wait3A_1442 = tpu.memref_slice %arg8[%dma_wait3A_1432, %dma_wait3A_1441] : memref<4x128xi32, #tpu.memory_space<vmem>> -> memref<1x128xi32, #tpu.memory_space<vmem>>
    %dma_wait3A_1443 = tpu.memref_squeeze %dma_wait3A_1442 : memref<1x128xi32, #tpu.memory_space<vmem>> -> memref<128xi32, #tpu.memory_space<vmem>>
    %dma_wait3A_1444 = arith.constant 0 : i32
    %dma_wait3A_1445 = tpu.memref_slice %arg4[%dma_wait3A_1444] : memref<524288xi32, #tpu.memory_space<hbm>> -> memref<128xi32, #tpu.memory_space<hbm>>
    tpu.wait_dma2 semaphore(%dma_wait3A_1440 : memref<!tpu.dma_semaphore, #tpu.memory_space<semaphore_mem>>) src(%dma_wait3A_1445 : memref<128xi32, #tpu.memory_space<hbm>>) dst(%dma_wait3A_1443 : memref<128xi32, #tpu.memory_space<vmem>>)
    return
  }
}

module attributes {stable_mosaic.version = 14 : i64} {
  func.func @_comb_kernel(%arg0: memref<512x128xf32, #tpu.memory_space<vmem>>, %arg1: memref<2x128xf32, #tpu.memory_space<vmem>>, %arg2: memref<2x512x128xf32, #tpu.memory_space<vmem>>) attributes {dimension_semantics = [], scalar_prefetch = 0 : i64, scratch_operands = 0 : i64, tpu.core_type = #tpu.core_type<tc>} {
    %get3A = arith.constant 0 : index
    %get3A_0 = arith.constant 0 : index
    %get3A_1 = vector.load %arg0[%get3A, %get3A_0] : memref<512x128xf32, #tpu.memory_space<vmem>>, vector<512x128xf32>
    %broadcast_in_dim3A = vector.shape_cast %get3A_1 : vector<512x128xf32> to vector<1x512x128xf32>
    %get3A_2 = arith.constant 0 : index
    %get3A_3 = arith.constant 0 : index
    %get3A_4 = vector.load %arg1[%get3A_2, %get3A_3] : memref<2x128xf32, #tpu.memory_space<vmem>>, vector<2x128xf32>
    %broadcast_in_dim3A_5 = vector.shape_cast %get3A_4 : vector<2x128xf32> to vector<2x1x128xf32>
    %add3A = vector.broadcast %broadcast_in_dim3A : vector<1x512x128xf32> to vector<2x512x128xf32>
    %add3A_6 = vector.broadcast %broadcast_in_dim3A_5 : vector<2x1x128xf32> to vector<2x512x128xf32>
    %add3A_7 = arith.addf %add3A, %add3A_6 : vector<2x512x128xf32>
    %swap3A = arith.constant 0 : index
    %swap3A_8 = arith.constant 0 : index
    %swap3A_9 = arith.constant 0 : index
    %swap3A_10 = vector.load %arg2[%swap3A, %swap3A_8, %swap3A_9] : memref<2x512x128xf32, #tpu.memory_space<vmem>>, vector<2x512x128xf32>
    tpu.vector_store %arg2[%swap3A, %swap3A_8, %swap3A_9], %add3A_7 {strides = array<i32>} : memref<2x512x128xf32, #tpu.memory_space<vmem>>, vector<2x512x128xf32>,
    return
  }
}

</mosaic_0001>

<sc_bundles>
// kernel: kernel.4.cloned.1.call-start
scs
__scs_entry_jumppad:
0x0: {  	(pc) =	sbr.rel $0x88, $3  }
0x1: {  	(tag) =	ssettag $0x0;
	lr =	simm.s32 $0x1  }
0x2: {  	[smem:$0x3F9C] =	sst lr;
	_ =	strace $0xD0000000  }
0x3: {  	_ = 	snop  }
0x4: {  	_ = 	snop  }
0x5: {  	_ = 	snop  }
0x6: {  	_ = 	snop  }
0x7: {  	_ = 	snop  }
__scs_overlays_trampoline_lowered:
0x8: {  	[smem:$0x3FAB] =	sst s0  }
0x9: {  	[smem:$0x3FAC] =	sst s1  }
0xa: {  	[smem:$0x3FAD] =	sst s2  }
0xb: {  	[smem:$0x3FAE] =	sst s3  }
0xc: {  	[smem:$0x3FAF] =	sst s4  }
0xd: {  	[smem:$0x3FB0] =	sst s5  }
0xe: {  	[smem:$0x3FB1] =	sst s6  }
0xf: {  	[smem:$0x3FB2] =	sst s7  }
0x10: {  	[smem:$0x3FB3] =	sst s8  }
0x11: {  	[smem:$0x3FB4] =	sst s9;
	s0 =	simm.s32 @!p0 $0x0  }
0x12: {  	s1 =	sld [smem:$0x3F9A];
	s0 =	simm.s32 @p0 $0x1  }
0x13: {  	[smem:$0x3FB5] =	sst s0;
	s0 =	simm.s32 @!p1 $0x0  }
0x14: {  	s2 =	sld [smem:$0x3F99];
	s0 =	simm.s32 @p1 $0x1  }
0x15: {  	[smem:$0x3FB6] =	sst s0;
	s0 =	simm.s32 @!p2 $0x0  }
0x16: {  	s3 =	sld [smem:$0x3FDB];
	s0 =	simm.s32 @p2 $0x1  }
0x17: {  	s4 =	simm.s32 $0x1BF5;
	[smem:$0x3FB8] =	sst s0  }
0x18: {  	s0 =	sld [smem:$0x3F9B];
	_ =	swait.ge [sflag:s4], $0x0  }
0x19: {  	s7 =	sld [smem:$0x3F9C]  }
0x1a: {  	s8 =	sadd.s32 $0xFFFFE003, lr  }
0x1b: {  	s9 =	sadd.s32 $0xFFFFFEF7, lr;
	s5 =	simm.s32 $0xFFFFFFFF;
	p2 =	slt.u32 s8, $0xFFFFF086  }
0x1c: {  	p1 =	slt.u32 s9, $0xF7A;
	s5 =	simm.s32 @!p2 $0x0  }
0x1d: {  	s5 =	simm.s32 @p1 $0x1;
	p0 =	seq.s32 s7, s2  }
0x1e: {  	s7 =	smul.u32 @!p0 $0xF7A, s2;
	p2 =	seq.s32 @!p0 s5, $0x0  }
0x1f: {  	s9 =	smul.u32 $0xF7A, s1;
	s8 =	simm.s32 @!p0 $0x1BF5;
	p2 =	por !p2, p0  }
0x20: {  	[sflag:s8] =	ssyncset.s32 @!p0 $0xFFFFF086;
	s6 =	sadd.s32 @!p0 s3, s7;
	s7 =	simm.s32 @!p0 $0x108  }
0x21: {  	s3 =	sadd.s32 s3, s9;
	s6 =	sadd.s32 @!p0 $0x88, s6;
	s7 =	simm.s32 @p2 $0x1082  }
0x22: {  	[simem:s7], [sflag:s8] =	dma.local @!p0 [hbm:s6], $0xF7A  }
0x23: {  	s9 =	sor.u32 $0xD0000000, s2;
	s6 =	simm.s32 $0x108;
	_ =	swait.ge @!p0 [sflag:s8], $0x0  }
0x24: {  	s3 =	sadd.s32 $0x88, s3;
	s6 =	simm.s32 @!p1 $0x1082;
	[sflag:s4] =	ssyncset.s32 $0xFFFFF086  }
0x25: {  	[simem:s6], [sflag:s4] =	dma.local [hbm:s3], $0xF7A  }
0x26: {  	[smem:$0x3F9C] =	sst s1;
	(tag) =	ssettag s2;
	_ =	strace s9  }
0x27: {  	s1 =	sld [smem:$0x3FAC]  }
0x28: {  	s2 =	sld [smem:$0x3FAD]  }
0x29: {  	s4 =	sld [smem:$0x3FAF]  }
0x2a: {  	p0 =	seq.s32 s5, $0x0;
	s5 =	sld [smem:$0x3FB0]  }
0x2b: {  	s6 =	sld [smem:$0x3FB1]  }
0x2c: {  	s7 =	sld [smem:$0x3FB2]  }
0x2d: {  	s3 =	simm.s32 $0x108;
	s8 =	sld [smem:$0x3FB3]  }
0x2e: {  	s3 =	simm.s32 @!p0 $0x1082;
	s9 =	sld [smem:$0x3FB4]  }
0x2f: {  	lr =	sadd.s32 s0, s3;
	s0 =	sld [smem:$0x3FAB]  }
0x30: {  	s3 =	sld [smem:$0x3FAE]  }
0x31: {  	[smem:$0x3FB7] =	sst s10  }
0x32: {  	s10 =	sld [smem:$0x3FB5];
	_ =	sdelay $0x3  }
0x33: {  	p0 =	seq.s32 s10, $0x1;
	s10 =	sld [smem:$0x3FB7];
	_ =	sdelay $0x3  }
0x34: {  	[smem:$0x3FB7] =	sst s10  }
0x35: {  	s10 =	sld [smem:$0x3FB6];
	_ =	sdelay $0x3  }
0x36: {  	p1 =	seq.s32 s10, $0x1;
	s10 =	sld [smem:$0x3FB7];
	_ =	sdelay $0x3  }
0x37: {  	[smem:$0x3FB7] =	sst s10  }
0x38: {  	s10 =	sld [smem:$0x3FB8]  }
0x39: {  	_ = 	snop;
	(pc) =	sbr.ind lr, $3  }
0x3a: {  	_ = 	snop  }
0x3b: {  	_ = 	snop  }
0x3c: {  	p2 =	seq.s32 s10, $0x1;
	s10 =	sld [smem:$0x3FB7]  }
0x3d: {  	_ =	shalt  }
0x3e: {  	_ =	shalt  }
0x3f: {  	_ =	shalt  }
0x40: {  	_ =	shalt  }
0x41: {  	_ =	shalt  }
0x42: {  	_ =	shalt  }
0x43: {  	_ =	shalt  }
0x44: {  	_ =	shalt  }
0x45: {  	_ =	shalt  }
0x46: {  	_ =	shalt  }
0x47: {  	_ =	shalt  }
0x48: {  	_ =	shalt  }
0x49: {  	_ =	shalt  }
0x4a: {  	_ =	shalt  }
0x4b: {  	_ =	shalt  }
0x4c: {  	_ =	shalt  }
0x4d: {  	_ =	shalt  }
0x4e: {  	_ =	shalt  }
0x4f: {  	_ =	shalt  }
0x50: {  	_ =	shalt  }
0x51: {  	_ =	shalt  }
0x52: {  	_ =	shalt  }
0x53: {  	_ =	shalt  }
0x54: {  	_ =	shalt  }
0x55: {  	_ =	shalt  }
0x56: {  	_ =	shalt  }
0x57: {  	_ =	shalt  }
0x58: {  	_ =	shalt  }
0x59: {  	_ =	shalt  }
0x5a: {  	_ =	shalt  }
0x5b: {  	_ =	shalt  }
0x5c: {  	_ =	shalt  }
0x5d: {  	_ =	shalt  }
0x5e: {  	_ =	shalt  }
0x5f: {  	_ =	shalt  }
0x60: {  	_ =	shalt  }
0x61: {  	_ =	shalt  }
0x62: {  	_ =	shalt  }
0x63: {  	_ =	shalt  }
0x64: {  	_ =	shalt  }
0x65: {  	_ =	shalt  }
0x66: {  	_ =	shalt  }
0x67: {  	_ =	shalt  }
0x68: {  	_ =	shalt  }
0x69: {  	_ =	shalt  }
0x6a: {  	_ =	shalt  }
0x6b: {  	_ =	shalt  }
0x6c: {  	_ =	shalt  }
0x6d: {  	_ =	shalt  }
0x6e: {  	_ =	shalt  }
0x6f: {  	_ =	shalt  }
0x70: {  	_ =	shalt  }
0x71: {  	_ =	shalt  }
0x72: {  	_ =	shalt  }
0x73: {  	_ =	shalt  }
0x74: {  	_ =	shalt  }
0x75: {  	_ =	shalt  }
0x76: {  	_ =	shalt  }
0x77: {  	_ =	shalt  }
0x78: {  	_ =	shalt  }
0x79: {  	_ =	shalt  }
0x7a: {  	_ =	shalt  }
0x7b: {  	_ =	shalt  }
0x7c: {  	_ =	shalt  }
0x7d: {  	_ =	shalt  }
0x7e: {  	_ =	shalt  }
0x7f: {  	_ =	shalt  }
0x80: {  	_ =	shalt  }
0x81: {  	_ =	shalt  }
0x82: {  	_ =	shalt  }
0x83: {  	_ =	shalt  }
0x84: {  	_ =	shalt  }
0x85: {  	_ =	shalt  }
0x86: {  	_ =	shalt  }
0x87: {  	_ =	shalt  }
.Lfunc_end0:
.L_simem_size_0:
called_computation_lowered:
.L_overlay_start_0:
0x88: {  	s2 =	sld [smem:$0x3FD9]  }
0x89: {  	s3 =	sld [smem:$0x3FFE];
	_ =	sdelay $0x1  }
0x8a: {  	s1 =	srdreg.scid  }
0x8b: {  	s0 =	sand.u32 $0x1, s1  }
0x8c: {  	s17 =	sshll.u32 s0, $0xA;
	s2 =	sadd.s32 s3, s2  }
0x8d: {  	s2 =	sadd.s32 s2, s17  }
0x8e: {  	[smem:$0x3FC3] =	sst s2  }
0x8f: {  	_ = 	snop  }
0x90: {  	s2 =	sld [smem:$0x3FC7]  }
0x91: {  	s18 =	sld [smem:$0x3FD0];
	(tm) =	ssettm $0x1  }
0x92: {  	s4 =	sld [smem:$0x3FFB];
	_ =	sdelay $0x3  }
0x93: {  	_ =	strace s4  }
0x94: {  	s4 =	sld [smem:$0x3FFC];
	_ =	sdelay $0x3  }
0x95: {  	_ =	strace s4  }
0x96: {  	s4 =	sld [smem:$0x3FFD];
	_ =	sdelay $0x3  }
0x97: {  	_ =	strace s4  }
0x98: {  	_ =	strace $0x8FFFFFFF  }
0x99: {  	s19 =	sld [smem:$0x3FDB];
	_ =	sdelay $0x1  }
0x9a: {  	s5 =	simm.s32 $_scs_section_size  }
0x9b: {  	s6 =	simm.s32 $_size__tile_overlayer_lowered;
	s7 =	simm.s32 $_tile_overlayer_lowered  }
0x9c: {  	s22 =	simm.s32 $0x1BFF;
	s21 =	sshll.u32 s7, $0x1;
	s4 =	sadd.s32 s5, s19  }
0x9d: {  	s8 =	simm.s32 $0x0;
	s20 =	sshll.u32 s6, $0x1;
	s6 =	sadd.s32 s21, s4  }
0x9e: {  	[timem:s8], [sflag:s22] =	dma.local [hbm:s6], s20  }
0x9f: {  	_ =	swait.ge [sflag:s22], s20  }
0xa0: {  	s5 =	ssub.s32 $0x0, s20;
	[sflag:s22] =	ssyncset.done $0x0  }
0xa1: {  	[sflag:s22] =	ssyncadd.s32 s5;
	_ =	sdelay $0x1  }
0xa2: {  	s23 =	simm.s32 $0x1B8B  }
0xa3: {  	_ =	swait.ge [sflag:s23], $0x1  }
0xa4: {  	[sflag:s23] =	ssyncset.done $0x0  }
0xa5: {  	s25 =	simm.s32 $0x1B8E;
	s24 =	sld [smem:$0x3FFE];
	[sflag:s23] =	ssyncadd.s32 $0xFFFFFFFF  }
0xa6: {  	s26 =	simm.s32 $execute0_lowered;
	[smem:$0x3FD2] =	sst s25  }
0xa7: {  	s6 =	sshll.u32 s26, $0x1;
	_ =	strace $0x80000046;
	[dreg:$0x1] =	wrdreg $0xFFFFFFFF  }
0xa8: {  	s28 =	simm.s32 $_size_execute0_lowered;
	s4 =	sadd.s32 s4, s6;
	[dreg:$0x0] =	wrdreg $0x0  }
0xa9: {  	s6 =	sshll.u32 s28, $0x1;
	[dreg:$0x2] =	wrdreg s4  }
0xaa: {  	[dreg:$0x3] =	wrdreg s6  }
0xab: {  	[dreg:$0x4] =	wrdreg $0xC0  }
0xac: {  	_ =	task [dreg:s8], $0x5FFFF  }
0xad: {  	[dreg:$0x1] =	wrdreg $0xFFFFFFFF  }
0xae: {  	[dreg:$0x0] =	wrdreg $0x60  }
0xaf: {  	[dreg:$0x2] =	wrdreg s2  }
0xb0: {  	[dreg:$0x3] =	wrdreg s24  }
0xb1: {  	[dreg:$0x4] =	wrdreg s18  }
0xb2: {  	[dreg:$0x5] =	wrdreg $0x106000  }
0xb3: {  	[dreg:$0x6] =	wrdreg $0x9  }
0xb4: {  	_ =	task.clear_ibuf [dreg:s8], $0x7FFFF;
	_ =	strace $0x90000046  }
0xb5: {  	s29 =	simm.s32 $0x9;
	_ =	strace $0x80000048  }
0xb6: {  	_ =	swait.ge [sflag:s29], $0x1  }
0xb7: {  	[sflag:s29] =	ssyncadd.s32 $0xFFFFFFFF  }
0xb8: {  	_ =	strace $0x90000048  }
0xb9: {  	_ =	sfence  }
0xba: {  	s30 =	sld [smem:$0x0];
	_ =	sdelay $0x2  }
0xbb: {  	s31 =	sshll.u32 s1, $0xD;
	s1 =	sshrl.u32 s1, $0x2  }
0xbc: {  	s3 =	sand.u32 $0x4000, s31;
	s1 =	sadd.s32 s1, s30  }
0xbd: {  	s0 =	sor.u32 s3, s0;
	s1 =	sshll.u32 s1, $0x11  }
0xbe: {  	s0 =	sor.u32 s1, s0  }
0xbf: {  	s0 =	sadd.s32 $0x8F2B, s0  }
0xc0: {  	[sflag:s0] =	ssyncadd.remote.s32 $0x1  }
0xc1: {  	_ =	sfence.sel $0xFFFF  }
0xc2: {  	[dreg:$0x0] =	wrdreg $0xFFFFFFFF;
	(pc) =	sbr.abs _section_cstart, $3  }
0xc3: {  	[dreg:$0x1] =	wrdreg $0xFFFFFFFF  }
0xc4: {  	_ =	task.clear_ibuf [dreg:s8], $0x2FFFF;
	_ =	strace $0x9FFFFFFF  }
0xc5: {  	(tm) =	ssettm $0x7FFFFFFF  }
tec
execute0_lowered:
.L_overlay_start_1:
0x0: {  	(tag) =	ssettag $0x1  }
0x1: {  	s1 =	rddreg [dreg:$0x0]  }
0x2: {  	s0 =	rddreg [dreg:$0x1]  }
0x3: {  	s6 =	rddreg [dreg:$0x2]  }
0x4: {  	s2 =	rddreg [dreg:$0x3]  }
0x5: {  	s3 =	simm.s32 $0x0;
	s7 =	srdreg.scid;
	s8 =	stileid.u32  }
0x6: {  	s30 =	simm.s32 $0x80;
	s29 =	simm.s32 $0x9;
	s31 =	simm.s32 $0xA  }
0x7: {  	s28 =	simm.s32 $0x14;
	[smem:$0x7FF] =	sst s3;
	s4 =	sadd.s32 $0xC00, s0  }
0x8: {  	s5 =	sadd.s32 $0x10C00, s0;
	s7 =	sand.u32 $0x1, s7;
	s10 =	sshll.u32 s8, $0xF  }
0x9: {  	s0 =	sadd.s32 $0x20C00, s0;
	p0 =	sne.s32 s8, $0x0;
	_ =	strace $0x80000047  }
0xa: {  	s9 =	ssub.s32 $0x2, s7;
	s11 =	sshll.u32 s7, $0xE;
	[dreg:$0xa] =	wrdreg s0  }
0xb: {  	s7 =	sshll.u32 s7, $0x12;
	s16 =	sshrl.u32 s9, $0x1;
	s10 =	sor.u32 s11, s10  }
0xc: {  	s0 =	ssub.s32 s9, s16;
	s9 =	sshrl.u32 s10, $0x3;
	s11 =	sor.u32 $0x80, s10  }
0xd: {  	s13 =	sor.u32 $0x100, s10;
	s15 =	sor.u32 $0x180, s10;
	s25 =	sor.u32 $0x200, s10  }
0xe: {  	s22 =	sshll.u32 s10, $0x4;
	s26 =	sor.u32 $0x280, s10;
	[dreg:$0x5] =	wrdreg s25  }
0xf: {  	s16 =	sshll.u32 s8, $0x13;
	s12 =	sadd.s32 s4, s9;
	[dreg:$0x6] =	wrdreg s26  }
0x10: {  	s8 =	simm.s32 $0xC;
	s23 =	sadd.s32 s6, s22;
	[dreg:$0xb] =	wrdreg s12  }
0x11: {  	s17 =	sshrl.u32 s11, $0x3;
	s0 =	smax.u32 s0, $0x1;
	[dreg:$0x12] =	wrdreg s23  }
0x12: {  	s18 =	sshrl.u32 s13, $0x3;
	s14 =	sadd.s32 s4, s17;
	[dreg:$0x1f] =	wrdreg s0  }
0x13: {  	s20 =	sshrl.u32 s15, $0x3;
	s12 =	sadd.s32 s5, s17;
	[dreg:$0xc] =	wrdreg s14  }
0x14: {  	s11 =	sshll.u32 s11, $0x4;
	s19 =	sadd.s32 s4, s18;
	[dreg:$0xd] =	wrdreg s12  }
0x15: {  	s24 =	sor.u32 $0x40, s9;
	s21 =	sadd.s32 s4, s20;
	[dreg:$0xe] =	wrdreg s19  }
0x16: {  	s13 =	sshll.u32 s13, $0x4;
	s11 =	sadd.s32 s6, s11;
	[dreg:$0x10] =	wrdreg s21  }
0x17: {  	s15 =	sshll.u32 s15, $0x4;
	s13 =	sadd.s32 s6, s13;
	[dreg:$0x13] =	wrdreg s11  }
0x18: {  	s25 =	sor.u32 $0x70, s9;
	s17 =	sadd.s32 s4, s24;
	[dreg:$0x14] =	wrdreg s13  }
0x19: {  	s26 =	sadd.s32 s4, s25;
	s0 =	simm.s32 $0x4;
	[dreg:$0x16] =	wrdreg s17  }
0x1a: {  	s14 =	sadd.s32 s5, s18;
	s12 =	sadd.s32 s5, s20;
	[dreg:$0x1d] =	wrdreg s26  }
0x1b: {  	s13 =	sadd.s32 s6, s15;
	s6 =	sadd.s32 s16, s6;
	[dreg:$0xf] =	wrdreg s14  }
0x1c: {  	s18 =	sadd.s32 s5, s24;
	s19 =	sor.u32 $0x50, s9;
	[dreg:$0x11] =	wrdreg s12  }
0x1d: {  	s21 =	sor.u32 $0x60, s9;
	s24 =	sadd.s32 s5, s9;
	[dreg:$0x15] =	wrdreg s13  }
0x1e: {  	v0 =	vlaneseq.u32;
	s17 =	simm.s32 $0x280;
	s26 =	simm.s32 $0x10;
	[dreg:$0x17] =	wrdreg s18  }
0x1f: {  	v1 =	vor.u32 $0x10, v0;
	s9 =	simm.s32 $0x0;
	s14 =	sor.u32 $0x300, s10;
	[dreg:$0x1c] =	wrdreg s24  }
0x20: {  	v2 =	vor.u32 $0x20, v0;
	v3 =	vor.u32 $0x30, v0;
	v4 =	vor.u32 $0x40, v0;
	s15 =	simm.s32 $0xD;
	s10 =	sor.u32 $0x380, s10;
	[dreg:$0x7] =	wrdreg s14  }
0x21: {  	v5 =	vor.u32 $0x50, v0;
	v6 =	vor.u32 $0x60, v0;
	v7 =	vor.u32 $0x70, v0;
	s16 =	simm.s32 $0xE;
	s20 =	sadd.s32 s4, s19;
	[dreg:$0x8] =	wrdreg s10  }
0x22: {  	v8 =	vor.u32 $0x80, v0;
	v9 =	vor.u32 $0x90, v0;
	v10 =	vor.u32 $0xA0, v0;
	s6 =	sadd.s32 s7, s6;
	s22 =	sadd.s32 s5, s19;
	[dreg:$0x18] =	wrdreg s20  }
0x23: {  	v11 =	vor.u32 $0xB0, v0;
	v12 =	vor.u32 $0xC0, v0;
	v13 =	vor.u32 $0xD0, v0;
	s23 =	sadd.s32 s4, s21;
	s19 =	simm.s32 $0x380;
	[dreg:$0x9] =	wrdreg s6  }
0x24: {  	v14 =	vor.u32 $0xE0, v0;
	v15 =	vor.u32 $0xF0, v0;
	v16 =	vor.u32 $0x100, v0;
	s18 =	simm.s32 $0x8;
	s24 =	simm.s32 $0xF;
	[dreg:$0x19] =	wrdreg s22  }
0x25: {  	v17 =	vor.u32 $0x110, v0;
	v18 =	vor.u32 $0x120, v0;
	v19 =	vor.u32 $0x130, v0;
	s12 =	simm.s32 $0x4600;
	s13 =	simm.s32 $0x8600;
	[dreg:$0x1a] =	wrdreg s23  }
0x26: {  	v20 =	vor.u32 $0x140, v0;
	v21 =	vor.u32 $0x150, v0;
	v22 =	vor.u32 $0x160, v0;
	s6 =	sadd.s32 s5, s21;
	s14 =	simm.s32 $0x200;
	s10 =	simm.s32 $0x300  }
0x27: {  	v23 =	vor.u32 $0x170, v0;
	v24 =	vor.u32 $0x180, v0;
	v25 =	vor.u32 $0x190, v0;
	s21 =	simm.s32 $0x11;
	s23 =	simm.s32 $0x12;
	s20 =	simm.s32 $0x600  }
0x28: {  	v26 =	vor.u32 $0x1A0, v0;
	v27 =	vor.u32 $0x1B0, v0;
	v28 =	vor.u32 $0x1C0, v0;
	s22 =	simm.s32 $0xC600;
	[dreg:$0x1b] =	wrdreg s6;
	s6 =	sadd.s32 s5, s25  }
0x29: {  	v29 =	vor.u32 $0x1D0, v0;
	v30 =	vor.u32 $0x1E0, v0;
	v31 =	vor.u32 $0x1F0, v0;
	s25 =	simm.s32 $0x13;
	[dreg:$0x1e] =	wrdreg s6;
	s6 =	simm.s32 $0xB  }
.LBB2_1:
0x2a: {  	[smem:$0x7FD] =	sst s9  }
0x2b: {  	s7 =	sshrl.u32 @!p0 s2, $0x3;
	s11 =	simm.s32 @!p0 $0x1C15;
	s9 =	rddreg [dreg:$0xa]  }
0x2c: {  	[spmem:s7], [sflag:s11] =	dma.local @!p0 [hbm:s9], $0x4000  }
0x2d: {  	s7 =	simm.s32 @!p0 $0x15  }
0x2e: {  	_ =	swait.ge @!p0 [sflag:s7], $0x4000  }
0x2f: {  	[sflag:s7] =	ssyncset.done @!p0 $0x0  }
0x30: {  	[sflag:s7] =	ssyncadd.s32 @!p0 $0xFFFFC000  }
0x31: {  	[bflag:$0x0] =	sbarrier.arrive $0xFFFF  }
0x32: {  	s11 =	rddreg [dreg:$0xb]  }
0x33: {  	[tilespmem:s3], [sflag:$0x1] =	stream.linear.gather [hbm4b:s11+s3], $0x80, $0x38;
	[tilespmem:$0x12600] =	vst v63  }
0x34: {  	s9 =	rddreg [dreg:$0x1c]  }
0x35: {  	[tilespmem:s14], [sflag:$0x5] =	stream.linear.gather [hbm4b:s9+s3], $0x80, $0x38;
	[tilespmem:$0x12600] =	vst v63  }
0x36: {  	s11 =	rddreg [dreg:$0xc]  }
0x37: {  	[tilespmem:s30], [sflag:$0x2] =	stream.linear.gather [hbm4b:s11+s3], $0x80, $0x38;
	[tilespmem:$0x12600] =	vst v63  }
0x38: {  	s9 =	rddreg [dreg:$0xd]  }
0x39: {  	[tilespmem:s17], [sflag:$0x6] =	stream.linear.gather [hbm4b:s9+s3], $0x80, $0x38;
	[tilespmem:$0x12600] =	vst v63  }
0x3a: {  	s11 =	rddreg [dreg:$0xe];
	s9 =	simm.s32 $0x100  }
0x3b: {  	[tilespmem:s9], [sflag:$0x3] =	stream.linear.gather [hbm4b:s11+s3], $0x80, $0x38;
	[tilespmem:$0x12600] =	vst v63  }
0x3c: {  	s11 =	rddreg [dreg:$0xf]  }
0x3d: {  	[tilespmem:s10], [sflag:$0x7] =	stream.linear.gather [hbm4b:s11+s3], $0x80, $0x38;
	[tilespmem:$0x12600] =	vst v63  }
0x3e: {  	s7 =	rddreg [dreg:$0x10];
	s11 =	simm.s32 $0x180  }
0x3f: {  	[tilespmem:s11], [sflag:$0x4] =	stream.linear.gather [hbm4b:s7+s3], $0x80, $0x38;
	[tilespmem:$0x12600] =	vst v63  }
0x40: {  	s7 =	rddreg [dreg:$0x11]  }
0x41: {  	[tilespmem:s19], [sflag:$0x8] =	stream.linear.gather [hbm4b:s7+s3], $0x80, $0x38;
	[tilespmem:$0x12600] =	vst v63  }
0x42: {  	s7 =	simm.s32 $0x1  }
0x43: {  	_ =	swait.ge [sflag:s7], $0x80  }
0x44: {  	[sflag:s7] =	ssyncset.done $0x0  }
0x45: {  	[sflag:s7] =	ssyncadd.s32 $0xFFFFFF80;
	s7 =	simm.s32 $0x5  }
0x46: {  	_ =	swait.ge [sflag:s7], $0x80  }
0x47: {  	[sflag:s7] =	ssyncset.done $0x0  }
0x48: {  	[sflag:s7] =	ssyncadd.s32 $0xFFFFFF80  }
0x49: {  	[tilespmem:s20], [sflag:$0xD] =	stream.indirect.gather [hbm4b:s1+s30], $0x80, s3, s30, $0xb8;
	[tilespmem:$0x12600] =	vst v63  }
0x4a: {  	v32 =	vld [tilespmem:$0x200]  }
0x4b: {  	v33 =	vld [tilespmem:$0x210]  }
0x4c: {  	v34 =	vld [tilespmem:$0x220]  }
0x4d: {  	v35 =	vld [tilespmem:$0x230]  }
0x4e: {  	v36 =	vld [tilespmem:$0x240]  }
0x4f: {  	v37 =	vld [tilespmem:$0x250];
	v32 =	vshll.u32 v32, $0x9  }
0x50: {  	v38 =	vld [tilespmem:$0x260];
	v33 =	vshll.u32 v33, $0x9;
	v32 =	vor.u32 v0, v32  }
0x51: {  	v41 =	vld [tilespmem:$0x270];
	v40 =	vshll.u32 v34, $0x9;
	v39 =	vor.u32 v1, v33;
	[tilespmem:$0x400] =	vst v32  }
0x52: {  	v43 =	vshll.u32 v35, $0x9;
	v42 =	vor.u32 v2, v40;
	[tilespmem:$0x410] =	vst v39  }
0x53: {  	v45 =	vshll.u32 v36, $0x9;
	v44 =	vor.u32 v3, v43;
	[tilespmem:$0x420] =	vst v42  }
0x54: {  	v47 =	vshll.u32 v37, $0x9;
	v46 =	vor.u32 v4, v45;
	[tilespmem:$0x430] =	vst v44  }
0x55: {  	v49 =	vshll.u32 v38, $0x9;
	v48 =	vor.u32 v5, v47;
	[tilespmem:$0x440] =	vst v46  }
0x56: {  	v51 =	vshll.u32 v41, $0x9;
	v50 =	vor.u32 v6, v49;
	[tilespmem:$0x450] =	vst v48  }
0x57: {  	v52 =	vor.u32 v7, v51;
	[tilespmem:$0x460] =	vst v50  }
0x58: {  	s7 =	simm.s32 $0x2;
	[tilespmem:$0x470] =	vst v52  }
0x59: {  	_ =	swait.ge [sflag:s7], $0x80  }
0x5a: {  	[sflag:s7] =	ssyncset.done $0x0  }
0x5b: {  	[sflag:s7] =	ssyncadd.s32 $0xFFFFFF80;
	s7 =	simm.s32 $0x6  }
0x5c: {  	_ =	swait.ge [sflag:s7], $0x80  }
0x5d: {  	[sflag:s7] =	ssyncset.done $0x0  }
0x5e: {  	[sflag:s7] =	ssyncadd.s32 $0xFFFFFF80  }
0x5f: {  	[tilespmem:s12], [sflag:$0xE] =	stream.indirect.gather [hbm4b:s1+s30], $0x80, s30, s30, $0xb8;
	[tilespmem:$0x12600] =	vst v63  }
0x60: {  	v53 =	vld [tilespmem:$0x280]  }
0x61: {  	v54 =	vld [tilespmem:$0x290]  }
0x62: {  	v55 =	vld [tilespmem:$0x2A0]  }
0x63: {  	v56 =	vld [tilespmem:$0x2B0]  }
0x64: {  	v57 =	vld [tilespmem:$0x2C0]  }
0x65: {  	v58 =	vld [tilespmem:$0x2D0];
	v32 =	vshll.u32 v53, $0x9  }
0x66: {  	v59 =	vld [tilespmem:$0x2E0];
	v33 =	vshll.u32 v54, $0x9;
	v32 =	vor.u32 v8, v32  }
0x67: {  	v62 =	vld [tilespmem:$0x2F0];
	v61 =	vshll.u32 v55, $0x9;
	v60 =	vor.u32 v9, v33;
	[tilespmem:$0x480] =	vst v32  }
0x68: {  	v39 =	vshll.u32 v56, $0x9;
	v63 =	vor.u32 v10, v61;
	[tilespmem:$0x490] =	vst v60  }
0x69: {  	v41 =	vshll.u32 v57, $0x9;
	v40 =	vor.u32 v11, v39;
	[tilespmem:$0x4A0] =	vst v63  }
0x6a: {  	v43 =	vshll.u32 v58, $0x9;
	v42 =	vor.u32 v12, v41;
	[tilespmem:$0x4B0] =	vst v40  }
0x6b: {  	v45 =	vshll.u32 v59, $0x9;
	v44 =	vor.u32 v13, v43;
	[tilespmem:$0x4C0] =	vst v42  }
0x6c: {  	v47 =	vshll.u32 v62, $0x9;
	v46 =	vor.u32 v14, v45;
	[tilespmem:$0x4D0] =	vst v44  }
0x6d: {  	v48 =	vor.u32 v15, v47;
	[tilespmem:$0x4E0] =	vst v46  }
0x6e: {  	s7 =	simm.s32 $0x3;
	[tilespmem:$0x4F0] =	vst v48  }
0x6f: {  	_ =	swait.ge [sflag:s7], $0x80  }
0x70: {  	[sflag:s7] =	ssyncset.done $0x0  }
0x71: {  	[sflag:s7] =	ssyncadd.s32 $0xFFFFFF80;
	s7 =	simm.s32 $0x7  }
0x72: {  	_ =	swait.ge [sflag:s7], $0x80  }
0x73: {  	[sflag:s7] =	ssyncset.done $0x0  }
0x74: {  	[sflag:s7] =	ssyncadd.s32 $0xFFFFFF80  }
0x75: {  	[tilespmem:s13], [sflag:$0xF] =	stream.indirect.gather [hbm4b:s1+s30], $0x80, s9, s30, $0xb8;
	[tilespmem:$0x12600] =	vst v63  }
0x76: {  	v49 =	vld [tilespmem:$0x300]  }
0x77: {  	v50 =	vld [tilespmem:$0x310]  }
0x78: {  	v51 =	vld [tilespmem:$0x320]  }
0x79: {  	v52 =	vld [tilespmem:$0x330]  }
0x7a: {  	v53 =	vld [tilespmem:$0x340]  }
0x7b: {  	v54 =	vld [tilespmem:$0x350];
	v32 =	vshll.u32 v49, $0x9  }
0x7c: {  	v55 =	vld [tilespmem:$0x360];
	v33 =	vshll.u32 v50, $0x9;
	v32 =	vor.u32 v16, v32  }
0x7d: {  	v58 =	vld [tilespmem:$0x370];
	v57 =	vshll.u32 v51, $0x9;
	v56 =	vor.u32 v17, v33;
	[tilespmem:$0x500] =	vst v32  }
0x7e: {  	v60 =	vshll.u32 v52, $0x9;
	v59 =	vor.u32 v18, v57;
	[tilespmem:$0x510] =	vst v56  }
0x7f: {  	v62 =	vshll.u32 v53, $0x9;
	v61 =	vor.u32 v19, v60;
	[tilespmem:$0x520] =	vst v59  }
0x80: {  	v36 =	vshll.u32 v54, $0x9;
	v63 =	vor.u32 v20, v62;
	[tilespmem:$0x530] =	vst v61  }
0x81: {  	v39 =	vshll.u32 v55, $0x9;
	v37 =	vor.u32 v21, v36;
	[tilespmem:$0x540] =	vst v63  }
0x82: {  	v41 =	vshll.u32 v58, $0x9;
	v40 =	vor.u32 v22, v39;
	[tilespmem:$0x550] =	vst v37  }
0x83: {  	v42 =	vor.u32 v23, v41;
	[tilespmem:$0x560] =	vst v40  }
0x84: {  	[tilespmem:$0x570] =	vst v42  }
0x85: {  	_ =	swait.ge [sflag:s0], $0x80  }
0x86: {  	[sflag:s0] =	ssyncset.done $0x0  }
0x87: {  	[sflag:s0] =	ssyncadd.s32 $0xFFFFFF80  }
0x88: {  	_ =	swait.ge [sflag:s18], $0x80  }
0x89: {  	[sflag:s18] =	ssyncset.done $0x0  }
0x8a: {  	[sflag:s18] =	ssyncadd.s32 $0xFFFFFF80  }
0x8b: {  	[tilespmem:s22], [sflag:$0x10] =	stream.indirect.gather [hbm4b:s1+s30], $0x80, s11, s30, $0xb8;
	[tilespmem:$0x12600] =	vst v63  }
0x8c: {  	v43 =	vld [tilespmem:$0x380]  }
0x8d: {  	v44 =	vld [tilespmem:$0x390]  }
0x8e: {  	v45 =	vld [tilespmem:$0x3A0]  }
0x8f: {  	v46 =	vld [tilespmem:$0x3B0]  }
0x90: {  	v47 =	vld [tilespmem:$0x3C0]  }
0x91: {  	v48 =	vld [tilespmem:$0x3D0];
	v32 =	vshll.u32 v43, $0x9  }
0x92: {  	v49 =	vld [tilespmem:$0x3E0];
	v33 =	vshll.u32 v44, $0x9;
	v32 =	vor.u32 v24, v32  }
0x93: {  	v52 =	vld [tilespmem:$0x3F0];
	v51 =	vshll.u32 v45, $0x9;
	v50 =	vor.u32 v25, v33;
	[tilespmem:$0x580] =	vst v32  }
0x94: {  	v54 =	vshll.u32 v46, $0x9;
	v53 =	vor.u32 v26, v51;
	[tilespmem:$0x590] =	vst v50  }
0x95: {  	v56 =	vshll.u32 v47, $0x9;
	v55 =	vor.u32 v27, v54;
	[tilespmem:$0x5A0] =	vst v53  }
0x96: {  	v58 =	vshll.u32 v48, $0x9;
	v57 =	vor.u32 v28, v56;
	[tilespmem:$0x5B0] =	vst v55  }
0x97: {  	v60 =	vshll.u32 v49, $0x9;
	v59 =	vor.u32 v29, v58;
	[tilespmem:$0x5C0] =	vst v57  }
0x98: {  	v62 =	vshll.u32 v52, $0x9;
	v61 =	vor.u32 v30, v60;
	[tilespmem:$0x5D0] =	vst v59  }
0x99: {  	v63 =	vor.u32 v31, v62;
	[tilespmem:$0x5E0] =	vst v61  }
0x9a: {  	[tilespmem:$0x5F0] =	vst v63  }
0x9b: {  	_ =	swait.ge [sflag:s15], $0x4000  }
0x9c: {  	[sflag:s15] =	ssyncset.done $0x0  }
0x9d: {  	s11 =	simm.s32 $0x400;
	[sflag:s15] =	ssyncadd.s32 $0xFFFFC000  }
0x9e: {  	[tilespmem:s20], [sflag:$0x9] =	stream.indirect.gather.add.f32 [spmem:s2], $0x80, s11, s30, $0xb8;
	[tilespmem:$0x12600] =	vst v63  }
0x9f: {  	_ =	swait.ge [sflag:s16], $0x4000  }
0xa0: {  	[sflag:s16] =	ssyncset.done $0x0  }
0xa1: {  	s9 =	simm.s32 $0x480;
	[sflag:s16] =	ssyncadd.s32 $0xFFFFC000  }
0xa2: {  	[tilespmem:s12], [sflag:$0xA] =	stream.indirect.gather.add.f32 [spmem:s2], $0x80, s9, s30, $0xb8;
	[tilespmem:$0x12600] =	vst v63  }
0xa3: {  	_ =	swait.ge [sflag:s24], $0x4000  }
0xa4: {  	[sflag:s24] =	ssyncset.done $0x0  }
0xa5: {  	s11 =	simm.s32 $0x500;
	[sflag:s24] =	ssyncadd.s32 $0xFFFFC000  }
0xa6: {  	[tilespmem:s13], [sflag:$0xB] =	stream.indirect.gather.add.f32 [spmem:s2], $0x80, s11, s30, $0xb8;
	[tilespmem:$0x12600] =	vst v63  }
0xa7: {  	_ =	swait.ge [sflag:s26], $0x4000  }
0xa8: {  	[sflag:s26] =	ssyncset.done $0x0  }
0xa9: {  	s9 =	simm.s32 $0x580;
	[sflag:s26] =	ssyncadd.s32 $0xFFFFC000  }
0xaa: {  	[tilespmem:s22], [sflag:$0xC] =	stream.indirect.gather.add.f32 [spmem:s2], $0x80, s9, s30, $0xb8;
	[tilespmem:$0x12600] =	vst v63  }
0xab: {  	_ =	swait.ge [sflag:s29], $0x4000  }
0xac: {  	[sflag:s29] =	ssyncset.done $0x0  }
0xad: {  	s11 =	rddreg [dreg:$0x12];
	[sflag:s29] =	ssyncadd.s32 $0xFFFFC000  }
0xae: {  	[hbm4b:s11+s3] =	stream.linear.scatter [tilespmem:s20], [sflag:$0x11], $0x4000, $0x38;
	[tilespmem:$0x12600] =	vst v63  }
0xaf: {  	s9 =	rddreg [dreg:$0x16]  }
0xb0: {  	[tilespmem:s3], [sflag:$0x1] =	stream.linear.gather [hbm4b:s9+s3], $0x80, $0x38;
	[tilespmem:$0x12600] =	vst v63  }
0xb1: {  	s11 =	rddreg [dreg:$0x17]  }
0xb2: {  	[tilespmem:s14], [sflag:$0x5] =	stream.linear.gather [hbm4b:s11+s3], $0x80, $0x38;
	[tilespmem:$0x12600] =	vst v63  }
0xb3: {  	_ =	swait.ge [sflag:s31], $0x4000  }
0xb4: {  	[sflag:s31] =	ssyncset.done $0x0  }
0xb5: {  	s9 =	rddreg [dreg:$0x13];
	[sflag:s31] =	ssyncadd.s32 $0xFFFFC000  }
0xb6: {  	[hbm4b:s9+s3] =	stream.linear.scatter [tilespmem:s12], [sflag:$0x12], $0x4000, $0x38;
	[tilespmem:$0x12600] =	vst v63  }
0xb7: {  	s11 =	rddreg [dreg:$0x18]  }
0xb8: {  	[tilespmem:s30], [sflag:$0x2] =	stream.linear.gather [hbm4b:s11+s3], $0x80, $0x38;
	[tilespmem:$0x12600] =	vst v63  }
0xb9: {  	s9 =	rddreg [dreg:$0x19]  }
0xba: {  	[tilespmem:s17], [sflag:$0x6] =	stream.linear.gather [hbm4b:s9+s3], $0x80, $0x38;
	[tilespmem:$0x12600] =	vst v63  }
0xbb: {  	_ =	swait.ge [sflag:s6], $0x4000  }
0xbc: {  	[sflag:s6] =	ssyncset.done $0x0  }
0xbd: {  	s11 =	rddreg [dreg:$0x14];
	[sflag:s6] =	ssyncadd.s32 $0xFFFFC000  }
0xbe: {  	[hbm4b:s11+s3] =	stream.linear.scatter [tilespmem:s13], [sflag:$0x13], $0x4000, $0x38;
	[tilespmem:$0x12600] =	vst v63  }
0xbf: {  	s17 =	simm.s32 $0x100;
	s9 =	rddreg [dreg:$0x1a]  }
0xc0: {  	[tilespmem:s17], [sflag:$0x3] =	stream.linear.gather [hbm4b:s9+s3], $0x80, $0x38;
	[tilespmem:$0x12600] =	vst v63  }
0xc1: {  	s11 =	rddreg [dreg:$0x1b]  }
0xc2: {  	[tilespmem:s10], [sflag:$0x7] =	stream.linear.gather [hbm4b:s11+s3], $0x80, $0x38;
	[tilespmem:$0x12600] =	vst v63  }
0xc3: {  	_ =	swait.ge [sflag:s8], $0x4000  }
0xc4: {  	[sflag:s8] =	ssyncset.done $0x0  }
0xc5: {  	s9 =	rddreg [dreg:$0x15];
	[sflag:s8] =	ssyncadd.s32 $0xFFFFC000  }
0xc6: {  	[hbm4b:s9+s3] =	stream.linear.scatter [tilespmem:s22], [sflag:$0x14], $0x4000, $0x38;
	[tilespmem:$0x12600] =	vst v63  }
0xc7: {  	s14 =	simm.s32 $0x180;
	s10 =	rddreg [dreg:$0x1d]  }
0xc8: {  	[tilespmem:s14], [sflag:$0x4] =	stream.linear.gather [hbm4b:s10+s3], $0x80, $0x38;
	[tilespmem:$0x12600] =	vst v63  }
0xc9: {  	s11 =	rddreg [dreg:$0x1e]  }
0xca: {  	[tilespmem:s19], [sflag:$0x8] =	stream.linear.gather [hbm4b:s11+s3], $0x80, $0x38;
	[tilespmem:$0x12600] =	vst v63  }
0xcb: {  	s7 =	simm.s32 $0x4;
	s11 =	simm.s32 $0x0  }
.LBB2_2:
0xcc: {  	_ =	swait.ge [sflag:s21], $0x4000  }
0xcd: {  	[sflag:s21] =	ssyncset.done $0x0  }
0xce: {  	s9 =	simm.s32 $0x1;
	[sflag:s21] =	ssyncadd.s32 $0xFFFFC000  }
0xcf: {  	_ =	swait.ge [sflag:s9], $0x80  }
0xd0: {  	[sflag:s9] =	ssyncset.done $0x0  }
0xd1: {  	s10 =	simm.s32 $0x5;
	[sflag:s9] =	ssyncadd.s32 $0xFFFFFF80  }
0xd2: {  	_ =	swait.ge [sflag:s10], $0x80  }
0xd3: {  	[sflag:s10] =	ssyncset.done $0x0  }
0xd4: {  	[sflag:s10] =	ssyncadd.s32 $0xFFFFFF80  }
0xd5: {  	[tilespmem:s20], [sflag:$0xD] =	stream.indirect.gather [hbm4b:s1+s30], $0x80, s3, s30, $0xb8;
	[tilespmem:$0x12600] =	vst v63  }
0xd6: {  	v32 =	vld [tilespmem:$0x200]  }
0xd7: {  	v33 =	vld [tilespmem:$0x210]  }
0xd8: {  	v34 =	vld [tilespmem:$0x220]  }
0xd9: {  	v35 =	vld [tilespmem:$0x230]  }
0xda: {  	v36 =	vld [tilespmem:$0x240]  }
0xdb: {  	v37 =	vld [tilespmem:$0x250];
	v32 =	vshll.u32 v32, $0x9  }
0xdc: {  	v38 =	vld [tilespmem:$0x260];
	v33 =	vshll.u32 v33, $0x9;
	v32 =	vor.u32 v0, v32  }
0xdd: {  	v41 =	vld [tilespmem:$0x270];
	v40 =	vshll.u32 v34, $0x9;
	v39 =	vor.u32 v1, v33;
	[tilespmem:$0x400] =	vst v32  }
0xde: {  	v43 =	vshll.u32 v35, $0x9;
	v42 =	vor.u32 v2, v40;
	[tilespmem:$0x410] =	vst v39  }
0xdf: {  	v45 =	vshll.u32 v36, $0x9;
	v44 =	vor.u32 v3, v43;
	[tilespmem:$0x420] =	vst v42  }
0xe0: {  	v47 =	vshll.u32 v37, $0x9;
	v46 =	vor.u32 v4, v45;
	[tilespmem:$0x430] =	vst v44  }
0xe1: {  	v49 =	vshll.u32 v38, $0x9;
	v48 =	vor.u32 v5, v47;
	[tilespmem:$0x440] =	vst v46  }
0xe2: {  	v51 =	vshll.u32 v41, $0x9;
	v50 =	vor.u32 v6, v49;
	[tilespmem:$0x450] =	vst v48  }
0xe3: {  	v52 =	vor.u32 v7, v51;
	[tilespmem:$0x460] =	vst v50  }
0xe4: {  	[tilespmem:$0x470] =	vst v52  }
0xe5: {  	_ =	swait.ge [sflag:s23], $0x4000  }
0xe6: {  	[sflag:s23] =	ssyncset.done $0x0  }
0xe7: {  	s19 =	simm.s32 $0x2;
	[sflag:s23] =	ssyncadd.s32 $0xFFFFC000  }
0xe8: {  	_ =	swait.ge [sflag:s19], $0x80  }
0xe9: {  	[sflag:s19] =	ssyncset.done $0x0  }
0xea: {  	s10 =	simm.s32 $0x6;
	[sflag:s19] =	ssyncadd.s32 $0xFFFFFF80  }
0xeb: {  	_ =	swait.ge [sflag:s10], $0x80  }
0xec: {  	[sflag:s10] =	ssyncset.done $0x0  }
0xed: {  	[sflag:s10] =	ssyncadd.s32 $0xFFFFFF80  }
0xee: {  	[tilespmem:s12], [sflag:$0xE] =	stream.indirect.gather [hbm4b:s1+s30], $0x80, s30, s30, $0xb8;
	[tilespmem:$0x12600] =	vst v63  }
0xef: {  	v53 =	vld [tilespmem:$0x280]  }
0xf0: {  	v54 =	vld [tilespmem:$0x290]  }
0xf1: {  	v55 =	vld [tilespmem:$0x2A0]  }
0xf2: {  	v56 =	vld [tilespmem:$0x2B0]  }
0xf3: {  	v57 =	vld [tilespmem:$0x2C0]  }
0xf4: {  	v58 =	vld [tilespmem:$0x2D0];
	v32 =	vshll.u32 v53, $0x9  }
0xf5: {  	v59 =	vld [tilespmem:$0x2E0];
	v33 =	vshll.u32 v54, $0x9;
	v32 =	vor.u32 v8, v32  }
0xf6: {  	v62 =	vld [tilespmem:$0x2F0];
	v61 =	vshll.u32 v55, $0x9;
	v60 =	vor.u32 v9, v33;
	[tilespmem:$0x480] =	vst v32  }
0xf7: {  	v39 =	vshll.u32 v56, $0x9;
	v63 =	vor.u32 v10, v61;
	[tilespmem:$0x490] =	vst v60  }
0xf8: {  	v41 =	vshll.u32 v57, $0x9;
	v40 =	vor.u32 v11, v39;
	[tilespmem:$0x4A0] =	vst v63  }
0xf9: {  	v43 =	vshll.u32 v58, $0x9;
	v42 =	vor.u32 v12, v41;
	[tilespmem:$0x4B0] =	vst v40  }
0xfa: {  	v45 =	vshll.u32 v59, $0x9;
	v44 =	vor.u32 v13, v43;
	[tilespmem:$0x4C0] =	vst v42  }
0xfb: {  	v47 =	vshll.u32 v62, $0x9;
	v46 =	vor.u32 v14, v45;
	[tilespmem:$0x4D0] =	vst v44  }
0xfc: {  	v48 =	vor.u32 v15, v47;
	[tilespmem:$0x4E0] =	vst v46  }
0xfd: {  	[tilespmem:$0x4F0] =	vst v48  }
0xfe: {  	_ =	swait.ge [sflag:s25], $0x4000  }
0xff: {  	[sflag:s25] =	ssyncset.done $0x0  }
0x100: {  	s19 =	simm.s32 $0x3;
	[sflag:s25] =	ssyncadd.s32 $0xFFFFC000  }
0x101: {  	_ =	swait.ge [sflag:s19], $0x80  }
0x102: {  	[sflag:s19] =	ssyncset.done $0x0  }
0x103: {  	s10 =	simm.s32 $0x7;
	[sflag:s19] =	ssyncadd.s32 $0xFFFFFF80  }
0x104: {  	_ =	swait.ge [sflag:s10], $0x80  }
0x105: {  	[sflag:s10] =	ssyncset.done $0x0  }
0x106: {  	[sflag:s10] =	ssyncadd.s32 $0xFFFFFF80  }
0x107: {  	[tilespmem:s13], [sflag:$0xF] =	stream.indirect.gather [hbm4b:s1+s30], $0x80, s17, s30, $0xb8;
	[tilespmem:$0x12600] =	vst v63  }
0x108: {  	v49 =	vld [tilespmem:$0x300]  }
0x109: {  	v50 =	vld [tilespmem:$0x310]  }
0x10a: {  	v51 =	vld [tilespmem:$0x320]  }
0x10b: {  	v52 =	vld [tilespmem:$0x330]  }
0x10c: {  	v53 =	vld [tilespmem:$0x340]  }
0x10d: {  	v54 =	vld [tilespmem:$0x350];
	v32 =	vshll.u32 v49, $0x9  }
0x10e: {  	v55 =	vld [tilespmem:$0x360];
	v33 =	vshll.u32 v50, $0x9;
	v32 =	vor.u32 v16, v32  }
0x10f: {  	v58 =	vld [tilespmem:$0x370];
	v57 =	vshll.u32 v51, $0x9;
	v56 =	vor.u32 v17, v33;
	[tilespmem:$0x500] =	vst v32  }
0x110: {  	v60 =	vshll.u32 v52, $0x9;
	v59 =	vor.u32 v18, v57;
	[tilespmem:$0x510] =	vst v56  }
0x111: {  	v62 =	vshll.u32 v53, $0x9;
	v61 =	vor.u32 v19, v60;
	[tilespmem:$0x520] =	vst v59  }
0x112: {  	v36 =	vshll.u32 v54, $0x9;
	v63 =	vor.u32 v20, v62;
	[tilespmem:$0x530] =	vst v61  }
0x113: {  	v39 =	vshll.u32 v55, $0x9;
	v37 =	vor.u32 v21, v36;
	[tilespmem:$0x540] =	vst v63  }
0x114: {  	v41 =	vshll.u32 v58, $0x9;
	v40 =	vor.u32 v22, v39;
	[tilespmem:$0x550] =	vst v37  }
0x115: {  	v42 =	vor.u32 v23, v41;
	[tilespmem:$0x560] =	vst v40  }
0x116: {  	[tilespmem:$0x570] =	vst v42  }
0x117: {  	_ =	swait.ge [sflag:s28], $0x4000  }
0x118: {  	[sflag:s28] =	ssyncset.done $0x0  }
0x119: {  	[sflag:s28] =	ssyncadd.s32 $0xFFFFC000  }
0x11a: {  	_ =	swait.ge [sflag:s0], $0x80  }
0x11b: {  	[sflag:s0] =	ssyncset.done $0x0  }
0x11c: {  	[sflag:s0] =	ssyncadd.s32 $0xFFFFFF80  }
0x11d: {  	_ =	swait.ge [sflag:s18], $0x80  }
0x11e: {  	[sflag:s18] =	ssyncset.done $0x0  }
0x11f: {  	[sflag:s18] =	ssyncadd.s32 $0xFFFFFF80  }
0x120: {  	[tilespmem:s22], [sflag:$0x10] =	stream.indirect.gather [hbm4b:s1+s30], $0x80, s14, s30, $0xb8;
	[tilespmem:$0x12600] =	vst v63  }
0x121: {  	v43 =	vld [tilespmem:$0x380]  }
0x122: {  	v44 =	vld [tilespmem:$0x390]  }
0x123: {  	v45 =	vld [tilespmem:$0x3A0]  }
0x124: {  	v46 =	vld [tilespmem:$0x3B0]  }
0x125: {  	v47 =	vld [tilespmem:$0x3C0]  }
0x126: {  	v48 =	vld [tilespmem:$0x3D0];
	v32 =	vshll.u32 v43, $0x9  }
0x127: {  	v49 =	vld [tilespmem:$0x3E0];
	v33 =	vshll.u32 v44, $0x9;
	v32 =	vor.u32 v24, v32  }
0x128: {  	v52 =	vld [tilespmem:$0x3F0];
	v51 =	vshll.u32 v45, $0x9;
	v50 =	vor.u32 v25, v33;
	[tilespmem:$0x580] =	vst v32  }
0x129: {  	v54 =	vshll.u32 v46, $0x9;
	v53 =	vor.u32 v26, v51;
	[tilespmem:$0x590] =	vst v50  }
0x12a: {  	v56 =	vshll.u32 v47, $0x9;
	v55 =	vor.u32 v27, v54;
	[tilespmem:$0x5A0] =	vst v53  }
0x12b: {  	v58 =	vshll.u32 v48, $0x9;
	v57 =	vor.u32 v28, v56;
	[tilespmem:$0x5B0] =	vst v55  }
0x12c: {  	v60 =	vshll.u32 v49, $0x9;
	v59 =	vor.u32 v29, v58;
	[tilespmem:$0x5C0] =	vst v57  }
0x12d: {  	v62 =	vshll.u32 v52, $0x9;
	v61 =	vor.u32 v30, v60;
	[tilespmem:$0x5D0] =	vst v59  }
0x12e: {  	v63 =	vor.u32 v31, v62;
	[tilespmem:$0x5E0] =	vst v61  }
0x12f: {  	[tilespmem:$0x5F0] =	vst v63  }
0x130: {  	_ =	swait.ge [sflag:s15], $0x4000  }
0x131: {  	[sflag:s15] =	ssyncset.done $0x0  }
0x132: {  	s17 =	simm.s32 $0x400;
	[sflag:s15] =	ssyncadd.s32 $0xFFFFC000  }
0x133: {  	[tilespmem:s20], [sflag:$0x9] =	stream.indirect.gather.add.f32 [spmem:s2], $0x80, s17, s30, $0xb8;
	[tilespmem:$0x12600] =	vst v63  }
0x134: {  	_ =	swait.ge [sflag:s16], $0x4000  }
0x135: {  	[sflag:s16] =	ssyncset.done $0x0  }
0x136: {  	s19 =	simm.s32 $0x480;
	[sflag:s16] =	ssyncadd.s32 $0xFFFFC000  }
0x137: {  	[tilespmem:s12], [sflag:$0xA] =	stream.indirect.gather.add.f32 [spmem:s2], $0x80, s19, s30, $0xb8;
	[tilespmem:$0x12600] =	vst v63  }
0x138: {  	_ =	swait.ge [sflag:s24], $0x4000  }
0x139: {  	[sflag:s24] =	ssyncset.done $0x0  }
0x13a: {  	s10 =	simm.s32 $0x500;
	[sflag:s24] =	ssyncadd.s32 $0xFFFFC000  }
0x13b: {  	[tilespmem:s13], [sflag:$0xB] =	stream.indirect.gather.add.f32 [spmem:s2], $0x80, s10, s30, $0xb8;
	[tilespmem:$0x12600] =	vst v63  }
0x13c: {  	_ =	swait.ge [sflag:s26], $0x4000  }
0x13d: {  	[sflag:s26] =	ssyncset.done $0x0  }
0x13e: {  	s14 =	simm.s32 $0x580;
	[sflag:s26] =	ssyncadd.s32 $0xFFFFC000  }
0x13f: {  	[tilespmem:s22], [sflag:$0xC] =	stream.indirect.gather.add.f32 [spmem:s2], $0x80, s14, s30, $0xb8;
	[tilespmem:$0x12600] =	vst v63  }
0x140: {  	_ =	swait.ge [sflag:s29], $0x4000  }
0x141: {  	s17 =	rddreg [dreg:$0x9]  }
0x142: {  	[sflag:s29] =	ssyncset.done $0x0;
	s14 =	sadd.s32 s11, s17  }
0x143: {  	[sflag:s29] =	ssyncadd.s32 $0xFFFFC000;
	s9 =	sadd.s32 $0x2000, s14  }
0x144: {  	[hbm4b:s9+s3] =	stream.linear.scatter [tilespmem:s20], [sflag:$0x11], $0x4000, $0x38;
	[tilespmem:$0x12600] =	vst v63  }
0x145: {  	s9 =	smin.u32 s7, $0x7B  }
0x146: {  	s17 =	rddreg [dreg:$0x5];
	s9 =	sshll.u32 s9, $0x7  }
0x147: {  	s9 =	sadd.s32 s9, s17  }
0x148: {  	s9 =	sshrl.u32 s9, $0x3  }
0x149: {  	s17 =	sadd.s32 s4, s9  }
0x14a: {  	[tilespmem:s3], [sflag:$0x1] =	stream.linear.gather [hbm4b:s17+s3], $0x80, $0x38;
	[tilespmem:$0x12600] =	vst v63  }
0x14b: {  	s9 =	sadd.s32 s5, s9;
	s17 =	simm.s32 $0x200  }
0x14c: {  	[tilespmem:s17], [sflag:$0x5] =	stream.linear.gather [hbm4b:s9+s3], $0x80, $0x38;
	[tilespmem:$0x12600] =	vst v63  }
0x14d: {  	_ =	swait.ge [sflag:s31], $0x4000  }
0x14e: {  	[sflag:s31] =	ssyncset.done $0x0  }
0x14f: {  	s17 =	sadd.s32 $0x2800, s14;
	[sflag:s31] =	ssyncadd.s32 $0xFFFFC000  }
0x150: {  	[hbm4b:s17+s3] =	stream.linear.scatter [tilespmem:s12], [sflag:$0x12], $0x4000, $0x38;
	[tilespmem:$0x12600] =	vst v63  }
0x151: {  	s17 =	smin.u32 s7, $0x7A  }
0x152: {  	s9 =	rddreg [dreg:$0x6];
	s17 =	sshll.u32 s17, $0x7  }
0x153: {  	s9 =	sadd.s32 s17, s9  }
0x154: {  	s9 =	sshrl.u32 s9, $0x3  }
0x155: {  	s17 =	sadd.s32 s4, s9  }
0x156: {  	[tilespmem:s30], [sflag:$0x2] =	stream.linear.gather [hbm4b:s17+s3], $0x80, $0x38;
	[tilespmem:$0x12600] =	vst v63  }
0x157: {  	s9 =	sadd.s32 s5, s9;
	s17 =	simm.s32 $0x280  }
0x158: {  	[tilespmem:s17], [sflag:$0x6] =	stream.linear.gather [hbm4b:s9+s3], $0x80, $0x38;
	[tilespmem:$0x12600] =	vst v63  }
0x159: {  	_ =	swait.ge [sflag:s6], $0x4000  }
0x15a: {  	[sflag:s6] =	ssyncset.done $0x0  }
0x15b: {  	s17 =	sadd.s32 $0x3000, s14;
	[sflag:s6] =	ssyncadd.s32 $0xFFFFC000  }
0x15c: {  	[hbm4b:s17+s3] =	stream.linear.scatter [tilespmem:s13], [sflag:$0x13], $0x4000, $0x38;
	[tilespmem:$0x12600] =	vst v63  }
0x15d: {  	s17 =	smin.u32 s7, $0x79  }
0x15e: {  	s9 =	rddreg [dreg:$0x7];
	s17 =	sshll.u32 s17, $0x7  }
0x15f: {  	s9 =	sadd.s32 s17, s9  }
0x160: {  	s9 =	sshrl.u32 s9, $0x3  }
0x161: {  	s10 =	simm.s32 $0x100;
	s17 =	sadd.s32 s4, s9  }
0x162: {  	[tilespmem:s10], [sflag:$0x3] =	stream.linear.gather [hbm4b:s17+s3], $0x80, $0x38;
	[tilespmem:$0x12600] =	vst v63  }
0x163: {  	s9 =	sadd.s32 s5, s9;
	s10 =	simm.s32 $0x300  }
0x164: {  	[tilespmem:s10], [sflag:$0x7] =	stream.linear.gather [hbm4b:s9+s3], $0x80, $0x38;
	[tilespmem:$0x12600] =	vst v63  }
0x165: {  	_ =	swait.ge [sflag:s8], $0x4000  }
0x166: {  	[sflag:s8] =	ssyncset.done $0x0  }
0x167: {  	s14 =	sadd.s32 $0x3800, s14;
	[sflag:s8] =	ssyncadd.s32 $0xFFFFC000  }
0x168: {  	[hbm4b:s14+s3] =	stream.linear.scatter [tilespmem:s22], [sflag:$0x14], $0x4000, $0x38;
	[tilespmem:$0x12600] =	vst v63  }
0x169: {  	s14 =	smin.u32 s7, $0x78  }
0x16a: {  	s9 =	rddreg [dreg:$0x8];
	s14 =	sshll.u32 s14, $0x7  }
0x16b: {  	p1 =	sne.s32 s11, $0x3C000;
	s19 =	simm.s32 $0x180;
	s9 =	sadd.s32 s14, s9  }
.Ltmp0:
0x16c: {  	s11 =	sadd.s32 $0x2000, s11;
	s9 =	sshrl.u32 s9, $0x3;
	(pc) =	sbr.rel @p1 .LBB2_2-.Ltmp0, $4  }
0x16d: {  	s17 =	simm.s32 $0x100;
	s7 =	sadd.s32 $0x4, s7;
	s14 =	sadd.s32 s4, s9  }
0x16e: {  	[tilespmem:s19], [sflag:$0x4] =	stream.linear.gather [hbm4b:s14+s3], $0x80, $0x38;
	[tilespmem:$0x12600] =	vst v63  }
0x16f: {  	s9 =	sadd.s32 s5, s9;
	s19 =	simm.s32 $0x380;
	s14 =	simm.s32 $0x180  }
0x170: {  	[tilespmem:s19], [sflag:$0x8] =	stream.linear.gather [hbm4b:s9+s3], $0x80, $0x38;
	[tilespmem:$0x12600] =	vst v63  }
0x171: {  	_ =	swait.ge [sflag:s21], $0x4000  }
0x172: {  	[sflag:s21] =	ssyncset.done $0x0  }
0x173: {  	s7 =	simm.s32 $0x1;
	[sflag:s21] =	ssyncadd.s32 $0xFFFFC000  }
0x174: {  	_ =	swait.ge [sflag:s7], $0x80  }
0x175: {  	[sflag:s7] =	ssyncset.done $0x0  }
0x176: {  	s14 =	simm.s32 $0x5;
	[sflag:s7] =	ssyncadd.s32 $0xFFFFFF80  }
0x177: {  	_ =	swait.ge [sflag:s14], $0x80  }
0x178: {  	[sflag:s14] =	ssyncset.done $0x0  }
0x179: {  	[sflag:s14] =	ssyncadd.s32 $0xFFFFFF80  }
0x17a: {  	_ =	swait.ge [sflag:s23], $0x4000  }
0x17b: {  	[sflag:s23] =	ssyncset.done $0x0  }
0x17c: {  	s17 =	simm.s32 $0x2;
	[sflag:s23] =	ssyncadd.s32 $0xFFFFC000  }
0x17d: {  	_ =	swait.ge [sflag:s17], $0x80  }
0x17e: {  	[sflag:s17] =	ssyncset.done $0x0  }
0x17f: {  	s9 =	simm.s32 $0x6;
	[sflag:s17] =	ssyncadd.s32 $0xFFFFFF80  }
0x180: {  	_ =	swait.ge [sflag:s9], $0x80  }
0x181: {  	[sflag:s9] =	ssyncset.done $0x0  }
0x182: {  	[sflag:s9] =	ssyncadd.s32 $0xFFFFFF80  }
0x183: {  	_ =	swait.ge [sflag:s25], $0x4000  }
0x184: {  	[sflag:s25] =	ssyncset.done $0x0  }
0x185: {  	s11 =	simm.s32 $0x3;
	[sflag:s25] =	ssyncadd.s32 $0xFFFFC000  }
0x186: {  	_ =	swait.ge [sflag:s11], $0x80  }
0x187: {  	[sflag:s11] =	ssyncset.done $0x0  }
0x188: {  	s14 =	simm.s32 $0x7;
	[sflag:s11] =	ssyncadd.s32 $0xFFFFFF80  }
0x189: {  	_ =	swait.ge [sflag:s14], $0x80  }
0x18a: {  	[sflag:s14] =	ssyncset.done $0x0  }
0x18b: {  	[sflag:s14] =	ssyncadd.s32 $0xFFFFFF80  }
0x18c: {  	_ =	swait.ge [sflag:s28], $0x4000  }
0x18d: {  	[sflag:s28] =	ssyncset.done $0x0  }
0x18e: {  	[sflag:s28] =	ssyncadd.s32 $0xFFFFC000  }
0x18f: {  	_ =	swait.ge [sflag:s0], $0x80  }
0x190: {  	[sflag:s0] =	ssyncset.done $0x0  }
0x191: {  	[sflag:s0] =	ssyncadd.s32 $0xFFFFFF80  }
0x192: {  	_ =	swait.ge [sflag:s18], $0x80  }
0x193: {  	s9 =	sld [smem:$0x7FD];
	_ =	sdelay $0x2  }
0x194: {  	s17 =	rddreg [dreg:$0x1f];
	s9 =	sadd.s32 $0x1, s9  }
0x195: {  	p1 =	sne.s32 s9, s17  }
.Ltmp1:
0x196: {  	_ = 	snop;
	(pc) =	sbr.rel @p1 .LBB2_1-.Ltmp1, $3  }
0x197: {  	_ =	sdelay $0x1  }
0x198: {  	[sflag:s18] =	ssyncset.done $0x0  }
0x199: {  	s14 =	simm.s32 $0x200;
	[sflag:s18] =	ssyncadd.s32 $0xFFFFFF80;
	s17 =	simm.s32 $0x280  }
0x19a: {  	_ =	sfence.sel $0x180000  }
0x19b: {  	[bflag:$0x0] =	sbarrier.arrive $0xFFFF  }
0x19c: {  	_ =	strace $0x90000047  }
0x19d: {  	[bflag:$0x2] =	sbarrier.arrive $0xFFFF  }
0x19e: {  	s0 =	rddreg [dreg:$0x4]  }
0x19f: {  	s0 =	sadd.s32 @!p0 $0x100000, s0  }
0x1a0: {  	[sflag:s0] =	ssyncadd.tile.s32 @!p0 $0x1;
	_ =	shalt  }
.Lfunc_end2:
_tile_overlayer_lowered:
.L_overlay_start_2:
0x1a1: {  	(tag) =	ssettag $0x2  }
0x1a2: {  	s0 =	rddreg [dreg:$0x0];
	s2 =	stileid.u32  }
0x1a3: {  	s1 =	rddreg [dreg:$0x1];
	p0 =	sne.s32 s2, $0x0  }
0x1a4: {  	s3 =	rddreg [dreg:$0x2];
	[bflag:$0x3] =	sbarrier.arrive $0xFFFF;
	s2 =	simm.s32 @!p0 $0x1C15  }
0x1a5: {  	[timem:s3], [sflag:s2] =	dma.local @!p0 [hbm:s0], s1  }
0x1a6: {  	s0 =	simm.s32 @!p0 $0x15  }
0x1a7: {  	_ =	swait.ge @!p0 [sflag:s0], s1  }
0x1a8: {  	s1 =	ssub.s32 @!p0 $0x0, s1;
	[sflag:s0] =	ssyncset.done @!p0 $0x0  }
0x1a9: {  	[sflag:s0] =	ssyncadd.s32 @!p0 s1  }
0x1aa: {  	[bflag:$0x3] =	sbarrier.arrive $0xFFFF  }
0x1ab: {  	_ =	shalt  }

</sc_bundles>
